<compile_context>
chip_gen: v7x
topology: tpu7x:2x2x1
jax: 0.10.2.dev20260603
libtpu: 0.0.44.dev20260713+nightly
codegen_flags: <defaults>
</compile_context>

<pallas_src>
import functools

import jax
import jax.numpy as jnp
from jax import lax
from jax.experimental import pallas as pl
from jax.experimental.pallas import tpu as pltpu
from jax.experimental.pallas import tpu_sc as plsc

BATCH = 16384
DIM = 64

_INFO = plsc.get_sparse_core_info()
_NC = _INFO.num_cores
_NS = _INFO.num_subcores
_NW = _NC * _NS
_BPW = BATCH // _NW
_L = 16
_K = 8
_BLK = 128
_NBLK = _BPW // _BLK
_GRP = _BLK // _L

_mesh = plsc.VectorSubcoreMesh(core_axis_name="c", subcore_axis_name="s")


@functools.partial(
    pl.kernel,
    mesh=_mesh,
    out_type=jax.ShapeDtypeStruct((BATCH, 2 * DIM), jnp.float32),
    scratch_types=[
        pltpu.VMEM((_BPW + 2 * _L,), jnp.int32),
        [pltpu.VMEM((DIM, 128), jnp.float32) for _ in range(_K)],
        [pltpu.VMEM((_BLK, 2 * DIM), jnp.float32) for _ in range(2)],
        [pltpu.SemaphoreType.DMA for _ in range(_K)],
        [pltpu.SemaphoreType.DMA for _ in range(2)],
    ],
    compiler_params=pltpu.CompilerParams(needs_layout_passes=False),
)
def _gather_concat(ids_hbm, tt_hbm, out_hbm, ids_v, cols, asms, gsems, osems):
    wid = lax.axis_index("s") * _NC + lax.axis_index("c")
    base = wid * _BPW

    pltpu.sync_copy(ids_hbm.at[pl.ds(base, _BPW)], ids_v.at[pl.ds(0, _BPW)])

    def _fetch(slot, eid):
        coloff = pl.multiple_of((eid >> 7) * 128, 128)
        pltpu.make_async_copy(
            tt_hbm.at[:, pl.ds(coloff, 128)], cols[slot], gsems[slot]
        ).start()

    vec0 = ids_v[pl.ds(0, _L)]
    for k in range(_K):
        _fetch(k, vec0[k])

    zvec = jnp.zeros((_L,), jnp.float32)

    def _zrow(i, carry):
        for b in range(2):
            for q in range(DIM // _L):
                asms[b][i, pl.ds(DIM + q * _L, _L)] = zvec
        return carry

    lax.fori_loop(0, _BLK, _zrow, 0)

    iotas = [lax.iota(jnp.int32, _L) + q * _L for q in range(DIM // _L)]

    for blk in range(_NBLK):
        b = blk % 2
        asm = asms[b]
        if blk >= 2:
            pltpu.make_async_copy(
                asm, out_hbm.at[pl.ds(base + (blk - 2) * _BLK, _BLK)], osems[b]
            ).wait()

        def _group(s, carry, blk=blk, asm=asm):
            g0 = blk * _BLK + s * _L
            vec_c = ids_v[pl.ds(g0, _L)]
            vec_n = ids_v[pl.ds(g0 + _L, _L)]
            for k in range(_L):
                slot = k % _K
                pltpu.make_async_copy(
                    tt_hbm.at[:, pl.ds(0, 128)], cols[slot], gsems[slot]
                ).wait()
                lane = vec_c[k] & 127
                lanev = jnp.full((_L,), lane, dtype=jnp.int32)
                row = s * _L + k
                for q in range(DIM // _L):
                    v = plsc.load_gather(cols[slot], [iotas[q], lanev])
                    asm[row, pl.ds(q * _L, _L)] = v
                nid = vec_c[k + _K] if k < _L - _K else vec_n[k + _K - _L]
                if blk < _NBLK - 1:
                    _fetch(slot, nid)
                else:
                    nxt = g0 + k + _K

                    @pl.when(nxt < _BPW)
                    def _():
                        _fetch(slot, nid)
            return carry

        lax.fori_loop(0, _GRP, _group, 0)
        pltpu.make_async_copy(
            asm, out_hbm.at[pl.ds(base + blk * _BLK, _BLK)], osems[b]
        ).start()

    for blk in (_NBLK - 2, _NBLK - 1):
        b = blk % 2
        pltpu.make_async_copy(
            asms[b], out_hbm.at[pl.ds(base + blk * _BLK, _BLK)], osems[b]
        ).wait()


def kernel(entity_ids, entity_table):
    ids = entity_ids.astype(jnp.int32)
    return _gather_concat(ids, entity_table.T)

# --- scband reference (transcript-rebuilt; emitter-appended) ---
"""Pipeline reference for scband-box-estimator-84413287235836 (READ-ONLY COPY).

The authoritative reference and input builder live on the scoring server;
editing this copy changes nothing except your own understanding.
"""

import jax, jax.numpy as jnp
import numpy as np

N_ENTITY = 1000000
ENTITY_DIM = 64
BATCH = 16384


def setup_inputs(seed: int = 0) -> dict:
    key = jax.random.key(seed)
    k1, k2 = jax.random.split(key)
    entity_ids = jax.random.randint(k1, (BATCH,), 0, N_ENTITY, dtype=jnp.int64 if jax.config.read('jax_enable_x64') else jnp.int32)
    entity_table = jax.random.normal(k2, (N_ENTITY, ENTITY_DIM), dtype=jnp.float32) * 0.02
    return {"entity_ids": entity_ids, "entity_table": entity_table}


def reference(entity_ids, entity_table):
    # BoxEstimator.get_entity_embedding: center lookup + zero offsets, concatenated
    center_emb = jnp.take(entity_table, entity_ids, axis=0)
    offset_emb = jnp.zeros_like(center_emb)
    return jnp.concatenate((center_emb, offset_emb), axis=-1)

if __name__ == "__main__":
    import jax
    _d = setup_inputs()
    print(jax.jit(kernel)(*tuple(_d.values())))

</pallas_src>

<mosaic_0001>
#map = affine_map<(d0, d1) -> (0)>
#map1 = affine_map<(d0, d1) -> (0, 0)>
module attributes {stable_mosaic.version = 14 : i64} {
  func.func @_gather_concat(%arg0: i32, %arg1: i32, %arg2: memref<16384xi32, #tpu.memory_space<hbm>>, %arg3: memref<64x1000000xf32, #tpu.memory_space<hbm>>, %arg4: memref<16384x128xf32, #tpu.memory_space<hbm>>, %arg5: memref<544xi32, #tpu.memory_space<vmem>>, %arg6: memref<64x128xf32, #tpu.memory_space<vmem>>, %arg7: memref<64x128xf32, #tpu.memory_space<vmem>>, %arg8: memref<64x128xf32, #tpu.memory_space<vmem>>, %arg9: memref<64x128xf32, #tpu.memory_space<vmem>>, %arg10: memref<64x128xf32, #tpu.memory_space<vmem>>, %arg11: memref<64x128xf32, #tpu.memory_space<vmem>>, %arg12: memref<64x128xf32, #tpu.memory_space<vmem>>, %arg13: memref<64x128xf32, #tpu.memory_space<vmem>>, %arg14: memref<128x128xf32, #tpu.memory_space<vmem>>, %arg15: memref<128x128xf32, #tpu.memory_space<vmem>>, %arg16: memref<!tpu.dma_semaphore, #tpu.memory_space<semaphore_mem>>, %arg17: memref<!tpu.dma_semaphore, #tpu.memory_space<semaphore_mem>>, %arg18: memref<!tpu.dma_semaphore, #tpu.memory_space<semaphore_mem>>, %arg19: memref<!tpu.dma_semaphore, #tpu.memory_space<semaphore_mem>>, %arg20: memref<!tpu.dma_semaphore, #tpu.memory_space<semaphore_mem>>, %arg21: memref<!tpu.dma_semaphore, #tpu.memory_space<semaphore_mem>>, %arg22: memref<!tpu.dma_semaphore, #tpu.memory_space<semaphore_mem>>, %arg23: memref<!tpu.dma_semaphore, #tpu.memory_space<semaphore_mem>>, %arg24: memref<!tpu.dma_semaphore, #tpu.memory_space<semaphore_mem>>, %arg25: memref<!tpu.dma_semaphore, #tpu.memory_space<semaphore_mem>>) attributes {dimension_semantics = [#tpu.dimension_semantics<core_parallel>, #tpu.dimension_semantics<subcore_parallel>], iteration_bounds = array<i64: 2, 16>, scalar_prefetch = 0 : i64, scratch_operands = 21 : i64, tpu.core_type = #tpu.core_type<sc_vector_subcore>, window_params = [{transform_indices = #map}, {transform_indices = #map1}, {transform_indices = #map1}]} {
    %mul3A = arith.constant 2 : i32
    %mul3A_0 = arith.muli %arg1, %mul3A : i32
    %add3A = arith.addi %mul3A_0, %arg0 : i32
    %mul3A_1 = arith.constant 512 : i32
    %mul3A_2 = arith.muli %add3A, %mul3A_1 : i32
    "tpu.region"() ({
      %run_scoped3A = tpu.sem_alloc : memref<!tpu.dma_semaphore, #tpu.memory_space<semaphore_mem>>
      %dma_start3A_179 = arith.constant 0 : i32
      %dma_start3A_180 = tpu.memref_slice %arg5[%dma_start3A_179] : memref<544xi32, #tpu.memory_space<vmem>> -> memref<512xi32, #tpu.memory_space<vmem>>
      %dma_start3A_181 = tpu.memref_slice %arg2[%mul3A_2] : memref<16384xi32, #tpu.memory_space<hbm>> -> memref<512xi32, #tpu.memory_space<hbm>>
      %dma_start3A_182 = arith.constant 0 : i32
      %dma_start3A_183 = tpu.memref_slice %arg5[%dma_start3A_182] : memref<544xi32, #tpu.memory_space<vmem>> -> memref<512xi32, #tpu.memory_space<vmem>>
      %dma_start3A_184 = tpu.memref_slice %arg2[%mul3A_2] : memref<16384xi32, #tpu.memory_space<hbm>> -> memref<512xi32, #tpu.memory_space<hbm>>
      tpu.enqueue_dma source(%dma_start3A_184 : memref<512xi32, #tpu.memory_space<hbm>>) target(%dma_start3A_183 : memref<512xi32, #tpu.memory_space<vmem>>) target_semaphore(%run_scoped3A : memref<!tpu.dma_semaphore, #tpu.memory_space<semaphore_mem>>)
      %dma_wait3A_185 = arith.constant 0 : i32
      %dma_wait3A_186 = tpu.memref_slice %arg5[%dma_wait3A_185] : memref<544xi32, #tpu.memory_space<vmem>> -> memref<512xi32, #tpu.memory_space<vmem>>
      %dma_wait3A_187 = tpu.memref_slice %arg2[%mul3A_2] : memref<16384xi32, #tpu.memory_space<hbm>> -> memref<512xi32, #tpu.memory_space<hbm>>
      %dma_wait3A_188 = arith.constant 0 : i32
      %dma_wait3A_189 = tpu.memref_slice %arg5[%dma_wait3A_188] : memref<544xi32, #tpu.memory_space<vmem>> -> memref<512xi32, #tpu.memory_space<vmem>>
      %dma_wait3A_190 = tpu.memref_slice %arg2[%mul3A_2] : memref<16384xi32, #tpu.memory_space<hbm>> -> memref<512xi32, #tpu.memory_space<hbm>>
      tpu.wait_dma2 semaphore(%run_scoped3A : memref<!tpu.dma_semaphore, #tpu.memory_space<semaphore_mem>>) src(%dma_wait3A_190 : memref<512xi32, #tpu.memory_space<hbm>>) dst(%dma_wait3A_189 : memref<512xi32, #tpu.memory_space<vmem>>)
      tpu.yield
    }) : () -> ()
    %get3A = arith.constant 0 : index
    %get3A_3 = tpu.vector_load %arg5[%get3A] {strides = array<i32>} : memref<544xi32, #tpu.memory_space<vmem>>, vector<16xi32>,
    %slice3A = vector.extract_strided_slice %get3A_3 {offsets = [0], sizes = [1], strides = [1]} : vector<16xi32> to vector<1xi32>
    %squeeze3A = vector.extract %slice3A[0] : i32 from vector<1xi32>
    %shift_right_arithmetic3A = arith.constant 7 : i32
    %shift_right_arithmetic3A_4 = arith.shrsi %squeeze3A, %shift_right_arithmetic3A : i32
    %mul3A_5 = arith.constant 128 : i32
    %mul3A_6 = arith.muli %shift_right_arithmetic3A_4, %mul3A_5 : i32
    %multiple_of3A = tpu.assume_multiple %mul3A_6, 128 : i32
    %dma_start3A = arith.constant 0 : i32
    %dma_start3A_7 = tpu.memref_slice %arg3[%dma_start3A, %multiple_of3A] : memref<64x1000000xf32, #tpu.memory_space<hbm>> -> memref<64x128xf32, #tpu.memory_space<hbm>>
    %dma_start3A_8 = arith.constant 0 : i32
    %dma_start3A_9 = tpu.memref_slice %arg3[%dma_start3A_8, %multiple_of3A] : memref<64x1000000xf32, #tpu.memory_space<hbm>> -> memref<64x128xf32, #tpu.memory_space<hbm>>
    tpu.enqueue_dma source(%dma_start3A_9 : memref<64x128xf32, #tpu.memory_space<hbm>>) target(%arg6 : memref<64x128xf32, #tpu.memory_space<vmem>>) target_semaphore(%arg16 : memref<!tpu.dma_semaphore, #tpu.memory_space<semaphore_mem>>)
    %slice3A_10 = vector.extract_strided_slice %get3A_3 {offsets = [1], sizes = [1], strides = [1]} : vector<16xi32> to vector<1xi32>
    %squeeze3A_11 = vector.extract %slice3A_10[0] : i32 from vector<1xi32>
    %shift_right_arithmetic3A_12 = arith.constant 7 : i32
    %shift_right_arithmetic3A_13 = arith.shrsi %squeeze3A_11, %shift_right_arithmetic3A_12 : i32
    %mul3A_14 = arith.constant 128 : i32
    %mul3A_15 = arith.muli %shift_right_arithmetic3A_13, %mul3A_14 : i32
    %multiple_of3A_16 = tpu.assume_multiple %mul3A_15, 128 : i32
    %dma_start3A_17 = arith.constant 0 : i32
    %dma_start3A_18 = tpu.memref_slice %arg3[%dma_start3A_17, %multiple_of3A_16] : memref<64x1000000xf32, #tpu.memory_space<hbm>> -> memref<64x128xf32, #tpu.memory_space<hbm>>
    %dma_start3A_19 = arith.constant 0 : i32
    %dma_start3A_20 = tpu.memref_slice %arg3[%dma_start3A_19, %multiple_of3A_16] : memref<64x1000000xf32, #tpu.memory_space<hbm>> -> memref<64x128xf32, #tpu.memory_space<hbm>>
    tpu.enqueue_dma source(%dma_start3A_20 : memref<64x128xf32, #tpu.memory_space<hbm>>) target(%arg7 : memref<64x128xf32, #tpu.memory_space<vmem>>) target_semaphore(%arg17 : memref<!tpu.dma_semaphore, #tpu.memory_space<semaphore_mem>>)
    %slice3A_21 = vector.extract_strided_slice %get3A_3 {offsets = [2], sizes = [1], strides = [1]} : vector<16xi32> to vector<1xi32>
    %squeeze3A_22 = vector.extract %slice3A_21[0] : i32 from vector<1xi32>
    %shift_right_arithmetic3A_23 = arith.constant 7 : i32
    %shift_right_arithmetic3A_24 = arith.shrsi %squeeze3A_22, %shift_right_arithmetic3A_23 : i32
    %mul3A_25 = arith.constant 128 : i32
    %mul3A_26 = arith.muli %shift_right_arithmetic3A_24, %mul3A_25 : i32
    %multiple_of3A_27 = tpu.assume_multiple %mul3A_26, 128 : i32
    %dma_start3A_28 = arith.constant 0 : i32
    %dma_start3A_29 = tpu.memref_slice %arg3[%dma_start3A_28, %multiple_of3A_27] : memref<64x1000000xf32, #tpu.memory_space<hbm>> -> memref<64x128xf32, #tpu.memory_space<hbm>>
    %dma_start3A_30 = arith.constant 0 : i32
    %dma_start3A_31 = tpu.memref_slice %arg3[%dma_start3A_30, %multiple_of3A_27] : memref<64x1000000xf32, #tpu.memory_space<hbm>> -> memref<64x128xf32, #tpu.memory_space<hbm>>
    tpu.enqueue_dma source(%dma_start3A_31 : memref<64x128xf32, #tpu.memory_space<hbm>>) target(%arg8 : memref<64x128xf32, #tpu.memory_space<vmem>>) target_semaphore(%arg18 : memref<!tpu.dma_semaphore, #tpu.memory_space<semaphore_mem>>)
    %slice3A_32 = vector.extract_strided_slice %get3A_3 {offsets = [3], sizes = [1], strides = [1]} : vector<16xi32> to vector<1xi32>
    %squeeze3A_33 = vector.extract %slice3A_32[0] : i32 from vector<1xi32>
    %shift_right_arithmetic3A_34 = arith.constant 7 : i32
    %shift_right_arithmetic3A_35 = arith.shrsi %squeeze3A_33, %shift_right_arithmetic3A_34 : i32
    %mul3A_36 = arith.constant 128 : i32
    %mul3A_37 = arith.muli %shift_right_arithmetic3A_35, %mul3A_36 : i32
    %multiple_of3A_38 = tpu.assume_multiple %mul3A_37, 128 : i32
    %dma_start3A_39 = arith.constant 0 : i32
    %dma_start3A_40 = tpu.memref_slice %arg3[%dma_start3A_39, %multiple_of3A_38] : memref<64x1000000xf32, #tpu.memory_space<hbm>> -> memref<64x128xf32, #tpu.memory_space<hbm>>
    %dma_start3A_41 = arith.constant 0 : i32
    %dma_start3A_42 = tpu.memref_slice %arg3[%dma_start3A_41, %multiple_of3A_38] : memref<64x1000000xf32, #tpu.memory_space<hbm>> -> memref<64x128xf32, #tpu.memory_space<hbm>>
    tpu.enqueue_dma source(%dma_start3A_42 : memref<64x128xf32, #tpu.memory_space<hbm>>) target(%arg9 : memref<64x128xf32, #tpu.memory_space<vmem>>) target_semaphore(%arg19 : memref<!tpu.dma_semaphore, #tpu.memory_space<semaphore_mem>>)
    %slice3A_43 = vector.extract_strided_slice %get3A_3 {offsets = [4], sizes = [1], strides = [1]} : vector<16xi32> to vector<1xi32>
    %squeeze3A_44 = vector.extract %slice3A_43[0] : i32 from vector<1xi32>
    %shift_right_arithmetic3A_45 = arith.constant 7 : i32
    %shift_right_arithmetic3A_46 = arith.shrsi %squeeze3A_44, %shift_right_arithmetic3A_45 : i32
    %mul3A_47 = arith.constant 128 : i32
    %mul3A_48 = arith.muli %shift_right_arithmetic3A_46, %mul3A_47 : i32
    %multiple_of3A_49 = tpu.assume_multiple %mul3A_48, 128 : i32
    %dma_start3A_50 = arith.constant 0 : i32
    %dma_start3A_51 = tpu.memref_slice %arg3[%dma_start3A_50, %multiple_of3A_49] : memref<64x1000000xf32, #tpu.memory_space<hbm>> -> memref<64x128xf32, #tpu.memory_space<hbm>>
    %dma_start3A_52 = arith.constant 0 : i32
    %dma_start3A_53 = tpu.memref_slice %arg3[%dma_start3A_52, %multiple_of3A_49] : memref<64x1000000xf32, #tpu.memory_space<hbm>> -> memref<64x128xf32, #tpu.memory_space<hbm>>
    tpu.enqueue_dma source(%dma_start3A_53 : memref<64x128xf32, #tpu.memory_space<hbm>>) target(%arg10 : memref<64x128xf32, #tpu.memory_space<vmem>>) target_semaphore(%arg20 : memref<!tpu.dma_semaphore, #tpu.memory_space<semaphore_mem>>)
    %slice3A_54 = vector.extract_strided_slice %get3A_3 {offsets = [5], sizes = [1], strides = [1]} : vector<16xi32> to vector<1xi32>
    %squeeze3A_55 = vector.extract %slice3A_54[0] : i32 from vector<1xi32>
    %shift_right_arithmetic3A_56 = arith.constant 7 : i32
    %shift_right_arithmetic3A_57 = arith.shrsi %squeeze3A_55, %shift_right_arithmetic3A_56 : i32
    %mul3A_58 = arith.constant 128 : i32
    %mul3A_59 = arith.muli %shift_right_arithmetic3A_57, %mul3A_58 : i32
    %multiple_of3A_60 = tpu.assume_multiple %mul3A_59, 128 : i32
    %dma_start3A_61 = arith.constant 0 : i32
    %dma_start3A_62 = tpu.memref_slice %arg3[%dma_start3A_61, %multiple_of3A_60] : memref<64x1000000xf32, #tpu.memory_space<hbm>> -> memref<64x128xf32, #tpu.memory_space<hbm>>
    %dma_start3A_63 = arith.constant 0 : i32
    %dma_start3A_64 = tpu.memref_slice %arg3[%dma_start3A_63, %multiple_of3A_60] : memref<64x1000000xf32, #tpu.memory_space<hbm>> -> memref<64x128xf32, #tpu.memory_space<hbm>>
    tpu.enqueue_dma source(%dma_start3A_64 : memref<64x128xf32, #tpu.memory_space<hbm>>) target(%arg11 : memref<64x128xf32, #tpu.memory_space<vmem>>) target_semaphore(%arg21 : memref<!tpu.dma_semaphore, #tpu.memory_space<semaphore_mem>>)
    %slice3A_65 = vector.extract_strided_slice %get3A_3 {offsets = [6], sizes = [1], strides = [1]} : vector<16xi32> to vector<1xi32>
    %squeeze3A_66 = vector.extract %slice3A_65[0] : i32 from vector<1xi32>
    %shift_right_arithmetic3A_67 = arith.constant 7 : i32
    %shift_right_arithmetic3A_68 = arith.shrsi %squeeze3A_66, %shift_right_arithmetic3A_67 : i32
    %mul3A_69 = arith.constant 128 : i32
    %mul3A_70 = arith.muli %shift_right_arithmetic3A_68, %mul3A_69 : i32
    %multiple_of3A_71 = tpu.assume_multiple %mul3A_70, 128 : i32
    %dma_start3A_72 = arith.constant 0 : i32
    %dma_start3A_73 = tpu.memref_slice %arg3[%dma_start3A_72, %multiple_of3A_71] : memref<64x1000000xf32, #tpu.memory_space<hbm>> -> memref<64x128xf32, #tpu.memory_space<hbm>>
    %dma_start3A_74 = arith.constant 0 : i32
    %dma_start3A_75 = tpu.memref_slice %arg3[%dma_start3A_74, %multiple_of3A_71] : memref<64x1000000xf32, #tpu.memory_space<hbm>> -> memref<64x128xf32, #tpu.memory_space<hbm>>
    tpu.enqueue_dma source(%dma_start3A_75 : memref<64x128xf32, #tpu.memory_space<hbm>>) target(%arg12 : memref<64x128xf32, #tpu.memory_space<vmem>>) target_semaphore(%arg22 : memref<!tpu.dma_semaphore, #tpu.memory_space<semaphore_mem>>)
    %slice3A_76 = vector.extract_strided_slice %get3A_3 {offsets = [7], sizes = [1], strides = [1]} : vector<16xi32> to vector<1xi32>
    %squeeze3A_77 = vector.extract %slice3A_76[0] : i32 from vector<1xi32>
    %shift_right_arithmetic3A_78 = arith.constant 7 : i32
    %shift_right_arithmetic3A_79 = arith.shrsi %squeeze3A_77, %shift_right_arithmetic3A_78 : i32
    %mul3A_80 = arith.constant 128 : i32
    %mul3A_81 = arith.muli %shift_right_arithmetic3A_79, %mul3A_80 : i32
    %multiple_of3A_82 = tpu.assume_multiple %mul3A_81, 128 : i32
    %dma_start3A_83 = arith.constant 0 : i32
    %dma_start3A_84 = tpu.memref_slice %arg3[%dma_start3A_83, %multiple_of3A_82] : memref<64x1000000xf32, #tpu.memory_space<hbm>> -> memref<64x128xf32, #tpu.memory_space<hbm>>
    %dma_start3A_85 = arith.constant 0 : i32
    %dma_start3A_86 = tpu.memref_slice %arg3[%dma_start3A_85, %multiple_of3A_82] : memref<64x1000000xf32, #tpu.memory_space<hbm>> -> memref<64x128xf32, #tpu.memory_space<hbm>>
    tpu.enqueue_dma source(%dma_start3A_86 : memref<64x128xf32, #tpu.memory_space<hbm>>) target(%arg13 : memref<64x128xf32, #tpu.memory_space<vmem>>) target_semaphore(%arg23 : memref<!tpu.dma_semaphore, #tpu.memory_space<semaphore_mem>>)
    %broadcast_in_dim3A = arith.constant 0.000000e+00 : f32
    %broadcast_in_dim3A_87 = vector.broadcast %broadcast_in_dim3A : f32 to vector<16xf32>
    %scan3A = arith.constant 0 : i32
    %scan3A_88 = arith.constant 0 : i32
    %scan3A_89 = arith.constant 128 : i32
    %scan3A_90 = arith.addi %scan3A_88, %scan3A_89 : i32
    %scan3A_91 = arith.constant 1 : i32
    scf.for %scan3A_179 = %scan3A_88 to %scan3A_90 step %scan3A_91  : i32 {
      %swap3A = arith.index_cast %scan3A_179 : i32 to index
      %swap3A_180 = arith.constant 64 : index
      %swap3A_181 = tpu.vector_load %arg14[%swap3A, %swap3A_180] {strides = array<i32>} : memref<128x128xf32, #tpu.memory_space<vmem>>, vector<16xf32>,
      tpu.vector_store %arg14[%swap3A, %swap3A_180], %broadcast_in_dim3A_87 {strides = array<i32>} : memref<128x128xf32, #tpu.memory_space<vmem>>, vector<16xf32>,
      %swap3A_182 = arith.index_cast %scan3A_179 : i32 to index
      %swap3A_183 = arith.constant 80 : index
      %swap3A_184 = tpu.vector_load %arg14[%swap3A_182, %swap3A_183] {strides = array<i32>} : memref<128x128xf32, #tpu.memory_space<vmem>>, vector<16xf32>,
      tpu.vector_store %arg14[%swap3A_182, %swap3A_183], %broadcast_in_dim3A_87 {strides = array<i32>} : memref<128x128xf32, #tpu.memory_space<vmem>>, vector<16xf32>,
      %swap3A_185 = arith.index_cast %scan3A_179 : i32 to index
      %swap3A_186 = arith.constant 96 : index
      %swap3A_187 = tpu.vector_load %arg14[%swap3A_185, %swap3A_186] {strides = array<i32>} : memref<128x128xf32, #tpu.memory_space<vmem>>, vector<16xf32>,
      tpu.vector_store %arg14[%swap3A_185, %swap3A_186], %broadcast_in_dim3A_87 {strides = array<i32>} : memref<128x128xf32, #tpu.memory_space<vmem>>, vector<16xf32>,
      %swap3A_188 = arith.index_cast %scan3A_179 : i32 to index
      %swap3A_189 = arith.constant 112 : index
      %swap3A_190 = tpu.vector_load %arg14[%swap3A_188, %swap3A_189] {strides = array<i32>} : memref<128x128xf32, #tpu.memory_space<vmem>>, vector<16xf32>,
      tpu.vector_store %arg14[%swap3A_188, %swap3A_189], %broadcast_in_dim3A_87 {strides = array<i32>} : memref<128x128xf32, #tpu.memory_space<vmem>>, vector<16xf32>,
      %swap3A_191 = arith.index_cast %scan3A_179 : i32 to index
      %swap3A_192 = arith.constant 64 : index
      %swap3A_193 = tpu.vector_load %arg15[%swap3A_191, %swap3A_192] {strides = array<i32>} : memref<128x128xf32, #tpu.memory_space<vmem>>, vector<16xf32>,
      tpu.vector_store %arg15[%swap3A_191, %swap3A_192], %broadcast_in_dim3A_87 {strides = array<i32>} : memref<128x128xf32, #tpu.memory_space<vmem>>, vector<16xf32>,
      %swap3A_194 = arith.index_cast %scan3A_179 : i32 to index
      %swap3A_195 = arith.constant 80 : index
      %swap3A_196 = tpu.vector_load %arg15[%swap3A_194, %swap3A_195] {strides = array<i32>} : memref<128x128xf32, #tpu.memory_space<vmem>>, vector<16xf32>,
      tpu.vector_store %arg15[%swap3A_194, %swap3A_195], %broadcast_in_dim3A_87 {strides = array<i32>} : memref<128x128xf32, #tpu.memory_space<vmem>>, vector<16xf32>,
      %swap3A_197 = arith.index_cast %scan3A_179 : i32 to index
      %swap3A_198 = arith.constant 96 : index
      %swap3A_199 = tpu.vector_load %arg15[%swap3A_197, %swap3A_198] {strides = array<i32>} : memref<128x128xf32, #tpu.memory_space<vmem>>, vector<16xf32>,
      tpu.vector_store %arg15[%swap3A_197, %swap3A_198], %broadcast_in_dim3A_87 {strides = array<i32>} : memref<128x128xf32, #tpu.memory_space<vmem>>, vector<16xf32>,
      %swap3A_200 = arith.index_cast %scan3A_179 : i32 to index
      %swap3A_201 = arith.constant 112 : index
      %swap3A_202 = tpu.vector_load %arg15[%swap3A_200, %swap3A_201] {strides = array<i32>} : memref<128x128xf32, #tpu.memory_space<vmem>>, vector<16xf32>,
      tpu.vector_store %arg15[%swap3A_200, %swap3A_201], %broadcast_in_dim3A_87 {strides = array<i32>} : memref<128x128xf32, #tpu.memory_space<vmem>>, vector<16xf32>,
    }
    %scan3A_92 = arith.constant 128 : i32
    %iota3A = tpu.iota {dimensions = array<i32: 0>} : vector<16xi32>
    %add3A_93 = arith.constant 0 : i32
    %add3A_94 = vector.broadcast %add3A_93 : i32 to vector<16xi32>
    %add3A_95 = arith.addi %iota3A, %add3A_94 : vector<16xi32>
    %iota3A_96 = tpu.iota {dimensions = array<i32: 0>} : vector<16xi32>
    %add3A_97 = arith.constant 16 : i32
    %add3A_98 = vector.broadcast %add3A_97 : i32 to vector<16xi32>
    %add3A_99 = arith.addi %iota3A_96, %add3A_98 : vector<16xi32>
    %iota3A_100 = tpu.iota {dimensions = array<i32: 0>} : vector<16xi32>
    %add3A_101 = arith.constant 32 : i32
    %add3A_102 = vector.broadcast %add3A_101 : i32 to vector<16xi32>
    %add3A_103 = arith.addi %iota3A_100, %add3A_102 : vector<16xi32>
    %iota3A_104 = tpu.iota {dimensions = array<i32: 0>} : vector<16xi32>
    %add3A_105 = arith.constant 48 : i32
    %add3A_106 = vector.broadcast %add3A_105 : i32 to vector<16xi32>
    %add3A_107 = arith.addi %iota3A_104, %add3A_106 : vector<16xi32>
    %scan3A_108 = arith.constant 0 : i32
    %scan3A_109 = arith.constant 0 : i32
    %scan3A_110 = arith.constant 8 : i32
    %scan3A_111 = arith.addi %scan3A_109, %scan3A_110 : i32
    %scan3A_112 = arith.constant 1 : i32
    scf.for %scan3A_179 = %scan3A_109 to %scan3A_111 step %scan3A_112  : i32 {
      %mul3A_180 = arith.constant 16 : i32
      %mul3A_181 = arith.muli %scan3A_179, %mul3A_180 : i32
      %add3A_182 = arith.constant 0 : i32
      %add3A_183 = arith.addi %add3A_182, %mul3A_181 : i32
      %get3A_184 = arith.index_cast %add3A_183 : i32 to index
      %get3A_185 = tpu.vector_load %arg5[%get3A_184] {strides = array<i32>} : memref<544xi32, #tpu.memory_space<vmem>>, vector<16xi32>,
      %add3A_186 = arith.constant 16 : i32
      %add3A_187 = arith.addi %add3A_183, %add3A_186 : i32
      %get3A_188 = arith.index_cast %add3A_187 : i32 to index
      %get3A_189 = tpu.vector_load %arg5[%get3A_188] {strides = array<i32>} : memref<544xi32, #tpu.memory_space<vmem>>, vector<16xi32>,
      %dma_wait3A_190 = arith.constant 0 : i32
      %dma_wait3A_191 = arith.constant 0 : i32
      %dma_wait3A_192 = tpu.memref_slice %arg3[%dma_wait3A_190, %dma_wait3A_191] : memref<64x1000000xf32, #tpu.memory_space<hbm>> -> memref<64x128xf32, #tpu.memory_space<hbm>>
      %dma_wait3A_193 = arith.constant 0 : i32
      %dma_wait3A_194 = arith.constant 0 : i32
      %dma_wait3A_195 = tpu.memref_slice %arg3[%dma_wait3A_193, %dma_wait3A_194] : memref<64x1000000xf32, #tpu.memory_space<hbm>> -> memref<64x128xf32, #tpu.memory_space<hbm>>
      tpu.wait_dma2 semaphore(%arg16 : memref<!tpu.dma_semaphore, #tpu.memory_space<semaphore_mem>>) src(%dma_wait3A_195 : memref<64x128xf32, #tpu.memory_space<hbm>>) dst(%arg6 : memref<64x128xf32, #tpu.memory_space<vmem>>)
      %slice3A_196 = vector.extract_strided_slice %get3A_185 {offsets = [0], sizes = [1], strides = [1]} : vector<16xi32> to vector<1xi32>
      %squeeze3A_197 = vector.extract %slice3A_196[0] : i32 from vector<1xi32>
      %and3A = arith.constant 127 : i32
      %and3A_198 = arith.andi %squeeze3A_197, %and3A : i32
      %broadcast_in_dim3A_199 = vector.broadcast %and3A_198 : i32 to vector<16xi32>
      %mul3A_200 = arith.constant 16 : i32
      %mul3A_201 = arith.muli %scan3A_179, %mul3A_200 : i32
      %add3A_202 = arith.constant 0 : i32
      %add3A_203 = arith.addi %mul3A_201, %add3A_202 : i32
      %gather3A = tpu.vector_load_idx %arg6[%add3A_95, %broadcast_in_dim3A_199] : memref<64x128xf32, #tpu.memory_space<vmem>>[vector<16xi32>, vector<16xi32>], vector<16xf32>,
      %swap3A = arith.index_cast %add3A_203 : i32 to index
      %swap3A_204 = arith.constant 0 : index
      %swap3A_205 = tpu.vector_load %arg14[%swap3A, %swap3A_204] {strides = array<i32>} : memref<128x128xf32, #tpu.memory_space<vmem>>, vector<16xf32>,
      tpu.vector_store %arg14[%swap3A, %swap3A_204], %gather3A {strides = array<i32>} : memref<128x128xf32, #tpu.memory_space<vmem>>, vector<16xf32>,
      %gather3A_206 = tpu.vector_load_idx %arg6[%add3A_99, %broadcast_in_dim3A_199] : memref<64x128xf32, #tpu.memory_space<vmem>>[vector<16xi32>, vector<16xi32>], vector<16xf32>,
      %swap3A_207 = arith.index_cast %add3A_203 : i32 to index
      %swap3A_208 = arith.constant 16 : index
      %swap3A_209 = tpu.vector_load %arg14[%swap3A_207, %swap3A_208] {strides = array<i32>} : memref<128x128xf32, #tpu.memory_space<vmem>>, vector<16xf32>,
      tpu.vector_store %arg14[%swap3A_207, %swap3A_208], %gather3A_206 {strides = array<i32>} : memref<128x128xf32, #tpu.memory_space<vmem>>, vector<16xf32>,
      %gather3A_210 = tpu.vector_load_idx %arg6[%add3A_103, %broadcast_in_dim3A_199] : memref<64x128xf32, #tpu.memory_space<vmem>>[vector<16xi32>, vector<16xi32>], vector<16xf32>,
      %swap3A_211 = arith.index_cast %add3A_203 : i32 to index
      %swap3A_212 = arith.constant 32 : index
      %swap3A_213 = tpu.vector_load %arg14[%swap3A_211, %swap3A_212] {strides = array<i32>} : memref<128x128xf32, #tpu.memory_space<vmem>>, vector<16xf32>,
      tpu.vector_store %arg14[%swap3A_211, %swap3A_212], %gather3A_210 {strides = array<i32>} : memref<128x128xf32, #tpu.memory_space<vmem>>, vector<16xf32>,
      %gather3A_214 = tpu.vector_load_idx %arg6[%add3A_107, %broadcast_in_dim3A_199] : memref<64x128xf32, #tpu.memory_space<vmem>>[vector<16xi32>, vector<16xi32>], vector<16xf32>,
      %swap3A_215 = arith.index_cast %add3A_203 : i32 to index
      %swap3A_216 = arith.constant 48 : index
      %swap3A_217 = tpu.vector_load %arg14[%swap3A_215, %swap3A_216] {strides = array<i32>} : memref<128x128xf32, #tpu.memory_space<vmem>>, vector<16xf32>,
      tpu.vector_store %arg14[%swap3A_215, %swap3A_216], %gather3A_214 {strides = array<i32>} : memref<128x128xf32, #tpu.memory_space<vmem>>, vector<16xf32>,
      %slice3A_218 = vector.extract_strided_slice %get3A_185 {offsets = [8], sizes = [1], strides = [1]} : vector<16xi32> to vector<1xi32>
      %squeeze3A_219 = vector.extract %slice3A_218[0] : i32 from vector<1xi32>
      %shift_right_arithmetic3A_220 = arith.constant 7 : i32
      %shift_right_arithmetic3A_221 = arith.shrsi %squeeze3A_219, %shift_right_arithmetic3A_220 : i32
      %mul3A_222 = arith.constant 128 : i32
      %mul3A_223 = arith.muli %shift_right_arithmetic3A_221, %mul3A_222 : i32
      %multiple_of3A_224 = tpu.assume_multiple %mul3A_223, 128 : i32
      %dma_start3A_225 = arith.constant 0 : i32
      %dma_start3A_226 = tpu.memref_slice %arg3[%dma_start3A_225, %multiple_of3A_224] : memref<64x1000000xf32, #tpu.memory_space<hbm>> -> memref<64x128xf32, #tpu.memory_space<hbm>>
      %dma_start3A_227 = arith.constant 0 : i32
      %dma_start3A_228 = tpu.memref_slice %arg3[%dma_start3A_227, %multiple_of3A_224] : memref<64x1000000xf32, #tpu.memory_space<hbm>> -> memref<64x128xf32, #tpu.memory_space<hbm>>
      tpu.enqueue_dma source(%dma_start3A_228 : memref<64x128xf32, #tpu.memory_space<hbm>>) target(%arg6 : memref<64x128xf32, #tpu.memory_space<vmem>>) target_semaphore(%arg16 : memref<!tpu.dma_semaphore, #tpu.memory_space<semaphore_mem>>)
      %dma_wait3A_229 = arith.constant 0 : i32
      %dma_wait3A_230 = arith.constant 0 : i32
      %dma_wait3A_231 = tpu.memref_slice %arg3[%dma_wait3A_229, %dma_wait3A_230] : memref<64x1000000xf32, #tpu.memory_space<hbm>> -> memref<64x128xf32, #tpu.memory_space<hbm>>
      %dma_wait3A_232 = arith.constant 0 : i32
      %dma_wait3A_233 = arith.constant 0 : i32
      %dma_wait3A_234 = tpu.memref_slice %arg3[%dma_wait3A_232, %dma_wait3A_233] : memref<64x1000000xf32, #tpu.memory_space<hbm>> -> memref<64x128xf32, #tpu.memory_space<hbm>>
      tpu.wait_dma2 semaphore(%arg17 : memref<!tpu.dma_semaphore, #tpu.memory_space<semaphore_mem>>) src(%dma_wait3A_234 : memref<64x128xf32, #tpu.memory_space<hbm>>) dst(%arg7 : memref<64x128xf32, #tpu.memory_space<vmem>>)
      %slice3A_235 = vector.extract_strided_slice %get3A_185 {offsets = [1], sizes = [1], strides = [1]} : vector<16xi32> to vector<1xi32>
      %squeeze3A_236 = vector.extract %slice3A_235[0] : i32 from vector<1xi32>
      %and3A_237 = arith.constant 127 : i32
      %and3A_238 = arith.andi %squeeze3A_236, %and3A_237 : i32
      %broadcast_in_dim3A_239 = vector.broadcast %and3A_238 : i32 to vector<16xi32>
      %mul3A_240 = arith.constant 16 : i32
      %mul3A_241 = arith.muli %scan3A_179, %mul3A_240 : i32
      %add3A_242 = arith.constant 1 : i32
      %add3A_243 = arith.addi %mul3A_241, %add3A_242 : i32
      %gather3A_244 = tpu.vector_load_idx %arg7[%add3A_95, %broadcast_in_dim3A_239] : memref<64x128xf32, #tpu.memory_space<vmem>>[vector<16xi32>, vector<16xi32>], vector<16xf32>,
      %swap3A_245 = arith.index_cast %add3A_243 : i32 to index
      %swap3A_246 = arith.constant 0 : index
      %swap3A_247 = tpu.vector_load %arg14[%swap3A_245, %swap3A_246] {strides = array<i32>} : memref<128x128xf32, #tpu.memory_space<vmem>>, vector<16xf32>,
      tpu.vector_store %arg14[%swap3A_245, %swap3A_246], %gather3A_244 {strides = array<i32>} : memref<128x128xf32, #tpu.memory_space<vmem>>, vector<16xf32>,
      %gather3A_248 = tpu.vector_load_idx %arg7[%add3A_99, %broadcast_in_dim3A_239] : memref<64x128xf32, #tpu.memory_space<vmem>>[vector<16xi32>, vector<16xi32>], vector<16xf32>,
      %swap3A_249 = arith.index_cast %add3A_243 : i32 to index
      %swap3A_250 = arith.constant 16 : index
      %swap3A_251 = tpu.vector_load %arg14[%swap3A_249, %swap3A_250] {strides = array<i32>} : memref<128x128xf32, #tpu.memory_space<vmem>>, vector<16xf32>,
      tpu.vector_store %arg14[%swap3A_249, %swap3A_250], %gather3A_248 {strides = array<i32>} : memref<128x128xf32, #tpu.memory_space<vmem>>, vector<16xf32>,
      %gather3A_252 = tpu.vector_load_idx %arg7[%add3A_103, %broadcast_in_dim3A_239] : memref<64x128xf32, #tpu.memory_space<vmem>>[vector<16xi32>, vector<16xi32>], vector<16xf32>,
      %swap3A_253 = arith.index_cast %add3A_243 : i32 to index
      %swap3A_254 = arith.constant 32 : index
      %swap3A_255 = tpu.vector_load %arg14[%swap3A_253, %swap3A_254] {strides = array<i32>} : memref<128x128xf32, #tpu.memory_space<vmem>>, vector<16xf32>,
      tpu.vector_store %arg14[%swap3A_253, %swap3A_254], %gather3A_252 {strides = array<i32>} : memref<128x128xf32, #tpu.memory_space<vmem>>, vector<16xf32>,
      %gather3A_256 = tpu.vector_load_idx %arg7[%add3A_107, %broadcast_in_dim3A_239] : memref<64x128xf32, #tpu.memory_space<vmem>>[vector<16xi32>, vector<16xi32>], vector<16xf32>,
      %swap3A_257 = arith.index_cast %add3A_243 : i32 to index
      %swap3A_258 = arith.constant 48 : index
      %swap3A_259 = tpu.vector_load %arg14[%swap3A_257, %swap3A_258] {strides = array<i32>} : memref<128x128xf32, #tpu.memory_space<vmem>>, vector<16xf32>,
      tpu.vector_store %arg14[%swap3A_257, %swap3A_258], %gather3A_256 {strides = array<i32>} : memref<128x128xf32, #tpu.memory_space<vmem>>, vector<16xf32>,
      %slice3A_260 = vector.extract_strided_slice %get3A_185 {offsets = [9], sizes = [1], strides = [1]} : vector<16xi32> to vector<1xi32>
      %squeeze3A_261 = vector.extract %slice3A_260[0] : i32 from vector<1xi32>
      %shift_right_arithmetic3A_262 = arith.constant 7 : i32
      %shift_right_arithmetic3A_263 = arith.shrsi %squeeze3A_261, %shift_right_arithmetic3A_262 : i32
      %mul3A_264 = arith.constant 128 : i32
      %mul3A_265 = arith.muli %shift_right_arithmetic3A_263, %mul3A_264 : i32
      %multiple_of3A_266 = tpu.assume_multiple %mul3A_265, 128 : i32
      %dma_start3A_267 = arith.constant 0 : i32
      %dma_start3A_268 = tpu.memref_slice %arg3[%dma_start3A_267, %multiple_of3A_266] : memref<64x1000000xf32, #tpu.memory_space<hbm>> -> memref<64x128xf32, #tpu.memory_space<hbm>>
      %dma_start3A_269 = arith.constant 0 : i32
      %dma_start3A_270 = tpu.memref_slice %arg3[%dma_start3A_269, %multiple_of3A_266] : memref<64x1000000xf32, #tpu.memory_space<hbm>> -> memref<64x128xf32, #tpu.memory_space<hbm>>
      tpu.enqueue_dma source(%dma_start3A_270 : memref<64x128xf32, #tpu.memory_space<hbm>>) target(%arg7 : memref<64x128xf32, #tpu.memory_space<vmem>>) target_semaphore(%arg17 : memref<!tpu.dma_semaphore, #tpu.memory_space<semaphore_mem>>)
      %dma_wait3A_271 = arith.constant 0 : i32
      %dma_wait3A_272 = arith.constant 0 : i32
      %dma_wait3A_273 = tpu.memref_slice %arg3[%dma_wait3A_271, %dma_wait3A_272] : memref<64x1000000xf32, #tpu.memory_space<hbm>> -> memref<64x128xf32, #tpu.memory_space<hbm>>
      %dma_wait3A_274 = arith.constant 0 : i32
      %dma_wait3A_275 = arith.constant 0 : i32
      %dma_wait3A_276 = tpu.memref_slice %arg3[%dma_wait3A_274, %dma_wait3A_275] : memref<64x1000000xf32, #tpu.memory_space<hbm>> -> memref<64x128xf32, #tpu.memory_space<hbm>>
      tpu.wait_dma2 semaphore(%arg18 : memref<!tpu.dma_semaphore, #tpu.memory_space<semaphore_mem>>) src(%dma_wait3A_276 : memref<64x128xf32, #tpu.memory_space<hbm>>) dst(%arg8 : memref<64x128xf32, #tpu.memory_space<vmem>>)
      %slice3A_277 = vector.extract_strided_slice %get3A_185 {offsets = [2], sizes = [1], strides = [1]} : vector<16xi32> to vector<1xi32>
      %squeeze3A_278 = vector.extract %slice3A_277[0] : i32 from vector<1xi32>
      %and3A_279 = arith.constant 127 : i32
      %and3A_280 = arith.andi %squeeze3A_278, %and3A_279 : i32
      %broadcast_in_dim3A_281 = vector.broadcast %and3A_280 : i32 to vector<16xi32>
      %mul3A_282 = arith.constant 16 : i32
      %mul3A_283 = arith.muli %scan3A_179, %mul3A_282 : i32
      %add3A_284 = arith.constant 2 : i32
      %add3A_285 = arith.addi %mul3A_283, %add3A_284 : i32
      %gather3A_286 = tpu.vector_load_idx %arg8[%add3A_95, %broadcast_in_dim3A_281] : memref<64x128xf32, #tpu.memory_space<vmem>>[vector<16xi32>, vector<16xi32>], vector<16xf32>,
      %swap3A_287 = arith.index_cast %add3A_285 : i32 to index
      %swap3A_288 = arith.constant 0 : index
      %swap3A_289 = tpu.vector_load %arg14[%swap3A_287, %swap3A_288] {strides = array<i32>} : memref<128x128xf32, #tpu.memory_space<vmem>>, vector<16xf32>,
      tpu.vector_store %arg14[%swap3A_287, %swap3A_288], %gather3A_286 {strides = array<i32>} : memref<128x128xf32, #tpu.memory_space<vmem>>, vector<16xf32>,
      %gather3A_290 = tpu.vector_load_idx %arg8[%add3A_99, %broadcast_in_dim3A_281] : memref<64x128xf32, #tpu.memory_space<vmem>>[vector<16xi32>, vector<16xi32>], vector<16xf32>,
      %swap3A_291 = arith.index_cast %add3A_285 : i32 to index
      %swap3A_292 = arith.constant 16 : index
      %swap3A_293 = tpu.vector_load %arg14[%swap3A_291, %swap3A_292] {strides = array<i32>} : memref<128x128xf32, #tpu.memory_space<vmem>>, vector<16xf32>,
      tpu.vector_store %arg14[%swap3A_291, %swap3A_292], %gather3A_290 {strides = array<i32>} : memref<128x128xf32, #tpu.memory_space<vmem>>, vector<16xf32>,
      %gather3A_294 = tpu.vector_load_idx %arg8[%add3A_103, %broadcast_in_dim3A_281] : memref<64x128xf32, #tpu.memory_space<vmem>>[vector<16xi32>, vector<16xi32>], vector<16xf32>,
      %swap3A_295 = arith.index_cast %add3A_285 : i32 to index
      %swap3A_296 = arith.constant 32 : index
      %swap3A_297 = tpu.vector_load %arg14[%swap3A_295, %swap3A_296] {strides = array<i32>} : memref<128x128xf32, #tpu.memory_space<vmem>>, vector<16xf32>,
      tpu.vector_store %arg14[%swap3A_295, %swap3A_296], %gather3A_294 {strides = array<i32>} : memref<128x128xf32, #tpu.memory_space<vmem>>, vector<16xf32>,
      %gather3A_298 = tpu.vector_load_idx %arg8[%add3A_107, %broadcast_in_dim3A_281] : memref<64x128xf32, #tpu.memory_space<vmem>>[vector<16xi32>, vector<16xi32>], vector<16xf32>,
      %swap3A_299 = arith.index_cast %add3A_285 : i32 to index
      %swap3A_300 = arith.constant 48 : index
      %swap3A_301 = tpu.vector_load %arg14[%swap3A_299, %swap3A_300] {strides = array<i32>} : memref<128x128xf32, #tpu.memory_space<vmem>>, vector<16xf32>,
      tpu.vector_store %arg14[%swap3A_299, %swap3A_300], %gather3A_298 {strides = array<i32>} : memref<128x128xf32, #tpu.memory_space<vmem>>, vector<16xf32>,
      %slice3A_302 = vector.extract_strided_slice %get3A_185 {offsets = [10], sizes = [1], strides = [1]} : vector<16xi32> to vector<1xi32>
      %squeeze3A_303 = vector.extract %slice3A_302[0] : i32 from vector<1xi32>
      %shift_right_arithmetic3A_304 = arith.constant 7 : i32
      %shift_right_arithmetic3A_305 = arith.shrsi %squeeze3A_303, %shift_right_arithmetic3A_304 : i32
      %mul3A_306 = arith.constant 128 : i32
      %mul3A_307 = arith.muli %shift_right_arithmetic3A_305, %mul3A_306 : i32
      %multiple_of3A_308 = tpu.assume_multiple %mul3A_307, 128 : i32
      %dma_start3A_309 = arith.constant 0 : i32
      %dma_start3A_310 = tpu.memref_slice %arg3[%dma_start3A_309, %multiple_of3A_308] : memref<64x1000000xf32, #tpu.memory_space<hbm>> -> memref<64x128xf32, #tpu.memory_space<hbm>>
      %dma_start3A_311 = arith.constant 0 : i32
      %dma_start3A_312 = tpu.memref_slice %arg3[%dma_start3A_311, %multiple_of3A_308] : memref<64x1000000xf32, #tpu.memory_space<hbm>> -> memref<64x128xf32, #tpu.memory_space<hbm>>
      tpu.enqueue_dma source(%dma_start3A_312 : memref<64x128xf32, #tpu.memory_space<hbm>>) target(%arg8 : memref<64x128xf32, #tpu.memory_space<vmem>>) target_semaphore(%arg18 : memref<!tpu.dma_semaphore, #tpu.memory_space<semaphore_mem>>)
      %dma_wait3A_313 = arith.constant 0 : i32
      %dma_wait3A_314 = arith.constant 0 : i32
      %dma_wait3A_315 = tpu.memref_slice %arg3[%dma_wait3A_313, %dma_wait3A_314] : memref<64x1000000xf32, #tpu.memory_space<hbm>> -> memref<64x128xf32, #tpu.memory_space<hbm>>
      %dma_wait3A_316 = arith.constant 0 : i32
      %dma_wait3A_317 = arith.constant 0 : i32
      %dma_wait3A_318 = tpu.memref_slice %arg3[%dma_wait3A_316, %dma_wait3A_317] : memref<64x1000000xf32, #tpu.memory_space<hbm>> -> memref<64x128xf32, #tpu.memory_space<hbm>>
      tpu.wait_dma2 semaphore(%arg19 : memref<!tpu.dma_semaphore, #tpu.memory_space<semaphore_mem>>) src(%dma_wait3A_318 : memref<64x128xf32, #tpu.memory_space<hbm>>) dst(%arg9 : memref<64x128xf32, #tpu.memory_space<vmem>>)
      %slice3A_319 = vector.extract_strided_slice %get3A_185 {offsets = [3], sizes = [1], strides = [1]} : vector<16xi32> to vector<1xi32>
      %squeeze3A_320 = vector.extract %slice3A_319[0] : i32 from vector<1xi32>
      %and3A_321 = arith.constant 127 : i32
      %and3A_322 = arith.andi %squeeze3A_320, %and3A_321 : i32
      %broadcast_in_dim3A_323 = vector.broadcast %and3A_322 : i32 to vector<16xi32>
      %mul3A_324 = arith.constant 16 : i32
      %mul3A_325 = arith.muli %scan3A_179, %mul3A_324 : i32
      %add3A_326 = arith.constant 3 : i32
      %add3A_327 = arith.addi %mul3A_325, %add3A_326 : i32
      %gather3A_328 = tpu.vector_load_idx %arg9[%add3A_95, %broadcast_in_dim3A_323] : memref<64x128xf32, #tpu.memory_space<vmem>>[vector<16xi32>, vector<16xi32>], vector<16xf32>,
      %swap3A_329 = arith.index_cast %add3A_327 : i32 to index
      %swap3A_330 = arith.constant 0 : index
      %swap3A_331 = tpu.vector_load %arg14[%swap3A_329, %swap3A_330] {strides = array<i32>} : memref<128x128xf32, #tpu.memory_space<vmem>>, vector<16xf32>,
      tpu.vector_store %arg14[%swap3A_329, %swap3A_330], %gather3A_328 {strides = array<i32>} : memref<128x128xf32, #tpu.memory_space<vmem>>, vector<16xf32>,
      %gather3A_332 = tpu.vector_load_idx %arg9[%add3A_99, %broadcast_in_dim3A_323] : memref<64x128xf32, #tpu.memory_space<vmem>>[vector<16xi32>, vector<16xi32>], vector<16xf32>,
      %swap3A_333 = arith.index_cast %add3A_327 : i32 to index
      %swap3A_334 = arith.constant 16 : index
      %swap3A_335 = tpu.vector_load %arg14[%swap3A_333, %swap3A_334] {strides = array<i32>} : memref<128x128xf32, #tpu.memory_space<vmem>>, vector<16xf32>,
      tpu.vector_store %arg14[%swap3A_333, %swap3A_334], %gather3A_332 {strides = array<i32>} : memref<128x128xf32, #tpu.memory_space<vmem>>, vector<16xf32>,
      %gather3A_336 = tpu.vector_load_idx %arg9[%add3A_103, %broadcast_in_dim3A_323] : memref<64x128xf32, #tpu.memory_space<vmem>>[vector<16xi32>, vector<16xi32>], vector<16xf32>,
      %swap3A_337 = arith.index_cast %add3A_327 : i32 to index
      %swap3A_338 = arith.constant 32 : index
      %swap3A_339 = tpu.vector_load %arg14[%swap3A_337, %swap3A_338] {strides = array<i32>} : memref<128x128xf32, #tpu.memory_space<vmem>>, vector<16xf32>,
      tpu.vector_store %arg14[%swap3A_337, %swap3A_338], %gather3A_336 {strides = array<i32>} : memref<128x128xf32, #tpu.memory_space<vmem>>, vector<16xf32>,
      %gather3A_340 = tpu.vector_load_idx %arg9[%add3A_107, %broadcast_in_dim3A_323] : memref<64x128xf32, #tpu.memory_space<vmem>>[vector<16xi32>, vector<16xi32>], vector<16xf32>,
      %swap3A_341 = arith.index_cast %add3A_327 : i32 to index
      %swap3A_342 = arith.constant 48 : index
      %swap3A_343 = tpu.vector_load %arg14[%swap3A_341, %swap3A_342] {strides = array<i32>} : memref<128x128xf32, #tpu.memory_space<vmem>>, vector<16xf32>,
      tpu.vector_store %arg14[%swap3A_341, %swap3A_342], %gather3A_340 {strides = array<i32>} : memref<128x128xf32, #tpu.memory_space<vmem>>, vector<16xf32>,
      %slice3A_344 = vector.extract_strided_slice %get3A_185 {offsets = [11], sizes = [1], strides = [1]} : vector<16xi32> to vector<1xi32>
      %squeeze3A_345 = vector.extract %slice3A_344[0] : i32 from vector<1xi32>
      %shift_right_arithmetic3A_346 = arith.constant 7 : i32
      %shift_right_arithmetic3A_347 = arith.shrsi %squeeze3A_345, %shift_right_arithmetic3A_346 : i32
      %mul3A_348 = arith.constant 128 : i32
      %mul3A_349 = arith.muli %shift_right_arithmetic3A_347, %mul3A_348 : i32
      %multiple_of3A_350 = tpu.assume_multiple %mul3A_349, 128 : i32
      %dma_start3A_351 = arith.constant 0 : i32
      %dma_start3A_352 = tpu.memref_slice %arg3[%dma_start3A_351, %multiple_of3A_350] : memref<64x1000000xf32, #tpu.memory_space<hbm>> -> memref<64x128xf32, #tpu.memory_space<hbm>>
      %dma_start3A_353 = arith.constant 0 : i32
      %dma_start3A_354 = tpu.memref_slice %arg3[%dma_start3A_353, %multiple_of3A_350] : memref<64x1000000xf32, #tpu.memory_space<hbm>> -> memref<64x128xf32, #tpu.memory_space<hbm>>
      tpu.enqueue_dma source(%dma_start3A_354 : memref<64x128xf32, #tpu.memory_space<hbm>>) target(%arg9 : memref<64x128xf32, #tpu.memory_space<vmem>>) target_semaphore(%arg19 : memref<!tpu.dma_semaphore, #tpu.memory_space<semaphore_mem>>)
      %dma_wait3A_355 = arith.constant 0 : i32
      %dma_wait3A_356 = arith.constant 0 : i32
      %dma_wait3A_357 = tpu.memref_slice %arg3[%dma_wait3A_355, %dma_wait3A_356] : memref<64x1000000xf32, #tpu.memory_space<hbm>> -> memref<64x128xf32, #tpu.memory_space<hbm>>
      %dma_wait3A_358 = arith.constant 0 : i32
      %dma_wait3A_359 = arith.constant 0 : i32
      %dma_wait3A_360 = tpu.memref_slice %arg3[%dma_wait3A_358, %dma_wait3A_359] : memref<64x1000000xf32, #tpu.memory_space<hbm>> -> memref<64x128xf32, #tpu.memory_space<hbm>>
      tpu.wait_dma2 semaphore(%arg20 : memref<!tpu.dma_semaphore, #tpu.memory_space<semaphore_mem>>) src(%dma_wait3A_360 : memref<64x128xf32, #tpu.memory_space<hbm>>) dst(%arg10 : memref<64x128xf32, #tpu.memory_space<vmem>>)
      %slice3A_361 = vector.extract_strided_slice %get3A_185 {offsets = [4], sizes = [1], strides = [1]} : vector<16xi32> to vector<1xi32>
      %squeeze3A_362 = vector.extract %slice3A_361[0] : i32 from vector<1xi32>
      %and3A_363 = arith.constant 127 : i32
      %and3A_364 = arith.andi %squeeze3A_362, %and3A_363 : i32
      %broadcast_in_dim3A_365 = vector.broadcast %and3A_364 : i32 to vector<16xi32>
      %mul3A_366 = arith.constant 16 : i32
      %mul3A_367 = arith.muli %scan3A_179, %mul3A_366 : i32
      %add3A_368 = arith.constant 4 : i32
      %add3A_369 = arith.addi %mul3A_367, %add3A_368 : i32
      %gather3A_370 = tpu.vector_load_idx %arg10[%add3A_95, %broadcast_in_dim3A_365] : memref<64x128xf32, #tpu.memory_space<vmem>>[vector<16xi32>, vector<16xi32>], vector<16xf32>,
      %swap3A_371 = arith.index_cast %add3A_369 : i32 to index
      %swap3A_372 = arith.constant 0 : index
      %swap3A_373 = tpu.vector_load %arg14[%swap3A_371, %swap3A_372] {strides = array<i32>} : memref<128x128xf32, #tpu.memory_space<vmem>>, vector<16xf32>,
      tpu.vector_store %arg14[%swap3A_371, %swap3A_372], %gather3A_370 {strides = array<i32>} : memref<128x128xf32, #tpu.memory_space<vmem>>, vector<16xf32>,
      %gather3A_374 = tpu.vector_load_idx %arg10[%add3A_99, %broadcast_in_dim3A_365] : memref<64x128xf32, #tpu.memory_space<vmem>>[vector<16xi32>, vector<16xi32>], vector<16xf32>,
      %swap3A_375 = arith.index_cast %add3A_369 : i32 to index
      %swap3A_376 = arith.constant 16 : index
      %swap3A_377 = tpu.vector_load %arg14[%swap3A_375, %swap3A_376] {strides = array<i32>} : memref<128x128xf32, #tpu.memory_space<vmem>>, vector<16xf32>,
      tpu.vector_store %arg14[%swap3A_375, %swap3A_376], %gather3A_374 {strides = array<i32>} : memref<128x128xf32, #tpu.memory_space<vmem>>, vector<16xf32>,
      %gather3A_378 = tpu.vector_load_idx %arg10[%add3A_103, %broadcast_in_dim3A_365] : memref<64x128xf32, #tpu.memory_space<vmem>>[vector<16xi32>, vector<16xi32>], vector<16xf32>,
      %swap3A_379 = arith.index_cast %add3A_369 : i32 to index
      %swap3A_380 = arith.constant 32 : index
      %swap3A_381 = tpu.vector_load %arg14[%swap3A_379, %swap3A_380] {strides = array<i32>} : memref<128x128xf32, #tpu.memory_space<vmem>>, vector<16xf32>,
      tpu.vector_store %arg14[%swap3A_379, %swap3A_380], %gather3A_378 {strides = array<i32>} : memref<128x128xf32, #tpu.memory_space<vmem>>, vector<16xf32>,
      %gather3A_382 = tpu.vector_load_idx %arg10[%add3A_107, %broadcast_in_dim3A_365] : memref<64x128xf32, #tpu.memory_space<vmem>>[vector<16xi32>, vector<16xi32>], vector<16xf32>,
      %swap3A_383 = arith.index_cast %add3A_369 : i32 to index
      %swap3A_384 = arith.constant 48 : index
      %swap3A_385 = tpu.vector_load %arg14[%swap3A_383, %swap3A_384] {strides = array<i32>} : memref<128x128xf32, #tpu.memory_space<vmem>>, vector<16xf32>,
      tpu.vector_store %arg14[%swap3A_383, %swap3A_384], %gather3A_382 {strides = array<i32>} : memref<128x128xf32, #tpu.memory_space<vmem>>, vector<16xf32>,
      %slice3A_386 = vector.extract_strided_slice %get3A_185 {offsets = [12], sizes = [1], strides = [1]} : vector<16xi32> to vector<1xi32>
      %squeeze3A_387 = vector.extract %slice3A_386[0] : i32 from vector<1xi32>
      %shift_right_arithmetic3A_388 = arith.constant 7 : i32
      %shift_right_arithmetic3A_389 = arith.shrsi %squeeze3A_387, %shift_right_arithmetic3A_388 : i32
      %mul3A_390 = arith.constant 128 : i32
      %mul3A_391 = arith.muli %shift_right_arithmetic3A_389, %mul3A_390 : i32
      %multiple_of3A_392 = tpu.assume_multiple %mul3A_391, 128 : i32
      %dma_start3A_393 = arith.constant 0 : i32
      %dma_start3A_394 = tpu.memref_slice %arg3[%dma_start3A_393, %multiple_of3A_392] : memref<64x1000000xf32, #tpu.memory_space<hbm>> -> memref<64x128xf32, #tpu.memory_space<hbm>>
      %dma_start3A_395 = arith.constant 0 : i32
      %dma_start3A_396 = tpu.memref_slice %arg3[%dma_start3A_395, %multiple_of3A_392] : memref<64x1000000xf32, #tpu.memory_space<hbm>> -> memref<64x128xf32, #tpu.memory_space<hbm>>
      tpu.enqueue_dma source(%dma_start3A_396 : memref<64x128xf32, #tpu.memory_space<hbm>>) target(%arg10 : memref<64x128xf32, #tpu.memory_space<vmem>>) target_semaphore(%arg20 : memref<!tpu.dma_semaphore, #tpu.memory_space<semaphore_mem>>)
      %dma_wait3A_397 = arith.constant 0 : i32
      %dma_wait3A_398 = arith.constant 0 : i32
      %dma_wait3A_399 = tpu.memref_slice %arg3[%dma_wait3A_397, %dma_wait3A_398] : memref<64x1000000xf32, #tpu.memory_space<hbm>> -> memref<64x128xf32, #tpu.memory_space<hbm>>
      %dma_wait3A_400 = arith.constant 0 : i32
      %dma_wait3A_401 = arith.constant 0 : i32
      %dma_wait3A_402 = tpu.memref_slice %arg3[%dma_wait3A_400, %dma_wait3A_401] : memref<64x1000000xf32, #tpu.memory_space<hbm>> -> memref<64x128xf32, #tpu.memory_space<hbm>>
      tpu.wait_dma2 semaphore(%arg21 : memref<!tpu.dma_semaphore, #tpu.memory_space<semaphore_mem>>) src(%dma_wait3A_402 : memref<64x128xf32, #tpu.memory_space<hbm>>) dst(%arg11 : memref<64x128xf32, #tpu.memory_space<vmem>>)
      %slice3A_403 = vector.extract_strided_slice %get3A_185 {offsets = [5], sizes = [1], strides = [1]} : vector<16xi32> to vector<1xi32>
      %squeeze3A_404 = vector.extract %slice3A_403[0] : i32 from vector<1xi32>
      %and3A_405 = arith.constant 127 : i32
      %and3A_406 = arith.andi %squeeze3A_404, %and3A_405 : i32
      %broadcast_in_dim3A_407 = vector.broadcast %and3A_406 : i32 to vector<16xi32>
      %mul3A_408 = arith.constant 16 : i32
      %mul3A_409 = arith.muli %scan3A_179, %mul3A_408 : i32
      %add3A_410 = arith.constant 5 : i32
      %add3A_411 = arith.addi %mul3A_409, %add3A_410 : i32
      %gather3A_412 = tpu.vector_load_idx %arg11[%add3A_95, %broadcast_in_dim3A_407] : memref<64x128xf32, #tpu.memory_space<vmem>>[vector<16xi32>, vector<16xi32>], vector<16xf32>,
      %swap3A_413 = arith.index_cast %add3A_411 : i32 to index
      %swap3A_414 = arith.constant 0 : index
      %swap3A_415 = tpu.vector_load %arg14[%swap3A_413, %swap3A_414] {strides = array<i32>} : memref<128x128xf32, #tpu.memory_space<vmem>>, vector<16xf32>,
      tpu.vector_store %arg14[%swap3A_413, %swap3A_414], %gather3A_412 {strides = array<i32>} : memref<128x128xf32, #tpu.memory_space<vmem>>, vector<16xf32>,
      %gather3A_416 = tpu.vector_load_idx %arg11[%add3A_99, %broadcast_in_dim3A_407] : memref<64x128xf32, #tpu.memory_space<vmem>>[vector<16xi32>, vector<16xi32>], vector<16xf32>,
      %swap3A_417 = arith.index_cast %add3A_411 : i32 to index
      %swap3A_418 = arith.constant 16 : index
      %swap3A_419 = tpu.vector_load %arg14[%swap3A_417, %swap3A_418] {strides = array<i32>} : memref<128x128xf32, #tpu.memory_space<vmem>>, vector<16xf32>,
      tpu.vector_store %arg14[%swap3A_417, %swap3A_418], %gather3A_416 {strides = array<i32>} : memref<128x128xf32, #tpu.memory_space<vmem>>, vector<16xf32>,
      %gather3A_420 = tpu.vector_load_idx %arg11[%add3A_103, %broadcast_in_dim3A_407] : memref<64x128xf32, #tpu.memory_space<vmem>>[vector<16xi32>, vector<16xi32>], vector<16xf32>,
      %swap3A_421 = arith.index_cast %add3A_411 : i32 to index
      %swap3A_422 = arith.constant 32 : index
      %swap3A_423 = tpu.vector_load %arg14[%swap3A_421, %swap3A_422] {strides = array<i32>} : memref<128x128xf32, #tpu.memory_space<vmem>>, vector<16xf32>,
      tpu.vector_store %arg14[%swap3A_421, %swap3A_422], %gather3A_420 {strides = array<i32>} : memref<128x128xf32, #tpu.memory_space<vmem>>, vector<16xf32>,
      %gather3A_424 = tpu.vector_load_idx %arg11[%add3A_107, %broadcast_in_dim3A_407] : memref<64x128xf32, #tpu.memory_space<vmem>>[vector<16xi32>, vector<16xi32>], vector<16xf32>,
      %swap3A_425 = arith.index_cast %add3A_411 : i32 to index
      %swap3A_426 = arith.constant 48 : index
      %swap3A_427 = tpu.vector_load %arg14[%swap3A_425, %swap3A_426] {strides = array<i32>} : memref<128x128xf32, #tpu.memory_space<vmem>>, vector<16xf32>,
      tpu.vector_store %arg14[%swap3A_425, %swap3A_426], %gather3A_424 {strides = array<i32>} : memref<128x128xf32, #tpu.memory_space<vmem>>, vector<16xf32>,
      %slice3A_428 = vector.extract_strided_slice %get3A_185 {offsets = [13], sizes = [1], strides = [1]} : vector<16xi32> to vector<1xi32>
      %squeeze3A_429 = vector.extract %slice3A_428[0] : i32 from vector<1xi32>
      %shift_right_arithmetic3A_430 = arith.constant 7 : i32
      %shift_right_arithmetic3A_431 = arith.shrsi %squeeze3A_429, %shift_right_arithmetic3A_430 : i32
      %mul3A_432 = arith.constant 128 : i32
      %mul3A_433 = arith.muli %shift_right_arithmetic3A_431, %mul3A_432 : i32
      %multiple_of3A_434 = tpu.assume_multiple %mul3A_433, 128 : i32
      %dma_start3A_435 = arith.constant 0 : i32
      %dma_start3A_436 = tpu.memref_slice %arg3[%dma_start3A_435, %multiple_of3A_434] : memref<64x1000000xf32, #tpu.memory_space<hbm>> -> memref<64x128xf32, #tpu.memory_space<hbm>>
      %dma_start3A_437 = arith.constant 0 : i32
      %dma_start3A_438 = tpu.memref_slice %arg3[%dma_start3A_437, %multiple_of3A_434] : memref<64x1000000xf32, #tpu.memory_space<hbm>> -> memref<64x128xf32, #tpu.memory_space<hbm>>
      tpu.enqueue_dma source(%dma_start3A_438 : memref<64x128xf32, #tpu.memory_space<hbm>>) target(%arg11 : memref<64x128xf32, #tpu.memory_space<vmem>>) target_semaphore(%arg21 : memref<!tpu.dma_semaphore, #tpu.memory_space<semaphore_mem>>)
      %dma_wait3A_439 = arith.constant 0 : i32
      %dma_wait3A_440 = arith.constant 0 : i32
      %dma_wait3A_441 = tpu.memref_slice %arg3[%dma_wait3A_439, %dma_wait3A_440] : memref<64x1000000xf32, #tpu.memory_space<hbm>> -> memref<64x128xf32, #tpu.memory_space<hbm>>
      %dma_wait3A_442 = arith.constant 0 : i32
      %dma_wait3A_443 = arith.constant 0 : i32
      %dma_wait3A_444 = tpu.memref_slice %arg3[%dma_wait3A_442, %dma_wait3A_443] : memref<64x1000000xf32, #tpu.memory_space<hbm>> -> memref<64x128xf32, #tpu.memory_space<hbm>>
      tpu.wait_dma2 semaphore(%arg22 : memref<!tpu.dma_semaphore, #tpu.memory_space<semaphore_mem>>) src(%dma_wait3A_444 : memref<64x128xf32, #tpu.memory_space<hbm>>) dst(%arg12 : memref<64x128xf32, #tpu.memory_space<vmem>>)
      %slice3A_445 = vector.extract_strided_slice %get3A_185 {offsets = [6], sizes = [1], strides = [1]} : vector<16xi32> to vector<1xi32>
      %squeeze3A_446 = vector.extract %slice3A_445[0] : i32 from vector<1xi32>
      %and3A_447 = arith.constant 127 : i32
      %and3A_448 = arith.andi %squeeze3A_446, %and3A_447 : i32
      %broadcast_in_dim3A_449 = vector.broadcast %and3A_448 : i32 to vector<16xi32>
      %mul3A_450 = arith.constant 16 : i32
      %mul3A_451 = arith.muli %scan3A_179, %mul3A_450 : i32
      %add3A_452 = arith.constant 6 : i32
      %add3A_453 = arith.addi %mul3A_451, %add3A_452 : i32
      %gather3A_454 = tpu.vector_load_idx %arg12[%add3A_95, %broadcast_in_dim3A_449] : memref<64x128xf32, #tpu.memory_space<vmem>>[vector<16xi32>, vector<16xi32>], vector<16xf32>,
      %swap3A_455 = arith.index_cast %add3A_453 : i32 to index
      %swap3A_456 = arith.constant 0 : index
      %swap3A_457 = tpu.vector_load %arg14[%swap3A_455, %swap3A_456] {strides = array<i32>} : memref<128x128xf32, #tpu.memory_space<vmem>>, vector<16xf32>,
      tpu.vector_store %arg14[%swap3A_455, %swap3A_456], %gather3A_454 {strides = array<i32>} : memref<128x128xf32, #tpu.memory_space<vmem>>, vector<16xf32>,
      %gather3A_458 = tpu.vector_load_idx %arg12[%add3A_99, %broadcast_in_dim3A_449] : memref<64x128xf32, #tpu.memory_space<vmem>>[vector<16xi32>, vector<16xi32>], vector<16xf32>,
      %swap3A_459 = arith.index_cast %add3A_453 : i32 to index
      %swap3A_460 = arith.constant 16 : index
      %swap3A_461 = tpu.vector_load %arg14[%swap3A_459, %swap3A_460] {strides = array<i32>} : memref<128x128xf32, #tpu.memory_space<vmem>>, vector<16xf32>,
      tpu.vector_store %arg14[%swap3A_459, %swap3A_460], %gather3A_458 {strides = array<i32>} : memref<128x128xf32, #tpu.memory_space<vmem>>, vector<16xf32>,
      %gather3A_462 = tpu.vector_load_idx %arg12[%add3A_103, %broadcast_in_dim3A_449] : memref<64x128xf32, #tpu.memory_space<vmem>>[vector<16xi32>, vector<16xi32>], vector<16xf32>,
      %swap3A_463 = arith.index_cast %add3A_453 : i32 to index
      %swap3A_464 = arith.constant 32 : index
      %swap3A_465 = tpu.vector_load %arg14[%swap3A_463, %swap3A_464] {strides = array<i32>} : memref<128x128xf32, #tpu.memory_space<vmem>>, vector<16xf32>,
      tpu.vector_store %arg14[%swap3A_463, %swap3A_464], %gather3A_462 {strides = array<i32>} : memref<128x128xf32, #tpu.memory_space<vmem>>, vector<16xf32>,
      %gather3A_466 = tpu.vector_load_idx %arg12[%add3A_107, %broadcast_in_dim3A_449] : memref<64x128xf32, #tpu.memory_space<vmem>>[vector<16xi32>, vector<16xi32>], vector<16xf32>,
      %swap3A_467 = arith.index_cast %add3A_453 : i32 to index
      %swap3A_468 = arith.constant 48 : index
      %swap3A_469 = tpu.vector_load %arg14[%swap3A_467, %swap3A_468] {strides = array<i32>} : memref<128x128xf32, #tpu.memory_space<vmem>>, vector<16xf32>,
      tpu.vector_store %arg14[%swap3A_467, %swap3A_468], %gather3A_466 {strides = array<i32>} : memref<128x128xf32, #tpu.memory_space<vmem>>, vector<16xf32>,
      %slice3A_470 = vector.extract_strided_slice %get3A_185 {offsets = [14], sizes = [1], strides = [1]} : vector<16xi32> to vector<1xi32>
      %squeeze3A_471 = vector.extract %slice3A_470[0] : i32 from vector<1xi32>
      %shift_right_arithmetic3A_472 = arith.constant 7 : i32
      %shift_right_arithmetic3A_473 = arith.shrsi %squeeze3A_471, %shift_right_arithmetic3A_472 : i32
      %mul3A_474 = arith.constant 128 : i32
      %mul3A_475 = arith.muli %shift_right_arithmetic3A_473, %mul3A_474 : i32
      %multiple_of3A_476 = tpu.assume_multiple %mul3A_475, 128 : i32
      %dma_start3A_477 = arith.constant 0 : i32
      %dma_start3A_478 = tpu.memref_slice %arg3[%dma_start3A_477, %multiple_of3A_476] : memref<64x1000000xf32, #tpu.memory_space<hbm>> -> memref<64x128xf32, #tpu.memory_space<hbm>>
      %dma_start3A_479 = arith.constant 0 : i32
      %dma_start3A_480 = tpu.memref_slice %arg3[%dma_start3A_479, %multiple_of3A_476] : memref<64x1000000xf32, #tpu.memory_space<hbm>> -> memref<64x128xf32, #tpu.memory_space<hbm>>
      tpu.enqueue_dma source(%dma_start3A_480 : memref<64x128xf32, #tpu.memory_space<hbm>>) target(%arg12 : memref<64x128xf32, #tpu.memory_space<vmem>>) target_semaphore(%arg22 : memref<!tpu.dma_semaphore, #tpu.memory_space<semaphore_mem>>)
      %dma_wait3A_481 = arith.constant 0 : i32
      %dma_wait3A_482 = arith.constant 0 : i32
      %dma_wait3A_483 = tpu.memref_slice %arg3[%dma_wait3A_481, %dma_wait3A_482] : memref<64x1000000xf32, #tpu.memory_space<hbm>> -> memref<64x128xf32, #tpu.memory_space<hbm>>
      %dma_wait3A_484 = arith.constant 0 : i32
      %dma_wait3A_485 = arith.constant 0 : i32
      %dma_wait3A_486 = tpu.memref_slice %arg3[%dma_wait3A_484, %dma_wait3A_485] : memref<64x1000000xf32, #tpu.memory_space<hbm>> -> memref<64x128xf32, #tpu.memory_space<hbm>>
      tpu.wait_dma2 semaphore(%arg23 : memref<!tpu.dma_semaphore, #tpu.memory_space<semaphore_mem>>) src(%dma_wait3A_486 : memref<64x128xf32, #tpu.memory_space<hbm>>) dst(%arg13 : memref<64x128xf32, #tpu.memory_space<vmem>>)
      %slice3A_487 = vector.extract_strided_slice %get3A_185 {offsets = [7], sizes = [1], strides = [1]} : vector<16xi32> to vector<1xi32>
      %squeeze3A_488 = vector.extract %slice3A_487[0] : i32 from vector<1xi32>
      %and3A_489 = arith.constant 127 : i32
      %and3A_490 = arith.andi %squeeze3A_488, %and3A_489 : i32
      %broadcast_in_dim3A_491 = vector.broadcast %and3A_490 : i32 to vector<16xi32>
      %mul3A_492 = arith.constant 16 : i32
      %mul3A_493 = arith.muli %scan3A_179, %mul3A_492 : i32
      %add3A_494 = arith.constant 7 : i32
      %add3A_495 = arith.addi %mul3A_493, %add3A_494 : i32
      %gather3A_496 = tpu.vector_load_idx %arg13[%add3A_95, %broadcast_in_dim3A_491] : memref<64x128xf32, #tpu.memory_space<vmem>>[vector<16xi32>, vector<16xi32>], vector<16xf32>,
      %swap3A_497 = arith.index_cast %add3A_495 : i32 to index
      %swap3A_498 = arith.constant 0 : index
      %swap3A_499 = tpu.vector_load %arg14[%swap3A_497, %swap3A_498] {strides = array<i32>} : memref<128x128xf32, #tpu.memory_space<vmem>>, vector<16xf32>,
      tpu.vector_store %arg14[%swap3A_497, %swap3A_498], %gather3A_496 {strides = array<i32>} : memref<128x128xf32, #tpu.memory_space<vmem>>, vector<16xf32>,
      %gather3A_500 = tpu.vector_load_idx %arg13[%add3A_99, %broadcast_in_dim3A_491] : memref<64x128xf32, #tpu.memory_space<vmem>>[vector<16xi32>, vector<16xi32>], vector<16xf32>,
      %swap3A_501 = arith.index_cast %add3A_495 : i32 to index
      %swap3A_502 = arith.constant 16 : index
      %swap3A_503 = tpu.vector_load %arg14[%swap3A_501, %swap3A_502] {strides = array<i32>} : memref<128x128xf32, #tpu.memory_space<vmem>>, vector<16xf32>,
      tpu.vector_store %arg14[%swap3A_501, %swap3A_502], %gather3A_500 {strides = array<i32>} : memref<128x128xf32, #tpu.memory_space<vmem>>, vector<16xf32>,
      %gather3A_504 = tpu.vector_load_idx %arg13[%add3A_103, %broadcast_in_dim3A_491] : memref<64x128xf32, #tpu.memory_space<vmem>>[vector<16xi32>, vector<16xi32>], vector<16xf32>,
      %swap3A_505 = arith.index_cast %add3A_495 : i32 to index
      %swap3A_506 = arith.constant 32 : index
      %swap3A_507 = tpu.vector_load %arg14[%swap3A_505, %swap3A_506] {strides = array<i32>} : memref<128x128xf32, #tpu.memory_space<vmem>>, vector<16xf32>,
      tpu.vector_store %arg14[%swap3A_505, %swap3A_506], %gather3A_504 {strides = array<i32>} : memref<128x128xf32, #tpu.memory_space<vmem>>, vector<16xf32>,
      %gather3A_508 = tpu.vector_load_idx %arg13[%add3A_107, %broadcast_in_dim3A_491] : memref<64x128xf32, #tpu.memory_space<vmem>>[vector<16xi32>, vector<16xi32>], vector<16xf32>,
      %swap3A_509 = arith.index_cast %add3A_495 : i32 to index
      %swap3A_510 = arith.constant 48 : index
      %swap3A_511 = tpu.vector_load %arg14[%swap3A_509, %swap3A_510] {strides = array<i32>} : memref<128x128xf32, #tpu.memory_space<vmem>>, vector<16xf32>,
      tpu.vector_store %arg14[%swap3A_509, %swap3A_510], %gather3A_508 {strides = array<i32>} : memref<128x128xf32, #tpu.memory_space<vmem>>, vector<16xf32>,
      %slice3A_512 = vector.extract_strided_slice %get3A_185 {offsets = [15], sizes = [1], strides = [1]} : vector<16xi32> to vector<1xi32>
      %squeeze3A_513 = vector.extract %slice3A_512[0] : i32 from vector<1xi32>
      %shift_right_arithmetic3A_514 = arith.constant 7 : i32
      %shift_right_arithmetic3A_515 = arith.shrsi %squeeze3A_513, %shift_right_arithmetic3A_514 : i32
      %mul3A_516 = arith.constant 128 : i32
      %mul3A_517 = arith.muli %shift_right_arithmetic3A_515, %mul3A_516 : i32
      %multiple_of3A_518 = tpu.assume_multiple %mul3A_517, 128 : i32
      %dma_start3A_519 = arith.constant 0 : i32
      %dma_start3A_520 = tpu.memref_slice %arg3[%dma_start3A_519, %multiple_of3A_518] : memref<64x1000000xf32, #tpu.memory_space<hbm>> -> memref<64x128xf32, #tpu.memory_space<hbm>>
      %dma_start3A_521 = arith.constant 0 : i32
      %dma_start3A_522 = tpu.memref_slice %arg3[%dma_start3A_521, %multiple_of3A_518] : memref<64x1000000xf32, #tpu.memory_space<hbm>> -> memref<64x128xf32, #tpu.memory_space<hbm>>
      tpu.enqueue_dma source(%dma_start3A_522 : memref<64x128xf32, #tpu.memory_space<hbm>>) target(%arg13 : memref<64x128xf32, #tpu.memory_space<vmem>>) target_semaphore(%arg23 : memref<!tpu.dma_semaphore, #tpu.memory_space<semaphore_mem>>)
      %dma_wait3A_523 = arith.constant 0 : i32
      %dma_wait3A_524 = arith.constant 0 : i32
      %dma_wait3A_525 = tpu.memref_slice %arg3[%dma_wait3A_523, %dma_wait3A_524] : memref<64x1000000xf32, #tpu.memory_space<hbm>> -> memref<64x128xf32, #tpu.memory_space<hbm>>
      %dma_wait3A_526 = arith.constant 0 : i32
      %dma_wait3A_527 = arith.constant 0 : i32
      %dma_wait3A_528 = tpu.memref_slice %arg3[%dma_wait3A_526, %dma_wait3A_527] : memref<64x1000000xf32, #tpu.memory_space<hbm>> -> memref<64x128xf32, #tpu.memory_space<hbm>>
      tpu.wait_dma2 semaphore(%arg16 : memref<!tpu.dma_semaphore, #tpu.memory_space<semaphore_mem>>) src(%dma_wait3A_528 : memref<64x128xf32, #tpu.memory_space<hbm>>) dst(%arg6 : memref<64x128xf32, #tpu.memory_space<vmem>>)
      %slice3A_529 = vector.extract_strided_slice %get3A_185 {offsets = [8], sizes = [1], strides = [1]} : vector<16xi32> to vector<1xi32>
      %squeeze3A_530 = vector.extract %slice3A_529[0] : i32 from vector<1xi32>
      %and3A_531 = arith.constant 127 : i32
      %and3A_532 = arith.andi %squeeze3A_530, %and3A_531 : i32
      %broadcast_in_dim3A_533 = vector.broadcast %and3A_532 : i32 to vector<16xi32>
      %mul3A_534 = arith.constant 16 : i32
      %mul3A_535 = arith.muli %scan3A_179, %mul3A_534 : i32
      %add3A_536 = arith.constant 8 : i32
      %add3A_537 = arith.addi %mul3A_535, %add3A_536 : i32
      %gather3A_538 = tpu.vector_load_idx %arg6[%add3A_95, %broadcast_in_dim3A_533] : memref<64x128xf32, #tpu.memory_space<vmem>>[vector<16xi32>, vector<16xi32>], vector<16xf32>,
      %swap3A_539 = arith.index_cast %add3A_537 : i32 to index
      %swap3A_540 = arith.constant 0 : index
      %swap3A_541 = tpu.vector_load %arg14[%swap3A_539, %swap3A_540] {strides = array<i32>} : memref<128x128xf32, #tpu.memory_space<vmem>>, vector<16xf32>,
      tpu.vector_store %arg14[%swap3A_539, %swap3A_540], %gather3A_538 {strides = array<i32>} : memref<128x128xf32, #tpu.memory_space<vmem>>, vector<16xf32>,
      %gather3A_542 = tpu.vector_load_idx %arg6[%add3A_99, %broadcast_in_dim3A_533] : memref<64x128xf32, #tpu.memory_space<vmem>>[vector<16xi32>, vector<16xi32>], vector<16xf32>,
      %swap3A_543 = arith.index_cast %add3A_537 : i32 to index
      %swap3A_544 = arith.constant 16 : index
      %swap3A_545 = tpu.vector_load %arg14[%swap3A_543, %swap3A_544] {strides = array<i32>} : memref<128x128xf32, #tpu.memory_space<vmem>>, vector<16xf32>,
      tpu.vector_store %arg14[%swap3A_543, %swap3A_544], %gather3A_542 {strides = array<i32>} : memref<128x128xf32, #tpu.memory_space<vmem>>, vector<16xf32>,
      %gather3A_546 = tpu.vector_load_idx %arg6[%add3A_103, %broadcast_in_dim3A_533] : memref<64x128xf32, #tpu.memory_space<vmem>>[vector<16xi32>, vector<16xi32>], vector<16xf32>,
      %swap3A_547 = arith.index_cast %add3A_537 : i32 to index
      %swap3A_548 = arith.constant 32 : index
      %swap3A_549 = tpu.vector_load %arg14[%swap3A_547, %swap3A_548] {strides = array<i32>} : memref<128x128xf32, #tpu.memory_space<vmem>>, vector<16xf32>,
      tpu.vector_store %arg14[%swap3A_547, %swap3A_548], %gather3A_546 {strides = array<i32>} : memref<128x128xf32, #tpu.memory_space<vmem>>, vector<16xf32>,
      %gather3A_550 = tpu.vector_load_idx %arg6[%add3A_107, %broadcast_in_dim3A_533] : memref<64x128xf32, #tpu.memory_space<vmem>>[vector<16xi32>, vector<16xi32>], vector<16xf32>,
      %swap3A_551 = arith.index_cast %add3A_537 : i32 to index
      %swap3A_552 = arith.constant 48 : index
      %swap3A_553 = tpu.vector_load %arg14[%swap3A_551, %swap3A_552] {strides = array<i32>} : memref<128x128xf32, #tpu.memory_space<vmem>>, vector<16xf32>,
      tpu.vector_store %arg14[%swap3A_551, %swap3A_552], %gather3A_550 {strides = array<i32>} : memref<128x128xf32, #tpu.memory_space<vmem>>, vector<16xf32>,
      %slice3A_554 = vector.extract_strided_slice %get3A_189 {offsets = [0], sizes = [1], strides = [1]} : vector<16xi32> to vector<1xi32>
      %squeeze3A_555 = vector.extract %slice3A_554[0] : i32 from vector<1xi32>
      %shift_right_arithmetic3A_556 = arith.constant 7 : i32
      %shift_right_arithmetic3A_557 = arith.shrsi %squeeze3A_555, %shift_right_arithmetic3A_556 : i32
      %mul3A_558 = arith.constant 128 : i32
      %mul3A_559 = arith.muli %shift_right_arithmetic3A_557, %mul3A_558 : i32
      %multiple_of3A_560 = tpu.assume_multiple %mul3A_559, 128 : i32
      %dma_start3A_561 = arith.constant 0 : i32
      %dma_start3A_562 = tpu.memref_slice %arg3[%dma_start3A_561, %multiple_of3A_560] : memref<64x1000000xf32, #tpu.memory_space<hbm>> -> memref<64x128xf32, #tpu.memory_space<hbm>>
      %dma_start3A_563 = arith.constant 0 : i32
      %dma_start3A_564 = tpu.memref_slice %arg3[%dma_start3A_563, %multiple_of3A_560] : memref<64x1000000xf32, #tpu.memory_space<hbm>> -> memref<64x128xf32, #tpu.memory_space<hbm>>
      tpu.enqueue_dma source(%dma_start3A_564 : memref<64x128xf32, #tpu.memory_space<hbm>>) target(%arg6 : memref<64x128xf32, #tpu.memory_space<vmem>>) target_semaphore(%arg16 : memref<!tpu.dma_semaphore, #tpu.memory_space<semaphore_mem>>)
      %dma_wait3A_565 = arith.constant 0 : i32
      %dma_wait3A_566 = arith.constant 0 : i32
      %dma_wait3A_567 = tpu.memref_slice %arg3[%dma_wait3A_565, %dma_wait3A_566] : memref<64x1000000xf32, #tpu.memory_space<hbm>> -> memref<64x128xf32, #tpu.memory_space<hbm>>
      %dma_wait3A_568 = arith.constant 0 : i32
      %dma_wait3A_569 = arith.constant 0 : i32
      %dma_wait3A_570 = tpu.memref_slice %arg3[%dma_wait3A_568, %dma_wait3A_569] : memref<64x1000000xf32, #tpu.memory_space<hbm>> -> memref<64x128xf32, #tpu.memory_space<hbm>>
      tpu.wait_dma2 semaphore(%arg17 : memref<!tpu.dma_semaphore, #tpu.memory_space<semaphore_mem>>) src(%dma_wait3A_570 : memref<64x128xf32, #tpu.memory_space<hbm>>) dst(%arg7 : memref<64x128xf32, #tpu.memory_space<vmem>>)
      %slice3A_571 = vector.extract_strided_slice %get3A_185 {offsets = [9], sizes = [1], strides = [1]} : vector<16xi32> to vector<1xi32>
      %squeeze3A_572 = vector.extract %slice3A_571[0] : i32 from vector<1xi32>
      %and3A_573 = arith.constant 127 : i32
      %and3A_574 = arith.andi %squeeze3A_572, %and3A_573 : i32
      %broadcast_in_dim3A_575 = vector.broadcast %and3A_574 : i32 to vector<16xi32>
      %mul3A_576 = arith.constant 16 : i32
      %mul3A_577 = arith.muli %scan3A_179, %mul3A_576 : i32
      %add3A_578 = arith.constant 9 : i32
      %add3A_579 = arith.addi %mul3A_577, %add3A_578 : i32
      %gather3A_580 = tpu.vector_load_idx %arg7[%add3A_95, %broadcast_in_dim3A_575] : memref<64x128xf32, #tpu.memory_space<vmem>>[vector<16xi32>, vector<16xi32>], vector<16xf32>,
      %swap3A_581 = arith.index_cast %add3A_579 : i32 to index
      %swap3A_582 = arith.constant 0 : index
      %swap3A_583 = tpu.vector_load %arg14[%swap3A_581, %swap3A_582] {strides = array<i32>} : memref<128x128xf32, #tpu.memory_space<vmem>>, vector<16xf32>,
      tpu.vector_store %arg14[%swap3A_581, %swap3A_582], %gather3A_580 {strides = array<i32>} : memref<128x128xf32, #tpu.memory_space<vmem>>, vector<16xf32>,
      %gather3A_584 = tpu.vector_load_idx %arg7[%add3A_99, %broadcast_in_dim3A_575] : memref<64x128xf32, #tpu.memory_space<vmem>>[vector<16xi32>, vector<16xi32>], vector<16xf32>,
      %swap3A_585 = arith.index_cast %add3A_579 : i32 to index
      %swap3A_586 = arith.constant 16 : index
      %swap3A_587 = tpu.vector_load %arg14[%swap3A_585, %swap3A_586] {strides = array<i32>} : memref<128x128xf32, #tpu.memory_space<vmem>>, vector<16xf32>,
      tpu.vector_store %arg14[%swap3A_585, %swap3A_586], %gather3A_584 {strides = array<i32>} : memref<128x128xf32, #tpu.memory_space<vmem>>, vector<16xf32>,
      %gather3A_588 = tpu.vector_load_idx %arg7[%add3A_103, %broadcast_in_dim3A_575] : memref<64x128xf32, #tpu.memory_space<vmem>>[vector<16xi32>, vector<16xi32>], vector<16xf32>,
      %swap3A_589 = arith.index_cast %add3A_579 : i32 to index
      %swap3A_590 = arith.constant 32 : index
      %swap3A_591 = tpu.vector_load %arg14[%swap3A_589, %swap3A_590] {strides = array<i32>} : memref<128x128xf32, #tpu.memory_space<vmem>>, vector<16xf32>,
      tpu.vector_store %arg14[%swap3A_589, %swap3A_590], %gather3A_588 {strides = array<i32>} : memref<128x128xf32, #tpu.memory_space<vmem>>, vector<16xf32>,
      %gather3A_592 = tpu.vector_load_idx %arg7[%add3A_107, %broadcast_in_dim3A_575] : memref<64x128xf32, #tpu.memory_space<vmem>>[vector<16xi32>, vector<16xi32>], vector<16xf32>,
      %swap3A_593 = arith.index_cast %add3A_579 : i32 to index
      %swap3A_594 = arith.constant 48 : index
      %swap3A_595 = tpu.vector_load %arg14[%swap3A_593, %swap3A_594] {strides = array<i32>} : memref<128x128xf32, #tpu.memory_space<vmem>>, vector<16xf32>,
      tpu.vector_store %arg14[%swap3A_593, %swap3A_594], %gather3A_592 {strides = array<i32>} : memref<128x128xf32, #tpu.memory_space<vmem>>, vector<16xf32>,
      %slice3A_596 = vector.extract_strided_slice %get3A_189 {offsets = [1], sizes = [1], strides = [1]} : vector<16xi32> to vector<1xi32>
      %squeeze3A_597 = vector.extract %slice3A_596[0] : i32 from vector<1xi32>
      %shift_right_arithmetic3A_598 = arith.constant 7 : i32
      %shift_right_arithmetic3A_599 = arith.shrsi %squeeze3A_597, %shift_right_arithmetic3A_598 : i32
      %mul3A_600 = arith.constant 128 : i32
      %mul3A_601 = arith.muli %shift_right_arithmetic3A_599, %mul3A_600 : i32
      %multiple_of3A_602 = tpu.assume_multiple %mul3A_601, 128 : i32
      %dma_start3A_603 = arith.constant 0 : i32
      %dma_start3A_604 = tpu.memref_slice %arg3[%dma_start3A_603, %multiple_of3A_602] : memref<64x1000000xf32, #tpu.memory_space<hbm>> -> memref<64x128xf32, #tpu.memory_space<hbm>>
      %dma_start3A_605 = arith.constant 0 : i32
      %dma_start3A_606 = tpu.memref_slice %arg3[%dma_start3A_605, %multiple_of3A_602] : memref<64x1000000xf32, #tpu.memory_space<hbm>> -> memref<64x128xf32, #tpu.memory_space<hbm>>
      tpu.enqueue_dma source(%dma_start3A_606 : memref<64x128xf32, #tpu.memory_space<hbm>>) target(%arg7 : memref<64x128xf32, #tpu.memory_space<vmem>>) target_semaphore(%arg17 : memref<!tpu.dma_semaphore, #tpu.memory_space<semaphore_mem>>)
      %dma_wait3A_607 = arith.constant 0 : i32
      %dma_wait3A_608 = arith.constant 0 : i32
      %dma_wait3A_609 = tpu.memref_slice %arg3[%dma_wait3A_607, %dma_wait3A_608] : memref<64x1000000xf32, #tpu.memory_space<hbm>> -> memref<64x128xf32, #tpu.memory_space<hbm>>
      %dma_wait3A_610 = arith.constant 0 : i32
      %dma_wait3A_611 = arith.constant 0 : i32
      %dma_wait3A_612 = tpu.memref_slice %arg3[%dma_wait3A_610, %dma_wait3A_611] : memref<64x1000000xf32, #tpu.memory_space<hbm>> -> memref<64x128xf32, #tpu.memory_space<hbm>>
      tpu.wait_dma2 semaphore(%arg18 : memref<!tpu.dma_semaphore, #tpu.memory_space<semaphore_mem>>) src(%dma_wait3A_612 : memref<64x128xf32, #tpu.memory_space<hbm>>) dst(%arg8 : memref<64x128xf32, #tpu.memory_space<vmem>>)
      %slice3A_613 = vector.extract_strided_slice %get3A_185 {offsets = [10], sizes = [1], strides = [1]} : vector<16xi32> to vector<1xi32>
      %squeeze3A_614 = vector.extract %slice3A_613[0] : i32 from vector<1xi32>
      %and3A_615 = arith.constant 127 : i32
      %and3A_616 = arith.andi %squeeze3A_614, %and3A_615 : i32
      %broadcast_in_dim3A_617 = vector.broadcast %and3A_616 : i32 to vector<16xi32>
      %mul3A_618 = arith.constant 16 : i32
      %mul3A_619 = arith.muli %scan3A_179, %mul3A_618 : i32
      %add3A_620 = arith.constant 10 : i32
      %add3A_621 = arith.addi %mul3A_619, %add3A_620 : i32
      %gather3A_622 = tpu.vector_load_idx %arg8[%add3A_95, %broadcast_in_dim3A_617] : memref<64x128xf32, #tpu.memory_space<vmem>>[vector<16xi32>, vector<16xi32>], vector<16xf32>,
      %swap3A_623 = arith.index_cast %add3A_621 : i32 to index
      %swap3A_624 = arith.constant 0 : index
      %swap3A_625 = tpu.vector_load %arg14[%swap3A_623, %swap3A_624] {strides = array<i32>} : memref<128x128xf32, #tpu.memory_space<vmem>>, vector<16xf32>,
      tpu.vector_store %arg14[%swap3A_623, %swap3A_624], %gather3A_622 {strides = array<i32>} : memref<128x128xf32, #tpu.memory_space<vmem>>, vector<16xf32>,
      %gather3A_626 = tpu.vector_load_idx %arg8[%add3A_99, %broadcast_in_dim3A_617] : memref<64x128xf32, #tpu.memory_space<vmem>>[vector<16xi32>, vector<16xi32>], vector<16xf32>,
      %swap3A_627 = arith.index_cast %add3A_621 : i32 to index
      %swap3A_628 = arith.constant 16 : index
      %swap3A_629 = tpu.vector_load %arg14[%swap3A_627, %swap3A_628] {strides = array<i32>} : memref<128x128xf32, #tpu.memory_space<vmem>>, vector<16xf32>,
      tpu.vector_store %arg14[%swap3A_627, %swap3A_628], %gather3A_626 {strides = array<i32>} : memref<128x128xf32, #tpu.memory_space<vmem>>, vector<16xf32>,
      %gather3A_630 = tpu.vector_load_idx %arg8[%add3A_103, %broadcast_in_dim3A_617] : memref<64x128xf32, #tpu.memory_space<vmem>>[vector<16xi32>, vector<16xi32>], vector<16xf32>,
      %swap3A_631 = arith.index_cast %add3A_621 : i32 to index
      %swap3A_632 = arith.constant 32 : index
      %swap3A_633 = tpu.vector_load %arg14[%swap3A_631, %swap3A_632] {strides = array<i32>} : memref<128x128xf32, #tpu.memory_space<vmem>>, vector<16xf32>,
      tpu.vector_store %arg14[%swap3A_631, %swap3A_632], %gather3A_630 {strides = array<i32>} : memref<128x128xf32, #tpu.memory_space<vmem>>, vector<16xf32>,
      %gather3A_634 = tpu.vector_load_idx %arg8[%add3A_107, %broadcast_in_dim3A_617] : memref<64x128xf32, #tpu.memory_space<vmem>>[vector<16xi32>, vector<16xi32>], vector<16xf32>,
      %swap3A_635 = arith.index_cast %add3A_621 : i32 to index
      %swap3A_636 = arith.constant 48 : index
      %swap3A_637 = tpu.vector_load %arg14[%swap3A_635, %swap3A_636] {strides = array<i32>} : memref<128x128xf32, #tpu.memory_space<vmem>>, vector<16xf32>,
      tpu.vector_store %arg14[%swap3A_635, %swap3A_636], %gather3A_634 {strides = array<i32>} : memref<128x128xf32, #tpu.memory_space<vmem>>, vector<16xf32>,
      %slice3A_638 = vector.extract_strided_slice %get3A_189 {offsets = [2], sizes = [1], strides = [1]} : vector<16xi32> to vector<1xi32>
      %squeeze3A_639 = vector.extract %slice3A_638[0] : i32 from vector<1xi32>
      %shift_right_arithmetic3A_640 = arith.constant 7 : i32
      %shift_right_arithmetic3A_641 = arith.shrsi %squeeze3A_639, %shift_right_arithmetic3A_640 : i32
      %mul3A_642 = arith.constant 128 : i32
      %mul3A_643 = arith.muli %shift_right_arithmetic3A_641, %mul3A_642 : i32
      %multiple_of3A_644 = tpu.assume_multiple %mul3A_643, 128 : i32
      %dma_start3A_645 = arith.constant 0 : i32
      %dma_start3A_646 = tpu.memref_slice %arg3[%dma_start3A_645, %multiple_of3A_644] : memref<64x1000000xf32, #tpu.memory_space<hbm>> -> memref<64x128xf32, #tpu.memory_space<hbm>>
      %dma_start3A_647 = arith.constant 0 : i32
      %dma_start3A_648 = tpu.memref_slice %arg3[%dma_start3A_647, %multiple_of3A_644] : memref<64x1000000xf32, #tpu.memory_space<hbm>> -> memref<64x128xf32, #tpu.memory_space<hbm>>
      tpu.enqueue_dma source(%dma_start3A_648 : memref<64x128xf32, #tpu.memory_space<hbm>>) target(%arg8 : memref<64x128xf32, #tpu.memory_space<vmem>>) target_semaphore(%arg18 : memref<!tpu.dma_semaphore, #tpu.memory_space<semaphore_mem>>)
      %dma_wait3A_649 = arith.constant 0 : i32
      %dma_wait3A_650 = arith.constant 0 : i32
      %dma_wait3A_651 = tpu.memref_slice %arg3[%dma_wait3A_649, %dma_wait3A_650] : memref<64x1000000xf32, #tpu.memory_space<hbm>> -> memref<64x128xf32, #tpu.memory_space<hbm>>
      %dma_wait3A_652 = arith.constant 0 : i32
      %dma_wait3A_653 = arith.constant 0 : i32
      %dma_wait3A_654 = tpu.memref_slice %arg3[%dma_wait3A_652, %dma_wait3A_653] : memref<64x1000000xf32, #tpu.memory_space<hbm>> -> memref<64x128xf32, #tpu.memory_space<hbm>>
      tpu.wait_dma2 semaphore(%arg19 : memref<!tpu.dma_semaphore, #tpu.memory_space<semaphore_mem>>) src(%dma_wait3A_654 : memref<64x128xf32, #tpu.memory_space<hbm>>) dst(%arg9 : memref<64x128xf32, #tpu.memory_space<vmem>>)
      %slice3A_655 = vector.extract_strided_slice %get3A_185 {offsets = [11], sizes = [1], strides = [1]} : vector<16xi32> to vector<1xi32>
      %squeeze3A_656 = vector.extract %slice3A_655[0] : i32 from vector<1xi32>
      %and3A_657 = arith.constant 127 : i32
      %and3A_658 = arith.andi %squeeze3A_656, %and3A_657 : i32
      %broadcast_in_dim3A_659 = vector.broadcast %and3A_658 : i32 to vector<16xi32>
      %mul3A_660 = arith.constant 16 : i32
      %mul3A_661 = arith.muli %scan3A_179, %mul3A_660 : i32
      %add3A_662 = arith.constant 11 : i32
      %add3A_663 = arith.addi %mul3A_661, %add3A_662 : i32
      %gather3A_664 = tpu.vector_load_idx %arg9[%add3A_95, %broadcast_in_dim3A_659] : memref<64x128xf32, #tpu.memory_space<vmem>>[vector<16xi32>, vector<16xi32>], vector<16xf32>,
      %swap3A_665 = arith.index_cast %add3A_663 : i32 to index
      %swap3A_666 = arith.constant 0 : index
      %swap3A_667 = tpu.vector_load %arg14[%swap3A_665, %swap3A_666] {strides = array<i32>} : memref<128x128xf32, #tpu.memory_space<vmem>>, vector<16xf32>,
      tpu.vector_store %arg14[%swap3A_665, %swap3A_666], %gather3A_664 {strides = array<i32>} : memref<128x128xf32, #tpu.memory_space<vmem>>, vector<16xf32>,
      %gather3A_668 = tpu.vector_load_idx %arg9[%add3A_99, %broadcast_in_dim3A_659] : memref<64x128xf32, #tpu.memory_space<vmem>>[vector<16xi32>, vector<16xi32>], vector<16xf32>,
      %swap3A_669 = arith.index_cast %add3A_663 : i32 to index
      %swap3A_670 = arith.constant 16 : index
      %swap3A_671 = tpu.vector_load %arg14[%swap3A_669, %swap3A_670] {strides = array<i32>} : memref<128x128xf32, #tpu.memory_space<vmem>>, vector<16xf32>,
      tpu.vector_store %arg14[%swap3A_669, %swap3A_670], %gather3A_668 {strides = array<i32>} : memref<128x128xf32, #tpu.memory_space<vmem>>, vector<16xf32>,
      %gather3A_672 = tpu.vector_load_idx %arg9[%add3A_103, %broadcast_in_dim3A_659] : memref<64x128xf32, #tpu.memory_space<vmem>>[vector<16xi32>, vector<16xi32>], vector<16xf32>,
      %swap3A_673 = arith.index_cast %add3A_663 : i32 to index
      %swap3A_674 = arith.constant 32 : index
      %swap3A_675 = tpu.vector_load %arg14[%swap3A_673, %swap3A_674] {strides = array<i32>} : memref<128x128xf32, #tpu.memory_space<vmem>>, vector<16xf32>,
      tpu.vector_store %arg14[%swap3A_673, %swap3A_674], %gather3A_672 {strides = array<i32>} : memref<128x128xf32, #tpu.memory_space<vmem>>, vector<16xf32>,
      %gather3A_676 = tpu.vector_load_idx %arg9[%add3A_107, %broadcast_in_dim3A_659] : memref<64x128xf32, #tpu.memory_space<vmem>>[vector<16xi32>, vector<16xi32>], vector<16xf32>,
      %swap3A_677 = arith.index_cast %add3A_663 : i32 to index
      %swap3A_678 = arith.constant 48 : index
      %swap3A_679 = tpu.vector_load %arg14[%swap3A_677, %swap3A_678] {strides = array<i32>} : memref<128x128xf32, #tpu.memory_space<vmem>>, vector<16xf32>,
      tpu.vector_store %arg14[%swap3A_677, %swap3A_678], %gather3A_676 {strides = array<i32>} : memref<128x128xf32, #tpu.memory_space<vmem>>, vector<16xf32>,
      %slice3A_680 = vector.extract_strided_slice %get3A_189 {offsets = [3], sizes = [1], strides = [1]} : vector<16xi32> to vector<1xi32>
      %squeeze3A_681 = vector.extract %slice3A_680[0] : i32 from vector<1xi32>
      %shift_right_arithmetic3A_682 = arith.constant 7 : i32
      %shift_right_arithmetic3A_683 = arith.shrsi %squeeze3A_681, %shift_right_arithmetic3A_682 : i32
      %mul3A_684 = arith.constant 128 : i32
      %mul3A_685 = arith.muli %shift_right_arithmetic3A_683, %mul3A_684 : i32
      %multiple_of3A_686 = tpu.assume_multiple %mul3A_685, 128 : i32
      %dma_start3A_687 = arith.constant 0 : i32
      %dma_start3A_688 = tpu.memref_slice %arg3[%dma_start3A_687, %multiple_of3A_686] : memref<64x1000000xf32, #tpu.memory_space<hbm>> -> memref<64x128xf32, #tpu.memory_space<hbm>>
      %dma_start3A_689 = arith.constant 0 : i32
      %dma_start3A_690 = tpu.memref_slice %arg3[%dma_start3A_689, %multiple_of3A_686] : memref<64x1000000xf32, #tpu.memory_space<hbm>> -> memref<64x128xf32, #tpu.memory_space<hbm>>
      tpu.enqueue_dma source(%dma_start3A_690 : memref<64x128xf32, #tpu.memory_space<hbm>>) target(%arg9 : memref<64x128xf32, #tpu.memory_space<vmem>>) target_semaphore(%arg19 : memref<!tpu.dma_semaphore, #tpu.memory_space<semaphore_mem>>)
      %dma_wait3A_691 = arith.constant 0 : i32
      %dma_wait3A_692 = arith.constant 0 : i32
      %dma_wait3A_693 = tpu.memref_slice %arg3[%dma_wait3A_691, %dma_wait3A_692] : memref<64x1000000xf32, #tpu.memory_space<hbm>> -> memref<64x128xf32, #tpu.memory_space<hbm>>
      %dma_wait3A_694 = arith.constant 0 : i32
      %dma_wait3A_695 = arith.constant 0 : i32
      %dma_wait3A_696 = tpu.memref_slice %arg3[%dma_wait3A_694, %dma_wait3A_695] : memref<64x1000000xf32, #tpu.memory_space<hbm>> -> memref<64x128xf32, #tpu.memory_space<hbm>>
      tpu.wait_dma2 semaphore(%arg20 : memref<!tpu.dma_semaphore, #tpu.memory_space<semaphore_mem>>) src(%dma_wait3A_696 : memref<64x128xf32, #tpu.memory_space<hbm>>) dst(%arg10 : memref<64x128xf32, #tpu.memory_space<vmem>>)
      %slice3A_697 = vector.extract_strided_slice %get3A_185 {offsets = [12], sizes = [1], strides = [1]} : vector<16xi32> to vector<1xi32>
      %squeeze3A_698 = vector.extract %slice3A_697[0] : i32 from vector<1xi32>
      %and3A_699 = arith.constant 127 : i32
      %and3A_700 = arith.andi %squeeze3A_698, %and3A_699 : i32
      %broadcast_in_dim3A_701 = vector.broadcast %and3A_700 : i32 to vector<16xi32>
      %mul3A_702 = arith.constant 16 : i32
      %mul3A_703 = arith.muli %scan3A_179, %mul3A_702 : i32
      %add3A_704 = arith.constant 12 : i32
      %add3A_705 = arith.addi %mul3A_703, %add3A_704 : i32
      %gather3A_706 = tpu.vector_load_idx %arg10[%add3A_95, %broadcast_in_dim3A_701] : memref<64x128xf32, #tpu.memory_space<vmem>>[vector<16xi32>, vector<16xi32>], vector<16xf32>,
      %swap3A_707 = arith.index_cast %add3A_705 : i32 to index
      %swap3A_708 = arith.constant 0 : index
      %swap3A_709 = tpu.vector_load %arg14[%swap3A_707, %swap3A_708] {strides = array<i32>} : memref<128x128xf32, #tpu.memory_space<vmem>>, vector<16xf32>,
      tpu.vector_store %arg14[%swap3A_707, %swap3A_708], %gather3A_706 {strides = array<i32>} : memref<128x128xf32, #tpu.memory_space<vmem>>, vector<16xf32>,
      %gather3A_710 = tpu.vector_load_idx %arg10[%add3A_99, %broadcast_in_dim3A_701] : memref<64x128xf32, #tpu.memory_space<vmem>>[vector<16xi32>, vector<16xi32>], vector<16xf32>,
      %swap3A_711 = arith.index_cast %add3A_705 : i32 to index
      %swap3A_712 = arith.constant 16 : index
      %swap3A_713 = tpu.vector_load %arg14[%swap3A_711, %swap3A_712] {strides = array<i32>} : memref<128x128xf32, #tpu.memory_space<vmem>>, vector<16xf32>,
      tpu.vector_store %arg14[%swap3A_711, %swap3A_712], %gather3A_710 {strides = array<i32>} : memref<128x128xf32, #tpu.memory_space<vmem>>, vector<16xf32>,
      %gather3A_714 = tpu.vector_load_idx %arg10[%add3A_103, %broadcast_in_dim3A_701] : memref<64x128xf32, #tpu.memory_space<vmem>>[vector<16xi32>, vector<16xi32>], vector<16xf32>,
      %swap3A_715 = arith.index_cast %add3A_705 : i32 to index
      %swap3A_716 = arith.constant 32 : index
      %swap3A_717 = tpu.vector_load %arg14[%swap3A_715, %swap3A_716] {strides = array<i32>} : memref<128x128xf32, #tpu.memory_space<vmem>>, vector<16xf32>,
      tpu.vector_store %arg14[%swap3A_715, %swap3A_716], %gather3A_714 {strides = array<i32>} : memref<128x128xf32, #tpu.memory_space<vmem>>, vector<16xf32>,
      %gather3A_718 = tpu.vector_load_idx %arg10[%add3A_107, %broadcast_in_dim3A_701] : memref<64x128xf32, #tpu.memory_space<vmem>>[vector<16xi32>, vector<16xi32>], vector<16xf32>,
      %swap3A_719 = arith.index_cast %add3A_705 : i32 to index
      %swap3A_720 = arith.constant 48 : index
      %swap3A_721 = tpu.vector_load %arg14[%swap3A_719, %swap3A_720] {strides = array<i32>} : memref<128x128xf32, #tpu.memory_space<vmem>>, vector<16xf32>,
      tpu.vector_store %arg14[%swap3A_719, %swap3A_720], %gather3A_718 {strides = array<i32>} : memref<128x128xf32, #tpu.memory_space<vmem>>, vector<16xf32>,
      %slice3A_722 = vector.extract_strided_slice %get3A_189 {offsets = [4], sizes = [1], strides = [1]} : vector<16xi32> to vector<1xi32>
      %squeeze3A_723 = vector.extract %slice3A_722[0] : i32 from vector<1xi32>
      %shift_right_arithmetic3A_724 = arith.constant 7 : i32
      %shift_right_arithmetic3A_725 = arith.shrsi %squeeze3A_723, %shift_right_arithmetic3A_724 : i32
      %mul3A_726 = arith.constant 128 : i32
      %mul3A_727 = arith.muli %shift_right_arithmetic3A_725, %mul3A_726 : i32
      %multiple_of3A_728 = tpu.assume_multiple %mul3A_727, 128 : i32
      %dma_start3A_729 = arith.constant 0 : i32
      %dma_start3A_730 = tpu.memref_slice %arg3[%dma_start3A_729, %multiple_of3A_728] : memref<64x1000000xf32, #tpu.memory_space<hbm>> -> memref<64x128xf32, #tpu.memory_space<hbm>>
      %dma_start3A_731 = arith.constant 0 : i32
      %dma_start3A_732 = tpu.memref_slice %arg3[%dma_start3A_731, %multiple_of3A_728] : memref<64x1000000xf32, #tpu.memory_space<hbm>> -> memref<64x128xf32, #tpu.memory_space<hbm>>
      tpu.enqueue_dma source(%dma_start3A_732 : memref<64x128xf32, #tpu.memory_space<hbm>>) target(%arg10 : memref<64x128xf32, #tpu.memory_space<vmem>>) target_semaphore(%arg20 : memref<!tpu.dma_semaphore, #tpu.memory_space<semaphore_mem>>)
      %dma_wait3A_733 = arith.constant 0 : i32
      %dma_wait3A_734 = arith.constant 0 : i32
      %dma_wait3A_735 = tpu.memref_slice %arg3[%dma_wait3A_733, %dma_wait3A_734] : memref<64x1000000xf32, #tpu.memory_space<hbm>> -> memref<64x128xf32, #tpu.memory_space<hbm>>
      %dma_wait3A_736 = arith.constant 0 : i32
      %dma_wait3A_737 = arith.constant 0 : i32
      %dma_wait3A_738 = tpu.memref_slice %arg3[%dma_wait3A_736, %dma_wait3A_737] : memref<64x1000000xf32, #tpu.memory_space<hbm>> -> memref<64x128xf32, #tpu.memory_space<hbm>>
      tpu.wait_dma2 semaphore(%arg21 : memref<!tpu.dma_semaphore, #tpu.memory_space<semaphore_mem>>) src(%dma_wait3A_738 : memref<64x128xf32, #tpu.memory_space<hbm>>) dst(%arg11 : memref<64x128xf32, #tpu.memory_space<vmem>>)
      %slice3A_739 = vector.extract_strided_slice %get3A_185 {offsets = [13], sizes = [1], strides = [1]} : vector<16xi32> to vector<1xi32>
      %squeeze3A_740 = vector.extract %slice3A_739[0] : i32 from vector<1xi32>
      %and3A_741 = arith.constant 127 : i32
      %and3A_742 = arith.andi %squeeze3A_740, %and3A_741 : i32
      %broadcast_in_dim3A_743 = vector.broadcast %and3A_742 : i32 to vector<16xi32>
      %mul3A_744 = arith.constant 16 : i32
      %mul3A_745 = arith.muli %scan3A_179, %mul3A_744 : i32
      %add3A_746 = arith.constant 13 : i32
      %add3A_747 = arith.addi %mul3A_745, %add3A_746 : i32
      %gather3A_748 = tpu.vector_load_idx %arg11[%add3A_95, %broadcast_in_dim3A_743] : memref<64x128xf32, #tpu.memory_space<vmem>>[vector<16xi32>, vector<16xi32>], vector<16xf32>,
      %swap3A_749 = arith.index_cast %add3A_747 : i32 to index
      %swap3A_750 = arith.constant 0 : index
      %swap3A_751 = tpu.vector_load %arg14[%swap3A_749, %swap3A_750] {strides = array<i32>} : memref<128x128xf32, #tpu.memory_space<vmem>>, vector<16xf32>,
      tpu.vector_store %arg14[%swap3A_749, %swap3A_750], %gather3A_748 {strides = array<i32>} : memref<128x128xf32, #tpu.memory_space<vmem>>, vector<16xf32>,
      %gather3A_752 = tpu.vector_load_idx %arg11[%add3A_99, %broadcast_in_dim3A_743] : memref<64x128xf32, #tpu.memory_space<vmem>>[vector<16xi32>, vector<16xi32>], vector<16xf32>,
      %swap3A_753 = arith.index_cast %add3A_747 : i32 to index
      %swap3A_754 = arith.constant 16 : index
      %swap3A_755 = tpu.vector_load %arg14[%swap3A_753, %swap3A_754] {strides = array<i32>} : memref<128x128xf32, #tpu.memory_space<vmem>>, vector<16xf32>,
      tpu.vector_store %arg14[%swap3A_753, %swap3A_754], %gather3A_752 {strides = array<i32>} : memref<128x128xf32, #tpu.memory_space<vmem>>, vector<16xf32>,
      %gather3A_756 = tpu.vector_load_idx %arg11[%add3A_103, %broadcast_in_dim3A_743] : memref<64x128xf32, #tpu.memory_space<vmem>>[vector<16xi32>, vector<16xi32>], vector<16xf32>,
      %swap3A_757 = arith.index_cast %add3A_747 : i32 to index
      %swap3A_758 = arith.constant 32 : index
      %swap3A_759 = tpu.vector_load %arg14[%swap3A_757, %swap3A_758] {strides = array<i32>} : memref<128x128xf32, #tpu.memory_space<vmem>>, vector<16xf32>,
      tpu.vector_store %arg14[%swap3A_757, %swap3A_758], %gather3A_756 {strides = array<i32>} : memref<128x128xf32, #tpu.memory_space<vmem>>, vector<16xf32>,
      %gather3A_760 = tpu.vector_load_idx %arg11[%add3A_107, %broadcast_in_dim3A_743] : memref<64x128xf32, #tpu.memory_space<vmem>>[vector<16xi32>, vector<16xi32>], vector<16xf32>,
      %swap3A_761 = arith.index_cast %add3A_747 : i32 to index
      %swap3A_762 = arith.constant 48 : index
      %swap3A_763 = tpu.vector_load %arg14[%swap3A_761, %swap3A_762] {strides = array<i32>} : memref<128x128xf32, #tpu.memory_space<vmem>>, vector<16xf32>,
      tpu.vector_store %arg14[%swap3A_761, %swap3A_762], %gather3A_760 {strides = array<i32>} : memref<128x128xf32, #tpu.memory_space<vmem>>, vector<16xf32>,
      %slice3A_764 = vector.extract_strided_slice %get3A_189 {offsets = [5], sizes = [1], strides = [1]} : vector<16xi32> to vector<1xi32>
      %squeeze3A_765 = vector.extract %slice3A_764[0] : i32 from vector<1xi32>
      %shift_right_arithmetic3A_766 = arith.constant 7 : i32
      %shift_right_arithmetic3A_767 = arith.shrsi %squeeze3A_765, %shift_right_arithmetic3A_766 : i32
      %mul3A_768 = arith.constant 128 : i32
      %mul3A_769 = arith.muli %shift_right_arithmetic3A_767, %mul3A_768 : i32
      %multiple_of3A_770 = tpu.assume_multiple %mul3A_769, 128 : i32
      %dma_start3A_771 = arith.constant 0 : i32
      %dma_start3A_772 = tpu.memref_slice %arg3[%dma_start3A_771, %multiple_of3A_770] : memref<64x1000000xf32, #tpu.memory_space<hbm>> -> memref<64x128xf32, #tpu.memory_space<hbm>>
      %dma_start3A_773 = arith.constant 0 : i32
      %dma_start3A_774 = tpu.memref_slice %arg3[%dma_start3A_773, %multiple_of3A_770] : memref<64x1000000xf32, #tpu.memory_space<hbm>> -> memref<64x128xf32, #tpu.memory_space<hbm>>
      tpu.enqueue_dma source(%dma_start3A_774 : memref<64x128xf32, #tpu.memory_space<hbm>>) target(%arg11 : memref<64x128xf32, #tpu.memory_space<vmem>>) target_semaphore(%arg21 : memref<!tpu.dma_semaphore, #tpu.memory_space<semaphore_mem>>)
      %dma_wait3A_775 = arith.constant 0 : i32
      %dma_wait3A_776 = arith.constant 0 : i32
      %dma_wait3A_777 = tpu.memref_slice %arg3[%dma_wait3A_775, %dma_wait3A_776] : memref<64x1000000xf32, #tpu.memory_space<hbm>> -> memref<64x128xf32, #tpu.memory_space<hbm>>
      %dma_wait3A_778 = arith.constant 0 : i32
      %dma_wait3A_779 = arith.constant 0 : i32
      %dma_wait3A_780 = tpu.memref_slice %arg3[%dma_wait3A_778, %dma_wait3A_779] : memref<64x1000000xf32, #tpu.memory_space<hbm>> -> memref<64x128xf32, #tpu.memory_space<hbm>>
      tpu.wait_dma2 semaphore(%arg22 : memref<!tpu.dma_semaphore, #tpu.memory_space<semaphore_mem>>) src(%dma_wait3A_780 : memref<64x128xf32, #tpu.memory_space<hbm>>) dst(%arg12 : memref<64x128xf32, #tpu.memory_space<vmem>>)
      %slice3A_781 = vector.extract_strided_slice %get3A_185 {offsets = [14], sizes = [1], strides = [1]} : vector<16xi32> to vector<1xi32>
      %squeeze3A_782 = vector.extract %slice3A_781[0] : i32 from vector<1xi32>
      %and3A_783 = arith.constant 127 : i32
      %and3A_784 = arith.andi %squeeze3A_782, %and3A_783 : i32
      %broadcast_in_dim3A_785 = vector.broadcast %and3A_784 : i32 to vector<16xi32>
      %mul3A_786 = arith.constant 16 : i32
      %mul3A_787 = arith.muli %scan3A_179, %mul3A_786 : i32
      %add3A_788 = arith.constant 14 : i32
      %add3A_789 = arith.addi %mul3A_787, %add3A_788 : i32
      %gather3A_790 = tpu.vector_load_idx %arg12[%add3A_95, %broadcast_in_dim3A_785] : memref<64x128xf32, #tpu.memory_space<vmem>>[vector<16xi32>, vector<16xi32>], vector<16xf32>,
      %swap3A_791 = arith.index_cast %add3A_789 : i32 to index
      %swap3A_792 = arith.constant 0 : index
      %swap3A_793 = tpu.vector_load %arg14[%swap3A_791, %swap3A_792] {strides = array<i32>} : memref<128x128xf32, #tpu.memory_space<vmem>>, vector<16xf32>,
      tpu.vector_store %arg14[%swap3A_791, %swap3A_792], %gather3A_790 {strides = array<i32>} : memref<128x128xf32, #tpu.memory_space<vmem>>, vector<16xf32>,
      %gather3A_794 = tpu.vector_load_idx %arg12[%add3A_99, %broadcast_in_dim3A_785] : memref<64x128xf32, #tpu.memory_space<vmem>>[vector<16xi32>, vector<16xi32>], vector<16xf32>,
      %swap3A_795 = arith.index_cast %add3A_789 : i32 to index
      %swap3A_796 = arith.constant 16 : index
      %swap3A_797 = tpu.vector_load %arg14[%swap3A_795, %swap3A_796] {strides = array<i32>} : memref<128x128xf32, #tpu.memory_space<vmem>>, vector<16xf32>,
      tpu.vector_store %arg14[%swap3A_795, %swap3A_796], %gather3A_794 {strides = array<i32>} : memref<128x128xf32, #tpu.memory_space<vmem>>, vector<16xf32>,
      %gather3A_798 = tpu.vector_load_idx %arg12[%add3A_103, %broadcast_in_dim3A_785] : memref<64x128xf32, #tpu.memory_space<vmem>>[vector<16xi32>, vector<16xi32>], vector<16xf32>,
      %swap3A_799 = arith.index_cast %add3A_789 : i32 to index
      %swap3A_800 = arith.constant 32 : index
      %swap3A_801 = tpu.vector_load %arg14[%swap3A_799, %swap3A_800] {strides = array<i32>} : memref<128x128xf32, #tpu.memory_space<vmem>>, vector<16xf32>,
      tpu.vector_store %arg14[%swap3A_799, %swap3A_800], %gather3A_798 {strides = array<i32>} : memref<128x128xf32, #tpu.memory_space<vmem>>, vector<16xf32>,
      %gather3A_802 = tpu.vector_load_idx %arg12[%add3A_107, %broadcast_in_dim3A_785] : memref<64x128xf32, #tpu.memory_space<vmem>>[vector<16xi32>, vector<16xi32>], vector<16xf32>,
      %swap3A_803 = arith.index_cast %add3A_789 : i32 to index
      %swap3A_804 = arith.constant 48 : index
      %swap3A_805 = tpu.vector_load %arg14[%swap3A_803, %swap3A_804] {strides = array<i32>} : memref<128x128xf32, #tpu.memory_space<vmem>>, vector<16xf32>,
      tpu.vector_store %arg14[%swap3A_803, %swap3A_804], %gather3A_802 {strides = array<i32>} : memref<128x128xf32, #tpu.memory_space<vmem>>, vector<16xf32>,
      %slice3A_806 = vector.extract_strided_slice %get3A_189 {offsets = [6], sizes = [1], strides = [1]} : vector<16xi32> to vector<1xi32>
      %squeeze3A_807 = vector.extract %slice3A_806[0] : i32 from vector<1xi32>
      %shift_right_arithmetic3A_808 = arith.constant 7 : i32
      %shift_right_arithmetic3A_809 = arith.shrsi %squeeze3A_807, %shift_right_arithmetic3A_808 : i32
      %mul3A_810 = arith.constant 128 : i32
      %mul3A_811 = arith.muli %shift_right_arithmetic3A_809, %mul3A_810 : i32
      %multiple_of3A_812 = tpu.assume_multiple %mul3A_811, 128 : i32
      %dma_start3A_813 = arith.constant 0 : i32
      %dma_start3A_814 = tpu.memref_slice %arg3[%dma_start3A_813, %multiple_of3A_812] : memref<64x1000000xf32, #tpu.memory_space<hbm>> -> memref<64x128xf32, #tpu.memory_space<hbm>>
      %dma_start3A_815 = arith.constant 0 : i32
      %dma_start3A_816 = tpu.memref_slice %arg3[%dma_start3A_815, %multiple_of3A_812] : memref<64x1000000xf32, #tpu.memory_space<hbm>> -> memref<64x128xf32, #tpu.memory_space<hbm>>
      tpu.enqueue_dma source(%dma_start3A_816 : memref<64x128xf32, #tpu.memory_space<hbm>>) target(%arg12 : memref<64x128xf32, #tpu.memory_space<vmem>>) target_semaphore(%arg22 : memref<!tpu.dma_semaphore, #tpu.memory_space<semaphore_mem>>)
      %dma_wait3A_817 = arith.constant 0 : i32
      %dma_wait3A_818 = arith.constant 0 : i32
      %dma_wait3A_819 = tpu.memref_slice %arg3[%dma_wait3A_817, %dma_wait3A_818] : memref<64x1000000xf32, #tpu.memory_space<hbm>> -> memref<64x128xf32, #tpu.memory_space<hbm>>
      %dma_wait3A_820 = arith.constant 0 : i32
      %dma_wait3A_821 = arith.constant 0 : i32
      %dma_wait3A_822 = tpu.memref_slice %arg3[%dma_wait3A_820, %dma_wait3A_821] : memref<64x1000000xf32, #tpu.memory_space<hbm>> -> memref<64x128xf32, #tpu.memory_space<hbm>>
      tpu.wait_dma2 semaphore(%arg23 : memref<!tpu.dma_semaphore, #tpu.memory_space<semaphore_mem>>) src(%dma_wait3A_822 : memref<64x128xf32, #tpu.memory_space<hbm>>) dst(%arg13 : memref<64x128xf32, #tpu.memory_space<vmem>>)
      %slice3A_823 = vector.extract_strided_slice %get3A_185 {offsets = [15], sizes = [1], strides = [1]} : vector<16xi32> to vector<1xi32>
      %squeeze3A_824 = vector.extract %slice3A_823[0] : i32 from vector<1xi32>
      %and3A_825 = arith.constant 127 : i32
      %and3A_826 = arith.andi %squeeze3A_824, %and3A_825 : i32
      %broadcast_in_dim3A_827 = vector.broadcast %and3A_826 : i32 to vector<16xi32>
      %mul3A_828 = arith.constant 16 : i32
      %mul3A_829 = arith.muli %scan3A_179, %mul3A_828 : i32
      %add3A_830 = arith.constant 15 : i32
      %add3A_831 = arith.addi %mul3A_829, %add3A_830 : i32
      %gather3A_832 = tpu.vector_load_idx %arg13[%add3A_95, %broadcast_in_dim3A_827] : memref<64x128xf32, #tpu.memory_space<vmem>>[vector<16xi32>, vector<16xi32>], vector<16xf32>,
      %swap3A_833 = arith.index_cast %add3A_831 : i32 to index
      %swap3A_834 = arith.constant 0 : index
      %swap3A_835 = tpu.vector_load %arg14[%swap3A_833, %swap3A_834] {strides = array<i32>} : memref<128x128xf32, #tpu.memory_space<vmem>>, vector<16xf32>,
      tpu.vector_store %arg14[%swap3A_833, %swap3A_834], %gather3A_832 {strides = array<i32>} : memref<128x128xf32, #tpu.memory_space<vmem>>, vector<16xf32>,
      %gather3A_836 = tpu.vector_load_idx %arg13[%add3A_99, %broadcast_in_dim3A_827] : memref<64x128xf32, #tpu.memory_space<vmem>>[vector<16xi32>, vector<16xi32>], vector<16xf32>,
      %swap3A_837 = arith.index_cast %add3A_831 : i32 to index
      %swap3A_838 = arith.constant 16 : index
      %swap3A_839 = tpu.vector_load %arg14[%swap3A_837, %swap3A_838] {strides = array<i32>} : memref<128x128xf32, #tpu.memory_space<vmem>>, vector<16xf32>,
      tpu.vector_store %arg14[%swap3A_837, %swap3A_838], %gather3A_836 {strides = array<i32>} : memref<128x128xf32, #tpu.memory_space<vmem>>, vector<16xf32>,
      %gather3A_840 = tpu.vector_load_idx %arg13[%add3A_103, %broadcast_in_dim3A_827] : memref<64x128xf32, #tpu.memory_space<vmem>>[vector<16xi32>, vector<16xi32>], vector<16xf32>,
      %swap3A_841 = arith.index_cast %add3A_831 : i32 to index
      %swap3A_842 = arith.constant 32 : index
      %swap3A_843 = tpu.vector_load %arg14[%swap3A_841, %swap3A_842] {strides = array<i32>} : memref<128x128xf32, #tpu.memory_space<vmem>>, vector<16xf32>,
      tpu.vector_store %arg14[%swap3A_841, %swap3A_842], %gather3A_840 {strides = array<i32>} : memref<128x128xf32, #tpu.memory_space<vmem>>, vector<16xf32>,
      %gather3A_844 = tpu.vector_load_idx %arg13[%add3A_107, %broadcast_in_dim3A_827] : memref<64x128xf32, #tpu.memory_space<vmem>>[vector<16xi32>, vector<16xi32>], vector<16xf32>,
      %swap3A_845 = arith.index_cast %add3A_831 : i32 to index
      %swap3A_846 = arith.constant 48 : index
      %swap3A_847 = tpu.vector_load %arg14[%swap3A_845, %swap3A_846] {strides = array<i32>} : memref<128x128xf32, #tpu.memory_space<vmem>>, vector<16xf32>,
      tpu.vector_store %arg14[%swap3A_845, %swap3A_846], %gather3A_844 {strides = array<i32>} : memref<128x128xf32, #tpu.memory_space<vmem>>, vector<16xf32>,
      %slice3A_848 = vector.extract_strided_slice %get3A_189 {offsets = [7], sizes = [1], strides = [1]} : vector<16xi32> to vector<1xi32>
      %squeeze3A_849 = vector.extract %slice3A_848[0] : i32 from vector<1xi32>
      %shift_right_arithmetic3A_850 = arith.constant 7 : i32
      %shift_right_arithmetic3A_851 = arith.shrsi %squeeze3A_849, %shift_right_arithmetic3A_850 : i32
      %mul3A_852 = arith.constant 128 : i32
      %mul3A_853 = arith.muli %shift_right_arithmetic3A_851, %mul3A_852 : i32
      %multiple_of3A_854 = tpu.assume_multiple %mul3A_853, 128 : i32
      %dma_start3A_855 = arith.constant 0 : i32
      %dma_start3A_856 = tpu.memref_slice %arg3[%dma_start3A_855, %multiple_of3A_854] : memref<64x1000000xf32, #tpu.memory_space<hbm>> -> memref<64x128xf32, #tpu.memory_space<hbm>>
      %dma_start3A_857 = arith.constant 0 : i32
      %dma_start3A_858 = tpu.memref_slice %arg3[%dma_start3A_857, %multiple_of3A_854] : memref<64x1000000xf32, #tpu.memory_space<hbm>> -> memref<64x128xf32, #tpu.memory_space<hbm>>
      tpu.enqueue_dma source(%dma_start3A_858 : memref<64x128xf32, #tpu.memory_space<hbm>>) target(%arg13 : memref<64x128xf32, #tpu.memory_space<vmem>>) target_semaphore(%arg23 : memref<!tpu.dma_semaphore, #tpu.memory_space<semaphore_mem>>)
    }
    %scan3A_113 = arith.constant 8 : i32
    %add3A_114 = arith.constant 0 : i32
    %add3A_115 = arith.addi %mul3A_2, %add3A_114 : i32
    %dma_start3A_116 = arith.constant 0 : i32
    %dma_start3A_117 = tpu.memref_slice %arg4[%add3A_115, %dma_start3A_116] : memref<16384x128xf32, #tpu.memory_space<hbm>> -> memref<128x128xf32, #tpu.memory_space<hbm>>
    %dma_start3A_118 = arith.constant 0 : i32
    %dma_start3A_119 = tpu.memref_slice %arg4[%add3A_115, %dma_start3A_118] : memref<16384x128xf32, #tpu.memory_space<hbm>> -> memref<128x128xf32, #tpu.memory_space<hbm>>
    tpu.enqueue_dma source(%arg14 : memref<128x128xf32, #tpu.memory_space<vmem>>) target(%dma_start3A_119 : memref<128x128xf32, #tpu.memory_space<hbm>>) target_semaphore(%arg24 : memref<!tpu.dma_semaphore, #tpu.memory_space<semaphore_mem>>)
    %scan3A_120 = arith.constant 0 : i32
    %scan3A_121 = arith.constant 0 : i32
    %scan3A_122 = arith.constant 8 : i32
    %scan3A_123 = arith.addi %scan3A_121, %scan3A_122 : i32
    %scan3A_124 = arith.constant 1 : i32
    scf.for %scan3A_179 = %scan3A_121 to %scan3A_123 step %scan3A_124  : i32 {
      %mul3A_180 = arith.constant 16 : i32
      %mul3A_181 = arith.muli %scan3A_179, %mul3A_180 : i32
      %add3A_182 = arith.constant 128 : i32
      %add3A_183 = arith.addi %add3A_182, %mul3A_181 : i32
      %get3A_184 = arith.index_cast %add3A_183 : i32 to index
      %get3A_185 = tpu.vector_load %arg5[%get3A_184] {strides = array<i32>} : memref<544xi32, #tpu.memory_space<vmem>>, vector<16xi32>,
      %add3A_186 = arith.constant 16 : i32
      %add3A_187 = arith.addi %add3A_183, %add3A_186 : i32
      %get3A_188 = arith.index_cast %add3A_187 : i32 to index
      %get3A_189 = tpu.vector_load %arg5[%get3A_188] {strides = array<i32>} : memref<544xi32, #tpu.memory_space<vmem>>, vector<16xi32>,
      %dma_wait3A_190 = arith.constant 0 : i32
      %dma_wait3A_191 = arith.constant 0 : i32
      %dma_wait3A_192 = tpu.memref_slice %arg3[%dma_wait3A_190, %dma_wait3A_191] : memref<64x1000000xf32, #tpu.memory_space<hbm>> -> memref<64x128xf32, #tpu.memory_space<hbm>>
      %dma_wait3A_193 = arith.constant 0 : i32
      %dma_wait3A_194 = arith.constant 0 : i32
      %dma_wait3A_195 = tpu.memref_slice %arg3[%dma_wait3A_193, %dma_wait3A_194] : memref<64x1000000xf32, #tpu.memory_space<hbm>> -> memref<64x128xf32, #tpu.memory_space<hbm>>
      tpu.wait_dma2 semaphore(%arg16 : memref<!tpu.dma_semaphore, #tpu.memory_space<semaphore_mem>>) src(%dma_wait3A_195 : memref<64x128xf32, #tpu.memory_space<hbm>>) dst(%arg6 : memref<64x128xf32, #tpu.memory_space<vmem>>)
      %slice3A_196 = vector.extract_strided_slice %get3A_185 {offsets = [0], sizes = [1], strides = [1]} : vector<16xi32> to vector<1xi32>
      %squeeze3A_197 = vector.extract %slice3A_196[0] : i32 from vector<1xi32>
      %and3A = arith.constant 127 : i32
      %and3A_198 = arith.andi %squeeze3A_197, %and3A : i32
      %broadcast_in_dim3A_199 = vector.broadcast %and3A_198 : i32 to vector<16xi32>
      %mul3A_200 = arith.constant 16 : i32
      %mul3A_201 = arith.muli %scan3A_179, %mul3A_200 : i32
      %add3A_202 = arith.constant 0 : i32
      %add3A_203 = arith.addi %mul3A_201, %add3A_202 : i32
      %gather3A = tpu.vector_load_idx %arg6[%add3A_95, %broadcast_in_dim3A_199] : memref<64x128xf32, #tpu.memory_space<vmem>>[vector<16xi32>, vector<16xi32>], vector<16xf32>,
      %swap3A = arith.index_cast %add3A_203 : i32 to index
      %swap3A_204 = arith.constant 0 : index
      %swap3A_205 = tpu.vector_load %arg15[%swap3A, %swap3A_204] {strides = array<i32>} : memref<128x128xf32, #tpu.memory_space<vmem>>, vector<16xf32>,
      tpu.vector_store %arg15[%swap3A, %swap3A_204], %gather3A {strides = array<i32>} : memref<128x128xf32, #tpu.memory_space<vmem>>, vector<16xf32>,
      %gather3A_206 = tpu.vector_load_idx %arg6[%add3A_99, %broadcast_in_dim3A_199] : memref<64x128xf32, #tpu.memory_space<vmem>>[vector<16xi32>, vector<16xi32>], vector<16xf32>,
      %swap3A_207 = arith.index_cast %add3A_203 : i32 to index
      %swap3A_208 = arith.constant 16 : index
      %swap3A_209 = tpu.vector_load %arg15[%swap3A_207, %swap3A_208] {strides = array<i32>} : memref<128x128xf32, #tpu.memory_space<vmem>>, vector<16xf32>,
      tpu.vector_store %arg15[%swap3A_207, %swap3A_208], %gather3A_206 {strides = array<i32>} : memref<128x128xf32, #tpu.memory_space<vmem>>, vector<16xf32>,
      %gather3A_210 = tpu.vector_load_idx %arg6[%add3A_103, %broadcast_in_dim3A_199] : memref<64x128xf32, #tpu.memory_space<vmem>>[vector<16xi32>, vector<16xi32>], vector<16xf32>,
      %swap3A_211 = arith.index_cast %add3A_203 : i32 to index
      %swap3A_212 = arith.constant 32 : index
      %swap3A_213 = tpu.vector_load %arg15[%swap3A_211, %swap3A_212] {strides = array<i32>} : memref<128x128xf32, #tpu.memory_space<vmem>>, vector<16xf32>,
      tpu.vector_store %arg15[%swap3A_211, %swap3A_212], %gather3A_210 {strides = array<i32>} : memref<128x128xf32, #tpu.memory_space<vmem>>, vector<16xf32>,
      %gather3A_214 = tpu.vector_load_idx %arg6[%add3A_107, %broadcast_in_dim3A_199] : memref<64x128xf32, #tpu.memory_space<vmem>>[vector<16xi32>, vector<16xi32>], vector<16xf32>,
      %swap3A_215 = arith.index_cast %add3A_203 : i32 to index
      %swap3A_216 = arith.constant 48 : index
      %swap3A_217 = tpu.vector_load %arg15[%swap3A_215, %swap3A_216] {strides = array<i32>} : memref<128x128xf32, #tpu.memory_space<vmem>>, vector<16xf32>,
      tpu.vector_store %arg15[%swap3A_215, %swap3A_216], %gather3A_214 {strides = array<i32>} : memref<128x128xf32, #tpu.memory_space<vmem>>, vector<16xf32>,
      %slice3A_218 = vector.extract_strided_slice %get3A_185 {offsets = [8], sizes = [1], strides = [1]} : vector<16xi32> to vector<1xi32>
      %squeeze3A_219 = vector.extract %slice3A_218[0] : i32 from vector<1xi32>
      %shift_right_arithmetic3A_220 = arith.constant 7 : i32
      %shift_right_arithmetic3A_221 = arith.shrsi %squeeze3A_219, %shift_right_arithmetic3A_220 : i32
      %mul3A_222 = arith.constant 128 : i32
      %mul3A_223 = arith.muli %shift_right_arithmetic3A_221, %mul3A_222 : i32
      %multiple_of3A_224 = tpu.assume_multiple %mul3A_223, 128 : i32
      %dma_start3A_225 = arith.constant 0 : i32
      %dma_start3A_226 = tpu.memref_slice %arg3[%dma_start3A_225, %multiple_of3A_224] : memref<64x1000000xf32, #tpu.memory_space<hbm>> -> memref<64x128xf32, #tpu.memory_space<hbm>>
      %dma_start3A_227 = arith.constant 0 : i32
      %dma_start3A_228 = tpu.memref_slice %arg3[%dma_start3A_227, %multiple_of3A_224] : memref<64x1000000xf32, #tpu.memory_space<hbm>> -> memref<64x128xf32, #tpu.memory_space<hbm>>
      tpu.enqueue_dma source(%dma_start3A_228 : memref<64x128xf32, #tpu.memory_space<hbm>>) target(%arg6 : memref<64x128xf32, #tpu.memory_space<vmem>>) target_semaphore(%arg16 : memref<!tpu.dma_semaphore, #tpu.memory_space<semaphore_mem>>)
      %dma_wait3A_229 = arith.constant 0 : i32
      %dma_wait3A_230 = arith.constant 0 : i32
      %dma_wait3A_231 = tpu.memref_slice %arg3[%dma_wait3A_229, %dma_wait3A_230] : memref<64x1000000xf32, #tpu.memory_space<hbm>> -> memref<64x128xf32, #tpu.memory_space<hbm>>
      %dma_wait3A_232 = arith.constant 0 : i32
      %dma_wait3A_233 = arith.constant 0 : i32
      %dma_wait3A_234 = tpu.memref_slice %arg3[%dma_wait3A_232, %dma_wait3A_233] : memref<64x1000000xf32, #tpu.memory_space<hbm>> -> memref<64x128xf32, #tpu.memory_space<hbm>>
      tpu.wait_dma2 semaphore(%arg17 : memref<!tpu.dma_semaphore, #tpu.memory_space<semaphore_mem>>) src(%dma_wait3A_234 : memref<64x128xf32, #tpu.memory_space<hbm>>) dst(%arg7 : memref<64x128xf32, #tpu.memory_space<vmem>>)
      %slice3A_235 = vector.extract_strided_slice %get3A_185 {offsets = [1], sizes = [1], strides = [1]} : vector<16xi32> to vector<1xi32>
      %squeeze3A_236 = vector.extract %slice3A_235[0] : i32 from vector<1xi32>
      %and3A_237 = arith.constant 127 : i32
      %and3A_238 = arith.andi %squeeze3A_236, %and3A_237 : i32
      %broadcast_in_dim3A_239 = vector.broadcast %and3A_238 : i32 to vector<16xi32>
      %mul3A_240 = arith.constant 16 : i32
      %mul3A_241 = arith.muli %scan3A_179, %mul3A_240 : i32
      %add3A_242 = arith.constant 1 : i32
      %add3A_243 = arith.addi %mul3A_241, %add3A_242 : i32
      %gather3A_244 = tpu.vector_load_idx %arg7[%add3A_95, %broadcast_in_dim3A_239] : memref<64x128xf32, #tpu.memory_space<vmem>>[vector<16xi32>, vector<16xi32>], vector<16xf32>,
      %swap3A_245 = arith.index_cast %add3A_243 : i32 to index
      %swap3A_246 = arith.constant 0 : index
      %swap3A_247 = tpu.vector_load %arg15[%swap3A_245, %swap3A_246] {strides = array<i32>} : memref<128x128xf32, #tpu.memory_space<vmem>>, vector<16xf32>,
      tpu.vector_store %arg15[%swap3A_245, %swap3A_246], %gather3A_244 {strides = array<i32>} : memref<128x128xf32, #tpu.memory_space<vmem>>, vector<16xf32>,
      %gather3A_248 = tpu.vector_load_idx %arg7[%add3A_99, %broadcast_in_dim3A_239] : memref<64x128xf32, #tpu.memory_space<vmem>>[vector<16xi32>, vector<16xi32>], vector<16xf32>,
      %swap3A_249 = arith.index_cast %add3A_243 : i32 to index
      %swap3A_250 = arith.constant 16 : index
      %swap3A_251 = tpu.vector_load %arg15[%swap3A_249, %swap3A_250] {strides = array<i32>} : memref<128x128xf32, #tpu.memory_space<vmem>>, vector<16xf32>,
      tpu.vector_store %arg15[%swap3A_249, %swap3A_250], %gather3A_248 {strides = array<i32>} : memref<128x128xf32, #tpu.memory_space<vmem>>, vector<16xf32>,
      %gather3A_252 = tpu.vector_load_idx %arg7[%add3A_103, %broadcast_in_dim3A_239] : memref<64x128xf32, #tpu.memory_space<vmem>>[vector<16xi32>, vector<16xi32>], vector<16xf32>,
      %swap3A_253 = arith.index_cast %add3A_243 : i32 to index
      %swap3A_254 = arith.constant 32 : index
      %swap3A_255 = tpu.vector_load %arg15[%swap3A_253, %swap3A_254] {strides = array<i32>} : memref<128x128xf32, #tpu.memory_space<vmem>>, vector<16xf32>,
      tpu.vector_store %arg15[%swap3A_253, %swap3A_254], %gather3A_252 {strides = array<i32>} : memref<128x128xf32, #tpu.memory_space<vmem>>, vector<16xf32>,
      %gather3A_256 = tpu.vector_load_idx %arg7[%add3A_107, %broadcast_in_dim3A_239] : memref<64x128xf32, #tpu.memory_space<vmem>>[vector<16xi32>, vector<16xi32>], vector<16xf32>,
      %swap3A_257 = arith.index_cast %add3A_243 : i32 to index
      %swap3A_258 = arith.constant 48 : index
      %swap3A_259 = tpu.vector_load %arg15[%swap3A_257, %swap3A_258] {strides = array<i32>} : memref<128x128xf32, #tpu.memory_space<vmem>>, vector<16xf32>,
      tpu.vector_store %arg15[%swap3A_257, %swap3A_258], %gather3A_256 {strides = array<i32>} : memref<128x128xf32, #tpu.memory_space<vmem>>, vector<16xf32>,
      %slice3A_260 = vector.extract_strided_slice %get3A_185 {offsets = [9], sizes = [1], strides = [1]} : vector<16xi32> to vector<1xi32>
      %squeeze3A_261 = vector.extract %slice3A_260[0] : i32 from vector<1xi32>
      %shift_right_arithmetic3A_262 = arith.constant 7 : i32
      %shift_right_arithmetic3A_263 = arith.shrsi %squeeze3A_261, %shift_right_arithmetic3A_262 : i32
      %mul3A_264 = arith.constant 128 : i32
      %mul3A_265 = arith.muli %shift_right_arithmetic3A_263, %mul3A_264 : i32
      %multiple_of3A_266 = tpu.assume_multiple %mul3A_265, 128 : i32
      %dma_start3A_267 = arith.constant 0 : i32
      %dma_start3A_268 = tpu.memref_slice %arg3[%dma_start3A_267, %multiple_of3A_266] : memref<64x1000000xf32, #tpu.memory_space<hbm>> -> memref<64x128xf32, #tpu.memory_space<hbm>>
      %dma_start3A_269 = arith.constant 0 : i32
      %dma_start3A_270 = tpu.memref_slice %arg3[%dma_start3A_269, %multiple_of3A_266] : memref<64x1000000xf32, #tpu.memory_space<hbm>> -> memref<64x128xf32, #tpu.memory_space<hbm>>
      tpu.enqueue_dma source(%dma_start3A_270 : memref<64x128xf32, #tpu.memory_space<hbm>>) target(%arg7 : memref<64x128xf32, #tpu.memory_space<vmem>>) target_semaphore(%arg17 : memref<!tpu.dma_semaphore, #tpu.memory_space<semaphore_mem>>)
      %dma_wait3A_271 = arith.constant 0 : i32
      %dma_wait3A_272 = arith.constant 0 : i32
      %dma_wait3A_273 = tpu.memref_slice %arg3[%dma_wait3A_271, %dma_wait3A_272] : memref<64x1000000xf32, #tpu.memory_space<hbm>> -> memref<64x128xf32, #tpu.memory_space<hbm>>
      %dma_wait3A_274 = arith.constant 0 : i32
      %dma_wait3A_275 = arith.constant 0 : i32
      %dma_wait3A_276 = tpu.memref_slice %arg3[%dma_wait3A_274, %dma_wait3A_275] : memref<64x1000000xf32, #tpu.memory_space<hbm>> -> memref<64x128xf32, #tpu.memory_space<hbm>>
      tpu.wait_dma2 semaphore(%arg18 : memref<!tpu.dma_semaphore, #tpu.memory_space<semaphore_mem>>) src(%dma_wait3A_276 : memref<64x128xf32, #tpu.memory_space<hbm>>) dst(%arg8 : memref<64x128xf32, #tpu.memory_space<vmem>>)
      %slice3A_277 = vector.extract_strided_slice %get3A_185 {offsets = [2], sizes = [1], strides = [1]} : vector<16xi32> to vector<1xi32>
      %squeeze3A_278 = vector.extract %slice3A_277[0] : i32 from vector<1xi32>
      %and3A_279 = arith.constant 127 : i32
      %and3A_280 = arith.andi %squeeze3A_278, %and3A_279 : i32
      %broadcast_in_dim3A_281 = vector.broadcast %and3A_280 : i32 to vector<16xi32>
      %mul3A_282 = arith.constant 16 : i32
      %mul3A_283 = arith.muli %scan3A_179, %mul3A_282 : i32
      %add3A_284 = arith.constant 2 : i32
      %add3A_285 = arith.addi %mul3A_283, %add3A_284 : i32
      %gather3A_286 = tpu.vector_load_idx %arg8[%add3A_95, %broadcast_in_dim3A_281] : memref<64x128xf32, #tpu.memory_space<vmem>>[vector<16xi32>, vector<16xi32>], vector<16xf32>,
      %swap3A_287 = arith.index_cast %add3A_285 : i32 to index
      %swap3A_288 = arith.constant 0 : index
      %swap3A_289 = tpu.vector_load %arg15[%swap3A_287, %swap3A_288] {strides = array<i32>} : memref<128x128xf32, #tpu.memory_space<vmem>>, vector<16xf32>,
      tpu.vector_store %arg15[%swap3A_287, %swap3A_288], %gather3A_286 {strides = array<i32>} : memref<128x128xf32, #tpu.memory_space<vmem>>, vector<16xf32>,
      %gather3A_290 = tpu.vector_load_idx %arg8[%add3A_99, %broadcast_in_dim3A_281] : memref<64x128xf32, #tpu.memory_space<vmem>>[vector<16xi32>, vector<16xi32>], vector<16xf32>,
      %swap3A_291 = arith.index_cast %add3A_285 : i32 to index
      %swap3A_292 = arith.constant 16 : index
      %swap3A_293 = tpu.vector_load %arg15[%swap3A_291, %swap3A_292] {strides = array<i32>} : memref<128x128xf32, #tpu.memory_space<vmem>>, vector<16xf32>,
      tpu.vector_store %arg15[%swap3A_291, %swap3A_292], %gather3A_290 {strides = array<i32>} : memref<128x128xf32, #tpu.memory_space<vmem>>, vector<16xf32>,
      %gather3A_294 = tpu.vector_load_idx %arg8[%add3A_103, %broadcast_in_dim3A_281] : memref<64x128xf32, #tpu.memory_space<vmem>>[vector<16xi32>, vector<16xi32>], vector<16xf32>,
      %swap3A_295 = arith.index_cast %add3A_285 : i32 to index
      %swap3A_296 = arith.constant 32 : index
      %swap3A_297 = tpu.vector_load %arg15[%swap3A_295, %swap3A_296] {strides = array<i32>} : memref<128x128xf32, #tpu.memory_space<vmem>>, vector<16xf32>,
      tpu.vector_store %arg15[%swap3A_295, %swap3A_296], %gather3A_294 {strides = array<i32>} : memref<128x128xf32, #tpu.memory_space<vmem>>, vector<16xf32>,
      %gather3A_298 = tpu.vector_load_idx %arg8[%add3A_107, %broadcast_in_dim3A_281] : memref<64x128xf32, #tpu.memory_space<vmem>>[vector<16xi32>, vector<16xi32>], vector<16xf32>,
      %swap3A_299 = arith.index_cast %add3A_285 : i32 to index
      %swap3A_300 = arith.constant 48 : index
      %swap3A_301 = tpu.vector_load %arg15[%swap3A_299, %swap3A_300] {strides = array<i32>} : memref<128x128xf32, #tpu.memory_space<vmem>>, vector<16xf32>,
      tpu.vector_store %arg15[%swap3A_299, %swap3A_300], %gather3A_298 {strides = array<i32>} : memref<128x128xf32, #tpu.memory_space<vmem>>, vector<16xf32>,
      %slice3A_302 = vector.extract_strided_slice %get3A_185 {offsets = [10], sizes = [1], strides = [1]} : vector<16xi32> to vector<1xi32>
      %squeeze3A_303 = vector.extract %slice3A_302[0] : i32 from vector<1xi32>
      %shift_right_arithmetic3A_304 = arith.constant 7 : i32
      %shift_right_arithmetic3A_305 = arith.shrsi %squeeze3A_303, %shift_right_arithmetic3A_304 : i32
      %mul3A_306 = arith.constant 128 : i32
      %mul3A_307 = arith.muli %shift_right_arithmetic3A_305, %mul3A_306 : i32
      %multiple_of3A_308 = tpu.assume_multiple %mul3A_307, 128 : i32
      %dma_start3A_309 = arith.constant 0 : i32
      %dma_start3A_310 = tpu.memref_slice %arg3[%dma_start3A_309, %multiple_of3A_308] : memref<64x1000000xf32, #tpu.memory_space<hbm>> -> memref<64x128xf32, #tpu.memory_space<hbm>>
      %dma_start3A_311 = arith.constant 0 : i32
      %dma_start3A_312 = tpu.memref_slice %arg3[%dma_start3A_311, %multiple_of3A_308] : memref<64x1000000xf32, #tpu.memory_space<hbm>> -> memref<64x128xf32, #tpu.memory_space<hbm>>
      tpu.enqueue_dma source(%dma_start3A_312 : memref<64x128xf32, #tpu.memory_space<hbm>>) target(%arg8 : memref<64x128xf32, #tpu.memory_space<vmem>>) target_semaphore(%arg18 : memref<!tpu.dma_semaphore, #tpu.memory_space<semaphore_mem>>)
      %dma_wait3A_313 = arith.constant 0 : i32
      %dma_wait3A_314 = arith.constant 0 : i32
      %dma_wait3A_315 = tpu.memref_slice %arg3[%dma_wait3A_313, %dma_wait3A_314] : memref<64x1000000xf32, #tpu.memory_space<hbm>> -> memref<64x128xf32, #tpu.memory_space<hbm>>
      %dma_wait3A_316 = arith.constant 0 : i32
      %dma_wait3A_317 = arith.constant 0 : i32
      %dma_wait3A_318 = tpu.memref_slice %arg3[%dma_wait3A_316, %dma_wait3A_317] : memref<64x1000000xf32, #tpu.memory_space<hbm>> -> memref<64x128xf32, #tpu.memory_space<hbm>>
      tpu.wait_dma2 semaphore(%arg19 : memref<!tpu.dma_semaphore, #tpu.memory_space<semaphore_mem>>) src(%dma_wait3A_318 : memref<64x128xf32, #tpu.memory_space<hbm>>) dst(%arg9 : memref<64x128xf32, #tpu.memory_space<vmem>>)
      %slice3A_319 = vector.extract_strided_slice %get3A_185 {offsets = [3], sizes = [1], strides = [1]} : vector<16xi32> to vector<1xi32>
      %squeeze3A_320 = vector.extract %slice3A_319[0] : i32 from vector<1xi32>
      %and3A_321 = arith.constant 127 : i32
      %and3A_322 = arith.andi %squeeze3A_320, %and3A_321 : i32
      %broadcast_in_dim3A_323 = vector.broadcast %and3A_322 : i32 to vector<16xi32>
      %mul3A_324 = arith.constant 16 : i32
      %mul3A_325 = arith.muli %scan3A_179, %mul3A_324 : i32
      %add3A_326 = arith.constant 3 : i32
      %add3A_327 = arith.addi %mul3A_325, %add3A_326 : i32
      %gather3A_328 = tpu.vector_load_idx %arg9[%add3A_95, %broadcast_in_dim3A_323] : memref<64x128xf32, #tpu.memory_space<vmem>>[vector<16xi32>, vector<16xi32>], vector<16xf32>,
      %swap3A_329 = arith.index_cast %add3A_327 : i32 to index
      %swap3A_330 = arith.constant 0 : index
      %swap3A_331 = tpu.vector_load %arg15[%swap3A_329, %swap3A_330] {strides = array<i32>} : memref<128x128xf32, #tpu.memory_space<vmem>>, vector<16xf32>,
      tpu.vector_store %arg15[%swap3A_329, %swap3A_330], %gather3A_328 {strides = array<i32>} : memref<128x128xf32, #tpu.memory_space<vmem>>, vector<16xf32>,
      %gather3A_332 = tpu.vector_load_idx %arg9[%add3A_99, %broadcast_in_dim3A_323] : memref<64x128xf32, #tpu.memory_space<vmem>>[vector<16xi32>, vector<16xi32>], vector<16xf32>,
      %swap3A_333 = arith.index_cast %add3A_327 : i32 to index
      %swap3A_334 = arith.constant 16 : index
      %swap3A_335 = tpu.vector_load %arg15[%swap3A_333, %swap3A_334] {strides = array<i32>} : memref<128x128xf32, #tpu.memory_space<vmem>>, vector<16xf32>,
      tpu.vector_store %arg15[%swap3A_333, %swap3A_334], %gather3A_332 {strides = array<i32>} : memref<128x128xf32, #tpu.memory_space<vmem>>, vector<16xf32>,
      %gather3A_336 = tpu.vector_load_idx %arg9[%add3A_103, %broadcast_in_dim3A_323] : memref<64x128xf32, #tpu.memory_space<vmem>>[vector<16xi32>, vector<16xi32>], vector<16xf32>,
      %swap3A_337 = arith.index_cast %add3A_327 : i32 to index
      %swap3A_338 = arith.constant 32 : index
      %swap3A_339 = tpu.vector_load %arg15[%swap3A_337, %swap3A_338] {strides = array<i32>} : memref<128x128xf32, #tpu.memory_space<vmem>>, vector<16xf32>,
      tpu.vector_store %arg15[%swap3A_337, %swap3A_338], %gather3A_336 {strides = array<i32>} : memref<128x128xf32, #tpu.memory_space<vmem>>, vector<16xf32>,
      %gather3A_340 = tpu.vector_load_idx %arg9[%add3A_107, %broadcast_in_dim3A_323] : memref<64x128xf32, #tpu.memory_space<vmem>>[vector<16xi32>, vector<16xi32>], vector<16xf32>,
      %swap3A_341 = arith.index_cast %add3A_327 : i32 to index
      %swap3A_342 = arith.constant 48 : index
      %swap3A_343 = tpu.vector_load %arg15[%swap3A_341, %swap3A_342] {strides = array<i32>} : memref<128x128xf32, #tpu.memory_space<vmem>>, vector<16xf32>,
      tpu.vector_store %arg15[%swap3A_341, %swap3A_342], %gather3A_340 {strides = array<i32>} : memref<128x128xf32, #tpu.memory_space<vmem>>, vector<16xf32>,
      %slice3A_344 = vector.extract_strided_slice %get3A_185 {offsets = [11], sizes = [1], strides = [1]} : vector<16xi32> to vector<1xi32>
      %squeeze3A_345 = vector.extract %slice3A_344[0] : i32 from vector<1xi32>
      %shift_right_arithmetic3A_346 = arith.constant 7 : i32
      %shift_right_arithmetic3A_347 = arith.shrsi %squeeze3A_345, %shift_right_arithmetic3A_346 : i32
      %mul3A_348 = arith.constant 128 : i32
      %mul3A_349 = arith.muli %shift_right_arithmetic3A_347, %mul3A_348 : i32
      %multiple_of3A_350 = tpu.assume_multiple %mul3A_349, 128 : i32
      %dma_start3A_351 = arith.constant 0 : i32
      %dma_start3A_352 = tpu.memref_slice %arg3[%dma_start3A_351, %multiple_of3A_350] : memref<64x1000000xf32, #tpu.memory_space<hbm>> -> memref<64x128xf32, #tpu.memory_space<hbm>>
      %dma_start3A_353 = arith.constant 0 : i32
      %dma_start3A_354 = tpu.memref_slice %arg3[%dma_start3A_353, %multiple_of3A_350] : memref<64x1000000xf32, #tpu.memory_space<hbm>> -> memref<64x128xf32, #tpu.memory_space<hbm>>
      tpu.enqueue_dma source(%dma_start3A_354 : memref<64x128xf32, #tpu.memory_space<hbm>>) target(%arg9 : memref<64x128xf32, #tpu.memory_space<vmem>>) target_semaphore(%arg19 : memref<!tpu.dma_semaphore, #tpu.memory_space<semaphore_mem>>)
      %dma_wait3A_355 = arith.constant 0 : i32
      %dma_wait3A_356 = arith.constant 0 : i32
      %dma_wait3A_357 = tpu.memref_slice %arg3[%dma_wait3A_355, %dma_wait3A_356] : memref<64x1000000xf32, #tpu.memory_space<hbm>> -> memref<64x128xf32, #tpu.memory_space<hbm>>
      %dma_wait3A_358 = arith.constant 0 : i32
      %dma_wait3A_359 = arith.constant 0 : i32
      %dma_wait3A_360 = tpu.memref_slice %arg3[%dma_wait3A_358, %dma_wait3A_359] : memref<64x1000000xf32, #tpu.memory_space<hbm>> -> memref<64x128xf32, #tpu.memory_space<hbm>>
      tpu.wait_dma2 semaphore(%arg20 : memref<!tpu.dma_semaphore, #tpu.memory_space<semaphore_mem>>) src(%dma_wait3A_360 : memref<64x128xf32, #tpu.memory_space<hbm>>) dst(%arg10 : memref<64x128xf32, #tpu.memory_space<vmem>>)
      %slice3A_361 = vector.extract_strided_slice %get3A_185 {offsets = [4], sizes = [1], strides = [1]} : vector<16xi32> to vector<1xi32>
      %squeeze3A_362 = vector.extract %slice3A_361[0] : i32 from vector<1xi32>
      %and3A_363 = arith.constant 127 : i32
      %and3A_364 = arith.andi %squeeze3A_362, %and3A_363 : i32
      %broadcast_in_dim3A_365 = vector.broadcast %and3A_364 : i32 to vector<16xi32>
      %mul3A_366 = arith.constant 16 : i32
      %mul3A_367 = arith.muli %scan3A_179, %mul3A_366 : i32
      %add3A_368 = arith.constant 4 : i32
      %add3A_369 = arith.addi %mul3A_367, %add3A_368 : i32
      %gather3A_370 = tpu.vector_load_idx %arg10[%add3A_95, %broadcast_in_dim3A_365] : memref<64x128xf32, #tpu.memory_space<vmem>>[vector<16xi32>, vector<16xi32>], vector<16xf32>,
      %swap3A_371 = arith.index_cast %add3A_369 : i32 to index
      %swap3A_372 = arith.constant 0 : index
      %swap3A_373 = tpu.vector_load %arg15[%swap3A_371, %swap3A_372] {strides = array<i32>} : memref<128x128xf32, #tpu.memory_space<vmem>>, vector<16xf32>,
      tpu.vector_store %arg15[%swap3A_371, %swap3A_372], %gather3A_370 {strides = array<i32>} : memref<128x128xf32, #tpu.memory_space<vmem>>, vector<16xf32>,
      %gather3A_374 = tpu.vector_load_idx %arg10[%add3A_99, %broadcast_in_dim3A_365] : memref<64x128xf32, #tpu.memory_space<vmem>>[vector<16xi32>, vector<16xi32>], vector<16xf32>,
      %swap3A_375 = arith.index_cast %add3A_369 : i32 to index
      %swap3A_376 = arith.constant 16 : index
      %swap3A_377 = tpu.vector_load %arg15[%swap3A_375, %swap3A_376] {strides = array<i32>} : memref<128x128xf32, #tpu.memory_space<vmem>>, vector<16xf32>,
      tpu.vector_store %arg15[%swap3A_375, %swap3A_376], %gather3A_374 {strides = array<i32>} : memref<128x128xf32, #tpu.memory_space<vmem>>, vector<16xf32>,
      %gather3A_378 = tpu.vector_load_idx %arg10[%add3A_103, %broadcast_in_dim3A_365] : memref<64x128xf32, #tpu.memory_space<vmem>>[vector<16xi32>, vector<16xi32>], vector<16xf32>,
      %swap3A_379 = arith.index_cast %add3A_369 : i32 to index
      %swap3A_380 = arith.constant 32 : index
      %swap3A_381 = tpu.vector_load %arg15[%swap3A_379, %swap3A_380] {strides = array<i32>} : memref<128x128xf32, #tpu.memory_space<vmem>>, vector<16xf32>,
      tpu.vector_store %arg15[%swap3A_379, %swap3A_380], %gather3A_378 {strides = array<i32>} : memref<128x128xf32, #tpu.memory_space<vmem>>, vector<16xf32>,
      %gather3A_382 = tpu.vector_load_idx %arg10[%add3A_107, %broadcast_in_dim3A_365] : memref<64x128xf32, #tpu.memory_space<vmem>>[vector<16xi32>, vector<16xi32>], vector<16xf32>,
      %swap3A_383 = arith.index_cast %add3A_369 : i32 to index
      %swap3A_384 = arith.constant 48 : index
      %swap3A_385 = tpu.vector_load %arg15[%swap3A_383, %swap3A_384] {strides = array<i32>} : memref<128x128xf32, #tpu.memory_space<vmem>>, vector<16xf32>,
      tpu.vector_store %arg15[%swap3A_383, %swap3A_384], %gather3A_382 {strides = array<i32>} : memref<128x128xf32, #tpu.memory_space<vmem>>, vector<16xf32>,
      %slice3A_386 = vector.extract_strided_slice %get3A_185 {offsets = [12], sizes = [1], strides = [1]} : vector<16xi32> to vector<1xi32>
      %squeeze3A_387 = vector.extract %slice3A_386[0] : i32 from vector<1xi32>
      %shift_right_arithmetic3A_388 = arith.constant 7 : i32
      %shift_right_arithmetic3A_389 = arith.shrsi %squeeze3A_387, %shift_right_arithmetic3A_388 : i32
      %mul3A_390 = arith.constant 128 : i32
      %mul3A_391 = arith.muli %shift_right_arithmetic3A_389, %mul3A_390 : i32
      %multiple_of3A_392 = tpu.assume_multiple %mul3A_391, 128 : i32
      %dma_start3A_393 = arith.constant 0 : i32
      %dma_start3A_394 = tpu.memref_slice %arg3[%dma_start3A_393, %multiple_of3A_392] : memref<64x1000000xf32, #tpu.memory_space<hbm>> -> memref<64x128xf32, #tpu.memory_space<hbm>>
      %dma_start3A_395 = arith.constant 0 : i32
      %dma_start3A_396 = tpu.memref_slice %arg3[%dma_start3A_395, %multiple_of3A_392] : memref<64x1000000xf32, #tpu.memory_space<hbm>> -> memref<64x128xf32, #tpu.memory_space<hbm>>
      tpu.enqueue_dma source(%dma_start3A_396 : memref<64x128xf32, #tpu.memory_space<hbm>>) target(%arg10 : memref<64x128xf32, #tpu.memory_space<vmem>>) target_semaphore(%arg20 : memref<!tpu.dma_semaphore, #tpu.memory_space<semaphore_mem>>)
      %dma_wait3A_397 = arith.constant 0 : i32
      %dma_wait3A_398 = arith.constant 0 : i32
      %dma_wait3A_399 = tpu.memref_slice %arg3[%dma_wait3A_397, %dma_wait3A_398] : memref<64x1000000xf32, #tpu.memory_space<hbm>> -> memref<64x128xf32, #tpu.memory_space<hbm>>
      %dma_wait3A_400 = arith.constant 0 : i32
      %dma_wait3A_401 = arith.constant 0 : i32
      %dma_wait3A_402 = tpu.memref_slice %arg3[%dma_wait3A_400, %dma_wait3A_401] : memref<64x1000000xf32, #tpu.memory_space<hbm>> -> memref<64x128xf32, #tpu.memory_space<hbm>>
      tpu.wait_dma2 semaphore(%arg21 : memref<!tpu.dma_semaphore, #tpu.memory_space<semaphore_mem>>) src(%dma_wait3A_402 : memref<64x128xf32, #tpu.memory_space<hbm>>) dst(%arg11 : memref<64x128xf32, #tpu.memory_space<vmem>>)
      %slice3A_403 = vector.extract_strided_slice %get3A_185 {offsets = [5], sizes = [1], strides = [1]} : vector<16xi32> to vector<1xi32>
      %squeeze3A_404 = vector.extract %slice3A_403[0] : i32 from vector<1xi32>
      %and3A_405 = arith.constant 127 : i32
      %and3A_406 = arith.andi %squeeze3A_404, %and3A_405 : i32
      %broadcast_in_dim3A_407 = vector.broadcast %and3A_406 : i32 to vector<16xi32>
      %mul3A_408 = arith.constant 16 : i32
      %mul3A_409 = arith.muli %scan3A_179, %mul3A_408 : i32
      %add3A_410 = arith.constant 5 : i32
      %add3A_411 = arith.addi %mul3A_409, %add3A_410 : i32
      %gather3A_412 = tpu.vector_load_idx %arg11[%add3A_95, %broadcast_in_dim3A_407] : memref<64x128xf32, #tpu.memory_space<vmem>>[vector<16xi32>, vector<16xi32>], vector<16xf32>,
      %swap3A_413 = arith.index_cast %add3A_411 : i32 to index
      %swap3A_414 = arith.constant 0 : index
      %swap3A_415 = tpu.vector_load %arg15[%swap3A_413, %swap3A_414] {strides = array<i32>} : memref<128x128xf32, #tpu.memory_space<vmem>>, vector<16xf32>,
      tpu.vector_store %arg15[%swap3A_413, %swap3A_414], %gather3A_412 {strides = array<i32>} : memref<128x128xf32, #tpu.memory_space<vmem>>, vector<16xf32>,
      %gather3A_416 = tpu.vector_load_idx %arg11[%add3A_99, %broadcast_in_dim3A_407] : memref<64x128xf32, #tpu.memory_space<vmem>>[vector<16xi32>, vector<16xi32>], vector<16xf32>,
      %swap3A_417 = arith.index_cast %add3A_411 : i32 to index
      %swap3A_418 = arith.constant 16 : index
      %swap3A_419 = tpu.vector_load %arg15[%swap3A_417, %swap3A_418] {strides = array<i32>} : memref<128x128xf32, #tpu.memory_space<vmem>>, vector<16xf32>,
      tpu.vector_store %arg15[%swap3A_417, %swap3A_418], %gather3A_416 {strides = array<i32>} : memref<128x128xf32, #tpu.memory_space<vmem>>, vector<16xf32>,
      %gather3A_420 = tpu.vector_load_idx %arg11[%add3A_103, %broadcast_in_dim3A_407] : memref<64x128xf32, #tpu.memory_space<vmem>>[vector<16xi32>, vector<16xi32>], vector<16xf32>,
      %swap3A_421 = arith.index_cast %add3A_411 : i32 to index
      %swap3A_422 = arith.constant 32 : index
      %swap3A_423 = tpu.vector_load %arg15[%swap3A_421, %swap3A_422] {strides = array<i32>} : memref<128x128xf32, #tpu.memory_space<vmem>>, vector<16xf32>,
      tpu.vector_store %arg15[%swap3A_421, %swap3A_422], %gather3A_420 {strides = array<i32>} : memref<128x128xf32, #tpu.memory_space<vmem>>, vector<16xf32>,
      %gather3A_424 = tpu.vector_load_idx %arg11[%add3A_107, %broadcast_in_dim3A_407] : memref<64x128xf32, #tpu.memory_space<vmem>>[vector<16xi32>, vector<16xi32>], vector<16xf32>,
      %swap3A_425 = arith.index_cast %add3A_411 : i32 to index
      %swap3A_426 = arith.constant 48 : index
      %swap3A_427 = tpu.vector_load %arg15[%swap3A_425, %swap3A_426] {strides = array<i32>} : memref<128x128xf32, #tpu.memory_space<vmem>>, vector<16xf32>,
      tpu.vector_store %arg15[%swap3A_425, %swap3A_426], %gather3A_424 {strides = array<i32>} : memref<128x128xf32, #tpu.memory_space<vmem>>, vector<16xf32>,
      %slice3A_428 = vector.extract_strided_slice %get3A_185 {offsets = [13], sizes = [1], strides = [1]} : vector<16xi32> to vector<1xi32>
      %squeeze3A_429 = vector.extract %slice3A_428[0] : i32 from vector<1xi32>
      %shift_right_arithmetic3A_430 = arith.constant 7 : i32
      %shift_right_arithmetic3A_431 = arith.shrsi %squeeze3A_429, %shift_right_arithmetic3A_430 : i32
      %mul3A_432 = arith.constant 128 : i32
      %mul3A_433 = arith.muli %shift_right_arithmetic3A_431, %mul3A_432 : i32
      %multiple_of3A_434 = tpu.assume_multiple %mul3A_433, 128 : i32
      %dma_start3A_435 = arith.constant 0 : i32
      %dma_start3A_436 = tpu.memref_slice %arg3[%dma_start3A_435, %multiple_of3A_434] : memref<64x1000000xf32, #tpu.memory_space<hbm>> -> memref<64x128xf32, #tpu.memory_space<hbm>>
      %dma_start3A_437 = arith.constant 0 : i32
      %dma_start3A_438 = tpu.memref_slice %arg3[%dma_start3A_437, %multiple_of3A_434] : memref<64x1000000xf32, #tpu.memory_space<hbm>> -> memref<64x128xf32, #tpu.memory_space<hbm>>
      tpu.enqueue_dma source(%dma_start3A_438 : memref<64x128xf32, #tpu.memory_space<hbm>>) target(%arg11 : memref<64x128xf32, #tpu.memory_space<vmem>>) target_semaphore(%arg21 : memref<!tpu.dma_semaphore, #tpu.memory_space<semaphore_mem>>)
      %dma_wait3A_439 = arith.constant 0 : i32
      %dma_wait3A_440 = arith.constant 0 : i32
      %dma_wait3A_441 = tpu.memref_slice %arg3[%dma_wait3A_439, %dma_wait3A_440] : memref<64x1000000xf32, #tpu.memory_space<hbm>> -> memref<64x128xf32, #tpu.memory_space<hbm>>
      %dma_wait3A_442 = arith.constant 0 : i32
      %dma_wait3A_443 = arith.constant 0 : i32
      %dma_wait3A_444 = tpu.memref_slice %arg3[%dma_wait3A_442, %dma_wait3A_443] : memref<64x1000000xf32, #tpu.memory_space<hbm>> -> memref<64x128xf32, #tpu.memory_space<hbm>>
      tpu.wait_dma2 semaphore(%arg22 : memref<!tpu.dma_semaphore, #tpu.memory_space<semaphore_mem>>) src(%dma_wait3A_444 : memref<64x128xf32, #tpu.memory_space<hbm>>) dst(%arg12 : memref<64x128xf32, #tpu.memory_space<vmem>>)
      %slice3A_445 = vector.extract_strided_slice %get3A_185 {offsets = [6], sizes = [1], strides = [1]} : vector<16xi32> to vector<1xi32>
      %squeeze3A_446 = vector.extract %slice3A_445[0] : i32 from vector<1xi32>
      %and3A_447 = arith.constant 127 : i32
      %and3A_448 = arith.andi %squeeze3A_446, %and3A_447 : i32
      %broadcast_in_dim3A_449 = vector.broadcast %and3A_448 : i32 to vector<16xi32>
      %mul3A_450 = arith.constant 16 : i32
      %mul3A_451 = arith.muli %scan3A_179, %mul3A_450 : i32
      %add3A_452 = arith.constant 6 : i32
      %add3A_453 = arith.addi %mul3A_451, %add3A_452 : i32
      %gather3A_454 = tpu.vector_load_idx %arg12[%add3A_95, %broadcast_in_dim3A_449] : memref<64x128xf32, #tpu.memory_space<vmem>>[vector<16xi32>, vector<16xi32>], vector<16xf32>,
      %swap3A_455 = arith.index_cast %add3A_453 : i32 to index
      %swap3A_456 = arith.constant 0 : index
      %swap3A_457 = tpu.vector_load %arg15[%swap3A_455, %swap3A_456] {strides = array<i32>} : memref<128x128xf32, #tpu.memory_space<vmem>>, vector<16xf32>,
      tpu.vector_store %arg15[%swap3A_455, %swap3A_456], %gather3A_454 {strides = array<i32>} : memref<128x128xf32, #tpu.memory_space<vmem>>, vector<16xf32>,
      %gather3A_458 = tpu.vector_load_idx %arg12[%add3A_99, %broadcast_in_dim3A_449] : memref<64x128xf32, #tpu.memory_space<vmem>>[vector<16xi32>, vector<16xi32>], vector<16xf32>,
      %swap3A_459 = arith.index_cast %add3A_453 : i32 to index
      %swap3A_460 = arith.constant 16 : index
      %swap3A_461 = tpu.vector_load %arg15[%swap3A_459, %swap3A_460] {strides = array<i32>} : memref<128x128xf32, #tpu.memory_space<vmem>>, vector<16xf32>,
      tpu.vector_store %arg15[%swap3A_459, %swap3A_460], %gather3A_458 {strides = array<i32>} : memref<128x128xf32, #tpu.memory_space<vmem>>, vector<16xf32>,
      %gather3A_462 = tpu.vector_load_idx %arg12[%add3A_103, %broadcast_in_dim3A_449] : memref<64x128xf32, #tpu.memory_space<vmem>>[vector<16xi32>, vector<16xi32>], vector<16xf32>,
      %swap3A_463 = arith.index_cast %add3A_453 : i32 to index
      %swap3A_464 = arith.constant 32 : index
      %swap3A_465 = tpu.vector_load %arg15[%swap3A_463, %swap3A_464] {strides = array<i32>} : memref<128x128xf32, #tpu.memory_space<vmem>>, vector<16xf32>,
      tpu.vector_store %arg15[%swap3A_463, %swap3A_464], %gather3A_462 {strides = array<i32>} : memref<128x128xf32, #tpu.memory_space<vmem>>, vector<16xf32>,
      %gather3A_466 = tpu.vector_load_idx %arg12[%add3A_107, %broadcast_in_dim3A_449] : memref<64x128xf32, #tpu.memory_space<vmem>>[vector<16xi32>, vector<16xi32>], vector<16xf32>,
      %swap3A_467 = arith.index_cast %add3A_453 : i32 to index
      %swap3A_468 = arith.constant 48 : index
      %swap3A_469 = tpu.vector_load %arg15[%swap3A_467, %swap3A_468] {strides = array<i32>} : memref<128x128xf32, #tpu.memory_space<vmem>>, vector<16xf32>,
      tpu.vector_store %arg15[%swap3A_467, %swap3A_468], %gather3A_466 {strides = array<i32>} : memref<128x128xf32, #tpu.memory_space<vmem>>, vector<16xf32>,
      %slice3A_470 = vector.extract_strided_slice %get3A_185 {offsets = [14], sizes = [1], strides = [1]} : vector<16xi32> to vector<1xi32>
      %squeeze3A_471 = vector.extract %slice3A_470[0] : i32 from vector<1xi32>
      %shift_right_arithmetic3A_472 = arith.constant 7 : i32
      %shift_right_arithmetic3A_473 = arith.shrsi %squeeze3A_471, %shift_right_arithmetic3A_472 : i32
      %mul3A_474 = arith.constant 128 : i32
      %mul3A_475 = arith.muli %shift_right_arithmetic3A_473, %mul3A_474 : i32
      %multiple_of3A_476 = tpu.assume_multiple %mul3A_475, 128 : i32
      %dma_start3A_477 = arith.constant 0 : i32
      %dma_start3A_478 = tpu.memref_slice %arg3[%dma_start3A_477, %multiple_of3A_476] : memref<64x1000000xf32, #tpu.memory_space<hbm>> -> memref<64x128xf32, #tpu.memory_space<hbm>>
      %dma_start3A_479 = arith.constant 0 : i32
      %dma_start3A_480 = tpu.memref_slice %arg3[%dma_start3A_479, %multiple_of3A_476] : memref<64x1000000xf32, #tpu.memory_space<hbm>> -> memref<64x128xf32, #tpu.memory_space<hbm>>
      tpu.enqueue_dma source(%dma_start3A_480 : memref<64x128xf32, #tpu.memory_space<hbm>>) target(%arg12 : memref<64x128xf32, #tpu.memory_space<vmem>>) target_semaphore(%arg22 : memref<!tpu.dma_semaphore, #tpu.memory_space<semaphore_mem>>)
      %dma_wait3A_481 = arith.constant 0 : i32
      %dma_wait3A_482 = arith.constant 0 : i32
      %dma_wait3A_483 = tpu.memref_slice %arg3[%dma_wait3A_481, %dma_wait3A_482] : memref<64x1000000xf32, #tpu.memory_space<hbm>> -> memref<64x128xf32, #tpu.memory_space<hbm>>
      %dma_wait3A_484 = arith.constant 0 : i32
      %dma_wait3A_485 = arith.constant 0 : i32
      %dma_wait3A_486 = tpu.memref_slice %arg3[%dma_wait3A_484, %dma_wait3A_485] : memref<64x1000000xf32, #tpu.memory_space<hbm>> -> memref<64x128xf32, #tpu.memory_space<hbm>>
      tpu.wait_dma2 semaphore(%arg23 : memref<!tpu.dma_semaphore, #tpu.memory_space<semaphore_mem>>) src(%dma_wait3A_486 : memref<64x128xf32, #tpu.memory_space<hbm>>) dst(%arg13 : memref<64x128xf32, #tpu.memory_space<vmem>>)
      %slice3A_487 = vector.extract_strided_slice %get3A_185 {offsets = [7], sizes = [1], strides = [1]} : vector<16xi32> to vector<1xi32>
      %squeeze3A_488 = vector.extract %slice3A_487[0] : i32 from vector<1xi32>
      %and3A_489 = arith.constant 127 : i32
      %and3A_490 = arith.andi %squeeze3A_488, %and3A_489 : i32
      %broadcast_in_dim3A_491 = vector.broadcast %and3A_490 : i32 to vector<16xi32>
      %mul3A_492 = arith.constant 16 : i32
      %mul3A_493 = arith.muli %scan3A_179, %mul3A_492 : i32
      %add3A_494 = arith.constant 7 : i32
      %add3A_495 = arith.addi %mul3A_493, %add3A_494 : i32
      %gather3A_496 = tpu.vector_load_idx %arg13[%add3A_95, %broadcast_in_dim3A_491] : memref<64x128xf32, #tpu.memory_space<vmem>>[vector<16xi32>, vector<16xi32>], vector<16xf32>,
      %swap3A_497 = arith.index_cast %add3A_495 : i32 to index
      %swap3A_498 = arith.constant 0 : index
      %swap3A_499 = tpu.vector_load %arg15[%swap3A_497, %swap3A_498] {strides = array<i32>} : memref<128x128xf32, #tpu.memory_space<vmem>>, vector<16xf32>,
      tpu.vector_store %arg15[%swap3A_497, %swap3A_498], %gather3A_496 {strides = array<i32>} : memref<128x128xf32, #tpu.memory_space<vmem>>, vector<16xf32>,
      %gather3A_500 = tpu.vector_load_idx %arg13[%add3A_99, %broadcast_in_dim3A_491] : memref<64x128xf32, #tpu.memory_space<vmem>>[vector<16xi32>, vector<16xi32>], vector<16xf32>,
      %swap3A_501 = arith.index_cast %add3A_495 : i32 to index
      %swap3A_502 = arith.constant 16 : index
      %swap3A_503 = tpu.vector_load %arg15[%swap3A_501, %swap3A_502] {strides = array<i32>} : memref<128x128xf32, #tpu.memory_space<vmem>>, vector<16xf32>,
      tpu.vector_store %arg15[%swap3A_501, %swap3A_502], %gather3A_500 {strides = array<i32>} : memref<128x128xf32, #tpu.memory_space<vmem>>, vector<16xf32>,
      %gather3A_504 = tpu.vector_load_idx %arg13[%add3A_103, %broadcast_in_dim3A_491] : memref<64x128xf32, #tpu.memory_space<vmem>>[vector<16xi32>, vector<16xi32>], vector<16xf32>,
      %swap3A_505 = arith.index_cast %add3A_495 : i32 to index
      %swap3A_506 = arith.constant 32 : index
      %swap3A_507 = tpu.vector_load %arg15[%swap3A_505, %swap3A_506] {strides = array<i32>} : memref<128x128xf32, #tpu.memory_space<vmem>>, vector<16xf32>,
      tpu.vector_store %arg15[%swap3A_505, %swap3A_506], %gather3A_504 {strides = array<i32>} : memref<128x128xf32, #tpu.memory_space<vmem>>, vector<16xf32>,
      %gather3A_508 = tpu.vector_load_idx %arg13[%add3A_107, %broadcast_in_dim3A_491] : memref<64x128xf32, #tpu.memory_space<vmem>>[vector<16xi32>, vector<16xi32>], vector<16xf32>,
      %swap3A_509 = arith.index_cast %add3A_495 : i32 to index
      %swap3A_510 = arith.constant 48 : index
      %swap3A_511 = tpu.vector_load %arg15[%swap3A_509, %swap3A_510] {strides = array<i32>} : memref<128x128xf32, #tpu.memory_space<vmem>>, vector<16xf32>,
      tpu.vector_store %arg15[%swap3A_509, %swap3A_510], %gather3A_508 {strides = array<i32>} : memref<128x128xf32, #tpu.memory_space<vmem>>, vector<16xf32>,
      %slice3A_512 = vector.extract_strided_slice %get3A_185 {offsets = [15], sizes = [1], strides = [1]} : vector<16xi32> to vector<1xi32>
      %squeeze3A_513 = vector.extract %slice3A_512[0] : i32 from vector<1xi32>
      %shift_right_arithmetic3A_514 = arith.constant 7 : i32
      %shift_right_arithmetic3A_515 = arith.shrsi %squeeze3A_513, %shift_right_arithmetic3A_514 : i32
      %mul3A_516 = arith.constant 128 : i32
      %mul3A_517 = arith.muli %shift_right_arithmetic3A_515, %mul3A_516 : i32
      %multiple_of3A_518 = tpu.assume_multiple %mul3A_517, 128 : i32
      %dma_start3A_519 = arith.constant 0 : i32
      %dma_start3A_520 = tpu.memref_slice %arg3[%dma_start3A_519, %multiple_of3A_518] : memref<64x1000000xf32, #tpu.memory_space<hbm>> -> memref<64x128xf32, #tpu.memory_space<hbm>>
      %dma_start3A_521 = arith.constant 0 : i32
      %dma_start3A_522 = tpu.memref_slice %arg3[%dma_start3A_521, %multiple_of3A_518] : memref<64x1000000xf32, #tpu.memory_space<hbm>> -> memref<64x128xf32, #tpu.memory_space<hbm>>
      tpu.enqueue_dma source(%dma_start3A_522 : memref<64x128xf32, #tpu.memory_space<hbm>>) target(%arg13 : memref<64x128xf32, #tpu.memory_space<vmem>>) target_semaphore(%arg23 : memref<!tpu.dma_semaphore, #tpu.memory_space<semaphore_mem>>)
      %dma_wait3A_523 = arith.constant 0 : i32
      %dma_wait3A_524 = arith.constant 0 : i32
      %dma_wait3A_525 = tpu.memref_slice %arg3[%dma_wait3A_523, %dma_wait3A_524] : memref<64x1000000xf32, #tpu.memory_space<hbm>> -> memref<64x128xf32, #tpu.memory_space<hbm>>
      %dma_wait3A_526 = arith.constant 0 : i32
      %dma_wait3A_527 = arith.constant 0 : i32
      %dma_wait3A_528 = tpu.memref_slice %arg3[%dma_wait3A_526, %dma_wait3A_527] : memref<64x1000000xf32, #tpu.memory_space<hbm>> -> memref<64x128xf32, #tpu.memory_space<hbm>>
      tpu.wait_dma2 semaphore(%arg16 : memref<!tpu.dma_semaphore, #tpu.memory_space<semaphore_mem>>) src(%dma_wait3A_528 : memref<64x128xf32, #tpu.memory_space<hbm>>) dst(%arg6 : memref<64x128xf32, #tpu.memory_space<vmem>>)
      %slice3A_529 = vector.extract_strided_slice %get3A_185 {offsets = [8], sizes = [1], strides = [1]} : vector<16xi32> to vector<1xi32>
      %squeeze3A_530 = vector.extract %slice3A_529[0] : i32 from vector<1xi32>
      %and3A_531 = arith.constant 127 : i32
      %and3A_532 = arith.andi %squeeze3A_530, %and3A_531 : i32
      %broadcast_in_dim3A_533 = vector.broadcast %and3A_532 : i32 to vector<16xi32>
      %mul3A_534 = arith.constant 16 : i32
      %mul3A_535 = arith.muli %scan3A_179, %mul3A_534 : i32
      %add3A_536 = arith.constant 8 : i32
      %add3A_537 = arith.addi %mul3A_535, %add3A_536 : i32
      %gather3A_538 = tpu.vector_load_idx %arg6[%add3A_95, %broadcast_in_dim3A_533] : memref<64x128xf32, #tpu.memory_space<vmem>>[vector<16xi32>, vector<16xi32>], vector<16xf32>,
      %swap3A_539 = arith.index_cast %add3A_537 : i32 to index
      %swap3A_540 = arith.constant 0 : index
      %swap3A_541 = tpu.vector_load %arg15[%swap3A_539, %swap3A_540] {strides = array<i32>} : memref<128x128xf32, #tpu.memory_space<vmem>>, vector<16xf32>,
      tpu.vector_store %arg15[%swap3A_539, %swap3A_540], %gather3A_538 {strides = array<i32>} : memref<128x128xf32, #tpu.memory_space<vmem>>, vector<16xf32>,
      %gather3A_542 = tpu.vector_load_idx %arg6[%add3A_99, %broadcast_in_dim3A_533] : memref<64x128xf32, #tpu.memory_space<vmem>>[vector<16xi32>, vector<16xi32>], vector<16xf32>,
      %swap3A_543 = arith.index_cast %add3A_537 : i32 to index
      %swap3A_544 = arith.constant 16 : index
      %swap3A_545 = tpu.vector_load %arg15[%swap3A_543, %swap3A_544] {strides = array<i32>} : memref<128x128xf32, #tpu.memory_space<vmem>>, vector<16xf32>,
      tpu.vector_store %arg15[%swap3A_543, %swap3A_544], %gather3A_542 {strides = array<i32>} : memref<128x128xf32, #tpu.memory_space<vmem>>, vector<16xf32>,
      %gather3A_546 = tpu.vector_load_idx %arg6[%add3A_103, %broadcast_in_dim3A_533] : memref<64x128xf32, #tpu.memory_space<vmem>>[vector<16xi32>, vector<16xi32>], vector<16xf32>,
      %swap3A_547 = arith.index_cast %add3A_537 : i32 to index
      %swap3A_548 = arith.constant 32 : index
      %swap3A_549 = tpu.vector_load %arg15[%swap3A_547, %swap3A_548] {strides = array<i32>} : memref<128x128xf32, #tpu.memory_space<vmem>>, vector<16xf32>,
      tpu.vector_store %arg15[%swap3A_547, %swap3A_548], %gather3A_546 {strides = array<i32>} : memref<128x128xf32, #tpu.memory_space<vmem>>, vector<16xf32>,
      %gather3A_550 = tpu.vector_load_idx %arg6[%add3A_107, %broadcast_in_dim3A_533] : memref<64x128xf32, #tpu.memory_space<vmem>>[vector<16xi32>, vector<16xi32>], vector<16xf32>,
      %swap3A_551 = arith.index_cast %add3A_537 : i32 to index
      %swap3A_552 = arith.constant 48 : index
      %swap3A_553 = tpu.vector_load %arg15[%swap3A_551, %swap3A_552] {strides = array<i32>} : memref<128x128xf32, #tpu.memory_space<vmem>>, vector<16xf32>,
      tpu.vector_store %arg15[%swap3A_551, %swap3A_552], %gather3A_550 {strides = array<i32>} : memref<128x128xf32, #tpu.memory_space<vmem>>, vector<16xf32>,
      %slice3A_554 = vector.extract_strided_slice %get3A_189 {offsets = [0], sizes = [1], strides = [1]} : vector<16xi32> to vector<1xi32>
      %squeeze3A_555 = vector.extract %slice3A_554[0] : i32 from vector<1xi32>
      %shift_right_arithmetic3A_556 = arith.constant 7 : i32
      %shift_right_arithmetic3A_557 = arith.shrsi %squeeze3A_555, %shift_right_arithmetic3A_556 : i32
      %mul3A_558 = arith.constant 128 : i32
      %mul3A_559 = arith.muli %shift_right_arithmetic3A_557, %mul3A_558 : i32
      %multiple_of3A_560 = tpu.assume_multiple %mul3A_559, 128 : i32
      %dma_start3A_561 = arith.constant 0 : i32
      %dma_start3A_562 = tpu.memref_slice %arg3[%dma_start3A_561, %multiple_of3A_560] : memref<64x1000000xf32, #tpu.memory_space<hbm>> -> memref<64x128xf32, #tpu.memory_space<hbm>>
      %dma_start3A_563 = arith.constant 0 : i32
      %dma_start3A_564 = tpu.memref_slice %arg3[%dma_start3A_563, %multiple_of3A_560] : memref<64x1000000xf32, #tpu.memory_space<hbm>> -> memref<64x128xf32, #tpu.memory_space<hbm>>
      tpu.enqueue_dma source(%dma_start3A_564 : memref<64x128xf32, #tpu.memory_space<hbm>>) target(%arg6 : memref<64x128xf32, #tpu.memory_space<vmem>>) target_semaphore(%arg16 : memref<!tpu.dma_semaphore, #tpu.memory_space<semaphore_mem>>)
      %dma_wait3A_565 = arith.constant 0 : i32
      %dma_wait3A_566 = arith.constant 0 : i32
      %dma_wait3A_567 = tpu.memref_slice %arg3[%dma_wait3A_565, %dma_wait3A_566] : memref<64x1000000xf32, #tpu.memory_space<hbm>> -> memref<64x128xf32, #tpu.memory_space<hbm>>
      %dma_wait3A_568 = arith.constant 0 : i32
      %dma_wait3A_569 = arith.constant 0 : i32
      %dma_wait3A_570 = tpu.memref_slice %arg3[%dma_wait3A_568, %dma_wait3A_569] : memref<64x1000000xf32, #tpu.memory_space<hbm>> -> memref<64x128xf32, #tpu.memory_space<hbm>>
      tpu.wait_dma2 semaphore(%arg17 : memref<!tpu.dma_semaphore, #tpu.memory_space<semaphore_mem>>) src(%dma_wait3A_570 : memref<64x128xf32, #tpu.memory_space<hbm>>) dst(%arg7 : memref<64x128xf32, #tpu.memory_space<vmem>>)
      %slice3A_571 = vector.extract_strided_slice %get3A_185 {offsets = [9], sizes = [1], strides = [1]} : vector<16xi32> to vector<1xi32>
      %squeeze3A_572 = vector.extract %slice3A_571[0] : i32 from vector<1xi32>
      %and3A_573 = arith.constant 127 : i32
      %and3A_574 = arith.andi %squeeze3A_572, %and3A_573 : i32
      %broadcast_in_dim3A_575 = vector.broadcast %and3A_574 : i32 to vector<16xi32>
      %mul3A_576 = arith.constant 16 : i32
      %mul3A_577 = arith.muli %scan3A_179, %mul3A_576 : i32
      %add3A_578 = arith.constant 9 : i32
      %add3A_579 = arith.addi %mul3A_577, %add3A_578 : i32
      %gather3A_580 = tpu.vector_load_idx %arg7[%add3A_95, %broadcast_in_dim3A_575] : memref<64x128xf32, #tpu.memory_space<vmem>>[vector<16xi32>, vector<16xi32>], vector<16xf32>,
      %swap3A_581 = arith.index_cast %add3A_579 : i32 to index
      %swap3A_582 = arith.constant 0 : index
      %swap3A_583 = tpu.vector_load %arg15[%swap3A_581, %swap3A_582] {strides = array<i32>} : memref<128x128xf32, #tpu.memory_space<vmem>>, vector<16xf32>,
      tpu.vector_store %arg15[%swap3A_581, %swap3A_582], %gather3A_580 {strides = array<i32>} : memref<128x128xf32, #tpu.memory_space<vmem>>, vector<16xf32>,
      %gather3A_584 = tpu.vector_load_idx %arg7[%add3A_99, %broadcast_in_dim3A_575] : memref<64x128xf32, #tpu.memory_space<vmem>>[vector<16xi32>, vector<16xi32>], vector<16xf32>,
      %swap3A_585 = arith.index_cast %add3A_579 : i32 to index
      %swap3A_586 = arith.constant 16 : index
      %swap3A_587 = tpu.vector_load %arg15[%swap3A_585, %swap3A_586] {strides = array<i32>} : memref<128x128xf32, #tpu.memory_space<vmem>>, vector<16xf32>,
      tpu.vector_store %arg15[%swap3A_585, %swap3A_586], %gather3A_584 {strides = array<i32>} : memref<128x128xf32, #tpu.memory_space<vmem>>, vector<16xf32>,
      %gather3A_588 = tpu.vector_load_idx %arg7[%add3A_103, %broadcast_in_dim3A_575] : memref<64x128xf32, #tpu.memory_space<vmem>>[vector<16xi32>, vector<16xi32>], vector<16xf32>,
      %swap3A_589 = arith.index_cast %add3A_579 : i32 to index
      %swap3A_590 = arith.constant 32 : index
      %swap3A_591 = tpu.vector_load %arg15[%swap3A_589, %swap3A_590] {strides = array<i32>} : memref<128x128xf32, #tpu.memory_space<vmem>>, vector<16xf32>,
      tpu.vector_store %arg15[%swap3A_589, %swap3A_590], %gather3A_588 {strides = array<i32>} : memref<128x128xf32, #tpu.memory_space<vmem>>, vector<16xf32>,
      %gather3A_592 = tpu.vector_load_idx %arg7[%add3A_107, %broadcast_in_dim3A_575] : memref<64x128xf32, #tpu.memory_space<vmem>>[vector<16xi32>, vector<16xi32>], vector<16xf32>,
      %swap3A_593 = arith.index_cast %add3A_579 : i32 to index
      %swap3A_594 = arith.constant 48 : index
      %swap3A_595 = tpu.vector_load %arg15[%swap3A_593, %swap3A_594] {strides = array<i32>} : memref<128x128xf32, #tpu.memory_space<vmem>>, vector<16xf32>,
      tpu.vector_store %arg15[%swap3A_593, %swap3A_594], %gather3A_592 {strides = array<i32>} : memref<128x128xf32, #tpu.memory_space<vmem>>, vector<16xf32>,
      %slice3A_596 = vector.extract_strided_slice %get3A_189 {offsets = [1], sizes = [1], strides = [1]} : vector<16xi32> to vector<1xi32>
      %squeeze3A_597 = vector.extract %slice3A_596[0] : i32 from vector<1xi32>
      %shift_right_arithmetic3A_598 = arith.constant 7 : i32
      %shift_right_arithmetic3A_599 = arith.shrsi %squeeze3A_597, %shift_right_arithmetic3A_598 : i32
      %mul3A_600 = arith.constant 128 : i32
      %mul3A_601 = arith.muli %shift_right_arithmetic3A_599, %mul3A_600 : i32
      %multiple_of3A_602 = tpu.assume_multiple %mul3A_601, 128 : i32
      %dma_start3A_603 = arith.constant 0 : i32
      %dma_start3A_604 = tpu.memref_slice %arg3[%dma_start3A_603, %multiple_of3A_602] : memref<64x1000000xf32, #tpu.memory_space<hbm>> -> memref<64x128xf32, #tpu.memory_space<hbm>>
      %dma_start3A_605 = arith.constant 0 : i32
      %dma_start3A_606 = tpu.memref_slice %arg3[%dma_start3A_605, %multiple_of3A_602] : memref<64x1000000xf32, #tpu.memory_space<hbm>> -> memref<64x128xf32, #tpu.memory_space<hbm>>
      tpu.enqueue_dma source(%dma_start3A_606 : memref<64x128xf32, #tpu.memory_space<hbm>>) target(%arg7 : memref<64x128xf32, #tpu.memory_space<vmem>>) target_semaphore(%arg17 : memref<!tpu.dma_semaphore, #tpu.memory_space<semaphore_mem>>)
      %dma_wait3A_607 = arith.constant 0 : i32
      %dma_wait3A_608 = arith.constant 0 : i32
      %dma_wait3A_609 = tpu.memref_slice %arg3[%dma_wait3A_607, %dma_wait3A_608] : memref<64x1000000xf32, #tpu.memory_space<hbm>> -> memref<64x128xf32, #tpu.memory_space<hbm>>
      %dma_wait3A_610 = arith.constant 0 : i32
      %dma_wait3A_611 = arith.constant 0 : i32
      %dma_wait3A_612 = tpu.memref_slice %arg3[%dma_wait3A_610, %dma_wait3A_611] : memref<64x1000000xf32, #tpu.memory_space<hbm>> -> memref<64x128xf32, #tpu.memory_space<hbm>>
      tpu.wait_dma2 semaphore(%arg18 : memref<!tpu.dma_semaphore, #tpu.memory_space<semaphore_mem>>) src(%dma_wait3A_612 : memref<64x128xf32, #tpu.memory_space<hbm>>) dst(%arg8 : memref<64x128xf32, #tpu.memory_space<vmem>>)
      %slice3A_613 = vector.extract_strided_slice %get3A_185 {offsets = [10], sizes = [1], strides = [1]} : vector<16xi32> to vector<1xi32>
      %squeeze3A_614 = vector.extract %slice3A_613[0] : i32 from vector<1xi32>
      %and3A_615 = arith.constant 127 : i32
      %and3A_616 = arith.andi %squeeze3A_614, %and3A_615 : i32
      %broadcast_in_dim3A_617 = vector.broadcast %and3A_616 : i32 to vector<16xi32>
      %mul3A_618 = arith.constant 16 : i32
      %mul3A_619 = arith.muli %scan3A_179, %mul3A_618 : i32
      %add3A_620 = arith.constant 10 : i32
      %add3A_621 = arith.addi %mul3A_619, %add3A_620 : i32
      %gather3A_622 = tpu.vector_load_idx %arg8[%add3A_95, %broadcast_in_dim3A_617] : memref<64x128xf32, #tpu.memory_space<vmem>>[vector<16xi32>, vector<16xi32>], vector<16xf32>,
      %swap3A_623 = arith.index_cast %add3A_621 : i32 to index
      %swap3A_624 = arith.constant 0 : index
      %swap3A_625 = tpu.vector_load %arg15[%swap3A_623, %swap3A_624] {strides = array<i32>} : memref<128x128xf32, #tpu.memory_space<vmem>>, vector<16xf32>,
      tpu.vector_store %arg15[%swap3A_623, %swap3A_624], %gather3A_622 {strides = array<i32>} : memref<128x128xf32, #tpu.memory_space<vmem>>, vector<16xf32>,
      %gather3A_626 = tpu.vector_load_idx %arg8[%add3A_99, %broadcast_in_dim3A_617] : memref<64x128xf32, #tpu.memory_space<vmem>>[vector<16xi32>, vector<16xi32>], vector<16xf32>,
      %swap3A_627 = arith.index_cast %add3A_621 : i32 to index
      %swap3A_628 = arith.constant 16 : index
      %swap3A_629 = tpu.vector_load %arg15[%swap3A_627, %swap3A_628] {strides = array<i32>} : memref<128x128xf32, #tpu.memory_space<vmem>>, vector<16xf32>,
      tpu.vector_store %arg15[%swap3A_627, %swap3A_628], %gather3A_626 {strides = array<i32>} : memref<128x128xf32, #tpu.memory_space<vmem>>, vector<16xf32>,
      %gather3A_630 = tpu.vector_load_idx %arg8[%add3A_103, %broadcast_in_dim3A_617] : memref<64x128xf32, #tpu.memory_space<vmem>>[vector<16xi32>, vector<16xi32>], vector<16xf32>,
      %swap3A_631 = arith.index_cast %add3A_621 : i32 to index
      %swap3A_632 = arith.constant 32 : index
      %swap3A_633 = tpu.vector_load %arg15[%swap3A_631, %swap3A_632] {strides = array<i32>} : memref<128x128xf32, #tpu.memory_space<vmem>>, vector<16xf32>,
      tpu.vector_store %arg15[%swap3A_631, %swap3A_632], %gather3A_630 {strides = array<i32>} : memref<128x128xf32, #tpu.memory_space<vmem>>, vector<16xf32>,
      %gather3A_634 = tpu.vector_load_idx %arg8[%add3A_107, %broadcast_in_dim3A_617] : memref<64x128xf32, #tpu.memory_space<vmem>>[vector<16xi32>, vector<16xi32>], vector<16xf32>,
      %swap3A_635 = arith.index_cast %add3A_621 : i32 to index
      %swap3A_636 = arith.constant 48 : index
      %swap3A_637 = tpu.vector_load %arg15[%swap3A_635, %swap3A_636] {strides = array<i32>} : memref<128x128xf32, #tpu.memory_space<vmem>>, vector<16xf32>,
      tpu.vector_store %arg15[%swap3A_635, %swap3A_636], %gather3A_634 {strides = array<i32>} : memref<128x128xf32, #tpu.memory_space<vmem>>, vector<16xf32>,
      %slice3A_638 = vector.extract_strided_slice %get3A_189 {offsets = [2], sizes = [1], strides = [1]} : vector<16xi32> to vector<1xi32>
      %squeeze3A_639 = vector.extract %slice3A_638[0] : i32 from vector<1xi32>
      %shift_right_arithmetic3A_640 = arith.constant 7 : i32
      %shift_right_arithmetic3A_641 = arith.shrsi %squeeze3A_639, %shift_right_arithmetic3A_640 : i32
      %mul3A_642 = arith.constant 128 : i32
      %mul3A_643 = arith.muli %shift_right_arithmetic3A_641, %mul3A_642 : i32
      %multiple_of3A_644 = tpu.assume_multiple %mul3A_643, 128 : i32
      %dma_start3A_645 = arith.constant 0 : i32
      %dma_start3A_646 = tpu.memref_slice %arg3[%dma_start3A_645, %multiple_of3A_644] : memref<64x1000000xf32, #tpu.memory_space<hbm>> -> memref<64x128xf32, #tpu.memory_space<hbm>>
      %dma_start3A_647 = arith.constant 0 : i32
      %dma_start3A_648 = tpu.memref_slice %arg3[%dma_start3A_647, %multiple_of3A_644] : memref<64x1000000xf32, #tpu.memory_space<hbm>> -> memref<64x128xf32, #tpu.memory_space<hbm>>
      tpu.enqueue_dma source(%dma_start3A_648 : memref<64x128xf32, #tpu.memory_space<hbm>>) target(%arg8 : memref<64x128xf32, #tpu.memory_space<vmem>>) target_semaphore(%arg18 : memref<!tpu.dma_semaphore, #tpu.memory_space<semaphore_mem>>)
      %dma_wait3A_649 = arith.constant 0 : i32
      %dma_wait3A_650 = arith.constant 0 : i32
      %dma_wait3A_651 = tpu.memref_slice %arg3[%dma_wait3A_649, %dma_wait3A_650] : memref<64x1000000xf32, #tpu.memory_space<hbm>> -> memref<64x128xf32, #tpu.memory_space<hbm>>
      %dma_wait3A_652 = arith.constant 0 : i32
      %dma_wait3A_653 = arith.constant 0 : i32
      %dma_wait3A_654 = tpu.memref_slice %arg3[%dma_wait3A_652, %dma_wait3A_653] : memref<64x1000000xf32, #tpu.memory_space<hbm>> -> memref<64x128xf32, #tpu.memory_space<hbm>>
      tpu.wait_dma2 semaphore(%arg19 : memref<!tpu.dma_semaphore, #tpu.memory_space<semaphore_mem>>) src(%dma_wait3A_654 : memref<64x128xf32, #tpu.memory_space<hbm>>) dst(%arg9 : memref<64x128xf32, #tpu.memory_space<vmem>>)
      %slice3A_655 = vector.extract_strided_slice %get3A_185 {offsets = [11], sizes = [1], strides = [1]} : vector<16xi32> to vector<1xi32>
      %squeeze3A_656 = vector.extract %slice3A_655[0] : i32 from vector<1xi32>
      %and3A_657 = arith.constant 127 : i32
      %and3A_658 = arith.andi %squeeze3A_656, %and3A_657 : i32
      %broadcast_in_dim3A_659 = vector.broadcast %and3A_658 : i32 to vector<16xi32>
      %mul3A_660 = arith.constant 16 : i32
      %mul3A_661 = arith.muli %scan3A_179, %mul3A_660 : i32
      %add3A_662 = arith.constant 11 : i32
      %add3A_663 = arith.addi %mul3A_661, %add3A_662 : i32
      %gather3A_664 = tpu.vector_load_idx %arg9[%add3A_95, %broadcast_in_dim3A_659] : memref<64x128xf32, #tpu.memory_space<vmem>>[vector<16xi32>, vector<16xi32>], vector<16xf32>,
      %swap3A_665 = arith.index_cast %add3A_663 : i32 to index
      %swap3A_666 = arith.constant 0 : index
      %swap3A_667 = tpu.vector_load %arg15[%swap3A_665, %swap3A_666] {strides = array<i32>} : memref<128x128xf32, #tpu.memory_space<vmem>>, vector<16xf32>,
      tpu.vector_store %arg15[%swap3A_665, %swap3A_666], %gather3A_664 {strides = array<i32>} : memref<128x128xf32, #tpu.memory_space<vmem>>, vector<16xf32>,
      %gather3A_668 = tpu.vector_load_idx %arg9[%add3A_99, %broadcast_in_dim3A_659] : memref<64x128xf32, #tpu.memory_space<vmem>>[vector<16xi32>, vector<16xi32>], vector<16xf32>,
      %swap3A_669 = arith.index_cast %add3A_663 : i32 to index
      %swap3A_670 = arith.constant 16 : index
      %swap3A_671 = tpu.vector_load %arg15[%swap3A_669, %swap3A_670] {strides = array<i32>} : memref<128x128xf32, #tpu.memory_space<vmem>>, vector<16xf32>,
      tpu.vector_store %arg15[%swap3A_669, %swap3A_670], %gather3A_668 {strides = array<i32>} : memref<128x128xf32, #tpu.memory_space<vmem>>, vector<16xf32>,
      %gather3A_672 = tpu.vector_load_idx %arg9[%add3A_103, %broadcast_in_dim3A_659] : memref<64x128xf32, #tpu.memory_space<vmem>>[vector<16xi32>, vector<16xi32>], vector<16xf32>,
      %swap3A_673 = arith.index_cast %add3A_663 : i32 to index
      %swap3A_674 = arith.constant 32 : index
      %swap3A_675 = tpu.vector_load %arg15[%swap3A_673, %swap3A_674] {strides = array<i32>} : memref<128x128xf32, #tpu.memory_space<vmem>>, vector<16xf32>,
      tpu.vector_store %arg15[%swap3A_673, %swap3A_674], %gather3A_672 {strides = array<i32>} : memref<128x128xf32, #tpu.memory_space<vmem>>, vector<16xf32>,
      %gather3A_676 = tpu.vector_load_idx %arg9[%add3A_107, %broadcast_in_dim3A_659] : memref<64x128xf32, #tpu.memory_space<vmem>>[vector<16xi32>, vector<16xi32>], vector<16xf32>,
      %swap3A_677 = arith.index_cast %add3A_663 : i32 to index
      %swap3A_678 = arith.constant 48 : index
      %swap3A_679 = tpu.vector_load %arg15[%swap3A_677, %swap3A_678] {strides = array<i32>} : memref<128x128xf32, #tpu.memory_space<vmem>>, vector<16xf32>,
      tpu.vector_store %arg15[%swap3A_677, %swap3A_678], %gather3A_676 {strides = array<i32>} : memref<128x128xf32, #tpu.memory_space<vmem>>, vector<16xf32>,
      %slice3A_680 = vector.extract_strided_slice %get3A_189 {offsets = [3], sizes = [1], strides = [1]} : vector<16xi32> to vector<1xi32>
      %squeeze3A_681 = vector.extract %slice3A_680[0] : i32 from vector<1xi32>
      %shift_right_arithmetic3A_682 = arith.constant 7 : i32
      %shift_right_arithmetic3A_683 = arith.shrsi %squeeze3A_681, %shift_right_arithmetic3A_682 : i32
      %mul3A_684 = arith.constant 128 : i32
      %mul3A_685 = arith.muli %shift_right_arithmetic3A_683, %mul3A_684 : i32
      %multiple_of3A_686 = tpu.assume_multiple %mul3A_685, 128 : i32
      %dma_start3A_687 = arith.constant 0 : i32
      %dma_start3A_688 = tpu.memref_slice %arg3[%dma_start3A_687, %multiple_of3A_686] : memref<64x1000000xf32, #tpu.memory_space<hbm>> -> memref<64x128xf32, #tpu.memory_space<hbm>>
      %dma_start3A_689 = arith.constant 0 : i32
      %dma_start3A_690 = tpu.memref_slice %arg3[%dma_start3A_689, %multiple_of3A_686] : memref<64x1000000xf32, #tpu.memory_space<hbm>> -> memref<64x128xf32, #tpu.memory_space<hbm>>
      tpu.enqueue_dma source(%dma_start3A_690 : memref<64x128xf32, #tpu.memory_space<hbm>>) target(%arg9 : memref<64x128xf32, #tpu.memory_space<vmem>>) target_semaphore(%arg19 : memref<!tpu.dma_semaphore, #tpu.memory_space<semaphore_mem>>)
      %dma_wait3A_691 = arith.constant 0 : i32
      %dma_wait3A_692 = arith.constant 0 : i32
      %dma_wait3A_693 = tpu.memref_slice %arg3[%dma_wait3A_691, %dma_wait3A_692] : memref<64x1000000xf32, #tpu.memory_space<hbm>> -> memref<64x128xf32, #tpu.memory_space<hbm>>
      %dma_wait3A_694 = arith.constant 0 : i32
      %dma_wait3A_695 = arith.constant 0 : i32
      %dma_wait3A_696 = tpu.memref_slice %arg3[%dma_wait3A_694, %dma_wait3A_695] : memref<64x1000000xf32, #tpu.memory_space<hbm>> -> memref<64x128xf32, #tpu.memory_space<hbm>>
      tpu.wait_dma2 semaphore(%arg20 : memref<!tpu.dma_semaphore, #tpu.memory_space<semaphore_mem>>) src(%dma_wait3A_696 : memref<64x128xf32, #tpu.memory_space<hbm>>) dst(%arg10 : memref<64x128xf32, #tpu.memory_space<vmem>>)
      %slice3A_697 = vector.extract_strided_slice %get3A_185 {offsets = [12], sizes = [1], strides = [1]} : vector<16xi32> to vector<1xi32>
      %squeeze3A_698 = vector.extract %slice3A_697[0] : i32 from vector<1xi32>
      %and3A_699 = arith.constant 127 : i32
      %and3A_700 = arith.andi %squeeze3A_698, %and3A_699 : i32
      %broadcast_in_dim3A_701 = vector.broadcast %and3A_700 : i32 to vector<16xi32>
      %mul3A_702 = arith.constant 16 : i32
      %mul3A_703 = arith.muli %scan3A_179, %mul3A_702 : i32
      %add3A_704 = arith.constant 12 : i32
      %add3A_705 = arith.addi %mul3A_703, %add3A_704 : i32
      %gather3A_706 = tpu.vector_load_idx %arg10[%add3A_95, %broadcast_in_dim3A_701] : memref<64x128xf32, #tpu.memory_space<vmem>>[vector<16xi32>, vector<16xi32>], vector<16xf32>,
      %swap3A_707 = arith.index_cast %add3A_705 : i32 to index
      %swap3A_708 = arith.constant 0 : index
      %swap3A_709 = tpu.vector_load %arg15[%swap3A_707, %swap3A_708] {strides = array<i32>} : memref<128x128xf32, #tpu.memory_space<vmem>>, vector<16xf32>,
      tpu.vector_store %arg15[%swap3A_707, %swap3A_708], %gather3A_706 {strides = array<i32>} : memref<128x128xf32, #tpu.memory_space<vmem>>, vector<16xf32>,
      %gather3A_710 = tpu.vector_load_idx %arg10[%add3A_99, %broadcast_in_dim3A_701] : memref<64x128xf32, #tpu.memory_space<vmem>>[vector<16xi32>, vector<16xi32>], vector<16xf32>,
      %swap3A_711 = arith.index_cast %add3A_705 : i32 to index
      %swap3A_712 = arith.constant 16 : index
      %swap3A_713 = tpu.vector_load %arg15[%swap3A_711, %swap3A_712] {strides = array<i32>} : memref<128x128xf32, #tpu.memory_space<vmem>>, vector<16xf32>,
      tpu.vector_store %arg15[%swap3A_711, %swap3A_712], %gather3A_710 {strides = array<i32>} : memref<128x128xf32, #tpu.memory_space<vmem>>, vector<16xf32>,
      %gather3A_714 = tpu.vector_load_idx %arg10[%add3A_103, %broadcast_in_dim3A_701] : memref<64x128xf32, #tpu.memory_space<vmem>>[vector<16xi32>, vector<16xi32>], vector<16xf32>,
      %swap3A_715 = arith.index_cast %add3A_705 : i32 to index
      %swap3A_716 = arith.constant 32 : index
      %swap3A_717 = tpu.vector_load %arg15[%swap3A_715, %swap3A_716] {strides = array<i32>} : memref<128x128xf32, #tpu.memory_space<vmem>>, vector<16xf32>,
      tpu.vector_store %arg15[%swap3A_715, %swap3A_716], %gather3A_714 {strides = array<i32>} : memref<128x128xf32, #tpu.memory_space<vmem>>, vector<16xf32>,
      %gather3A_718 = tpu.vector_load_idx %arg10[%add3A_107, %broadcast_in_dim3A_701] : memref<64x128xf32, #tpu.memory_space<vmem>>[vector<16xi32>, vector<16xi32>], vector<16xf32>,
      %swap3A_719 = arith.index_cast %add3A_705 : i32 to index
      %swap3A_720 = arith.constant 48 : index
      %swap3A_721 = tpu.vector_load %arg15[%swap3A_719, %swap3A_720] {strides = array<i32>} : memref<128x128xf32, #tpu.memory_space<vmem>>, vector<16xf32>,
      tpu.vector_store %arg15[%swap3A_719, %swap3A_720], %gather3A_718 {strides = array<i32>} : memref<128x128xf32, #tpu.memory_space<vmem>>, vector<16xf32>,
      %slice3A_722 = vector.extract_strided_slice %get3A_189 {offsets = [4], sizes = [1], strides = [1]} : vector<16xi32> to vector<1xi32>
      %squeeze3A_723 = vector.extract %slice3A_722[0] : i32 from vector<1xi32>
      %shift_right_arithmetic3A_724 = arith.constant 7 : i32
      %shift_right_arithmetic3A_725 = arith.shrsi %squeeze3A_723, %shift_right_arithmetic3A_724 : i32
      %mul3A_726 = arith.constant 128 : i32
      %mul3A_727 = arith.muli %shift_right_arithmetic3A_725, %mul3A_726 : i32
      %multiple_of3A_728 = tpu.assume_multiple %mul3A_727, 128 : i32
      %dma_start3A_729 = arith.constant 0 : i32
      %dma_start3A_730 = tpu.memref_slice %arg3[%dma_start3A_729, %multiple_of3A_728] : memref<64x1000000xf32, #tpu.memory_space<hbm>> -> memref<64x128xf32, #tpu.memory_space<hbm>>
      %dma_start3A_731 = arith.constant 0 : i32
      %dma_start3A_732 = tpu.memref_slice %arg3[%dma_start3A_731, %multiple_of3A_728] : memref<64x1000000xf32, #tpu.memory_space<hbm>> -> memref<64x128xf32, #tpu.memory_space<hbm>>
      tpu.enqueue_dma source(%dma_start3A_732 : memref<64x128xf32, #tpu.memory_space<hbm>>) target(%arg10 : memref<64x128xf32, #tpu.memory_space<vmem>>) target_semaphore(%arg20 : memref<!tpu.dma_semaphore, #tpu.memory_space<semaphore_mem>>)
      %dma_wait3A_733 = arith.constant 0 : i32
      %dma_wait3A_734 = arith.constant 0 : i32
      %dma_wait3A_735 = tpu.memref_slice %arg3[%dma_wait3A_733, %dma_wait3A_734] : memref<64x1000000xf32, #tpu.memory_space<hbm>> -> memref<64x128xf32, #tpu.memory_space<hbm>>
      %dma_wait3A_736 = arith.constant 0 : i32
      %dma_wait3A_737 = arith.constant 0 : i32
      %dma_wait3A_738 = tpu.memref_slice %arg3[%dma_wait3A_736, %dma_wait3A_737] : memref<64x1000000xf32, #tpu.memory_space<hbm>> -> memref<64x128xf32, #tpu.memory_space<hbm>>
      tpu.wait_dma2 semaphore(%arg21 : memref<!tpu.dma_semaphore, #tpu.memory_space<semaphore_mem>>) src(%dma_wait3A_738 : memref<64x128xf32, #tpu.memory_space<hbm>>) dst(%arg11 : memref<64x128xf32, #tpu.memory_space<vmem>>)
      %slice3A_739 = vector.extract_strided_slice %get3A_185 {offsets = [13], sizes = [1], strides = [1]} : vector<16xi32> to vector<1xi32>
      %squeeze3A_740 = vector.extract %slice3A_739[0] : i32 from vector<1xi32>
      %and3A_741 = arith.constant 127 : i32
      %and3A_742 = arith.andi %squeeze3A_740, %and3A_741 : i32
      %broadcast_in_dim3A_743 = vector.broadcast %and3A_742 : i32 to vector<16xi32>
      %mul3A_744 = arith.constant 16 : i32
      %mul3A_745 = arith.muli %scan3A_179, %mul3A_744 : i32
      %add3A_746 = arith.constant 13 : i32
      %add3A_747 = arith.addi %mul3A_745, %add3A_746 : i32
      %gather3A_748 = tpu.vector_load_idx %arg11[%add3A_95, %broadcast_in_dim3A_743] : memref<64x128xf32, #tpu.memory_space<vmem>>[vector<16xi32>, vector<16xi32>], vector<16xf32>,
      %swap3A_749 = arith.index_cast %add3A_747 : i32 to index
      %swap3A_750 = arith.constant 0 : index
      %swap3A_751 = tpu.vector_load %arg15[%swap3A_749, %swap3A_750] {strides = array<i32>} : memref<128x128xf32, #tpu.memory_space<vmem>>, vector<16xf32>,
      tpu.vector_store %arg15[%swap3A_749, %swap3A_750], %gather3A_748 {strides = array<i32>} : memref<128x128xf32, #tpu.memory_space<vmem>>, vector<16xf32>,
      %gather3A_752 = tpu.vector_load_idx %arg11[%add3A_99, %broadcast_in_dim3A_743] : memref<64x128xf32, #tpu.memory_space<vmem>>[vector<16xi32>, vector<16xi32>], vector<16xf32>,
      %swap3A_753 = arith.index_cast %add3A_747 : i32 to index
      %swap3A_754 = arith.constant 16 : index
      %swap3A_755 = tpu.vector_load %arg15[%swap3A_753, %swap3A_754] {strides = array<i32>} : memref<128x128xf32, #tpu.memory_space<vmem>>, vector<16xf32>,
      tpu.vector_store %arg15[%swap3A_753, %swap3A_754], %gather3A_752 {strides = array<i32>} : memref<128x128xf32, #tpu.memory_space<vmem>>, vector<16xf32>,
      %gather3A_756 = tpu.vector_load_idx %arg11[%add3A_103, %broadcast_in_dim3A_743] : memref<64x128xf32, #tpu.memory_space<vmem>>[vector<16xi32>, vector<16xi32>], vector<16xf32>,
      %swap3A_757 = arith.index_cast %add3A_747 : i32 to index
      %swap3A_758 = arith.constant 32 : index
      %swap3A_759 = tpu.vector_load %arg15[%swap3A_757, %swap3A_758] {strides = array<i32>} : memref<128x128xf32, #tpu.memory_space<vmem>>, vector<16xf32>,
      tpu.vector_store %arg15[%swap3A_757, %swap3A_758], %gather3A_756 {strides = array<i32>} : memref<128x128xf32, #tpu.memory_space<vmem>>, vector<16xf32>,
      %gather3A_760 = tpu.vector_load_idx %arg11[%add3A_107, %broadcast_in_dim3A_743] : memref<64x128xf32, #tpu.memory_space<vmem>>[vector<16xi32>, vector<16xi32>], vector<16xf32>,
      %swap3A_761 = arith.index_cast %add3A_747 : i32 to index
      %swap3A_762 = arith.constant 48 : index
      %swap3A_763 = tpu.vector_load %arg15[%swap3A_761, %swap3A_762] {strides = array<i32>} : memref<128x128xf32, #tpu.memory_space<vmem>>, vector<16xf32>,
      tpu.vector_store %arg15[%swap3A_761, %swap3A_762], %gather3A_760 {strides = array<i32>} : memref<128x128xf32, #tpu.memory_space<vmem>>, vector<16xf32>,
      %slice3A_764 = vector.extract_strided_slice %get3A_189 {offsets = [5], sizes = [1], strides = [1]} : vector<16xi32> to vector<1xi32>
      %squeeze3A_765 = vector.extract %slice3A_764[0] : i32 from vector<1xi32>
      %shift_right_arithmetic3A_766 = arith.constant 7 : i32
      %shift_right_arithmetic3A_767 = arith.shrsi %squeeze3A_765, %shift_right_arithmetic3A_766 : i32
      %mul3A_768 = arith.constant 128 : i32
      %mul3A_769 = arith.muli %shift_right_arithmetic3A_767, %mul3A_768 : i32
      %multiple_of3A_770 = tpu.assume_multiple %mul3A_769, 128 : i32
      %dma_start3A_771 = arith.constant 0 : i32
      %dma_start3A_772 = tpu.memref_slice %arg3[%dma_start3A_771, %multiple_of3A_770] : memref<64x1000000xf32, #tpu.memory_space<hbm>> -> memref<64x128xf32, #tpu.memory_space<hbm>>
      %dma_start3A_773 = arith.constant 0 : i32
      %dma_start3A_774 = tpu.memref_slice %arg3[%dma_start3A_773, %multiple_of3A_770] : memref<64x1000000xf32, #tpu.memory_space<hbm>> -> memref<64x128xf32, #tpu.memory_space<hbm>>
      tpu.enqueue_dma source(%dma_start3A_774 : memref<64x128xf32, #tpu.memory_space<hbm>>) target(%arg11 : memref<64x128xf32, #tpu.memory_space<vmem>>) target_semaphore(%arg21 : memref<!tpu.dma_semaphore, #tpu.memory_space<semaphore_mem>>)
      %dma_wait3A_775 = arith.constant 0 : i32
      %dma_wait3A_776 = arith.constant 0 : i32
      %dma_wait3A_777 = tpu.memref_slice %arg3[%dma_wait3A_775, %dma_wait3A_776] : memref<64x1000000xf32, #tpu.memory_space<hbm>> -> memref<64x128xf32, #tpu.memory_space<hbm>>
      %dma_wait3A_778 = arith.constant 0 : i32
      %dma_wait3A_779 = arith.constant 0 : i32
      %dma_wait3A_780 = tpu.memref_slice %arg3[%dma_wait3A_778, %dma_wait3A_779] : memref<64x1000000xf32, #tpu.memory_space<hbm>> -> memref<64x128xf32, #tpu.memory_space<hbm>>
      tpu.wait_dma2 semaphore(%arg22 : memref<!tpu.dma_semaphore, #tpu.memory_space<semaphore_mem>>) src(%dma_wait3A_780 : memref<64x128xf32, #tpu.memory_space<hbm>>) dst(%arg12 : memref<64x128xf32, #tpu.memory_space<vmem>>)
      %slice3A_781 = vector.extract_strided_slice %get3A_185 {offsets = [14], sizes = [1], strides = [1]} : vector<16xi32> to vector<1xi32>
      %squeeze3A_782 = vector.extract %slice3A_781[0] : i32 from vector<1xi32>
      %and3A_783 = arith.constant 127 : i32
      %and3A_784 = arith.andi %squeeze3A_782, %and3A_783 : i32
      %broadcast_in_dim3A_785 = vector.broadcast %and3A_784 : i32 to vector<16xi32>
      %mul3A_786 = arith.constant 16 : i32
      %mul3A_787 = arith.muli %scan3A_179, %mul3A_786 : i32
      %add3A_788 = arith.constant 14 : i32
      %add3A_789 = arith.addi %mul3A_787, %add3A_788 : i32
      %gather3A_790 = tpu.vector_load_idx %arg12[%add3A_95, %broadcast_in_dim3A_785] : memref<64x128xf32, #tpu.memory_space<vmem>>[vector<16xi32>, vector<16xi32>], vector<16xf32>,
      %swap3A_791 = arith.index_cast %add3A_789 : i32 to index
      %swap3A_792 = arith.constant 0 : index
      %swap3A_793 = tpu.vector_load %arg15[%swap3A_791, %swap3A_792] {strides = array<i32>} : memref<128x128xf32, #tpu.memory_space<vmem>>, vector<16xf32>,
      tpu.vector_store %arg15[%swap3A_791, %swap3A_792], %gather3A_790 {strides = array<i32>} : memref<128x128xf32, #tpu.memory_space<vmem>>, vector<16xf32>,
      %gather3A_794 = tpu.vector_load_idx %arg12[%add3A_99, %broadcast_in_dim3A_785] : memref<64x128xf32, #tpu.memory_space<vmem>>[vector<16xi32>, vector<16xi32>], vector<16xf32>,
      %swap3A_795 = arith.index_cast %add3A_789 : i32 to index
      %swap3A_796 = arith.constant 16 : index
      %swap3A_797 = tpu.vector_load %arg15[%swap3A_795, %swap3A_796] {strides = array<i32>} : memref<128x128xf32, #tpu.memory_space<vmem>>, vector<16xf32>,
      tpu.vector_store %arg15[%swap3A_795, %swap3A_796], %gather3A_794 {strides = array<i32>} : memref<128x128xf32, #tpu.memory_space<vmem>>, vector<16xf32>,
      %gather3A_798 = tpu.vector_load_idx %arg12[%add3A_103, %broadcast_in_dim3A_785] : memref<64x128xf32, #tpu.memory_space<vmem>>[vector<16xi32>, vector<16xi32>], vector<16xf32>,
      %swap3A_799 = arith.index_cast %add3A_789 : i32 to index
      %swap3A_800 = arith.constant 32 : index
      %swap3A_801 = tpu.vector_load %arg15[%swap3A_799, %swap3A_800] {strides = array<i32>} : memref<128x128xf32, #tpu.memory_space<vmem>>, vector<16xf32>,
      tpu.vector_store %arg15[%swap3A_799, %swap3A_800], %gather3A_798 {strides = array<i32>} : memref<128x128xf32, #tpu.memory_space<vmem>>, vector<16xf32>,
      %gather3A_802 = tpu.vector_load_idx %arg12[%add3A_107, %broadcast_in_dim3A_785] : memref<64x128xf32, #tpu.memory_space<vmem>>[vector<16xi32>, vector<16xi32>], vector<16xf32>,
      %swap3A_803 = arith.index_cast %add3A_789 : i32 to index
      %swap3A_804 = arith.constant 48 : index
      %swap3A_805 = tpu.vector_load %arg15[%swap3A_803, %swap3A_804] {strides = array<i32>} : memref<128x128xf32, #tpu.memory_space<vmem>>, vector<16xf32>,
      tpu.vector_store %arg15[%swap3A_803, %swap3A_804], %gather3A_802 {strides = array<i32>} : memref<128x128xf32, #tpu.memory_space<vmem>>, vector<16xf32>,
      %slice3A_806 = vector.extract_strided_slice %get3A_189 {offsets = [6], sizes = [1], strides = [1]} : vector<16xi32> to vector<1xi32>
      %squeeze3A_807 = vector.extract %slice3A_806[0] : i32 from vector<1xi32>
      %shift_right_arithmetic3A_808 = arith.constant 7 : i32
      %shift_right_arithmetic3A_809 = arith.shrsi %squeeze3A_807, %shift_right_arithmetic3A_808 : i32
      %mul3A_810 = arith.constant 128 : i32
      %mul3A_811 = arith.muli %shift_right_arithmetic3A_809, %mul3A_810 : i32
      %multiple_of3A_812 = tpu.assume_multiple %mul3A_811, 128 : i32
      %dma_start3A_813 = arith.constant 0 : i32
      %dma_start3A_814 = tpu.memref_slice %arg3[%dma_start3A_813, %multiple_of3A_812] : memref<64x1000000xf32, #tpu.memory_space<hbm>> -> memref<64x128xf32, #tpu.memory_space<hbm>>
      %dma_start3A_815 = arith.constant 0 : i32
      %dma_start3A_816 = tpu.memref_slice %arg3[%dma_start3A_815, %multiple_of3A_812] : memref<64x1000000xf32, #tpu.memory_space<hbm>> -> memref<64x128xf32, #tpu.memory_space<hbm>>
      tpu.enqueue_dma source(%dma_start3A_816 : memref<64x128xf32, #tpu.memory_space<hbm>>) target(%arg12 : memref<64x128xf32, #tpu.memory_space<vmem>>) target_semaphore(%arg22 : memref<!tpu.dma_semaphore, #tpu.memory_space<semaphore_mem>>)
      %dma_wait3A_817 = arith.constant 0 : i32
      %dma_wait3A_818 = arith.constant 0 : i32
      %dma_wait3A_819 = tpu.memref_slice %arg3[%dma_wait3A_817, %dma_wait3A_818] : memref<64x1000000xf32, #tpu.memory_space<hbm>> -> memref<64x128xf32, #tpu.memory_space<hbm>>
      %dma_wait3A_820 = arith.constant 0 : i32
      %dma_wait3A_821 = arith.constant 0 : i32
      %dma_wait3A_822 = tpu.memref_slice %arg3[%dma_wait3A_820, %dma_wait3A_821] : memref<64x1000000xf32, #tpu.memory_space<hbm>> -> memref<64x128xf32, #tpu.memory_space<hbm>>
      tpu.wait_dma2 semaphore(%arg23 : memref<!tpu.dma_semaphore, #tpu.memory_space<semaphore_mem>>) src(%dma_wait3A_822 : memref<64x128xf32, #tpu.memory_space<hbm>>) dst(%arg13 : memref<64x128xf32, #tpu.memory_space<vmem>>)
      %slice3A_823 = vector.extract_strided_slice %get3A_185 {offsets = [15], sizes = [1], strides = [1]} : vector<16xi32> to vector<1xi32>
      %squeeze3A_824 = vector.extract %slice3A_823[0] : i32 from vector<1xi32>
      %and3A_825 = arith.constant 127 : i32
      %and3A_826 = arith.andi %squeeze3A_824, %and3A_825 : i32
      %broadcast_in_dim3A_827 = vector.broadcast %and3A_826 : i32 to vector<16xi32>
      %mul3A_828 = arith.constant 16 : i32
      %mul3A_829 = arith.muli %scan3A_179, %mul3A_828 : i32
      %add3A_830 = arith.constant 15 : i32
      %add3A_831 = arith.addi %mul3A_829, %add3A_830 : i32
      %gather3A_832 = tpu.vector_load_idx %arg13[%add3A_95, %broadcast_in_dim3A_827] : memref<64x128xf32, #tpu.memory_space<vmem>>[vector<16xi32>, vector<16xi32>], vector<16xf32>,
      %swap3A_833 = arith.index_cast %add3A_831 : i32 to index
      %swap3A_834 = arith.constant 0 : index
      %swap3A_835 = tpu.vector_load %arg15[%swap3A_833, %swap3A_834] {strides = array<i32>} : memref<128x128xf32, #tpu.memory_space<vmem>>, vector<16xf32>,
      tpu.vector_store %arg15[%swap3A_833, %swap3A_834], %gather3A_832 {strides = array<i32>} : memref<128x128xf32, #tpu.memory_space<vmem>>, vector<16xf32>,
      %gather3A_836 = tpu.vector_load_idx %arg13[%add3A_99, %broadcast_in_dim3A_827] : memref<64x128xf32, #tpu.memory_space<vmem>>[vector<16xi32>, vector<16xi32>], vector<16xf32>,
      %swap3A_837 = arith.index_cast %add3A_831 : i32 to index
      %swap3A_838 = arith.constant 16 : index
      %swap3A_839 = tpu.vector_load %arg15[%swap3A_837, %swap3A_838] {strides = array<i32>} : memref<128x128xf32, #tpu.memory_space<vmem>>, vector<16xf32>,
      tpu.vector_store %arg15[%swap3A_837, %swap3A_838], %gather3A_836 {strides = array<i32>} : memref<128x128xf32, #tpu.memory_space<vmem>>, vector<16xf32>,
      %gather3A_840 = tpu.vector_load_idx %arg13[%add3A_103, %broadcast_in_dim3A_827] : memref<64x128xf32, #tpu.memory_space<vmem>>[vector<16xi32>, vector<16xi32>], vector<16xf32>,
      %swap3A_841 = arith.index_cast %add3A_831 : i32 to index
      %swap3A_842 = arith.constant 32 : index
      %swap3A_843 = tpu.vector_load %arg15[%swap3A_841, %swap3A_842] {strides = array<i32>} : memref<128x128xf32, #tpu.memory_space<vmem>>, vector<16xf32>,
      tpu.vector_store %arg15[%swap3A_841, %swap3A_842], %gather3A_840 {strides = array<i32>} : memref<128x128xf32, #tpu.memory_space<vmem>>, vector<16xf32>,
      %gather3A_844 = tpu.vector_load_idx %arg13[%add3A_107, %broadcast_in_dim3A_827] : memref<64x128xf32, #tpu.memory_space<vmem>>[vector<16xi32>, vector<16xi32>], vector<16xf32>,
      %swap3A_845 = arith.index_cast %add3A_831 : i32 to index
      %swap3A_846 = arith.constant 48 : index
      %swap3A_847 = tpu.vector_load %arg15[%swap3A_845, %swap3A_846] {strides = array<i32>} : memref<128x128xf32, #tpu.memory_space<vmem>>, vector<16xf32>,
      tpu.vector_store %arg15[%swap3A_845, %swap3A_846], %gather3A_844 {strides = array<i32>} : memref<128x128xf32, #tpu.memory_space<vmem>>, vector<16xf32>,
      %slice3A_848 = vector.extract_strided_slice %get3A_189 {offsets = [7], sizes = [1], strides = [1]} : vector<16xi32> to vector<1xi32>
      %squeeze3A_849 = vector.extract %slice3A_848[0] : i32 from vector<1xi32>
      %shift_right_arithmetic3A_850 = arith.constant 7 : i32
      %shift_right_arithmetic3A_851 = arith.shrsi %squeeze3A_849, %shift_right_arithmetic3A_850 : i32
      %mul3A_852 = arith.constant 128 : i32
      %mul3A_853 = arith.muli %shift_right_arithmetic3A_851, %mul3A_852 : i32
      %multiple_of3A_854 = tpu.assume_multiple %mul3A_853, 128 : i32
      %dma_start3A_855 = arith.constant 0 : i32
      %dma_start3A_856 = tpu.memref_slice %arg3[%dma_start3A_855, %multiple_of3A_854] : memref<64x1000000xf32, #tpu.memory_space<hbm>> -> memref<64x128xf32, #tpu.memory_space<hbm>>
      %dma_start3A_857 = arith.constant 0 : i32
      %dma_start3A_858 = tpu.memref_slice %arg3[%dma_start3A_857, %multiple_of3A_854] : memref<64x1000000xf32, #tpu.memory_space<hbm>> -> memref<64x128xf32, #tpu.memory_space<hbm>>
      tpu.enqueue_dma source(%dma_start3A_858 : memref<64x128xf32, #tpu.memory_space<hbm>>) target(%arg13 : memref<64x128xf32, #tpu.memory_space<vmem>>) target_semaphore(%arg23 : memref<!tpu.dma_semaphore, #tpu.memory_space<semaphore_mem>>)
    }
    %scan3A_125 = arith.constant 8 : i32
    %add3A_126 = arith.constant 128 : i32
    %add3A_127 = arith.addi %mul3A_2, %add3A_126 : i32
    %dma_start3A_128 = arith.constant 0 : i32
    %dma_start3A_129 = tpu.memref_slice %arg4[%add3A_127, %dma_start3A_128] : memref<16384x128xf32, #tpu.memory_space<hbm>> -> memref<128x128xf32, #tpu.memory_space<hbm>>
    %dma_start3A_130 = arith.constant 0 : i32
    %dma_start3A_131 = tpu.memref_slice %arg4[%add3A_127, %dma_start3A_130] : memref<16384x128xf32, #tpu.memory_space<hbm>> -> memref<128x128xf32, #tpu.memory_space<hbm>>
    tpu.enqueue_dma source(%arg15 : memref<128x128xf32, #tpu.memory_space<vmem>>) target(%dma_start3A_131 : memref<128x128xf32, #tpu.memory_space<hbm>>) target_semaphore(%arg25 : memref<!tpu.dma_semaphore, #tpu.memory_space<semaphore_mem>>)
    %add3A_132 = arith.constant 0 : i32
    %add3A_133 = arith.addi %mul3A_2, %add3A_132 : i32
    %dma_wait3A = arith.constant 0 : i32
    %dma_wait3A_134 = tpu.memref_slice %arg4[%add3A_133, %dma_wait3A] : memref<16384x128xf32, #tpu.memory_space<hbm>> -> memref<128x128xf32, #tpu.memory_space<hbm>>
    %dma_wait3A_135 = arith.constant 0 : i32
    %dma_wait3A_136 = tpu.memref_slice %arg4[%add3A_133, %dma_wait3A_135] : memref<16384x128xf32, #tpu.memory_space<hbm>> -> memref<128x128xf32, #tpu.memory_space<hbm>>
    tpu.wait_dma2 semaphore(%arg24 : memref<!tpu.dma_semaphore, #tpu.memory_space<semaphore_mem>>) src(%arg14 : memref<128x128xf32, #tpu.memory_space<vmem>>) dst(%dma_wait3A_136 : memref<128x128xf32, #tpu.memory_space<hbm>>)
    %scan3A_137 = arith.constant 0 : i32
    %scan3A_138 = arith.constant 0 : i32
    %scan3A_139 = arith.constant 8 : i32
    %scan3A_140 = arith.addi %scan3A_138, %scan3A_139 : i32
    %scan3A_141 = arith.constant 1 : i32
    scf.for %scan3A_179 = %scan3A_138 to %scan3A_140 step %scan3A_141  : i32 {
      %mul3A_180 = arith.constant 16 : i32
      %mul3A_181 = arith.muli %scan3A_179, %mul3A_180 : i32
      %add3A_182 = arith.constant 256 : i32
      %add3A_183 = arith.addi %add3A_182, %mul3A_181 : i32
      %get3A_184 = arith.index_cast %add3A_183 : i32 to index
      %get3A_185 = tpu.vector_load %arg5[%get3A_184] {strides = array<i32>} : memref<544xi32, #tpu.memory_space<vmem>>, vector<16xi32>,
      %add3A_186 = arith.constant 16 : i32
      %add3A_187 = arith.addi %add3A_183, %add3A_186 : i32
      %get3A_188 = arith.index_cast %add3A_187 : i32 to index
      %get3A_189 = tpu.vector_load %arg5[%get3A_188] {strides = array<i32>} : memref<544xi32, #tpu.memory_space<vmem>>, vector<16xi32>,
      %dma_wait3A_190 = arith.constant 0 : i32
      %dma_wait3A_191 = arith.constant 0 : i32
      %dma_wait3A_192 = tpu.memref_slice %arg3[%dma_wait3A_190, %dma_wait3A_191] : memref<64x1000000xf32, #tpu.memory_space<hbm>> -> memref<64x128xf32, #tpu.memory_space<hbm>>
      %dma_wait3A_193 = arith.constant 0 : i32
      %dma_wait3A_194 = arith.constant 0 : i32
      %dma_wait3A_195 = tpu.memref_slice %arg3[%dma_wait3A_193, %dma_wait3A_194] : memref<64x1000000xf32, #tpu.memory_space<hbm>> -> memref<64x128xf32, #tpu.memory_space<hbm>>
      tpu.wait_dma2 semaphore(%arg16 : memref<!tpu.dma_semaphore, #tpu.memory_space<semaphore_mem>>) src(%dma_wait3A_195 : memref<64x128xf32, #tpu.memory_space<hbm>>) dst(%arg6 : memref<64x128xf32, #tpu.memory_space<vmem>>)
      %slice3A_196 = vector.extract_strided_slice %get3A_185 {offsets = [0], sizes = [1], strides = [1]} : vector<16xi32> to vector<1xi32>
      %squeeze3A_197 = vector.extract %slice3A_196[0] : i32 from vector<1xi32>
      %and3A = arith.constant 127 : i32
      %and3A_198 = arith.andi %squeeze3A_197, %and3A : i32
      %broadcast_in_dim3A_199 = vector.broadcast %and3A_198 : i32 to vector<16xi32>
      %mul3A_200 = arith.constant 16 : i32
      %mul3A_201 = arith.muli %scan3A_179, %mul3A_200 : i32
      %add3A_202 = arith.constant 0 : i32
      %add3A_203 = arith.addi %mul3A_201, %add3A_202 : i32
      %gather3A = tpu.vector_load_idx %arg6[%add3A_95, %broadcast_in_dim3A_199] : memref<64x128xf32, #tpu.memory_space<vmem>>[vector<16xi32>, vector<16xi32>], vector<16xf32>,
      %swap3A = arith.index_cast %add3A_203 : i32 to index
      %swap3A_204 = arith.constant 0 : index
      %swap3A_205 = tpu.vector_load %arg14[%swap3A, %swap3A_204] {strides = array<i32>} : memref<128x128xf32, #tpu.memory_space<vmem>>, vector<16xf32>,
      tpu.vector_store %arg14[%swap3A, %swap3A_204], %gather3A {strides = array<i32>} : memref<128x128xf32, #tpu.memory_space<vmem>>, vector<16xf32>,
      %gather3A_206 = tpu.vector_load_idx %arg6[%add3A_99, %broadcast_in_dim3A_199] : memref<64x128xf32, #tpu.memory_space<vmem>>[vector<16xi32>, vector<16xi32>], vector<16xf32>,
      %swap3A_207 = arith.index_cast %add3A_203 : i32 to index
      %swap3A_208 = arith.constant 16 : index
      %swap3A_209 = tpu.vector_load %arg14[%swap3A_207, %swap3A_208] {strides = array<i32>} : memref<128x128xf32, #tpu.memory_space<vmem>>, vector<16xf32>,
      tpu.vector_store %arg14[%swap3A_207, %swap3A_208], %gather3A_206 {strides = array<i32>} : memref<128x128xf32, #tpu.memory_space<vmem>>, vector<16xf32>,
      %gather3A_210 = tpu.vector_load_idx %arg6[%add3A_103, %broadcast_in_dim3A_199] : memref<64x128xf32, #tpu.memory_space<vmem>>[vector<16xi32>, vector<16xi32>], vector<16xf32>,
      %swap3A_211 = arith.index_cast %add3A_203 : i32 to index
      %swap3A_212 = arith.constant 32 : index
      %swap3A_213 = tpu.vector_load %arg14[%swap3A_211, %swap3A_212] {strides = array<i32>} : memref<128x128xf32, #tpu.memory_space<vmem>>, vector<16xf32>,
      tpu.vector_store %arg14[%swap3A_211, %swap3A_212], %gather3A_210 {strides = array<i32>} : memref<128x128xf32, #tpu.memory_space<vmem>>, vector<16xf32>,
      %gather3A_214 = tpu.vector_load_idx %arg6[%add3A_107, %broadcast_in_dim3A_199] : memref<64x128xf32, #tpu.memory_space<vmem>>[vector<16xi32>, vector<16xi32>], vector<16xf32>,
      %swap3A_215 = arith.index_cast %add3A_203 : i32 to index
      %swap3A_216 = arith.constant 48 : index
      %swap3A_217 = tpu.vector_load %arg14[%swap3A_215, %swap3A_216] {strides = array<i32>} : memref<128x128xf32, #tpu.memory_space<vmem>>, vector<16xf32>,
      tpu.vector_store %arg14[%swap3A_215, %swap3A_216], %gather3A_214 {strides = array<i32>} : memref<128x128xf32, #tpu.memory_space<vmem>>, vector<16xf32>,
      %slice3A_218 = vector.extract_strided_slice %get3A_185 {offsets = [8], sizes = [1], strides = [1]} : vector<16xi32> to vector<1xi32>
      %squeeze3A_219 = vector.extract %slice3A_218[0] : i32 from vector<1xi32>
      %shift_right_arithmetic3A_220 = arith.constant 7 : i32
      %shift_right_arithmetic3A_221 = arith.shrsi %squeeze3A_219, %shift_right_arithmetic3A_220 : i32
      %mul3A_222 = arith.constant 128 : i32
      %mul3A_223 = arith.muli %shift_right_arithmetic3A_221, %mul3A_222 : i32
      %multiple_of3A_224 = tpu.assume_multiple %mul3A_223, 128 : i32
      %dma_start3A_225 = arith.constant 0 : i32
      %dma_start3A_226 = tpu.memref_slice %arg3[%dma_start3A_225, %multiple_of3A_224] : memref<64x1000000xf32, #tpu.memory_space<hbm>> -> memref<64x128xf32, #tpu.memory_space<hbm>>
      %dma_start3A_227 = arith.constant 0 : i32
      %dma_start3A_228 = tpu.memref_slice %arg3[%dma_start3A_227, %multiple_of3A_224] : memref<64x1000000xf32, #tpu.memory_space<hbm>> -> memref<64x128xf32, #tpu.memory_space<hbm>>
      tpu.enqueue_dma source(%dma_start3A_228 : memref<64x128xf32, #tpu.memory_space<hbm>>) target(%arg6 : memref<64x128xf32, #tpu.memory_space<vmem>>) target_semaphore(%arg16 : memref<!tpu.dma_semaphore, #tpu.memory_space<semaphore_mem>>)
      %dma_wait3A_229 = arith.constant 0 : i32
      %dma_wait3A_230 = arith.constant 0 : i32
      %dma_wait3A_231 = tpu.memref_slice %arg3[%dma_wait3A_229, %dma_wait3A_230] : memref<64x1000000xf32, #tpu.memory_space<hbm>> -> memref<64x128xf32, #tpu.memory_space<hbm>>
      %dma_wait3A_232 = arith.constant 0 : i32
      %dma_wait3A_233 = arith.constant 0 : i32
      %dma_wait3A_234 = tpu.memref_slice %arg3[%dma_wait3A_232, %dma_wait3A_233] : memref<64x1000000xf32, #tpu.memory_space<hbm>> -> memref<64x128xf32, #tpu.memory_space<hbm>>
      tpu.wait_dma2 semaphore(%arg17 : memref<!tpu.dma_semaphore, #tpu.memory_space<semaphore_mem>>) src(%dma_wait3A_234 : memref<64x128xf32, #tpu.memory_space<hbm>>) dst(%arg7 : memref<64x128xf32, #tpu.memory_space<vmem>>)
      %slice3A_235 = vector.extract_strided_slice %get3A_185 {offsets = [1], sizes = [1], strides = [1]} : vector<16xi32> to vector<1xi32>
      %squeeze3A_236 = vector.extract %slice3A_235[0] : i32 from vector<1xi32>
      %and3A_237 = arith.constant 127 : i32
      %and3A_238 = arith.andi %squeeze3A_236, %and3A_237 : i32
      %broadcast_in_dim3A_239 = vector.broadcast %and3A_238 : i32 to vector<16xi32>
      %mul3A_240 = arith.constant 16 : i32
      %mul3A_241 = arith.muli %scan3A_179, %mul3A_240 : i32
      %add3A_242 = arith.constant 1 : i32
      %add3A_243 = arith.addi %mul3A_241, %add3A_242 : i32
      %gather3A_244 = tpu.vector_load_idx %arg7[%add3A_95, %broadcast_in_dim3A_239] : memref<64x128xf32, #tpu.memory_space<vmem>>[vector<16xi32>, vector<16xi32>], vector<16xf32>,
      %swap3A_245 = arith.index_cast %add3A_243 : i32 to index
      %swap3A_246 = arith.constant 0 : index
      %swap3A_247 = tpu.vector_load %arg14[%swap3A_245, %swap3A_246] {strides = array<i32>} : memref<128x128xf32, #tpu.memory_space<vmem>>, vector<16xf32>,
      tpu.vector_store %arg14[%swap3A_245, %swap3A_246], %gather3A_244 {strides = array<i32>} : memref<128x128xf32, #tpu.memory_space<vmem>>, vector<16xf32>,
      %gather3A_248 = tpu.vector_load_idx %arg7[%add3A_99, %broadcast_in_dim3A_239] : memref<64x128xf32, #tpu.memory_space<vmem>>[vector<16xi32>, vector<16xi32>], vector<16xf32>,
      %swap3A_249 = arith.index_cast %add3A_243 : i32 to index
      %swap3A_250 = arith.constant 16 : index
      %swap3A_251 = tpu.vector_load %arg14[%swap3A_249, %swap3A_250] {strides = array<i32>} : memref<128x128xf32, #tpu.memory_space<vmem>>, vector<16xf32>,
      tpu.vector_store %arg14[%swap3A_249, %swap3A_250], %gather3A_248 {strides = array<i32>} : memref<128x128xf32, #tpu.memory_space<vmem>>, vector<16xf32>,
      %gather3A_252 = tpu.vector_load_idx %arg7[%add3A_103, %broadcast_in_dim3A_239] : memref<64x128xf32, #tpu.memory_space<vmem>>[vector<16xi32>, vector<16xi32>], vector<16xf32>,
      %swap3A_253 = arith.index_cast %add3A_243 : i32 to index
      %swap3A_254 = arith.constant 32 : index
      %swap3A_255 = tpu.vector_load %arg14[%swap3A_253, %swap3A_254] {strides = array<i32>} : memref<128x128xf32, #tpu.memory_space<vmem>>, vector<16xf32>,
      tpu.vector_store %arg14[%swap3A_253, %swap3A_254], %gather3A_252 {strides = array<i32>} : memref<128x128xf32, #tpu.memory_space<vmem>>, vector<16xf32>,
      %gather3A_256 = tpu.vector_load_idx %arg7[%add3A_107, %broadcast_in_dim3A_239] : memref<64x128xf32, #tpu.memory_space<vmem>>[vector<16xi32>, vector<16xi32>], vector<16xf32>,
      %swap3A_257 = arith.index_cast %add3A_243 : i32 to index
      %swap3A_258 = arith.constant 48 : index
      %swap3A_259 = tpu.vector_load %arg14[%swap3A_257, %swap3A_258] {strides = array<i32>} : memref<128x128xf32, #tpu.memory_space<vmem>>, vector<16xf32>,
      tpu.vector_store %arg14[%swap3A_257, %swap3A_258], %gather3A_256 {strides = array<i32>} : memref<128x128xf32, #tpu.memory_space<vmem>>, vector<16xf32>,
      %slice3A_260 = vector.extract_strided_slice %get3A_185 {offsets = [9], sizes = [1], strides = [1]} : vector<16xi32> to vector<1xi32>
      %squeeze3A_261 = vector.extract %slice3A_260[0] : i32 from vector<1xi32>
      %shift_right_arithmetic3A_262 = arith.constant 7 : i32
      %shift_right_arithmetic3A_263 = arith.shrsi %squeeze3A_261, %shift_right_arithmetic3A_262 : i32
      %mul3A_264 = arith.constant 128 : i32
      %mul3A_265 = arith.muli %shift_right_arithmetic3A_263, %mul3A_264 : i32
      %multiple_of3A_266 = tpu.assume_multiple %mul3A_265, 128 : i32
      %dma_start3A_267 = arith.constant 0 : i32
      %dma_start3A_268 = tpu.memref_slice %arg3[%dma_start3A_267, %multiple_of3A_266] : memref<64x1000000xf32, #tpu.memory_space<hbm>> -> memref<64x128xf32, #tpu.memory_space<hbm>>
      %dma_start3A_269 = arith.constant 0 : i32
      %dma_start3A_270 = tpu.memref_slice %arg3[%dma_start3A_269, %multiple_of3A_266] : memref<64x1000000xf32, #tpu.memory_space<hbm>> -> memref<64x128xf32, #tpu.memory_space<hbm>>
      tpu.enqueue_dma source(%dma_start3A_270 : memref<64x128xf32, #tpu.memory_space<hbm>>) target(%arg7 : memref<64x128xf32, #tpu.memory_space<vmem>>) target_semaphore(%arg17 : memref<!tpu.dma_semaphore, #tpu.memory_space<semaphore_mem>>)
      %dma_wait3A_271 = arith.constant 0 : i32
      %dma_wait3A_272 = arith.constant 0 : i32
      %dma_wait3A_273 = tpu.memref_slice %arg3[%dma_wait3A_271, %dma_wait3A_272] : memref<64x1000000xf32, #tpu.memory_space<hbm>> -> memref<64x128xf32, #tpu.memory_space<hbm>>
      %dma_wait3A_274 = arith.constant 0 : i32
      %dma_wait3A_275 = arith.constant 0 : i32
      %dma_wait3A_276 = tpu.memref_slice %arg3[%dma_wait3A_274, %dma_wait3A_275] : memref<64x1000000xf32, #tpu.memory_space<hbm>> -> memref<64x128xf32, #tpu.memory_space<hbm>>
      tpu.wait_dma2 semaphore(%arg18 : memref<!tpu.dma_semaphore, #tpu.memory_space<semaphore_mem>>) src(%dma_wait3A_276 : memref<64x128xf32, #tpu.memory_space<hbm>>) dst(%arg8 : memref<64x128xf32, #tpu.memory_space<vmem>>)
      %slice3A_277 = vector.extract_strided_slice %get3A_185 {offsets = [2], sizes = [1], strides = [1]} : vector<16xi32> to vector<1xi32>
      %squeeze3A_278 = vector.extract %slice3A_277[0] : i32 from vector<1xi32>
      %and3A_279 = arith.constant 127 : i32
      %and3A_280 = arith.andi %squeeze3A_278, %and3A_279 : i32
      %broadcast_in_dim3A_281 = vector.broadcast %and3A_280 : i32 to vector<16xi32>
      %mul3A_282 = arith.constant 16 : i32
      %mul3A_283 = arith.muli %scan3A_179, %mul3A_282 : i32
      %add3A_284 = arith.constant 2 : i32
      %add3A_285 = arith.addi %mul3A_283, %add3A_284 : i32
      %gather3A_286 = tpu.vector_load_idx %arg8[%add3A_95, %broadcast_in_dim3A_281] : memref<64x128xf32, #tpu.memory_space<vmem>>[vector<16xi32>, vector<16xi32>], vector<16xf32>,
      %swap3A_287 = arith.index_cast %add3A_285 : i32 to index
      %swap3A_288 = arith.constant 0 : index
      %swap3A_289 = tpu.vector_load %arg14[%swap3A_287, %swap3A_288] {strides = array<i32>} : memref<128x128xf32, #tpu.memory_space<vmem>>, vector<16xf32>,
      tpu.vector_store %arg14[%swap3A_287, %swap3A_288], %gather3A_286 {strides = array<i32>} : memref<128x128xf32, #tpu.memory_space<vmem>>, vector<16xf32>,
      %gather3A_290 = tpu.vector_load_idx %arg8[%add3A_99, %broadcast_in_dim3A_281] : memref<64x128xf32, #tpu.memory_space<vmem>>[vector<16xi32>, vector<16xi32>], vector<16xf32>,
      %swap3A_291 = arith.index_cast %add3A_285 : i32 to index
      %swap3A_292 = arith.constant 16 : index
      %swap3A_293 = tpu.vector_load %arg14[%swap3A_291, %swap3A_292] {strides = array<i32>} : memref<128x128xf32, #tpu.memory_space<vmem>>, vector<16xf32>,
      tpu.vector_store %arg14[%swap3A_291, %swap3A_292], %gather3A_290 {strides = array<i32>} : memref<128x128xf32, #tpu.memory_space<vmem>>, vector<16xf32>,
      %gather3A_294 = tpu.vector_load_idx %arg8[%add3A_103, %broadcast_in_dim3A_281] : memref<64x128xf32, #tpu.memory_space<vmem>>[vector<16xi32>, vector<16xi32>], vector<16xf32>,
      %swap3A_295 = arith.index_cast %add3A_285 : i32 to index
      %swap3A_296 = arith.constant 32 : index
      %swap3A_297 = tpu.vector_load %arg14[%swap3A_295, %swap3A_296] {strides = array<i32>} : memref<128x128xf32, #tpu.memory_space<vmem>>, vector<16xf32>,
      tpu.vector_store %arg14[%swap3A_295, %swap3A_296], %gather3A_294 {strides = array<i32>} : memref<128x128xf32, #tpu.memory_space<vmem>>, vector<16xf32>,
      %gather3A_298 = tpu.vector_load_idx %arg8[%add3A_107, %broadcast_in_dim3A_281] : memref<64x128xf32, #tpu.memory_space<vmem>>[vector<16xi32>, vector<16xi32>], vector<16xf32>,
      %swap3A_299 = arith.index_cast %add3A_285 : i32 to index
      %swap3A_300 = arith.constant 48 : index
      %swap3A_301 = tpu.vector_load %arg14[%swap3A_299, %swap3A_300] {strides = array<i32>} : memref<128x128xf32, #tpu.memory_space<vmem>>, vector<16xf32>,
      tpu.vector_store %arg14[%swap3A_299, %swap3A_300], %gather3A_298 {strides = array<i32>} : memref<128x128xf32, #tpu.memory_space<vmem>>, vector<16xf32>,
      %slice3A_302 = vector.extract_strided_slice %get3A_185 {offsets = [10], sizes = [1], strides = [1]} : vector<16xi32> to vector<1xi32>
      %squeeze3A_303 = vector.extract %slice3A_302[0] : i32 from vector<1xi32>
      %shift_right_arithmetic3A_304 = arith.constant 7 : i32
      %shift_right_arithmetic3A_305 = arith.shrsi %squeeze3A_303, %shift_right_arithmetic3A_304 : i32
      %mul3A_306 = arith.constant 128 : i32
      %mul3A_307 = arith.muli %shift_right_arithmetic3A_305, %mul3A_306 : i32
      %multiple_of3A_308 = tpu.assume_multiple %mul3A_307, 128 : i32
      %dma_start3A_309 = arith.constant 0 : i32
      %dma_start3A_310 = tpu.memref_slice %arg3[%dma_start3A_309, %multiple_of3A_308] : memref<64x1000000xf32, #tpu.memory_space<hbm>> -> memref<64x128xf32, #tpu.memory_space<hbm>>
      %dma_start3A_311 = arith.constant 0 : i32
      %dma_start3A_312 = tpu.memref_slice %arg3[%dma_start3A_311, %multiple_of3A_308] : memref<64x1000000xf32, #tpu.memory_space<hbm>> -> memref<64x128xf32, #tpu.memory_space<hbm>>
      tpu.enqueue_dma source(%dma_start3A_312 : memref<64x128xf32, #tpu.memory_space<hbm>>) target(%arg8 : memref<64x128xf32, #tpu.memory_space<vmem>>) target_semaphore(%arg18 : memref<!tpu.dma_semaphore, #tpu.memory_space<semaphore_mem>>)
      %dma_wait3A_313 = arith.constant 0 : i32
      %dma_wait3A_314 = arith.constant 0 : i32
      %dma_wait3A_315 = tpu.memref_slice %arg3[%dma_wait3A_313, %dma_wait3A_314] : memref<64x1000000xf32, #tpu.memory_space<hbm>> -> memref<64x128xf32, #tpu.memory_space<hbm>>
      %dma_wait3A_316 = arith.constant 0 : i32
      %dma_wait3A_317 = arith.constant 0 : i32
      %dma_wait3A_318 = tpu.memref_slice %arg3[%dma_wait3A_316, %dma_wait3A_317] : memref<64x1000000xf32, #tpu.memory_space<hbm>> -> memref<64x128xf32, #tpu.memory_space<hbm>>
      tpu.wait_dma2 semaphore(%arg19 : memref<!tpu.dma_semaphore, #tpu.memory_space<semaphore_mem>>) src(%dma_wait3A_318 : memref<64x128xf32, #tpu.memory_space<hbm>>) dst(%arg9 : memref<64x128xf32, #tpu.memory_space<vmem>>)
      %slice3A_319 = vector.extract_strided_slice %get3A_185 {offsets = [3], sizes = [1], strides = [1]} : vector<16xi32> to vector<1xi32>
      %squeeze3A_320 = vector.extract %slice3A_319[0] : i32 from vector<1xi32>
      %and3A_321 = arith.constant 127 : i32
      %and3A_322 = arith.andi %squeeze3A_320, %and3A_321 : i32
      %broadcast_in_dim3A_323 = vector.broadcast %and3A_322 : i32 to vector<16xi32>
      %mul3A_324 = arith.constant 16 : i32
      %mul3A_325 = arith.muli %scan3A_179, %mul3A_324 : i32
      %add3A_326 = arith.constant 3 : i32
      %add3A_327 = arith.addi %mul3A_325, %add3A_326 : i32
      %gather3A_328 = tpu.vector_load_idx %arg9[%add3A_95, %broadcast_in_dim3A_323] : memref<64x128xf32, #tpu.memory_space<vmem>>[vector<16xi32>, vector<16xi32>], vector<16xf32>,
      %swap3A_329 = arith.index_cast %add3A_327 : i32 to index
      %swap3A_330 = arith.constant 0 : index
      %swap3A_331 = tpu.vector_load %arg14[%swap3A_329, %swap3A_330] {strides = array<i32>} : memref<128x128xf32, #tpu.memory_space<vmem>>, vector<16xf32>,
      tpu.vector_store %arg14[%swap3A_329, %swap3A_330], %gather3A_328 {strides = array<i32>} : memref<128x128xf32, #tpu.memory_space<vmem>>, vector<16xf32>,
      %gather3A_332 = tpu.vector_load_idx %arg9[%add3A_99, %broadcast_in_dim3A_323] : memref<64x128xf32, #tpu.memory_space<vmem>>[vector<16xi32>, vector<16xi32>], vector<16xf32>,
      %swap3A_333 = arith.index_cast %add3A_327 : i32 to index
      %swap3A_334 = arith.constant 16 : index
      %swap3A_335 = tpu.vector_load %arg14[%swap3A_333, %swap3A_334] {strides = array<i32>} : memref<128x128xf32, #tpu.memory_space<vmem>>, vector<16xf32>,
      tpu.vector_store %arg14[%swap3A_333, %swap3A_334], %gather3A_332 {strides = array<i32>} : memref<128x128xf32, #tpu.memory_space<vmem>>, vector<16xf32>,
      %gather3A_336 = tpu.vector_load_idx %arg9[%add3A_103, %broadcast_in_dim3A_323] : memref<64x128xf32, #tpu.memory_space<vmem>>[vector<16xi32>, vector<16xi32>], vector<16xf32>,
      %swap3A_337 = arith.index_cast %add3A_327 : i32 to index
      %swap3A_338 = arith.constant 32 : index
      %swap3A_339 = tpu.vector_load %arg14[%swap3A_337, %swap3A_338] {strides = array<i32>} : memref<128x128xf32, #tpu.memory_space<vmem>>, vector<16xf32>,
      tpu.vector_store %arg14[%swap3A_337, %swap3A_338], %gather3A_336 {strides = array<i32>} : memref<128x128xf32, #tpu.memory_space<vmem>>, vector<16xf32>,
      %gather3A_340 = tpu.vector_load_idx %arg9[%add3A_107, %broadcast_in_dim3A_323] : memref<64x128xf32, #tpu.memory_space<vmem>>[vector<16xi32>, vector<16xi32>], vector<16xf32>,
      %swap3A_341 = arith.index_cast %add3A_327 : i32 to index
      %swap3A_342 = arith.constant 48 : index
      %swap3A_343 = tpu.vector_load %arg14[%swap3A_341, %swap3A_342] {strides = array<i32>} : memref<128x128xf32, #tpu.memory_space<vmem>>, vector<16xf32>,
      tpu.vector_store %arg14[%swap3A_341, %swap3A_342], %gather3A_340 {strides = array<i32>} : memref<128x128xf32, #tpu.memory_space<vmem>>, vector<16xf32>,
      %slice3A_344 = vector.extract_strided_slice %get3A_185 {offsets = [11], sizes = [1], strides = [1]} : vector<16xi32> to vector<1xi32>
      %squeeze3A_345 = vector.extract %slice3A_344[0] : i32 from vector<1xi32>
      %shift_right_arithmetic3A_346 = arith.constant 7 : i32
      %shift_right_arithmetic3A_347 = arith.shrsi %squeeze3A_345, %shift_right_arithmetic3A_346 : i32
      %mul3A_348 = arith.constant 128 : i32
      %mul3A_349 = arith.muli %shift_right_arithmetic3A_347, %mul3A_348 : i32
      %multiple_of3A_350 = tpu.assume_multiple %mul3A_349, 128 : i32
      %dma_start3A_351 = arith.constant 0 : i32
      %dma_start3A_352 = tpu.memref_slice %arg3[%dma_start3A_351, %multiple_of3A_350] : memref<64x1000000xf32, #tpu.memory_space<hbm>> -> memref<64x128xf32, #tpu.memory_space<hbm>>
      %dma_start3A_353 = arith.constant 0 : i32
      %dma_start3A_354 = tpu.memref_slice %arg3[%dma_start3A_353, %multiple_of3A_350] : memref<64x1000000xf32, #tpu.memory_space<hbm>> -> memref<64x128xf32, #tpu.memory_space<hbm>>
      tpu.enqueue_dma source(%dma_start3A_354 : memref<64x128xf32, #tpu.memory_space<hbm>>) target(%arg9 : memref<64x128xf32, #tpu.memory_space<vmem>>) target_semaphore(%arg19 : memref<!tpu.dma_semaphore, #tpu.memory_space<semaphore_mem>>)
      %dma_wait3A_355 = arith.constant 0 : i32
      %dma_wait3A_356 = arith.constant 0 : i32
      %dma_wait3A_357 = tpu.memref_slice %arg3[%dma_wait3A_355, %dma_wait3A_356] : memref<64x1000000xf32, #tpu.memory_space<hbm>> -> memref<64x128xf32, #tpu.memory_space<hbm>>
      %dma_wait3A_358 = arith.constant 0 : i32
      %dma_wait3A_359 = arith.constant 0 : i32
      %dma_wait3A_360 = tpu.memref_slice %arg3[%dma_wait3A_358, %dma_wait3A_359] : memref<64x1000000xf32, #tpu.memory_space<hbm>> -> memref<64x128xf32, #tpu.memory_space<hbm>>
      tpu.wait_dma2 semaphore(%arg20 : memref<!tpu.dma_semaphore, #tpu.memory_space<semaphore_mem>>) src(%dma_wait3A_360 : memref<64x128xf32, #tpu.memory_space<hbm>>) dst(%arg10 : memref<64x128xf32, #tpu.memory_space<vmem>>)
      %slice3A_361 = vector.extract_strided_slice %get3A_185 {offsets = [4], sizes = [1], strides = [1]} : vector<16xi32> to vector<1xi32>
      %squeeze3A_362 = vector.extract %slice3A_361[0] : i32 from vector<1xi32>
      %and3A_363 = arith.constant 127 : i32
      %and3A_364 = arith.andi %squeeze3A_362, %and3A_363 : i32
      %broadcast_in_dim3A_365 = vector.broadcast %and3A_364 : i32 to vector<16xi32>
      %mul3A_366 = arith.constant 16 : i32
      %mul3A_367 = arith.muli %scan3A_179, %mul3A_366 : i32
      %add3A_368 = arith.constant 4 : i32
      %add3A_369 = arith.addi %mul3A_367, %add3A_368 : i32
      %gather3A_370 = tpu.vector_load_idx %arg10[%add3A_95, %broadcast_in_dim3A_365] : memref<64x128xf32, #tpu.memory_space<vmem>>[vector<16xi32>, vector<16xi32>], vector<16xf32>,
      %swap3A_371 = arith.index_cast %add3A_369 : i32 to index
      %swap3A_372 = arith.constant 0 : index
      %swap3A_373 = tpu.vector_load %arg14[%swap3A_371, %swap3A_372] {strides = array<i32>} : memref<128x128xf32, #tpu.memory_space<vmem>>, vector<16xf32>,
      tpu.vector_store %arg14[%swap3A_371, %swap3A_372], %gather3A_370 {strides = array<i32>} : memref<128x128xf32, #tpu.memory_space<vmem>>, vector<16xf32>,
      %gather3A_374 = tpu.vector_load_idx %arg10[%add3A_99, %broadcast_in_dim3A_365] : memref<64x128xf32, #tpu.memory_space<vmem>>[vector<16xi32>, vector<16xi32>], vector<16xf32>,
      %swap3A_375 = arith.index_cast %add3A_369 : i32 to index
      %swap3A_376 = arith.constant 16 : index
      %swap3A_377 = tpu.vector_load %arg14[%swap3A_375, %swap3A_376] {strides = array<i32>} : memref<128x128xf32, #tpu.memory_space<vmem>>, vector<16xf32>,
      tpu.vector_store %arg14[%swap3A_375, %swap3A_376], %gather3A_374 {strides = array<i32>} : memref<128x128xf32, #tpu.memory_space<vmem>>, vector<16xf32>,
      %gather3A_378 = tpu.vector_load_idx %arg10[%add3A_103, %broadcast_in_dim3A_365] : memref<64x128xf32, #tpu.memory_space<vmem>>[vector<16xi32>, vector<16xi32>], vector<16xf32>,
      %swap3A_379 = arith.index_cast %add3A_369 : i32 to index
      %swap3A_380 = arith.constant 32 : index
      %swap3A_381 = tpu.vector_load %arg14[%swap3A_379, %swap3A_380] {strides = array<i32>} : memref<128x128xf32, #tpu.memory_space<vmem>>, vector<16xf32>,
      tpu.vector_store %arg14[%swap3A_379, %swap3A_380], %gather3A_378 {strides = array<i32>} : memref<128x128xf32, #tpu.memory_space<vmem>>, vector<16xf32>,
      %gather3A_382 = tpu.vector_load_idx %arg10[%add3A_107, %broadcast_in_dim3A_365] : memref<64x128xf32, #tpu.memory_space<vmem>>[vector<16xi32>, vector<16xi32>], vector<16xf32>,
      %swap3A_383 = arith.index_cast %add3A_369 : i32 to index
      %swap3A_384 = arith.constant 48 : index
      %swap3A_385 = tpu.vector_load %arg14[%swap3A_383, %swap3A_384] {strides = array<i32>} : memref<128x128xf32, #tpu.memory_space<vmem>>, vector<16xf32>,
      tpu.vector_store %arg14[%swap3A_383, %swap3A_384], %gather3A_382 {strides = array<i32>} : memref<128x128xf32, #tpu.memory_space<vmem>>, vector<16xf32>,
      %slice3A_386 = vector.extract_strided_slice %get3A_185 {offsets = [12], sizes = [1], strides = [1]} : vector<16xi32> to vector<1xi32>
      %squeeze3A_387 = vector.extract %slice3A_386[0] : i32 from vector<1xi32>
      %shift_right_arithmetic3A_388 = arith.constant 7 : i32
      %shift_right_arithmetic3A_389 = arith.shrsi %squeeze3A_387, %shift_right_arithmetic3A_388 : i32
      %mul3A_390 = arith.constant 128 : i32
      %mul3A_391 = arith.muli %shift_right_arithmetic3A_389, %mul3A_390 : i32
      %multiple_of3A_392 = tpu.assume_multiple %mul3A_391, 128 : i32
      %dma_start3A_393 = arith.constant 0 : i32
      %dma_start3A_394 = tpu.memref_slice %arg3[%dma_start3A_393, %multiple_of3A_392] : memref<64x1000000xf32, #tpu.memory_space<hbm>> -> memref<64x128xf32, #tpu.memory_space<hbm>>
      %dma_start3A_395 = arith.constant 0 : i32
      %dma_start3A_396 = tpu.memref_slice %arg3[%dma_start3A_395, %multiple_of3A_392] : memref<64x1000000xf32, #tpu.memory_space<hbm>> -> memref<64x128xf32, #tpu.memory_space<hbm>>
      tpu.enqueue_dma source(%dma_start3A_396 : memref<64x128xf32, #tpu.memory_space<hbm>>) target(%arg10 : memref<64x128xf32, #tpu.memory_space<vmem>>) target_semaphore(%arg20 : memref<!tpu.dma_semaphore, #tpu.memory_space<semaphore_mem>>)
      %dma_wait3A_397 = arith.constant 0 : i32
      %dma_wait3A_398 = arith.constant 0 : i32
      %dma_wait3A_399 = tpu.memref_slice %arg3[%dma_wait3A_397, %dma_wait3A_398] : memref<64x1000000xf32, #tpu.memory_space<hbm>> -> memref<64x128xf32, #tpu.memory_space<hbm>>
      %dma_wait3A_400 = arith.constant 0 : i32
      %dma_wait3A_401 = arith.constant 0 : i32
      %dma_wait3A_402 = tpu.memref_slice %arg3[%dma_wait3A_400, %dma_wait3A_401] : memref<64x1000000xf32, #tpu.memory_space<hbm>> -> memref<64x128xf32, #tpu.memory_space<hbm>>
      tpu.wait_dma2 semaphore(%arg21 : memref<!tpu.dma_semaphore, #tpu.memory_space<semaphore_mem>>) src(%dma_wait3A_402 : memref<64x128xf32, #tpu.memory_space<hbm>>) dst(%arg11 : memref<64x128xf32, #tpu.memory_space<vmem>>)
      %slice3A_403 = vector.extract_strided_slice %get3A_185 {offsets = [5], sizes = [1], strides = [1]} : vector<16xi32> to vector<1xi32>
      %squeeze3A_404 = vector.extract %slice3A_403[0] : i32 from vector<1xi32>
      %and3A_405 = arith.constant 127 : i32
      %and3A_406 = arith.andi %squeeze3A_404, %and3A_405 : i32
      %broadcast_in_dim3A_407 = vector.broadcast %and3A_406 : i32 to vector<16xi32>
      %mul3A_408 = arith.constant 16 : i32
      %mul3A_409 = arith.muli %scan3A_179, %mul3A_408 : i32
      %add3A_410 = arith.constant 5 : i32
      %add3A_411 = arith.addi %mul3A_409, %add3A_410 : i32
      %gather3A_412 = tpu.vector_load_idx %arg11[%add3A_95, %broadcast_in_dim3A_407] : memref<64x128xf32, #tpu.memory_space<vmem>>[vector<16xi32>, vector<16xi32>], vector<16xf32>,
      %swap3A_413 = arith.index_cast %add3A_411 : i32 to index
      %swap3A_414 = arith.constant 0 : index
      %swap3A_415 = tpu.vector_load %arg14[%swap3A_413, %swap3A_414] {strides = array<i32>} : memref<128x128xf32, #tpu.memory_space<vmem>>, vector<16xf32>,
      tpu.vector_store %arg14[%swap3A_413, %swap3A_414], %gather3A_412 {strides = array<i32>} : memref<128x128xf32, #tpu.memory_space<vmem>>, vector<16xf32>,
      %gather3A_416 = tpu.vector_load_idx %arg11[%add3A_99, %broadcast_in_dim3A_407] : memref<64x128xf32, #tpu.memory_space<vmem>>[vector<16xi32>, vector<16xi32>], vector<16xf32>,
      %swap3A_417 = arith.index_cast %add3A_411 : i32 to index
      %swap3A_418 = arith.constant 16 : index
      %swap3A_419 = tpu.vector_load %arg14[%swap3A_417, %swap3A_418] {strides = array<i32>} : memref<128x128xf32, #tpu.memory_space<vmem>>, vector<16xf32>,
      tpu.vector_store %arg14[%swap3A_417, %swap3A_418], %gather3A_416 {strides = array<i32>} : memref<128x128xf32, #tpu.memory_space<vmem>>, vector<16xf32>,
      %gather3A_420 = tpu.vector_load_idx %arg11[%add3A_103, %broadcast_in_dim3A_407] : memref<64x128xf32, #tpu.memory_space<vmem>>[vector<16xi32>, vector<16xi32>], vector<16xf32>,
      %swap3A_421 = arith.index_cast %add3A_411 : i32 to index
      %swap3A_422 = arith.constant 32 : index
      %swap3A_423 = tpu.vector_load %arg14[%swap3A_421, %swap3A_422] {strides = array<i32>} : memref<128x128xf32, #tpu.memory_space<vmem>>, vector<16xf32>,
      tpu.vector_store %arg14[%swap3A_421, %swap3A_422], %gather3A_420 {strides = array<i32>} : memref<128x128xf32, #tpu.memory_space<vmem>>, vector<16xf32>,
      %gather3A_424 = tpu.vector_load_idx %arg11[%add3A_107, %broadcast_in_dim3A_407] : memref<64x128xf32, #tpu.memory_space<vmem>>[vector<16xi32>, vector<16xi32>], vector<16xf32>,
      %swap3A_425 = arith.index_cast %add3A_411 : i32 to index
      %swap3A_426 = arith.constant 48 : index
      %swap3A_427 = tpu.vector_load %arg14[%swap3A_425, %swap3A_426] {strides = array<i32>} : memref<128x128xf32, #tpu.memory_space<vmem>>, vector<16xf32>,
      tpu.vector_store %arg14[%swap3A_425, %swap3A_426], %gather3A_424 {strides = array<i32>} : memref<128x128xf32, #tpu.memory_space<vmem>>, vector<16xf32>,
      %slice3A_428 = vector.extract_strided_slice %get3A_185 {offsets = [13], sizes = [1], strides = [1]} : vector<16xi32> to vector<1xi32>
      %squeeze3A_429 = vector.extract %slice3A_428[0] : i32 from vector<1xi32>
      %shift_right_arithmetic3A_430 = arith.constant 7 : i32
      %shift_right_arithmetic3A_431 = arith.shrsi %squeeze3A_429, %shift_right_arithmetic3A_430 : i32
      %mul3A_432 = arith.constant 128 : i32
      %mul3A_433 = arith.muli %shift_right_arithmetic3A_431, %mul3A_432 : i32
      %multiple_of3A_434 = tpu.assume_multiple %mul3A_433, 128 : i32
      %dma_start3A_435 = arith.constant 0 : i32
      %dma_start3A_436 = tpu.memref_slice %arg3[%dma_start3A_435, %multiple_of3A_434] : memref<64x1000000xf32, #tpu.memory_space<hbm>> -> memref<64x128xf32, #tpu.memory_space<hbm>>
      %dma_start3A_437 = arith.constant 0 : i32
      %dma_start3A_438 = tpu.memref_slice %arg3[%dma_start3A_437, %multiple_of3A_434] : memref<64x1000000xf32, #tpu.memory_space<hbm>> -> memref<64x128xf32, #tpu.memory_space<hbm>>
      tpu.enqueue_dma source(%dma_start3A_438 : memref<64x128xf32, #tpu.memory_space<hbm>>) target(%arg11 : memref<64x128xf32, #tpu.memory_space<vmem>>) target_semaphore(%arg21 : memref<!tpu.dma_semaphore, #tpu.memory_space<semaphore_mem>>)
      %dma_wait3A_439 = arith.constant 0 : i32
      %dma_wait3A_440 = arith.constant 0 : i32
      %dma_wait3A_441 = tpu.memref_slice %arg3[%dma_wait3A_439, %dma_wait3A_440] : memref<64x1000000xf32, #tpu.memory_space<hbm>> -> memref<64x128xf32, #tpu.memory_space<hbm>>
      %dma_wait3A_442 = arith.constant 0 : i32
      %dma_wait3A_443 = arith.constant 0 : i32
      %dma_wait3A_444 = tpu.memref_slice %arg3[%dma_wait3A_442, %dma_wait3A_443] : memref<64x1000000xf32, #tpu.memory_space<hbm>> -> memref<64x128xf32, #tpu.memory_space<hbm>>
      tpu.wait_dma2 semaphore(%arg22 : memref<!tpu.dma_semaphore, #tpu.memory_space<semaphore_mem>>) src(%dma_wait3A_444 : memref<64x128xf32, #tpu.memory_space<hbm>>) dst(%arg12 : memref<64x128xf32, #tpu.memory_space<vmem>>)
      %slice3A_445 = vector.extract_strided_slice %get3A_185 {offsets = [6], sizes = [1], strides = [1]} : vector<16xi32> to vector<1xi32>
      %squeeze3A_446 = vector.extract %slice3A_445[0] : i32 from vector<1xi32>
      %and3A_447 = arith.constant 127 : i32
      %and3A_448 = arith.andi %squeeze3A_446, %and3A_447 : i32
      %broadcast_in_dim3A_449 = vector.broadcast %and3A_448 : i32 to vector<16xi32>
      %mul3A_450 = arith.constant 16 : i32
      %mul3A_451 = arith.muli %scan3A_179, %mul3A_450 : i32
      %add3A_452 = arith.constant 6 : i32
      %add3A_453 = arith.addi %mul3A_451, %add3A_452 : i32
      %gather3A_454 = tpu.vector_load_idx %arg12[%add3A_95, %broadcast_in_dim3A_449] : memref<64x128xf32, #tpu.memory_space<vmem>>[vector<16xi32>, vector<16xi32>], vector<16xf32>,
      %swap3A_455 = arith.index_cast %add3A_453 : i32 to index
      %swap3A_456 = arith.constant 0 : index
      %swap3A_457 = tpu.vector_load %arg14[%swap3A_455, %swap3A_456] {strides = array<i32>} : memref<128x128xf32, #tpu.memory_space<vmem>>, vector<16xf32>,
      tpu.vector_store %arg14[%swap3A_455, %swap3A_456], %gather3A_454 {strides = array<i32>} : memref<128x128xf32, #tpu.memory_space<vmem>>, vector<16xf32>,
      %gather3A_458 = tpu.vector_load_idx %arg12[%add3A_99, %broadcast_in_dim3A_449] : memref<64x128xf32, #tpu.memory_space<vmem>>[vector<16xi32>, vector<16xi32>], vector<16xf32>,
      %swap3A_459 = arith.index_cast %add3A_453 : i32 to index
      %swap3A_460 = arith.constant 16 : index
      %swap3A_461 = tpu.vector_load %arg14[%swap3A_459, %swap3A_460] {strides = array<i32>} : memref<128x128xf32, #tpu.memory_space<vmem>>, vector<16xf32>,
      tpu.vector_store %arg14[%swap3A_459, %swap3A_460], %gather3A_458 {strides = array<i32>} : memref<128x128xf32, #tpu.memory_space<vmem>>, vector<16xf32>,
      %gather3A_462 = tpu.vector_load_idx %arg12[%add3A_103, %broadcast_in_dim3A_449] : memref<64x128xf32, #tpu.memory_space<vmem>>[vector<16xi32>, vector<16xi32>], vector<16xf32>,
      %swap3A_463 = arith.index_cast %add3A_453 : i32 to index
      %swap3A_464 = arith.constant 32 : index
      %swap3A_465 = tpu.vector_load %arg14[%swap3A_463, %swap3A_464] {strides = array<i32>} : memref<128x128xf32, #tpu.memory_space<vmem>>, vector<16xf32>,
      tpu.vector_store %arg14[%swap3A_463, %swap3A_464], %gather3A_462 {strides = array<i32>} : memref<128x128xf32, #tpu.memory_space<vmem>>, vector<16xf32>,
      %gather3A_466 = tpu.vector_load_idx %arg12[%add3A_107, %broadcast_in_dim3A_449] : memref<64x128xf32, #tpu.memory_space<vmem>>[vector<16xi32>, vector<16xi32>], vector<16xf32>,
      %swap3A_467 = arith.index_cast %add3A_453 : i32 to index
      %swap3A_468 = arith.constant 48 : index
      %swap3A_469 = tpu.vector_load %arg14[%swap3A_467, %swap3A_468] {strides = array<i32>} : memref<128x128xf32, #tpu.memory_space<vmem>>, vector<16xf32>,
      tpu.vector_store %arg14[%swap3A_467, %swap3A_468], %gather3A_466 {strides = array<i32>} : memref<128x128xf32, #tpu.memory_space<vmem>>, vector<16xf32>,
      %slice3A_470 = vector.extract_strided_slice %get3A_185 {offsets = [14], sizes = [1], strides = [1]} : vector<16xi32> to vector<1xi32>
      %squeeze3A_471 = vector.extract %slice3A_470[0] : i32 from vector<1xi32>
      %shift_right_arithmetic3A_472 = arith.constant 7 : i32
      %shift_right_arithmetic3A_473 = arith.shrsi %squeeze3A_471, %shift_right_arithmetic3A_472 : i32
      %mul3A_474 = arith.constant 128 : i32
      %mul3A_475 = arith.muli %shift_right_arithmetic3A_473, %mul3A_474 : i32
      %multiple_of3A_476 = tpu.assume_multiple %mul3A_475, 128 : i32
      %dma_start3A_477 = arith.constant 0 : i32
      %dma_start3A_478 = tpu.memref_slice %arg3[%dma_start3A_477, %multiple_of3A_476] : memref<64x1000000xf32, #tpu.memory_space<hbm>> -> memref<64x128xf32, #tpu.memory_space<hbm>>
      %dma_start3A_479 = arith.constant 0 : i32
      %dma_start3A_480 = tpu.memref_slice %arg3[%dma_start3A_479, %multiple_of3A_476] : memref<64x1000000xf32, #tpu.memory_space<hbm>> -> memref<64x128xf32, #tpu.memory_space<hbm>>
      tpu.enqueue_dma source(%dma_start3A_480 : memref<64x128xf32, #tpu.memory_space<hbm>>) target(%arg12 : memref<64x128xf32, #tpu.memory_space<vmem>>) target_semaphore(%arg22 : memref<!tpu.dma_semaphore, #tpu.memory_space<semaphore_mem>>)
      %dma_wait3A_481 = arith.constant 0 : i32
      %dma_wait3A_482 = arith.constant 0 : i32
      %dma_wait3A_483 = tpu.memref_slice %arg3[%dma_wait3A_481, %dma_wait3A_482] : memref<64x1000000xf32, #tpu.memory_space<hbm>> -> memref<64x128xf32, #tpu.memory_space<hbm>>
      %dma_wait3A_484 = arith.constant 0 : i32
      %dma_wait3A_485 = arith.constant 0 : i32
      %dma_wait3A_486 = tpu.memref_slice %arg3[%dma_wait3A_484, %dma_wait3A_485] : memref<64x1000000xf32, #tpu.memory_space<hbm>> -> memref<64x128xf32, #tpu.memory_space<hbm>>
      tpu.wait_dma2 semaphore(%arg23 : memref<!tpu.dma_semaphore, #tpu.memory_space<semaphore_mem>>) src(%dma_wait3A_486 : memref<64x128xf32, #tpu.memory_space<hbm>>) dst(%arg13 : memref<64x128xf32, #tpu.memory_space<vmem>>)
      %slice3A_487 = vector.extract_strided_slice %get3A_185 {offsets = [7], sizes = [1], strides = [1]} : vector<16xi32> to vector<1xi32>
      %squeeze3A_488 = vector.extract %slice3A_487[0] : i32 from vector<1xi32>
      %and3A_489 = arith.constant 127 : i32
      %and3A_490 = arith.andi %squeeze3A_488, %and3A_489 : i32
      %broadcast_in_dim3A_491 = vector.broadcast %and3A_490 : i32 to vector<16xi32>
      %mul3A_492 = arith.constant 16 : i32
      %mul3A_493 = arith.muli %scan3A_179, %mul3A_492 : i32
      %add3A_494 = arith.constant 7 : i32
      %add3A_495 = arith.addi %mul3A_493, %add3A_494 : i32
      %gather3A_496 = tpu.vector_load_idx %arg13[%add3A_95, %broadcast_in_dim3A_491] : memref<64x128xf32, #tpu.memory_space<vmem>>[vector<16xi32>, vector<16xi32>], vector<16xf32>,
      %swap3A_497 = arith.index_cast %add3A_495 : i32 to index
      %swap3A_498 = arith.constant 0 : index
      %swap3A_499 = tpu.vector_load %arg14[%swap3A_497, %swap3A_498] {strides = array<i32>} : memref<128x128xf32, #tpu.memory_space<vmem>>, vector<16xf32>,
      tpu.vector_store %arg14[%swap3A_497, %swap3A_498], %gather3A_496 {strides = array<i32>} : memref<128x128xf32, #tpu.memory_space<vmem>>, vector<16xf32>,
      %gather3A_500 = tpu.vector_load_idx %arg13[%add3A_99, %broadcast_in_dim3A_491] : memref<64x128xf32, #tpu.memory_space<vmem>>[vector<16xi32>, vector<16xi32>], vector<16xf32>,
      %swap3A_501 = arith.index_cast %add3A_495 : i32 to index
      %swap3A_502 = arith.constant 16 : index
      %swap3A_503 = tpu.vector_load %arg14[%swap3A_501, %swap3A_502] {strides = array<i32>} : memref<128x128xf32, #tpu.memory_space<vmem>>, vector<16xf32>,
      tpu.vector_store %arg14[%swap3A_501, %swap3A_502], %gather3A_500 {strides = array<i32>} : memref<128x128xf32, #tpu.memory_space<vmem>>, vector<16xf32>,
      %gather3A_504 = tpu.vector_load_idx %arg13[%add3A_103, %broadcast_in_dim3A_491] : memref<64x128xf32, #tpu.memory_space<vmem>>[vector<16xi32>, vector<16xi32>], vector<16xf32>,
      %swap3A_505 = arith.index_cast %add3A_495 : i32 to index
      %swap3A_506 = arith.constant 32 : index
      %swap3A_507 = tpu.vector_load %arg14[%swap3A_505, %swap3A_506] {strides = array<i32>} : memref<128x128xf32, #tpu.memory_space<vmem>>, vector<16xf32>,
      tpu.vector_store %arg14[%swap3A_505, %swap3A_506], %gather3A_504 {strides = array<i32>} : memref<128x128xf32, #tpu.memory_space<vmem>>, vector<16xf32>,
      %gather3A_508 = tpu.vector_load_idx %arg13[%add3A_107, %broadcast_in_dim3A_491] : memref<64x128xf32, #tpu.memory_space<vmem>>[vector<16xi32>, vector<16xi32>], vector<16xf32>,
      %swap3A_509 = arith.index_cast %add3A_495 : i32 to index
      %swap3A_510 = arith.constant 48 : index
      %swap3A_511 = tpu.vector_load %arg14[%swap3A_509, %swap3A_510] {strides = array<i32>} : memref<128x128xf32, #tpu.memory_space<vmem>>, vector<16xf32>,
      tpu.vector_store %arg14[%swap3A_509, %swap3A_510], %gather3A_508 {strides = array<i32>} : memref<128x128xf32, #tpu.memory_space<vmem>>, vector<16xf32>,
      %slice3A_512 = vector.extract_strided_slice %get3A_185 {offsets = [15], sizes = [1], strides = [1]} : vector<16xi32> to vector<1xi32>
      %squeeze3A_513 = vector.extract %slice3A_512[0] : i32 from vector<1xi32>
      %shift_right_arithmetic3A_514 = arith.constant 7 : i32
      %shift_right_arithmetic3A_515 = arith.shrsi %squeeze3A_513, %shift_right_arithmetic3A_514 : i32
      %mul3A_516 = arith.constant 128 : i32
      %mul3A_517 = arith.muli %shift_right_arithmetic3A_515, %mul3A_516 : i32
      %multiple_of3A_518 = tpu.assume_multiple %mul3A_517, 128 : i32
      %dma_start3A_519 = arith.constant 0 : i32
      %dma_start3A_520 = tpu.memref_slice %arg3[%dma_start3A_519, %multiple_of3A_518] : memref<64x1000000xf32, #tpu.memory_space<hbm>> -> memref<64x128xf32, #tpu.memory_space<hbm>>
      %dma_start3A_521 = arith.constant 0 : i32
      %dma_start3A_522 = tpu.memref_slice %arg3[%dma_start3A_521, %multiple_of3A_518] : memref<64x1000000xf32, #tpu.memory_space<hbm>> -> memref<64x128xf32, #tpu.memory_space<hbm>>
      tpu.enqueue_dma source(%dma_start3A_522 : memref<64x128xf32, #tpu.memory_space<hbm>>) target(%arg13 : memref<64x128xf32, #tpu.memory_space<vmem>>) target_semaphore(%arg23 : memref<!tpu.dma_semaphore, #tpu.memory_space<semaphore_mem>>)
      %dma_wait3A_523 = arith.constant 0 : i32
      %dma_wait3A_524 = arith.constant 0 : i32
      %dma_wait3A_525 = tpu.memref_slice %arg3[%dma_wait3A_523, %dma_wait3A_524] : memref<64x1000000xf32, #tpu.memory_space<hbm>> -> memref<64x128xf32, #tpu.memory_space<hbm>>
      %dma_wait3A_526 = arith.constant 0 : i32
      %dma_wait3A_527 = arith.constant 0 : i32
      %dma_wait3A_528 = tpu.memref_slice %arg3[%dma_wait3A_526, %dma_wait3A_527] : memref<64x1000000xf32, #tpu.memory_space<hbm>> -> memref<64x128xf32, #tpu.memory_space<hbm>>
      tpu.wait_dma2 semaphore(%arg16 : memref<!tpu.dma_semaphore, #tpu.memory_space<semaphore_mem>>) src(%dma_wait3A_528 : memref<64x128xf32, #tpu.memory_space<hbm>>) dst(%arg6 : memref<64x128xf32, #tpu.memory_space<vmem>>)
      %slice3A_529 = vector.extract_strided_slice %get3A_185 {offsets = [8], sizes = [1], strides = [1]} : vector<16xi32> to vector<1xi32>
      %squeeze3A_530 = vector.extract %slice3A_529[0] : i32 from vector<1xi32>
      %and3A_531 = arith.constant 127 : i32
      %and3A_532 = arith.andi %squeeze3A_530, %and3A_531 : i32
      %broadcast_in_dim3A_533 = vector.broadcast %and3A_532 : i32 to vector<16xi32>
      %mul3A_534 = arith.constant 16 : i32
      %mul3A_535 = arith.muli %scan3A_179, %mul3A_534 : i32
      %add3A_536 = arith.constant 8 : i32
      %add3A_537 = arith.addi %mul3A_535, %add3A_536 : i32
      %gather3A_538 = tpu.vector_load_idx %arg6[%add3A_95, %broadcast_in_dim3A_533] : memref<64x128xf32, #tpu.memory_space<vmem>>[vector<16xi32>, vector<16xi32>], vector<16xf32>,
      %swap3A_539 = arith.index_cast %add3A_537 : i32 to index
      %swap3A_540 = arith.constant 0 : index
      %swap3A_541 = tpu.vector_load %arg14[%swap3A_539, %swap3A_540] {strides = array<i32>} : memref<128x128xf32, #tpu.memory_space<vmem>>, vector<16xf32>,
      tpu.vector_store %arg14[%swap3A_539, %swap3A_540], %gather3A_538 {strides = array<i32>} : memref<128x128xf32, #tpu.memory_space<vmem>>, vector<16xf32>,
      %gather3A_542 = tpu.vector_load_idx %arg6[%add3A_99, %broadcast_in_dim3A_533] : memref<64x128xf32, #tpu.memory_space<vmem>>[vector<16xi32>, vector<16xi32>], vector<16xf32>,
      %swap3A_543 = arith.index_cast %add3A_537 : i32 to index
      %swap3A_544 = arith.constant 16 : index
      %swap3A_545 = tpu.vector_load %arg14[%swap3A_543, %swap3A_544] {strides = array<i32>} : memref<128x128xf32, #tpu.memory_space<vmem>>, vector<16xf32>,
      tpu.vector_store %arg14[%swap3A_543, %swap3A_544], %gather3A_542 {strides = array<i32>} : memref<128x128xf32, #tpu.memory_space<vmem>>, vector<16xf32>,
      %gather3A_546 = tpu.vector_load_idx %arg6[%add3A_103, %broadcast_in_dim3A_533] : memref<64x128xf32, #tpu.memory_space<vmem>>[vector<16xi32>, vector<16xi32>], vector<16xf32>,
      %swap3A_547 = arith.index_cast %add3A_537 : i32 to index
      %swap3A_548 = arith.constant 32 : index
      %swap3A_549 = tpu.vector_load %arg14[%swap3A_547, %swap3A_548] {strides = array<i32>} : memref<128x128xf32, #tpu.memory_space<vmem>>, vector<16xf32>,
      tpu.vector_store %arg14[%swap3A_547, %swap3A_548], %gather3A_546 {strides = array<i32>} : memref<128x128xf32, #tpu.memory_space<vmem>>, vector<16xf32>,
      %gather3A_550 = tpu.vector_load_idx %arg6[%add3A_107, %broadcast_in_dim3A_533] : memref<64x128xf32, #tpu.memory_space<vmem>>[vector<16xi32>, vector<16xi32>], vector<16xf32>,
      %swap3A_551 = arith.index_cast %add3A_537 : i32 to index
      %swap3A_552 = arith.constant 48 : index
      %swap3A_553 = tpu.vector_load %arg14[%swap3A_551, %swap3A_552] {strides = array<i32>} : memref<128x128xf32, #tpu.memory_space<vmem>>, vector<16xf32>,
      tpu.vector_store %arg14[%swap3A_551, %swap3A_552], %gather3A_550 {strides = array<i32>} : memref<128x128xf32, #tpu.memory_space<vmem>>, vector<16xf32>,
      %slice3A_554 = vector.extract_strided_slice %get3A_189 {offsets = [0], sizes = [1], strides = [1]} : vector<16xi32> to vector<1xi32>
      %squeeze3A_555 = vector.extract %slice3A_554[0] : i32 from vector<1xi32>
      %shift_right_arithmetic3A_556 = arith.constant 7 : i32
      %shift_right_arithmetic3A_557 = arith.shrsi %squeeze3A_555, %shift_right_arithmetic3A_556 : i32
      %mul3A_558 = arith.constant 128 : i32
      %mul3A_559 = arith.muli %shift_right_arithmetic3A_557, %mul3A_558 : i32
      %multiple_of3A_560 = tpu.assume_multiple %mul3A_559, 128 : i32
      %dma_start3A_561 = arith.constant 0 : i32
      %dma_start3A_562 = tpu.memref_slice %arg3[%dma_start3A_561, %multiple_of3A_560] : memref<64x1000000xf32, #tpu.memory_space<hbm>> -> memref<64x128xf32, #tpu.memory_space<hbm>>
      %dma_start3A_563 = arith.constant 0 : i32
      %dma_start3A_564 = tpu.memref_slice %arg3[%dma_start3A_563, %multiple_of3A_560] : memref<64x1000000xf32, #tpu.memory_space<hbm>> -> memref<64x128xf32, #tpu.memory_space<hbm>>
      tpu.enqueue_dma source(%dma_start3A_564 : memref<64x128xf32, #tpu.memory_space<hbm>>) target(%arg6 : memref<64x128xf32, #tpu.memory_space<vmem>>) target_semaphore(%arg16 : memref<!tpu.dma_semaphore, #tpu.memory_space<semaphore_mem>>)
      %dma_wait3A_565 = arith.constant 0 : i32
      %dma_wait3A_566 = arith.constant 0 : i32
      %dma_wait3A_567 = tpu.memref_slice %arg3[%dma_wait3A_565, %dma_wait3A_566] : memref<64x1000000xf32, #tpu.memory_space<hbm>> -> memref<64x128xf32, #tpu.memory_space<hbm>>
      %dma_wait3A_568 = arith.constant 0 : i32
      %dma_wait3A_569 = arith.constant 0 : i32
      %dma_wait3A_570 = tpu.memref_slice %arg3[%dma_wait3A_568, %dma_wait3A_569] : memref<64x1000000xf32, #tpu.memory_space<hbm>> -> memref<64x128xf32, #tpu.memory_space<hbm>>
      tpu.wait_dma2 semaphore(%arg17 : memref<!tpu.dma_semaphore, #tpu.memory_space<semaphore_mem>>) src(%dma_wait3A_570 : memref<64x128xf32, #tpu.memory_space<hbm>>) dst(%arg7 : memref<64x128xf32, #tpu.memory_space<vmem>>)
      %slice3A_571 = vector.extract_strided_slice %get3A_185 {offsets = [9], sizes = [1], strides = [1]} : vector<16xi32> to vector<1xi32>
      %squeeze3A_572 = vector.extract %slice3A_571[0] : i32 from vector<1xi32>
      %and3A_573 = arith.constant 127 : i32
      %and3A_574 = arith.andi %squeeze3A_572, %and3A_573 : i32
      %broadcast_in_dim3A_575 = vector.broadcast %and3A_574 : i32 to vector<16xi32>
      %mul3A_576 = arith.constant 16 : i32
      %mul3A_577 = arith.muli %scan3A_179, %mul3A_576 : i32
      %add3A_578 = arith.constant 9 : i32
      %add3A_579 = arith.addi %mul3A_577, %add3A_578 : i32
      %gather3A_580 = tpu.vector_load_idx %arg7[%add3A_95, %broadcast_in_dim3A_575] : memref<64x128xf32, #tpu.memory_space<vmem>>[vector<16xi32>, vector<16xi32>], vector<16xf32>,
      %swap3A_581 = arith.index_cast %add3A_579 : i32 to index
      %swap3A_582 = arith.constant 0 : index
      %swap3A_583 = tpu.vector_load %arg14[%swap3A_581, %swap3A_582] {strides = array<i32>} : memref<128x128xf32, #tpu.memory_space<vmem>>, vector<16xf32>,
      tpu.vector_store %arg14[%swap3A_581, %swap3A_582], %gather3A_580 {strides = array<i32>} : memref<128x128xf32, #tpu.memory_space<vmem>>, vector<16xf32>,
      %gather3A_584 = tpu.vector_load_idx %arg7[%add3A_99, %broadcast_in_dim3A_575] : memref<64x128xf32, #tpu.memory_space<vmem>>[vector<16xi32>, vector<16xi32>], vector<16xf32>,
      %swap3A_585 = arith.index_cast %add3A_579 : i32 to index
      %swap3A_586 = arith.constant 16 : index
      %swap3A_587 = tpu.vector_load %arg14[%swap3A_585, %swap3A_586] {strides = array<i32>} : memref<128x128xf32, #tpu.memory_space<vmem>>, vector<16xf32>,
      tpu.vector_store %arg14[%swap3A_585, %swap3A_586], %gather3A_584 {strides = array<i32>} : memref<128x128xf32, #tpu.memory_space<vmem>>, vector<16xf32>,
      %gather3A_588 = tpu.vector_load_idx %arg7[%add3A_103, %broadcast_in_dim3A_575] : memref<64x128xf32, #tpu.memory_space<vmem>>[vector<16xi32>, vector<16xi32>], vector<16xf32>,
      %swap3A_589 = arith.index_cast %add3A_579 : i32 to index
      %swap3A_590 = arith.constant 32 : index
      %swap3A_591 = tpu.vector_load %arg14[%swap3A_589, %swap3A_590] {strides = array<i32>} : memref<128x128xf32, #tpu.memory_space<vmem>>, vector<16xf32>,
      tpu.vector_store %arg14[%swap3A_589, %swap3A_590], %gather3A_588 {strides = array<i32>} : memref<128x128xf32, #tpu.memory_space<vmem>>, vector<16xf32>,
      %gather3A_592 = tpu.vector_load_idx %arg7[%add3A_107, %broadcast_in_dim3A_575] : memref<64x128xf32, #tpu.memory_space<vmem>>[vector<16xi32>, vector<16xi32>], vector<16xf32>,
      %swap3A_593 = arith.index_cast %add3A_579 : i32 to index
      %swap3A_594 = arith.constant 48 : index
      %swap3A_595 = tpu.vector_load %arg14[%swap3A_593, %swap3A_594] {strides = array<i32>} : memref<128x128xf32, #tpu.memory_space<vmem>>, vector<16xf32>,
      tpu.vector_store %arg14[%swap3A_593, %swap3A_594], %gather3A_592 {strides = array<i32>} : memref<128x128xf32, #tpu.memory_space<vmem>>, vector<16xf32>,
      %slice3A_596 = vector.extract_strided_slice %get3A_189 {offsets = [1], sizes = [1], strides = [1]} : vector<16xi32> to vector<1xi32>
      %squeeze3A_597 = vector.extract %slice3A_596[0] : i32 from vector<1xi32>
      %shift_right_arithmetic3A_598 = arith.constant 7 : i32
      %shift_right_arithmetic3A_599 = arith.shrsi %squeeze3A_597, %shift_right_arithmetic3A_598 : i32
      %mul3A_600 = arith.constant 128 : i32
      %mul3A_601 = arith.muli %shift_right_arithmetic3A_599, %mul3A_600 : i32
      %multiple_of3A_602 = tpu.assume_multiple %mul3A_601, 128 : i32
      %dma_start3A_603 = arith.constant 0 : i32
      %dma_start3A_604 = tpu.memref_slice %arg3[%dma_start3A_603, %multiple_of3A_602] : memref<64x1000000xf32, #tpu.memory_space<hbm>> -> memref<64x128xf32, #tpu.memory_space<hbm>>
      %dma_start3A_605 = arith.constant 0 : i32
      %dma_start3A_606 = tpu.memref_slice %arg3[%dma_start3A_605, %multiple_of3A_602] : memref<64x1000000xf32, #tpu.memory_space<hbm>> -> memref<64x128xf32, #tpu.memory_space<hbm>>
      tpu.enqueue_dma source(%dma_start3A_606 : memref<64x128xf32, #tpu.memory_space<hbm>>) target(%arg7 : memref<64x128xf32, #tpu.memory_space<vmem>>) target_semaphore(%arg17 : memref<!tpu.dma_semaphore, #tpu.memory_space<semaphore_mem>>)
      %dma_wait3A_607 = arith.constant 0 : i32
      %dma_wait3A_608 = arith.constant 0 : i32
      %dma_wait3A_609 = tpu.memref_slice %arg3[%dma_wait3A_607, %dma_wait3A_608] : memref<64x1000000xf32, #tpu.memory_space<hbm>> -> memref<64x128xf32, #tpu.memory_space<hbm>>
      %dma_wait3A_610 = arith.constant 0 : i32
      %dma_wait3A_611 = arith.constant 0 : i32
      %dma_wait3A_612 = tpu.memref_slice %arg3[%dma_wait3A_610, %dma_wait3A_611] : memref<64x1000000xf32, #tpu.memory_space<hbm>> -> memref<64x128xf32, #tpu.memory_space<hbm>>
      tpu.wait_dma2 semaphore(%arg18 : memref<!tpu.dma_semaphore, #tpu.memory_space<semaphore_mem>>) src(%dma_wait3A_612 : memref<64x128xf32, #tpu.memory_space<hbm>>) dst(%arg8 : memref<64x128xf32, #tpu.memory_space<vmem>>)
      %slice3A_613 = vector.extract_strided_slice %get3A_185 {offsets = [10], sizes = [1], strides = [1]} : vector<16xi32> to vector<1xi32>
      %squeeze3A_614 = vector.extract %slice3A_613[0] : i32 from vector<1xi32>
      %and3A_615 = arith.constant 127 : i32
      %and3A_616 = arith.andi %squeeze3A_614, %and3A_615 : i32
      %broadcast_in_dim3A_617 = vector.broadcast %and3A_616 : i32 to vector<16xi32>
      %mul3A_618 = arith.constant 16 : i32
      %mul3A_619 = arith.muli %scan3A_179, %mul3A_618 : i32
      %add3A_620 = arith.constant 10 : i32
      %add3A_621 = arith.addi %mul3A_619, %add3A_620 : i32
      %gather3A_622 = tpu.vector_load_idx %arg8[%add3A_95, %broadcast_in_dim3A_617] : memref<64x128xf32, #tpu.memory_space<vmem>>[vector<16xi32>, vector<16xi32>], vector<16xf32>,
      %swap3A_623 = arith.index_cast %add3A_621 : i32 to index
      %swap3A_624 = arith.constant 0 : index
      %swap3A_625 = tpu.vector_load %arg14[%swap3A_623, %swap3A_624] {strides = array<i32>} : memref<128x128xf32, #tpu.memory_space<vmem>>, vector<16xf32>,
      tpu.vector_store %arg14[%swap3A_623, %swap3A_624], %gather3A_622 {strides = array<i32>} : memref<128x128xf32, #tpu.memory_space<vmem>>, vector<16xf32>,
      %gather3A_626 = tpu.vector_load_idx %arg8[%add3A_99, %broadcast_in_dim3A_617] : memref<64x128xf32, #tpu.memory_space<vmem>>[vector<16xi32>, vector<16xi32>], vector<16xf32>,
      %swap3A_627 = arith.index_cast %add3A_621 : i32 to index
      %swap3A_628 = arith.constant 16 : index
      %swap3A_629 = tpu.vector_load %arg14[%swap3A_627, %swap3A_628] {strides = array<i32>} : memref<128x128xf32, #tpu.memory_space<vmem>>, vector<16xf32>,
      tpu.vector_store %arg14[%swap3A_627, %swap3A_628], %gather3A_626 {strides = array<i32>} : memref<128x128xf32, #tpu.memory_space<vmem>>, vector<16xf32>,
      %gather3A_630 = tpu.vector_load_idx %arg8[%add3A_103, %broadcast_in_dim3A_617] : memref<64x128xf32, #tpu.memory_space<vmem>>[vector<16xi32>, vector<16xi32>], vector<16xf32>,
      %swap3A_631 = arith.index_cast %add3A_621 : i32 to index
      %swap3A_632 = arith.constant 32 : index
      %swap3A_633 = tpu.vector_load %arg14[%swap3A_631, %swap3A_632] {strides = array<i32>} : memref<128x128xf32, #tpu.memory_space<vmem>>, vector<16xf32>,
      tpu.vector_store %arg14[%swap3A_631, %swap3A_632], %gather3A_630 {strides = array<i32>} : memref<128x128xf32, #tpu.memory_space<vmem>>, vector<16xf32>,
      %gather3A_634 = tpu.vector_load_idx %arg8[%add3A_107, %broadcast_in_dim3A_617] : memref<64x128xf32, #tpu.memory_space<vmem>>[vector<16xi32>, vector<16xi32>], vector<16xf32>,
      %swap3A_635 = arith.index_cast %add3A_621 : i32 to index
      %swap3A_636 = arith.constant 48 : index
      %swap3A_637 = tpu.vector_load %arg14[%swap3A_635, %swap3A_636] {strides = array<i32>} : memref<128x128xf32, #tpu.memory_space<vmem>>, vector<16xf32>,
      tpu.vector_store %arg14[%swap3A_635, %swap3A_636], %gather3A_634 {strides = array<i32>} : memref<128x128xf32, #tpu.memory_space<vmem>>, vector<16xf32>,
      %slice3A_638 = vector.extract_strided_slice %get3A_189 {offsets = [2], sizes = [1], strides = [1]} : vector<16xi32> to vector<1xi32>
      %squeeze3A_639 = vector.extract %slice3A_638[0] : i32 from vector<1xi32>
      %shift_right_arithmetic3A_640 = arith.constant 7 : i32
      %shift_right_arithmetic3A_641 = arith.shrsi %squeeze3A_639, %shift_right_arithmetic3A_640 : i32
      %mul3A_642 = arith.constant 128 : i32
      %mul3A_643 = arith.muli %shift_right_arithmetic3A_641, %mul3A_642 : i32
      %multiple_of3A_644 = tpu.assume_multiple %mul3A_643, 128 : i32
      %dma_start3A_645 = arith.constant 0 : i32
      %dma_start3A_646 = tpu.memref_slice %arg3[%dma_start3A_645, %multiple_of3A_644] : memref<64x1000000xf32, #tpu.memory_space<hbm>> -> memref<64x128xf32, #tpu.memory_space<hbm>>
      %dma_start3A_647 = arith.constant 0 : i32
      %dma_start3A_648 = tpu.memref_slice %arg3[%dma_start3A_647, %multiple_of3A_644] : memref<64x1000000xf32, #tpu.memory_space<hbm>> -> memref<64x128xf32, #tpu.memory_space<hbm>>
      tpu.enqueue_dma source(%dma_start3A_648 : memref<64x128xf32, #tpu.memory_space<hbm>>) target(%arg8 : memref<64x128xf32, #tpu.memory_space<vmem>>) target_semaphore(%arg18 : memref<!tpu.dma_semaphore, #tpu.memory_space<semaphore_mem>>)
      %dma_wait3A_649 = arith.constant 0 : i32
      %dma_wait3A_650 = arith.constant 0 : i32
      %dma_wait3A_651 = tpu.memref_slice %arg3[%dma_wait3A_649, %dma_wait3A_650] : memref<64x1000000xf32, #tpu.memory_space<hbm>> -> memref<64x128xf32, #tpu.memory_space<hbm>>
      %dma_wait3A_652 = arith.constant 0 : i32
      %dma_wait3A_653 = arith.constant 0 : i32
      %dma_wait3A_654 = tpu.memref_slice %arg3[%dma_wait3A_652, %dma_wait3A_653] : memref<64x1000000xf32, #tpu.memory_space<hbm>> -> memref<64x128xf32, #tpu.memory_space<hbm>>
      tpu.wait_dma2 semaphore(%arg19 : memref<!tpu.dma_semaphore, #tpu.memory_space<semaphore_mem>>) src(%dma_wait3A_654 : memref<64x128xf32, #tpu.memory_space<hbm>>) dst(%arg9 : memref<64x128xf32, #tpu.memory_space<vmem>>)
      %slice3A_655 = vector.extract_strided_slice %get3A_185 {offsets = [11], sizes = [1], strides = [1]} : vector<16xi32> to vector<1xi32>
      %squeeze3A_656 = vector.extract %slice3A_655[0] : i32 from vector<1xi32>
      %and3A_657 = arith.constant 127 : i32
      %and3A_658 = arith.andi %squeeze3A_656, %and3A_657 : i32
      %broadcast_in_dim3A_659 = vector.broadcast %and3A_658 : i32 to vector<16xi32>
      %mul3A_660 = arith.constant 16 : i32
      %mul3A_661 = arith.muli %scan3A_179, %mul3A_660 : i32
      %add3A_662 = arith.constant 11 : i32
      %add3A_663 = arith.addi %mul3A_661, %add3A_662 : i32
      %gather3A_664 = tpu.vector_load_idx %arg9[%add3A_95, %broadcast_in_dim3A_659] : memref<64x128xf32, #tpu.memory_space<vmem>>[vector<16xi32>, vector<16xi32>], vector<16xf32>,
      %swap3A_665 = arith.index_cast %add3A_663 : i32 to index
      %swap3A_666 = arith.constant 0 : index
      %swap3A_667 = tpu.vector_load %arg14[%swap3A_665, %swap3A_666] {strides = array<i32>} : memref<128x128xf32, #tpu.memory_space<vmem>>, vector<16xf32>,
      tpu.vector_store %arg14[%swap3A_665, %swap3A_666], %gather3A_664 {strides = array<i32>} : memref<128x128xf32, #tpu.memory_space<vmem>>, vector<16xf32>,
      %gather3A_668 = tpu.vector_load_idx %arg9[%add3A_99, %broadcast_in_dim3A_659] : memref<64x128xf32, #tpu.memory_space<vmem>>[vector<16xi32>, vector<16xi32>], vector<16xf32>,
      %swap3A_669 = arith.index_cast %add3A_663 : i32 to index
      %swap3A_670 = arith.constant 16 : index
      %swap3A_671 = tpu.vector_load %arg14[%swap3A_669, %swap3A_670] {strides = array<i32>} : memref<128x128xf32, #tpu.memory_space<vmem>>, vector<16xf32>,
      tpu.vector_store %arg14[%swap3A_669, %swap3A_670], %gather3A_668 {strides = array<i32>} : memref<128x128xf32, #tpu.memory_space<vmem>>, vector<16xf32>,
      %gather3A_672 = tpu.vector_load_idx %arg9[%add3A_103, %broadcast_in_dim3A_659] : memref<64x128xf32, #tpu.memory_space<vmem>>[vector<16xi32>, vector<16xi32>], vector<16xf32>,
      %swap3A_673 = arith.index_cast %add3A_663 : i32 to index
      %swap3A_674 = arith.constant 32 : index
      %swap3A_675 = tpu.vector_load %arg14[%swap3A_673, %swap3A_674] {strides = array<i32>} : memref<128x128xf32, #tpu.memory_space<vmem>>, vector<16xf32>,
      tpu.vector_store %arg14[%swap3A_673, %swap3A_674], %gather3A_672 {strides = array<i32>} : memref<128x128xf32, #tpu.memory_space<vmem>>, vector<16xf32>,
      %gather3A_676 = tpu.vector_load_idx %arg9[%add3A_107, %broadcast_in_dim3A_659] : memref<64x128xf32, #tpu.memory_space<vmem>>[vector<16xi32>, vector<16xi32>], vector<16xf32>,
      %swap3A_677 = arith.index_cast %add3A_663 : i32 to index
      %swap3A_678 = arith.constant 48 : index
      %swap3A_679 = tpu.vector_load %arg14[%swap3A_677, %swap3A_678] {strides = array<i32>} : memref<128x128xf32, #tpu.memory_space<vmem>>, vector<16xf32>,
      tpu.vector_store %arg14[%swap3A_677, %swap3A_678], %gather3A_676 {strides = array<i32>} : memref<128x128xf32, #tpu.memory_space<vmem>>, vector<16xf32>,
      %slice3A_680 = vector.extract_strided_slice %get3A_189 {offsets = [3], sizes = [1], strides = [1]} : vector<16xi32> to vector<1xi32>
      %squeeze3A_681 = vector.extract %slice3A_680[0] : i32 from vector<1xi32>
      %shift_right_arithmetic3A_682 = arith.constant 7 : i32
      %shift_right_arithmetic3A_683 = arith.shrsi %squeeze3A_681, %shift_right_arithmetic3A_682 : i32
      %mul3A_684 = arith.constant 128 : i32
      %mul3A_685 = arith.muli %shift_right_arithmetic3A_683, %mul3A_684 : i32
      %multiple_of3A_686 = tpu.assume_multiple %mul3A_685, 128 : i32
      %dma_start3A_687 = arith.constant 0 : i32
      %dma_start3A_688 = tpu.memref_slice %arg3[%dma_start3A_687, %multiple_of3A_686] : memref<64x1000000xf32, #tpu.memory_space<hbm>> -> memref<64x128xf32, #tpu.memory_space<hbm>>
      %dma_start3A_689 = arith.constant 0 : i32
      %dma_start3A_690 = tpu.memref_slice %arg3[%dma_start3A_689, %multiple_of3A_686] : memref<64x1000000xf32, #tpu.memory_space<hbm>> -> memref<64x128xf32, #tpu.memory_space<hbm>>
      tpu.enqueue_dma source(%dma_start3A_690 : memref<64x128xf32, #tpu.memory_space<hbm>>) target(%arg9 : memref<64x128xf32, #tpu.memory_space<vmem>>) target_semaphore(%arg19 : memref<!tpu.dma_semaphore, #tpu.memory_space<semaphore_mem>>)
      %dma_wait3A_691 = arith.constant 0 : i32
      %dma_wait3A_692 = arith.constant 0 : i32
      %dma_wait3A_693 = tpu.memref_slice %arg3[%dma_wait3A_691, %dma_wait3A_692] : memref<64x1000000xf32, #tpu.memory_space<hbm>> -> memref<64x128xf32, #tpu.memory_space<hbm>>
      %dma_wait3A_694 = arith.constant 0 : i32
      %dma_wait3A_695 = arith.constant 0 : i32
      %dma_wait3A_696 = tpu.memref_slice %arg3[%dma_wait3A_694, %dma_wait3A_695] : memref<64x1000000xf32, #tpu.memory_space<hbm>> -> memref<64x128xf32, #tpu.memory_space<hbm>>
      tpu.wait_dma2 semaphore(%arg20 : memref<!tpu.dma_semaphore, #tpu.memory_space<semaphore_mem>>) src(%dma_wait3A_696 : memref<64x128xf32, #tpu.memory_space<hbm>>) dst(%arg10 : memref<64x128xf32, #tpu.memory_space<vmem>>)
      %slice3A_697 = vector.extract_strided_slice %get3A_185 {offsets = [12], sizes = [1], strides = [1]} : vector<16xi32> to vector<1xi32>
      %squeeze3A_698 = vector.extract %slice3A_697[0] : i32 from vector<1xi32>
      %and3A_699 = arith.constant 127 : i32
      %and3A_700 = arith.andi %squeeze3A_698, %and3A_699 : i32
      %broadcast_in_dim3A_701 = vector.broadcast %and3A_700 : i32 to vector<16xi32>
      %mul3A_702 = arith.constant 16 : i32
      %mul3A_703 = arith.muli %scan3A_179, %mul3A_702 : i32
      %add3A_704 = arith.constant 12 : i32
      %add3A_705 = arith.addi %mul3A_703, %add3A_704 : i32
      %gather3A_706 = tpu.vector_load_idx %arg10[%add3A_95, %broadcast_in_dim3A_701] : memref<64x128xf32, #tpu.memory_space<vmem>>[vector<16xi32>, vector<16xi32>], vector<16xf32>,
      %swap3A_707 = arith.index_cast %add3A_705 : i32 to index
      %swap3A_708 = arith.constant 0 : index
      %swap3A_709 = tpu.vector_load %arg14[%swap3A_707, %swap3A_708] {strides = array<i32>} : memref<128x128xf32, #tpu.memory_space<vmem>>, vector<16xf32>,
      tpu.vector_store %arg14[%swap3A_707, %swap3A_708], %gather3A_706 {strides = array<i32>} : memref<128x128xf32, #tpu.memory_space<vmem>>, vector<16xf32>,
      %gather3A_710 = tpu.vector_load_idx %arg10[%add3A_99, %broadcast_in_dim3A_701] : memref<64x128xf32, #tpu.memory_space<vmem>>[vector<16xi32>, vector<16xi32>], vector<16xf32>,
      %swap3A_711 = arith.index_cast %add3A_705 : i32 to index
      %swap3A_712 = arith.constant 16 : index
      %swap3A_713 = tpu.vector_load %arg14[%swap3A_711, %swap3A_712] {strides = array<i32>} : memref<128x128xf32, #tpu.memory_space<vmem>>, vector<16xf32>,
      tpu.vector_store %arg14[%swap3A_711, %swap3A_712], %gather3A_710 {strides = array<i32>} : memref<128x128xf32, #tpu.memory_space<vmem>>, vector<16xf32>,
      %gather3A_714 = tpu.vector_load_idx %arg10[%add3A_103, %broadcast_in_dim3A_701] : memref<64x128xf32, #tpu.memory_space<vmem>>[vector<16xi32>, vector<16xi32>], vector<16xf32>,
      %swap3A_715 = arith.index_cast %add3A_705 : i32 to index
      %swap3A_716 = arith.constant 32 : index
      %swap3A_717 = tpu.vector_load %arg14[%swap3A_715, %swap3A_716] {strides = array<i32>} : memref<128x128xf32, #tpu.memory_space<vmem>>, vector<16xf32>,
      tpu.vector_store %arg14[%swap3A_715, %swap3A_716], %gather3A_714 {strides = array<i32>} : memref<128x128xf32, #tpu.memory_space<vmem>>, vector<16xf32>,
      %gather3A_718 = tpu.vector_load_idx %arg10[%add3A_107, %broadcast_in_dim3A_701] : memref<64x128xf32, #tpu.memory_space<vmem>>[vector<16xi32>, vector<16xi32>], vector<16xf32>,
      %swap3A_719 = arith.index_cast %add3A_705 : i32 to index
      %swap3A_720 = arith.constant 48 : index
      %swap3A_721 = tpu.vector_load %arg14[%swap3A_719, %swap3A_720] {strides = array<i32>} : memref<128x128xf32, #tpu.memory_space<vmem>>, vector<16xf32>,
      tpu.vector_store %arg14[%swap3A_719, %swap3A_720], %gather3A_718 {strides = array<i32>} : memref<128x128xf32, #tpu.memory_space<vmem>>, vector<16xf32>,
      %slice3A_722 = vector.extract_strided_slice %get3A_189 {offsets = [4], sizes = [1], strides = [1]} : vector<16xi32> to vector<1xi32>
      %squeeze3A_723 = vector.extract %slice3A_722[0] : i32 from vector<1xi32>
      %shift_right_arithmetic3A_724 = arith.constant 7 : i32
      %shift_right_arithmetic3A_725 = arith.shrsi %squeeze3A_723, %shift_right_arithmetic3A_724 : i32
      %mul3A_726 = arith.constant 128 : i32
      %mul3A_727 = arith.muli %shift_right_arithmetic3A_725, %mul3A_726 : i32
      %multiple_of3A_728 = tpu.assume_multiple %mul3A_727, 128 : i32
      %dma_start3A_729 = arith.constant 0 : i32
      %dma_start3A_730 = tpu.memref_slice %arg3[%dma_start3A_729, %multiple_of3A_728] : memref<64x1000000xf32, #tpu.memory_space<hbm>> -> memref<64x128xf32, #tpu.memory_space<hbm>>
      %dma_start3A_731 = arith.constant 0 : i32
      %dma_start3A_732 = tpu.memref_slice %arg3[%dma_start3A_731, %multiple_of3A_728] : memref<64x1000000xf32, #tpu.memory_space<hbm>> -> memref<64x128xf32, #tpu.memory_space<hbm>>
      tpu.enqueue_dma source(%dma_start3A_732 : memref<64x128xf32, #tpu.memory_space<hbm>>) target(%arg10 : memref<64x128xf32, #tpu.memory_space<vmem>>) target_semaphore(%arg20 : memref<!tpu.dma_semaphore, #tpu.memory_space<semaphore_mem>>)
      %dma_wait3A_733 = arith.constant 0 : i32
      %dma_wait3A_734 = arith.constant 0 : i32
      %dma_wait3A_735 = tpu.memref_slice %arg3[%dma_wait3A_733, %dma_wait3A_734] : memref<64x1000000xf32, #tpu.memory_space<hbm>> -> memref<64x128xf32, #tpu.memory_space<hbm>>
      %dma_wait3A_736 = arith.constant 0 : i32
      %dma_wait3A_737 = arith.constant 0 : i32
      %dma_wait3A_738 = tpu.memref_slice %arg3[%dma_wait3A_736, %dma_wait3A_737] : memref<64x1000000xf32, #tpu.memory_space<hbm>> -> memref<64x128xf32, #tpu.memory_space<hbm>>
      tpu.wait_dma2 semaphore(%arg21 : memref<!tpu.dma_semaphore, #tpu.memory_space<semaphore_mem>>) src(%dma_wait3A_738 : memref<64x128xf32, #tpu.memory_space<hbm>>) dst(%arg11 : memref<64x128xf32, #tpu.memory_space<vmem>>)
      %slice3A_739 = vector.extract_strided_slice %get3A_185 {offsets = [13], sizes = [1], strides = [1]} : vector<16xi32> to vector<1xi32>
      %squeeze3A_740 = vector.extract %slice3A_739[0] : i32 from vector<1xi32>
      %and3A_741 = arith.constant 127 : i32
      %and3A_742 = arith.andi %squeeze3A_740, %and3A_741 : i32
      %broadcast_in_dim3A_743 = vector.broadcast %and3A_742 : i32 to vector<16xi32>
      %mul3A_744 = arith.constant 16 : i32
      %mul3A_745 = arith.muli %scan3A_179, %mul3A_744 : i32
      %add3A_746 = arith.constant 13 : i32
      %add3A_747 = arith.addi %mul3A_745, %add3A_746 : i32
      %gather3A_748 = tpu.vector_load_idx %arg11[%add3A_95, %broadcast_in_dim3A_743] : memref<64x128xf32, #tpu.memory_space<vmem>>[vector<16xi32>, vector<16xi32>], vector<16xf32>,
      %swap3A_749 = arith.index_cast %add3A_747 : i32 to index
      %swap3A_750 = arith.constant 0 : index
      %swap3A_751 = tpu.vector_load %arg14[%swap3A_749, %swap3A_750] {strides = array<i32>} : memref<128x128xf32, #tpu.memory_space<vmem>>, vector<16xf32>,
      tpu.vector_store %arg14[%swap3A_749, %swap3A_750], %gather3A_748 {strides = array<i32>} : memref<128x128xf32, #tpu.memory_space<vmem>>, vector<16xf32>,
      %gather3A_752 = tpu.vector_load_idx %arg11[%add3A_99, %broadcast_in_dim3A_743] : memref<64x128xf32, #tpu.memory_space<vmem>>[vector<16xi32>, vector<16xi32>], vector<16xf32>,
      %swap3A_753 = arith.index_cast %add3A_747 : i32 to index
      %swap3A_754 = arith.constant 16 : index
      %swap3A_755 = tpu.vector_load %arg14[%swap3A_753, %swap3A_754] {strides = array<i32>} : memref<128x128xf32, #tpu.memory_space<vmem>>, vector<16xf32>,
      tpu.vector_store %arg14[%swap3A_753, %swap3A_754], %gather3A_752 {strides = array<i32>} : memref<128x128xf32, #tpu.memory_space<vmem>>, vector<16xf32>,
      %gather3A_756 = tpu.vector_load_idx %arg11[%add3A_103, %broadcast_in_dim3A_743] : memref<64x128xf32, #tpu.memory_space<vmem>>[vector<16xi32>, vector<16xi32>], vector<16xf32>,
      %swap3A_757 = arith.index_cast %add3A_747 : i32 to index
      %swap3A_758 = arith.constant 32 : index
      %swap3A_759 = tpu.vector_load %arg14[%swap3A_757, %swap3A_758] {strides = array<i32>} : memref<128x128xf32, #tpu.memory_space<vmem>>, vector<16xf32>,
      tpu.vector_store %arg14[%swap3A_757, %swap3A_758], %gather3A_756 {strides = array<i32>} : memref<128x128xf32, #tpu.memory_space<vmem>>, vector<16xf32>,
      %gather3A_760 = tpu.vector_load_idx %arg11[%add3A_107, %broadcast_in_dim3A_743] : memref<64x128xf32, #tpu.memory_space<vmem>>[vector<16xi32>, vector<16xi32>], vector<16xf32>,
      %swap3A_761 = arith.index_cast %add3A_747 : i32 to index
      %swap3A_762 = arith.constant 48 : index
      %swap3A_763 = tpu.vector_load %arg14[%swap3A_761, %swap3A_762] {strides = array<i32>} : memref<128x128xf32, #tpu.memory_space<vmem>>, vector<16xf32>,
      tpu.vector_store %arg14[%swap3A_761, %swap3A_762], %gather3A_760 {strides = array<i32>} : memref<128x128xf32, #tpu.memory_space<vmem>>, vector<16xf32>,
      %slice3A_764 = vector.extract_strided_slice %get3A_189 {offsets = [5], sizes = [1], strides = [1]} : vector<16xi32> to vector<1xi32>
      %squeeze3A_765 = vector.extract %slice3A_764[0] : i32 from vector<1xi32>
      %shift_right_arithmetic3A_766 = arith.constant 7 : i32
      %shift_right_arithmetic3A_767 = arith.shrsi %squeeze3A_765, %shift_right_arithmetic3A_766 : i32
      %mul3A_768 = arith.constant 128 : i32
      %mul3A_769 = arith.muli %shift_right_arithmetic3A_767, %mul3A_768 : i32
      %multiple_of3A_770 = tpu.assume_multiple %mul3A_769, 128 : i32
      %dma_start3A_771 = arith.constant 0 : i32
      %dma_start3A_772 = tpu.memref_slice %arg3[%dma_start3A_771, %multiple_of3A_770] : memref<64x1000000xf32, #tpu.memory_space<hbm>> -> memref<64x128xf32, #tpu.memory_space<hbm>>
      %dma_start3A_773 = arith.constant 0 : i32
      %dma_start3A_774 = tpu.memref_slice %arg3[%dma_start3A_773, %multiple_of3A_770] : memref<64x1000000xf32, #tpu.memory_space<hbm>> -> memref<64x128xf32, #tpu.memory_space<hbm>>
      tpu.enqueue_dma source(%dma_start3A_774 : memref<64x128xf32, #tpu.memory_space<hbm>>) target(%arg11 : memref<64x128xf32, #tpu.memory_space<vmem>>) target_semaphore(%arg21 : memref<!tpu.dma_semaphore, #tpu.memory_space<semaphore_mem>>)
      %dma_wait3A_775 = arith.constant 0 : i32
      %dma_wait3A_776 = arith.constant 0 : i32
      %dma_wait3A_777 = tpu.memref_slice %arg3[%dma_wait3A_775, %dma_wait3A_776] : memref<64x1000000xf32, #tpu.memory_space<hbm>> -> memref<64x128xf32, #tpu.memory_space<hbm>>
      %dma_wait3A_778 = arith.constant 0 : i32
      %dma_wait3A_779 = arith.constant 0 : i32
      %dma_wait3A_780 = tpu.memref_slice %arg3[%dma_wait3A_778, %dma_wait3A_779] : memref<64x1000000xf32, #tpu.memory_space<hbm>> -> memref<64x128xf32, #tpu.memory_space<hbm>>
      tpu.wait_dma2 semaphore(%arg22 : memref<!tpu.dma_semaphore, #tpu.memory_space<semaphore_mem>>) src(%dma_wait3A_780 : memref<64x128xf32, #tpu.memory_space<hbm>>) dst(%arg12 : memref<64x128xf32, #tpu.memory_space<vmem>>)
      %slice3A_781 = vector.extract_strided_slice %get3A_185 {offsets = [14], sizes = [1], strides = [1]} : vector<16xi32> to vector<1xi32>
      %squeeze3A_782 = vector.extract %slice3A_781[0] : i32 from vector<1xi32>
      %and3A_783 = arith.constant 127 : i32
      %and3A_784 = arith.andi %squeeze3A_782, %and3A_783 : i32
      %broadcast_in_dim3A_785 = vector.broadcast %and3A_784 : i32 to vector<16xi32>
      %mul3A_786 = arith.constant 16 : i32
      %mul3A_787 = arith.muli %scan3A_179, %mul3A_786 : i32
      %add3A_788 = arith.constant 14 : i32
      %add3A_789 = arith.addi %mul3A_787, %add3A_788 : i32
      %gather3A_790 = tpu.vector_load_idx %arg12[%add3A_95, %broadcast_in_dim3A_785] : memref<64x128xf32, #tpu.memory_space<vmem>>[vector<16xi32>, vector<16xi32>], vector<16xf32>,
      %swap3A_791 = arith.index_cast %add3A_789 : i32 to index
      %swap3A_792 = arith.constant 0 : index
      %swap3A_793 = tpu.vector_load %arg14[%swap3A_791, %swap3A_792] {strides = array<i32>} : memref<128x128xf32, #tpu.memory_space<vmem>>, vector<16xf32>,
      tpu.vector_store %arg14[%swap3A_791, %swap3A_792], %gather3A_790 {strides = array<i32>} : memref<128x128xf32, #tpu.memory_space<vmem>>, vector<16xf32>,
      %gather3A_794 = tpu.vector_load_idx %arg12[%add3A_99, %broadcast_in_dim3A_785] : memref<64x128xf32, #tpu.memory_space<vmem>>[vector<16xi32>, vector<16xi32>], vector<16xf32>,
      %swap3A_795 = arith.index_cast %add3A_789 : i32 to index
      %swap3A_796 = arith.constant 16 : index
      %swap3A_797 = tpu.vector_load %arg14[%swap3A_795, %swap3A_796] {strides = array<i32>} : memref<128x128xf32, #tpu.memory_space<vmem>>, vector<16xf32>,
      tpu.vector_store %arg14[%swap3A_795, %swap3A_796], %gather3A_794 {strides = array<i32>} : memref<128x128xf32, #tpu.memory_space<vmem>>, vector<16xf32>,
      %gather3A_798 = tpu.vector_load_idx %arg12[%add3A_103, %broadcast_in_dim3A_785] : memref<64x128xf32, #tpu.memory_space<vmem>>[vector<16xi32>, vector<16xi32>], vector<16xf32>,
      %swap3A_799 = arith.index_cast %add3A_789 : i32 to index
      %swap3A_800 = arith.constant 32 : index
      %swap3A_801 = tpu.vector_load %arg14[%swap3A_799, %swap3A_800] {strides = array<i32>} : memref<128x128xf32, #tpu.memory_space<vmem>>, vector<16xf32>,
      tpu.vector_store %arg14[%swap3A_799, %swap3A_800], %gather3A_798 {strides = array<i32>} : memref<128x128xf32, #tpu.memory_space<vmem>>, vector<16xf32>,
      %gather3A_802 = tpu.vector_load_idx %arg12[%add3A_107, %broadcast_in_dim3A_785] : memref<64x128xf32, #tpu.memory_space<vmem>>[vector<16xi32>, vector<16xi32>], vector<16xf32>,
      %swap3A_803 = arith.index_cast %add3A_789 : i32 to index
      %swap3A_804 = arith.constant 48 : index
      %swap3A_805 = tpu.vector_load %arg14[%swap3A_803, %swap3A_804] {strides = array<i32>} : memref<128x128xf32, #tpu.memory_space<vmem>>, vector<16xf32>,
      tpu.vector_store %arg14[%swap3A_803, %swap3A_804], %gather3A_802 {strides = array<i32>} : memref<128x128xf32, #tpu.memory_space<vmem>>, vector<16xf32>,
      %slice3A_806 = vector.extract_strided_slice %get3A_189 {offsets = [6], sizes = [1], strides = [1]} : vector<16xi32> to vector<1xi32>
      %squeeze3A_807 = vector.extract %slice3A_806[0] : i32 from vector<1xi32>
      %shift_right_arithmetic3A_808 = arith.constant 7 : i32
      %shift_right_arithmetic3A_809 = arith.shrsi %squeeze3A_807, %shift_right_arithmetic3A_808 : i32
      %mul3A_810 = arith.constant 128 : i32
      %mul3A_811 = arith.muli %shift_right_arithmetic3A_809, %mul3A_810 : i32
      %multiple_of3A_812 = tpu.assume_multiple %mul3A_811, 128 : i32
      %dma_start3A_813 = arith.constant 0 : i32
      %dma_start3A_814 = tpu.memref_slice %arg3[%dma_start3A_813, %multiple_of3A_812] : memref<64x1000000xf32, #tpu.memory_space<hbm>> -> memref<64x128xf32, #tpu.memory_space<hbm>>
      %dma_start3A_815 = arith.constant 0 : i32
      %dma_start3A_816 = tpu.memref_slice %arg3[%dma_start3A_815, %multiple_of3A_812] : memref<64x1000000xf32, #tpu.memory_space<hbm>> -> memref<64x128xf32, #tpu.memory_space<hbm>>
      tpu.enqueue_dma source(%dma_start3A_816 : memref<64x128xf32, #tpu.memory_space<hbm>>) target(%arg12 : memref<64x128xf32, #tpu.memory_space<vmem>>) target_semaphore(%arg22 : memref<!tpu.dma_semaphore, #tpu.memory_space<semaphore_mem>>)
      %dma_wait3A_817 = arith.constant 0 : i32
      %dma_wait3A_818 = arith.constant 0 : i32
      %dma_wait3A_819 = tpu.memref_slice %arg3[%dma_wait3A_817, %dma_wait3A_818] : memref<64x1000000xf32, #tpu.memory_space<hbm>> -> memref<64x128xf32, #tpu.memory_space<hbm>>
      %dma_wait3A_820 = arith.constant 0 : i32
      %dma_wait3A_821 = arith.constant 0 : i32
      %dma_wait3A_822 = tpu.memref_slice %arg3[%dma_wait3A_820, %dma_wait3A_821] : memref<64x1000000xf32, #tpu.memory_space<hbm>> -> memref<64x128xf32, #tpu.memory_space<hbm>>
      tpu.wait_dma2 semaphore(%arg23 : memref<!tpu.dma_semaphore, #tpu.memory_space<semaphore_mem>>) src(%dma_wait3A_822 : memref<64x128xf32, #tpu.memory_space<hbm>>) dst(%arg13 : memref<64x128xf32, #tpu.memory_space<vmem>>)
      %slice3A_823 = vector.extract_strided_slice %get3A_185 {offsets = [15], sizes = [1], strides = [1]} : vector<16xi32> to vector<1xi32>
      %squeeze3A_824 = vector.extract %slice3A_823[0] : i32 from vector<1xi32>
      %and3A_825 = arith.constant 127 : i32
      %and3A_826 = arith.andi %squeeze3A_824, %and3A_825 : i32
      %broadcast_in_dim3A_827 = vector.broadcast %and3A_826 : i32 to vector<16xi32>
      %mul3A_828 = arith.constant 16 : i32
      %mul3A_829 = arith.muli %scan3A_179, %mul3A_828 : i32
      %add3A_830 = arith.constant 15 : i32
      %add3A_831 = arith.addi %mul3A_829, %add3A_830 : i32
      %gather3A_832 = tpu.vector_load_idx %arg13[%add3A_95, %broadcast_in_dim3A_827] : memref<64x128xf32, #tpu.memory_space<vmem>>[vector<16xi32>, vector<16xi32>], vector<16xf32>,
      %swap3A_833 = arith.index_cast %add3A_831 : i32 to index
      %swap3A_834 = arith.constant 0 : index
      %swap3A_835 = tpu.vector_load %arg14[%swap3A_833, %swap3A_834] {strides = array<i32>} : memref<128x128xf32, #tpu.memory_space<vmem>>, vector<16xf32>,
      tpu.vector_store %arg14[%swap3A_833, %swap3A_834], %gather3A_832 {strides = array<i32>} : memref<128x128xf32, #tpu.memory_space<vmem>>, vector<16xf32>,
      %gather3A_836 = tpu.vector_load_idx %arg13[%add3A_99, %broadcast_in_dim3A_827] : memref<64x128xf32, #tpu.memory_space<vmem>>[vector<16xi32>, vector<16xi32>], vector<16xf32>,
      %swap3A_837 = arith.index_cast %add3A_831 : i32 to index
      %swap3A_838 = arith.constant 16 : index
      %swap3A_839 = tpu.vector_load %arg14[%swap3A_837, %swap3A_838] {strides = array<i32>} : memref<128x128xf32, #tpu.memory_space<vmem>>, vector<16xf32>,
      tpu.vector_store %arg14[%swap3A_837, %swap3A_838], %gather3A_836 {strides = array<i32>} : memref<128x128xf32, #tpu.memory_space<vmem>>, vector<16xf32>,
      %gather3A_840 = tpu.vector_load_idx %arg13[%add3A_103, %broadcast_in_dim3A_827] : memref<64x128xf32, #tpu.memory_space<vmem>>[vector<16xi32>, vector<16xi32>], vector<16xf32>,
      %swap3A_841 = arith.index_cast %add3A_831 : i32 to index
      %swap3A_842 = arith.constant 32 : index
      %swap3A_843 = tpu.vector_load %arg14[%swap3A_841, %swap3A_842] {strides = array<i32>} : memref<128x128xf32, #tpu.memory_space<vmem>>, vector<16xf32>,
      tpu.vector_store %arg14[%swap3A_841, %swap3A_842], %gather3A_840 {strides = array<i32>} : memref<128x128xf32, #tpu.memory_space<vmem>>, vector<16xf32>,
      %gather3A_844 = tpu.vector_load_idx %arg13[%add3A_107, %broadcast_in_dim3A_827] : memref<64x128xf32, #tpu.memory_space<vmem>>[vector<16xi32>, vector<16xi32>], vector<16xf32>,
      %swap3A_845 = arith.index_cast %add3A_831 : i32 to index
      %swap3A_846 = arith.constant 48 : index
      %swap3A_847 = tpu.vector_load %arg14[%swap3A_845, %swap3A_846] {strides = array<i32>} : memref<128x128xf32, #tpu.memory_space<vmem>>, vector<16xf32>,
      tpu.vector_store %arg14[%swap3A_845, %swap3A_846], %gather3A_844 {strides = array<i32>} : memref<128x128xf32, #tpu.memory_space<vmem>>, vector<16xf32>,
      %slice3A_848 = vector.extract_strided_slice %get3A_189 {offsets = [7], sizes = [1], strides = [1]} : vector<16xi32> to vector<1xi32>
      %squeeze3A_849 = vector.extract %slice3A_848[0] : i32 from vector<1xi32>
      %shift_right_arithmetic3A_850 = arith.constant 7 : i32
      %shift_right_arithmetic3A_851 = arith.shrsi %squeeze3A_849, %shift_right_arithmetic3A_850 : i32
      %mul3A_852 = arith.constant 128 : i32
      %mul3A_853 = arith.muli %shift_right_arithmetic3A_851, %mul3A_852 : i32
      %multiple_of3A_854 = tpu.assume_multiple %mul3A_853, 128 : i32
      %dma_start3A_855 = arith.constant 0 : i32
      %dma_start3A_856 = tpu.memref_slice %arg3[%dma_start3A_855, %multiple_of3A_854] : memref<64x1000000xf32, #tpu.memory_space<hbm>> -> memref<64x128xf32, #tpu.memory_space<hbm>>
      %dma_start3A_857 = arith.constant 0 : i32
      %dma_start3A_858 = tpu.memref_slice %arg3[%dma_start3A_857, %multiple_of3A_854] : memref<64x1000000xf32, #tpu.memory_space<hbm>> -> memref<64x128xf32, #tpu.memory_space<hbm>>
      tpu.enqueue_dma source(%dma_start3A_858 : memref<64x128xf32, #tpu.memory_space<hbm>>) target(%arg13 : memref<64x128xf32, #tpu.memory_space<vmem>>) target_semaphore(%arg23 : memref<!tpu.dma_semaphore, #tpu.memory_space<semaphore_mem>>)
    }
    %scan3A_142 = arith.constant 8 : i32
    %add3A_143 = arith.constant 256 : i32
    %add3A_144 = arith.addi %mul3A_2, %add3A_143 : i32
    %dma_start3A_145 = arith.constant 0 : i32
    %dma_start3A_146 = tpu.memref_slice %arg4[%add3A_144, %dma_start3A_145] : memref<16384x128xf32, #tpu.memory_space<hbm>> -> memref<128x128xf32, #tpu.memory_space<hbm>>
    %dma_start3A_147 = arith.constant 0 : i32
    %dma_start3A_148 = tpu.memref_slice %arg4[%add3A_144, %dma_start3A_147] : memref<16384x128xf32, #tpu.memory_space<hbm>> -> memref<128x128xf32, #tpu.memory_space<hbm>>
    tpu.enqueue_dma source(%arg14 : memref<128x128xf32, #tpu.memory_space<vmem>>) target(%dma_start3A_148 : memref<128x128xf32, #tpu.memory_space<hbm>>) target_semaphore(%arg24 : memref<!tpu.dma_semaphore, #tpu.memory_space<semaphore_mem>>)
    %add3A_149 = arith.constant 128 : i32
    %add3A_150 = arith.addi %mul3A_2, %add3A_149 : i32
    %dma_wait3A_151 = arith.constant 0 : i32
    %dma_wait3A_152 = tpu.memref_slice %arg4[%add3A_150, %dma_wait3A_151] : memref<16384x128xf32, #tpu.memory_space<hbm>> -> memref<128x128xf32, #tpu.memory_space<hbm>>
    %dma_wait3A_153 = arith.constant 0 : i32
    %dma_wait3A_154 = tpu.memref_slice %arg4[%add3A_150, %dma_wait3A_153] : memref<16384x128xf32, #tpu.memory_space<hbm>> -> memref<128x128xf32, #tpu.memory_space<hbm>>
    tpu.wait_dma2 semaphore(%arg25 : memref<!tpu.dma_semaphore, #tpu.memory_space<semaphore_mem>>) src(%arg15 : memref<128x128xf32, #tpu.memory_space<vmem>>) dst(%dma_wait3A_154 : memref<128x128xf32, #tpu.memory_space<hbm>>)
    %scan3A_155 = arith.constant 0 : i32
    %scan3A_156 = arith.constant 0 : i32
    %scan3A_157 = arith.constant 8 : i32
    %scan3A_158 = arith.addi %scan3A_156, %scan3A_157 : i32
    %scan3A_159 = arith.constant 1 : i32
    scf.for %scan3A_179 = %scan3A_156 to %scan3A_158 step %scan3A_159  : i32 {
      %mul3A_180 = arith.constant 16 : i32
      %mul3A_181 = arith.muli %scan3A_179, %mul3A_180 : i32
      %add3A_182 = arith.constant 384 : i32
      %add3A_183 = arith.addi %add3A_182, %mul3A_181 : i32
      %get3A_184 = arith.index_cast %add3A_183 : i32 to index
      %get3A_185 = tpu.vector_load %arg5[%get3A_184] {strides = array<i32>} : memref<544xi32, #tpu.memory_space<vmem>>, vector<16xi32>,
      %add3A_186 = arith.constant 16 : i32
      %add3A_187 = arith.addi %add3A_183, %add3A_186 : i32
      %get3A_188 = arith.index_cast %add3A_187 : i32 to index
      %get3A_189 = tpu.vector_load %arg5[%get3A_188] {strides = array<i32>} : memref<544xi32, #tpu.memory_space<vmem>>, vector<16xi32>,
      %dma_wait3A_190 = arith.constant 0 : i32
      %dma_wait3A_191 = arith.constant 0 : i32
      %dma_wait3A_192 = tpu.memref_slice %arg3[%dma_wait3A_190, %dma_wait3A_191] : memref<64x1000000xf32, #tpu.memory_space<hbm>> -> memref<64x128xf32, #tpu.memory_space<hbm>>
      %dma_wait3A_193 = arith.constant 0 : i32
      %dma_wait3A_194 = arith.constant 0 : i32
      %dma_wait3A_195 = tpu.memref_slice %arg3[%dma_wait3A_193, %dma_wait3A_194] : memref<64x1000000xf32, #tpu.memory_space<hbm>> -> memref<64x128xf32, #tpu.memory_space<hbm>>
      tpu.wait_dma2 semaphore(%arg16 : memref<!tpu.dma_semaphore, #tpu.memory_space<semaphore_mem>>) src(%dma_wait3A_195 : memref<64x128xf32, #tpu.memory_space<hbm>>) dst(%arg6 : memref<64x128xf32, #tpu.memory_space<vmem>>)
      %slice3A_196 = vector.extract_strided_slice %get3A_185 {offsets = [0], sizes = [1], strides = [1]} : vector<16xi32> to vector<1xi32>
      %squeeze3A_197 = vector.extract %slice3A_196[0] : i32 from vector<1xi32>
      %and3A = arith.constant 127 : i32
      %and3A_198 = arith.andi %squeeze3A_197, %and3A : i32
      %broadcast_in_dim3A_199 = vector.broadcast %and3A_198 : i32 to vector<16xi32>
      %mul3A_200 = arith.constant 16 : i32
      %mul3A_201 = arith.muli %scan3A_179, %mul3A_200 : i32
      %add3A_202 = arith.constant 0 : i32
      %add3A_203 = arith.addi %mul3A_201, %add3A_202 : i32
      %gather3A = tpu.vector_load_idx %arg6[%add3A_95, %broadcast_in_dim3A_199] : memref<64x128xf32, #tpu.memory_space<vmem>>[vector<16xi32>, vector<16xi32>], vector<16xf32>,
      %swap3A = arith.index_cast %add3A_203 : i32 to index
      %swap3A_204 = arith.constant 0 : index
      %swap3A_205 = tpu.vector_load %arg15[%swap3A, %swap3A_204] {strides = array<i32>} : memref<128x128xf32, #tpu.memory_space<vmem>>, vector<16xf32>,
      tpu.vector_store %arg15[%swap3A, %swap3A_204], %gather3A {strides = array<i32>} : memref<128x128xf32, #tpu.memory_space<vmem>>, vector<16xf32>,
      %gather3A_206 = tpu.vector_load_idx %arg6[%add3A_99, %broadcast_in_dim3A_199] : memref<64x128xf32, #tpu.memory_space<vmem>>[vector<16xi32>, vector<16xi32>], vector<16xf32>,
      %swap3A_207 = arith.index_cast %add3A_203 : i32 to index
      %swap3A_208 = arith.constant 16 : index
      %swap3A_209 = tpu.vector_load %arg15[%swap3A_207, %swap3A_208] {strides = array<i32>} : memref<128x128xf32, #tpu.memory_space<vmem>>, vector<16xf32>,
      tpu.vector_store %arg15[%swap3A_207, %swap3A_208], %gather3A_206 {strides = array<i32>} : memref<128x128xf32, #tpu.memory_space<vmem>>, vector<16xf32>,
      %gather3A_210 = tpu.vector_load_idx %arg6[%add3A_103, %broadcast_in_dim3A_199] : memref<64x128xf32, #tpu.memory_space<vmem>>[vector<16xi32>, vector<16xi32>], vector<16xf32>,
      %swap3A_211 = arith.index_cast %add3A_203 : i32 to index
      %swap3A_212 = arith.constant 32 : index
      %swap3A_213 = tpu.vector_load %arg15[%swap3A_211, %swap3A_212] {strides = array<i32>} : memref<128x128xf32, #tpu.memory_space<vmem>>, vector<16xf32>,
      tpu.vector_store %arg15[%swap3A_211, %swap3A_212], %gather3A_210 {strides = array<i32>} : memref<128x128xf32, #tpu.memory_space<vmem>>, vector<16xf32>,
      %gather3A_214 = tpu.vector_load_idx %arg6[%add3A_107, %broadcast_in_dim3A_199] : memref<64x128xf32, #tpu.memory_space<vmem>>[vector<16xi32>, vector<16xi32>], vector<16xf32>,
      %swap3A_215 = arith.index_cast %add3A_203 : i32 to index
      %swap3A_216 = arith.constant 48 : index
      %swap3A_217 = tpu.vector_load %arg15[%swap3A_215, %swap3A_216] {strides = array<i32>} : memref<128x128xf32, #tpu.memory_space<vmem>>, vector<16xf32>,
      tpu.vector_store %arg15[%swap3A_215, %swap3A_216], %gather3A_214 {strides = array<i32>} : memref<128x128xf32, #tpu.memory_space<vmem>>, vector<16xf32>,
      %slice3A_218 = vector.extract_strided_slice %get3A_185 {offsets = [8], sizes = [1], strides = [1]} : vector<16xi32> to vector<1xi32>
      %squeeze3A_219 = vector.extract %slice3A_218[0] : i32 from vector<1xi32>
      %add3A_220 = arith.constant 0 : i32
      %add3A_221 = arith.addi %add3A_183, %add3A_220 : i32
      %add3A_222 = arith.constant 8 : i32
      %add3A_223 = arith.addi %add3A_221, %add3A_222 : i32
      %lt3A = arith.constant 512 : i32
      %lt3A_224 = arith.cmpi slt, %add3A_223, %lt3A : i32
      %convert_element_type3A = arith.extui %lt3A_224 : i1 to i32
      %cond3A = arith.constant 0 : i32
      %cond3A_225 = arith.cmpi ne, %convert_element_type3A, %cond3A : i32
      scf.if %cond3A_225 {
        %shift_right_arithmetic3A_856 = arith.constant 7 : i32
        %shift_right_arithmetic3A_857 = arith.shrsi %squeeze3A_219, %shift_right_arithmetic3A_856 : i32
        %mul3A_858 = arith.constant 128 : i32
        %mul3A_859 = arith.muli %shift_right_arithmetic3A_857, %mul3A_858 : i32
        %multiple_of3A_860 = tpu.assume_multiple %mul3A_859, 128 : i32
        %dma_start3A_861 = arith.constant 0 : i32
        %dma_start3A_862 = tpu.memref_slice %arg3[%dma_start3A_861, %multiple_of3A_860] : memref<64x1000000xf32, #tpu.memory_space<hbm>> -> memref<64x128xf32, #tpu.memory_space<hbm>>
        %dma_start3A_863 = arith.constant 0 : i32
        %dma_start3A_864 = tpu.memref_slice %arg3[%dma_start3A_863, %multiple_of3A_860] : memref<64x1000000xf32, #tpu.memory_space<hbm>> -> memref<64x128xf32, #tpu.memory_space<hbm>>
        tpu.enqueue_dma source(%dma_start3A_864 : memref<64x128xf32, #tpu.memory_space<hbm>>) target(%arg6 : memref<64x128xf32, #tpu.memory_space<vmem>>) target_semaphore(%arg16 : memref<!tpu.dma_semaphore, #tpu.memory_space<semaphore_mem>>)
      } else {
      }
      %dma_wait3A_226 = arith.constant 0 : i32
      %dma_wait3A_227 = arith.constant 0 : i32
      %dma_wait3A_228 = tpu.memref_slice %arg3[%dma_wait3A_226, %dma_wait3A_227] : memref<64x1000000xf32, #tpu.memory_space<hbm>> -> memref<64x128xf32, #tpu.memory_space<hbm>>
      %dma_wait3A_229 = arith.constant 0 : i32
      %dma_wait3A_230 = arith.constant 0 : i32
      %dma_wait3A_231 = tpu.memref_slice %arg3[%dma_wait3A_229, %dma_wait3A_230] : memref<64x1000000xf32, #tpu.memory_space<hbm>> -> memref<64x128xf32, #tpu.memory_space<hbm>>
      tpu.wait_dma2 semaphore(%arg17 : memref<!tpu.dma_semaphore, #tpu.memory_space<semaphore_mem>>) src(%dma_wait3A_231 : memref<64x128xf32, #tpu.memory_space<hbm>>) dst(%arg7 : memref<64x128xf32, #tpu.memory_space<vmem>>)
      %slice3A_232 = vector.extract_strided_slice %get3A_185 {offsets = [1], sizes = [1], strides = [1]} : vector<16xi32> to vector<1xi32>
      %squeeze3A_233 = vector.extract %slice3A_232[0] : i32 from vector<1xi32>
      %and3A_234 = arith.constant 127 : i32
      %and3A_235 = arith.andi %squeeze3A_233, %and3A_234 : i32
      %broadcast_in_dim3A_236 = vector.broadcast %and3A_235 : i32 to vector<16xi32>
      %mul3A_237 = arith.constant 16 : i32
      %mul3A_238 = arith.muli %scan3A_179, %mul3A_237 : i32
      %add3A_239 = arith.constant 1 : i32
      %add3A_240 = arith.addi %mul3A_238, %add3A_239 : i32
      %gather3A_241 = tpu.vector_load_idx %arg7[%add3A_95, %broadcast_in_dim3A_236] : memref<64x128xf32, #tpu.memory_space<vmem>>[vector<16xi32>, vector<16xi32>], vector<16xf32>,
      %swap3A_242 = arith.index_cast %add3A_240 : i32 to index
      %swap3A_243 = arith.constant 0 : index
      %swap3A_244 = tpu.vector_load %arg15[%swap3A_242, %swap3A_243] {strides = array<i32>} : memref<128x128xf32, #tpu.memory_space<vmem>>, vector<16xf32>,
      tpu.vector_store %arg15[%swap3A_242, %swap3A_243], %gather3A_241 {strides = array<i32>} : memref<128x128xf32, #tpu.memory_space<vmem>>, vector<16xf32>,
      %gather3A_245 = tpu.vector_load_idx %arg7[%add3A_99, %broadcast_in_dim3A_236] : memref<64x128xf32, #tpu.memory_space<vmem>>[vector<16xi32>, vector<16xi32>], vector<16xf32>,
      %swap3A_246 = arith.index_cast %add3A_240 : i32 to index
      %swap3A_247 = arith.constant 16 : index
      %swap3A_248 = tpu.vector_load %arg15[%swap3A_246, %swap3A_247] {strides = array<i32>} : memref<128x128xf32, #tpu.memory_space<vmem>>, vector<16xf32>,
      tpu.vector_store %arg15[%swap3A_246, %swap3A_247], %gather3A_245 {strides = array<i32>} : memref<128x128xf32, #tpu.memory_space<vmem>>, vector<16xf32>,
      %gather3A_249 = tpu.vector_load_idx %arg7[%add3A_103, %broadcast_in_dim3A_236] : memref<64x128xf32, #tpu.memory_space<vmem>>[vector<16xi32>, vector<16xi32>], vector<16xf32>,
      %swap3A_250 = arith.index_cast %add3A_240 : i32 to index
      %swap3A_251 = arith.constant 32 : index
      %swap3A_252 = tpu.vector_load %arg15[%swap3A_250, %swap3A_251] {strides = array<i32>} : memref<128x128xf32, #tpu.memory_space<vmem>>, vector<16xf32>,
      tpu.vector_store %arg15[%swap3A_250, %swap3A_251], %gather3A_249 {strides = array<i32>} : memref<128x128xf32, #tpu.memory_space<vmem>>, vector<16xf32>,
      %gather3A_253 = tpu.vector_load_idx %arg7[%add3A_107, %broadcast_in_dim3A_236] : memref<64x128xf32, #tpu.memory_space<vmem>>[vector<16xi32>, vector<16xi32>], vector<16xf32>,
      %swap3A_254 = arith.index_cast %add3A_240 : i32 to index
      %swap3A_255 = arith.constant 48 : index
      %swap3A_256 = tpu.vector_load %arg15[%swap3A_254, %swap3A_255] {strides = array<i32>} : memref<128x128xf32, #tpu.memory_space<vmem>>, vector<16xf32>,
      tpu.vector_store %arg15[%swap3A_254, %swap3A_255], %gather3A_253 {strides = array<i32>} : memref<128x128xf32, #tpu.memory_space<vmem>>, vector<16xf32>,
      %slice3A_257 = vector.extract_strided_slice %get3A_185 {offsets = [9], sizes = [1], strides = [1]} : vector<16xi32> to vector<1xi32>
      %squeeze3A_258 = vector.extract %slice3A_257[0] : i32 from vector<1xi32>
      %add3A_259 = arith.constant 1 : i32
      %add3A_260 = arith.addi %add3A_183, %add3A_259 : i32
      %add3A_261 = arith.constant 8 : i32
      %add3A_262 = arith.addi %add3A_260, %add3A_261 : i32
      %lt3A_263 = arith.constant 512 : i32
      %lt3A_264 = arith.cmpi slt, %add3A_262, %lt3A_263 : i32
      %convert_element_type3A_265 = arith.extui %lt3A_264 : i1 to i32
      %cond3A_266 = arith.constant 0 : i32
      %cond3A_267 = arith.cmpi ne, %convert_element_type3A_265, %cond3A_266 : i32
      scf.if %cond3A_267 {
        %shift_right_arithmetic3A_856 = arith.constant 7 : i32
        %shift_right_arithmetic3A_857 = arith.shrsi %squeeze3A_258, %shift_right_arithmetic3A_856 : i32
        %mul3A_858 = arith.constant 128 : i32
        %mul3A_859 = arith.muli %shift_right_arithmetic3A_857, %mul3A_858 : i32
        %multiple_of3A_860 = tpu.assume_multiple %mul3A_859, 128 : i32
        %dma_start3A_861 = arith.constant 0 : i32
        %dma_start3A_862 = tpu.memref_slice %arg3[%dma_start3A_861, %multiple_of3A_860] : memref<64x1000000xf32, #tpu.memory_space<hbm>> -> memref<64x128xf32, #tpu.memory_space<hbm>>
        %dma_start3A_863 = arith.constant 0 : i32
        %dma_start3A_864 = tpu.memref_slice %arg3[%dma_start3A_863, %multiple_of3A_860] : memref<64x1000000xf32, #tpu.memory_space<hbm>> -> memref<64x128xf32, #tpu.memory_space<hbm>>
        tpu.enqueue_dma source(%dma_start3A_864 : memref<64x128xf32, #tpu.memory_space<hbm>>) target(%arg7 : memref<64x128xf32, #tpu.memory_space<vmem>>) target_semaphore(%arg17 : memref<!tpu.dma_semaphore, #tpu.memory_space<semaphore_mem>>)
      } else {
      }
      %dma_wait3A_268 = arith.constant 0 : i32
      %dma_wait3A_269 = arith.constant 0 : i32
      %dma_wait3A_270 = tpu.memref_slice %arg3[%dma_wait3A_268, %dma_wait3A_269] : memref<64x1000000xf32, #tpu.memory_space<hbm>> -> memref<64x128xf32, #tpu.memory_space<hbm>>
      %dma_wait3A_271 = arith.constant 0 : i32
      %dma_wait3A_272 = arith.constant 0 : i32
      %dma_wait3A_273 = tpu.memref_slice %arg3[%dma_wait3A_271, %dma_wait3A_272] : memref<64x1000000xf32, #tpu.memory_space<hbm>> -> memref<64x128xf32, #tpu.memory_space<hbm>>
      tpu.wait_dma2 semaphore(%arg18 : memref<!tpu.dma_semaphore, #tpu.memory_space<semaphore_mem>>) src(%dma_wait3A_273 : memref<64x128xf32, #tpu.memory_space<hbm>>) dst(%arg8 : memref<64x128xf32, #tpu.memory_space<vmem>>)
      %slice3A_274 = vector.extract_strided_slice %get3A_185 {offsets = [2], sizes = [1], strides = [1]} : vector<16xi32> to vector<1xi32>
      %squeeze3A_275 = vector.extract %slice3A_274[0] : i32 from vector<1xi32>
      %and3A_276 = arith.constant 127 : i32
      %and3A_277 = arith.andi %squeeze3A_275, %and3A_276 : i32
      %broadcast_in_dim3A_278 = vector.broadcast %and3A_277 : i32 to vector<16xi32>
      %mul3A_279 = arith.constant 16 : i32
      %mul3A_280 = arith.muli %scan3A_179, %mul3A_279 : i32
      %add3A_281 = arith.constant 2 : i32
      %add3A_282 = arith.addi %mul3A_280, %add3A_281 : i32
      %gather3A_283 = tpu.vector_load_idx %arg8[%add3A_95, %broadcast_in_dim3A_278] : memref<64x128xf32, #tpu.memory_space<vmem>>[vector<16xi32>, vector<16xi32>], vector<16xf32>,
      %swap3A_284 = arith.index_cast %add3A_282 : i32 to index
      %swap3A_285 = arith.constant 0 : index
      %swap3A_286 = tpu.vector_load %arg15[%swap3A_284, %swap3A_285] {strides = array<i32>} : memref<128x128xf32, #tpu.memory_space<vmem>>, vector<16xf32>,
      tpu.vector_store %arg15[%swap3A_284, %swap3A_285], %gather3A_283 {strides = array<i32>} : memref<128x128xf32, #tpu.memory_space<vmem>>, vector<16xf32>,
      %gather3A_287 = tpu.vector_load_idx %arg8[%add3A_99, %broadcast_in_dim3A_278] : memref<64x128xf32, #tpu.memory_space<vmem>>[vector<16xi32>, vector<16xi32>], vector<16xf32>,
      %swap3A_288 = arith.index_cast %add3A_282 : i32 to index
      %swap3A_289 = arith.constant 16 : index
      %swap3A_290 = tpu.vector_load %arg15[%swap3A_288, %swap3A_289] {strides = array<i32>} : memref<128x128xf32, #tpu.memory_space<vmem>>, vector<16xf32>,
      tpu.vector_store %arg15[%swap3A_288, %swap3A_289], %gather3A_287 {strides = array<i32>} : memref<128x128xf32, #tpu.memory_space<vmem>>, vector<16xf32>,
      %gather3A_291 = tpu.vector_load_idx %arg8[%add3A_103, %broadcast_in_dim3A_278] : memref<64x128xf32, #tpu.memory_space<vmem>>[vector<16xi32>, vector<16xi32>], vector<16xf32>,
      %swap3A_292 = arith.index_cast %add3A_282 : i32 to index
      %swap3A_293 = arith.constant 32 : index
      %swap3A_294 = tpu.vector_load %arg15[%swap3A_292, %swap3A_293] {strides = array<i32>} : memref<128x128xf32, #tpu.memory_space<vmem>>, vector<16xf32>,
      tpu.vector_store %arg15[%swap3A_292, %swap3A_293], %gather3A_291 {strides = array<i32>} : memref<128x128xf32, #tpu.memory_space<vmem>>, vector<16xf32>,
      %gather3A_295 = tpu.vector_load_idx %arg8[%add3A_107, %broadcast_in_dim3A_278] : memref<64x128xf32, #tpu.memory_space<vmem>>[vector<16xi32>, vector<16xi32>], vector<16xf32>,
      %swap3A_296 = arith.index_cast %add3A_282 : i32 to index
      %swap3A_297 = arith.constant 48 : index
      %swap3A_298 = tpu.vector_load %arg15[%swap3A_296, %swap3A_297] {strides = array<i32>} : memref<128x128xf32, #tpu.memory_space<vmem>>, vector<16xf32>,
      tpu.vector_store %arg15[%swap3A_296, %swap3A_297], %gather3A_295 {strides = array<i32>} : memref<128x128xf32, #tpu.memory_space<vmem>>, vector<16xf32>,
      %slice3A_299 = vector.extract_strided_slice %get3A_185 {offsets = [10], sizes = [1], strides = [1]} : vector<16xi32> to vector<1xi32>
      %squeeze3A_300 = vector.extract %slice3A_299[0] : i32 from vector<1xi32>
      %add3A_301 = arith.constant 2 : i32
      %add3A_302 = arith.addi %add3A_183, %add3A_301 : i32
      %add3A_303 = arith.constant 8 : i32
      %add3A_304 = arith.addi %add3A_302, %add3A_303 : i32
      %lt3A_305 = arith.constant 512 : i32
      %lt3A_306 = arith.cmpi slt, %add3A_304, %lt3A_305 : i32
      %convert_element_type3A_307 = arith.extui %lt3A_306 : i1 to i32
      %cond3A_308 = arith.constant 0 : i32
      %cond3A_309 = arith.cmpi ne, %convert_element_type3A_307, %cond3A_308 : i32
      scf.if %cond3A_309 {
        %shift_right_arithmetic3A_856 = arith.constant 7 : i32
        %shift_right_arithmetic3A_857 = arith.shrsi %squeeze3A_300, %shift_right_arithmetic3A_856 : i32
        %mul3A_858 = arith.constant 128 : i32
        %mul3A_859 = arith.muli %shift_right_arithmetic3A_857, %mul3A_858 : i32
        %multiple_of3A_860 = tpu.assume_multiple %mul3A_859, 128 : i32
        %dma_start3A_861 = arith.constant 0 : i32
        %dma_start3A_862 = tpu.memref_slice %arg3[%dma_start3A_861, %multiple_of3A_860] : memref<64x1000000xf32, #tpu.memory_space<hbm>> -> memref<64x128xf32, #tpu.memory_space<hbm>>
        %dma_start3A_863 = arith.constant 0 : i32
        %dma_start3A_864 = tpu.memref_slice %arg3[%dma_start3A_863, %multiple_of3A_860] : memref<64x1000000xf32, #tpu.memory_space<hbm>> -> memref<64x128xf32, #tpu.memory_space<hbm>>
        tpu.enqueue_dma source(%dma_start3A_864 : memref<64x128xf32, #tpu.memory_space<hbm>>) target(%arg8 : memref<64x128xf32, #tpu.memory_space<vmem>>) target_semaphore(%arg18 : memref<!tpu.dma_semaphore, #tpu.memory_space<semaphore_mem>>)
      } else {
      }
      %dma_wait3A_310 = arith.constant 0 : i32
      %dma_wait3A_311 = arith.constant 0 : i32
      %dma_wait3A_312 = tpu.memref_slice %arg3[%dma_wait3A_310, %dma_wait3A_311] : memref<64x1000000xf32, #tpu.memory_space<hbm>> -> memref<64x128xf32, #tpu.memory_space<hbm>>
      %dma_wait3A_313 = arith.constant 0 : i32
      %dma_wait3A_314 = arith.constant 0 : i32
      %dma_wait3A_315 = tpu.memref_slice %arg3[%dma_wait3A_313, %dma_wait3A_314] : memref<64x1000000xf32, #tpu.memory_space<hbm>> -> memref<64x128xf32, #tpu.memory_space<hbm>>
      tpu.wait_dma2 semaphore(%arg19 : memref<!tpu.dma_semaphore, #tpu.memory_space<semaphore_mem>>) src(%dma_wait3A_315 : memref<64x128xf32, #tpu.memory_space<hbm>>) dst(%arg9 : memref<64x128xf32, #tpu.memory_space<vmem>>)
      %slice3A_316 = vector.extract_strided_slice %get3A_185 {offsets = [3], sizes = [1], strides = [1]} : vector<16xi32> to vector<1xi32>
      %squeeze3A_317 = vector.extract %slice3A_316[0] : i32 from vector<1xi32>
      %and3A_318 = arith.constant 127 : i32
      %and3A_319 = arith.andi %squeeze3A_317, %and3A_318 : i32
      %broadcast_in_dim3A_320 = vector.broadcast %and3A_319 : i32 to vector<16xi32>
      %mul3A_321 = arith.constant 16 : i32
      %mul3A_322 = arith.muli %scan3A_179, %mul3A_321 : i32
      %add3A_323 = arith.constant 3 : i32
      %add3A_324 = arith.addi %mul3A_322, %add3A_323 : i32
      %gather3A_325 = tpu.vector_load_idx %arg9[%add3A_95, %broadcast_in_dim3A_320] : memref<64x128xf32, #tpu.memory_space<vmem>>[vector<16xi32>, vector<16xi32>], vector<16xf32>,
      %swap3A_326 = arith.index_cast %add3A_324 : i32 to index
      %swap3A_327 = arith.constant 0 : index
      %swap3A_328 = tpu.vector_load %arg15[%swap3A_326, %swap3A_327] {strides = array<i32>} : memref<128x128xf32, #tpu.memory_space<vmem>>, vector<16xf32>,
      tpu.vector_store %arg15[%swap3A_326, %swap3A_327], %gather3A_325 {strides = array<i32>} : memref<128x128xf32, #tpu.memory_space<vmem>>, vector<16xf32>,
      %gather3A_329 = tpu.vector_load_idx %arg9[%add3A_99, %broadcast_in_dim3A_320] : memref<64x128xf32, #tpu.memory_space<vmem>>[vector<16xi32>, vector<16xi32>], vector<16xf32>,
      %swap3A_330 = arith.index_cast %add3A_324 : i32 to index
      %swap3A_331 = arith.constant 16 : index
      %swap3A_332 = tpu.vector_load %arg15[%swap3A_330, %swap3A_331] {strides = array<i32>} : memref<128x128xf32, #tpu.memory_space<vmem>>, vector<16xf32>,
      tpu.vector_store %arg15[%swap3A_330, %swap3A_331], %gather3A_329 {strides = array<i32>} : memref<128x128xf32, #tpu.memory_space<vmem>>, vector<16xf32>,
      %gather3A_333 = tpu.vector_load_idx %arg9[%add3A_103, %broadcast_in_dim3A_320] : memref<64x128xf32, #tpu.memory_space<vmem>>[vector<16xi32>, vector<16xi32>], vector<16xf32>,
      %swap3A_334 = arith.index_cast %add3A_324 : i32 to index
      %swap3A_335 = arith.constant 32 : index
      %swap3A_336 = tpu.vector_load %arg15[%swap3A_334, %swap3A_335] {strides = array<i32>} : memref<128x128xf32, #tpu.memory_space<vmem>>, vector<16xf32>,
      tpu.vector_store %arg15[%swap3A_334, %swap3A_335], %gather3A_333 {strides = array<i32>} : memref<128x128xf32, #tpu.memory_space<vmem>>, vector<16xf32>,
      %gather3A_337 = tpu.vector_load_idx %arg9[%add3A_107, %broadcast_in_dim3A_320] : memref<64x128xf32, #tpu.memory_space<vmem>>[vector<16xi32>, vector<16xi32>], vector<16xf32>,
      %swap3A_338 = arith.index_cast %add3A_324 : i32 to index
      %swap3A_339 = arith.constant 48 : index
      %swap3A_340 = tpu.vector_load %arg15[%swap3A_338, %swap3A_339] {strides = array<i32>} : memref<128x128xf32, #tpu.memory_space<vmem>>, vector<16xf32>,
      tpu.vector_store %arg15[%swap3A_338, %swap3A_339], %gather3A_337 {strides = array<i32>} : memref<128x128xf32, #tpu.memory_space<vmem>>, vector<16xf32>,
      %slice3A_341 = vector.extract_strided_slice %get3A_185 {offsets = [11], sizes = [1], strides = [1]} : vector<16xi32> to vector<1xi32>
      %squeeze3A_342 = vector.extract %slice3A_341[0] : i32 from vector<1xi32>
      %add3A_343 = arith.constant 3 : i32
      %add3A_344 = arith.addi %add3A_183, %add3A_343 : i32
      %add3A_345 = arith.constant 8 : i32
      %add3A_346 = arith.addi %add3A_344, %add3A_345 : i32
      %lt3A_347 = arith.constant 512 : i32
      %lt3A_348 = arith.cmpi slt, %add3A_346, %lt3A_347 : i32
      %convert_element_type3A_349 = arith.extui %lt3A_348 : i1 to i32
      %cond3A_350 = arith.constant 0 : i32
      %cond3A_351 = arith.cmpi ne, %convert_element_type3A_349, %cond3A_350 : i32
      scf.if %cond3A_351 {
        %shift_right_arithmetic3A_856 = arith.constant 7 : i32
        %shift_right_arithmetic3A_857 = arith.shrsi %squeeze3A_342, %shift_right_arithmetic3A_856 : i32
        %mul3A_858 = arith.constant 128 : i32
        %mul3A_859 = arith.muli %shift_right_arithmetic3A_857, %mul3A_858 : i32
        %multiple_of3A_860 = tpu.assume_multiple %mul3A_859, 128 : i32
        %dma_start3A_861 = arith.constant 0 : i32
        %dma_start3A_862 = tpu.memref_slice %arg3[%dma_start3A_861, %multiple_of3A_860] : memref<64x1000000xf32, #tpu.memory_space<hbm>> -> memref<64x128xf32, #tpu.memory_space<hbm>>
        %dma_start3A_863 = arith.constant 0 : i32
        %dma_start3A_864 = tpu.memref_slice %arg3[%dma_start3A_863, %multiple_of3A_860] : memref<64x1000000xf32, #tpu.memory_space<hbm>> -> memref<64x128xf32, #tpu.memory_space<hbm>>
        tpu.enqueue_dma source(%dma_start3A_864 : memref<64x128xf32, #tpu.memory_space<hbm>>) target(%arg9 : memref<64x128xf32, #tpu.memory_space<vmem>>) target_semaphore(%arg19 : memref<!tpu.dma_semaphore, #tpu.memory_space<semaphore_mem>>)
      } else {
      }
      %dma_wait3A_352 = arith.constant 0 : i32
      %dma_wait3A_353 = arith.constant 0 : i32
      %dma_wait3A_354 = tpu.memref_slice %arg3[%dma_wait3A_352, %dma_wait3A_353] : memref<64x1000000xf32, #tpu.memory_space<hbm>> -> memref<64x128xf32, #tpu.memory_space<hbm>>
      %dma_wait3A_355 = arith.constant 0 : i32
      %dma_wait3A_356 = arith.constant 0 : i32
      %dma_wait3A_357 = tpu.memref_slice %arg3[%dma_wait3A_355, %dma_wait3A_356] : memref<64x1000000xf32, #tpu.memory_space<hbm>> -> memref<64x128xf32, #tpu.memory_space<hbm>>
      tpu.wait_dma2 semaphore(%arg20 : memref<!tpu.dma_semaphore, #tpu.memory_space<semaphore_mem>>) src(%dma_wait3A_357 : memref<64x128xf32, #tpu.memory_space<hbm>>) dst(%arg10 : memref<64x128xf32, #tpu.memory_space<vmem>>)
      %slice3A_358 = vector.extract_strided_slice %get3A_185 {offsets = [4], sizes = [1], strides = [1]} : vector<16xi32> to vector<1xi32>
      %squeeze3A_359 = vector.extract %slice3A_358[0] : i32 from vector<1xi32>
      %and3A_360 = arith.constant 127 : i32
      %and3A_361 = arith.andi %squeeze3A_359, %and3A_360 : i32
      %broadcast_in_dim3A_362 = vector.broadcast %and3A_361 : i32 to vector<16xi32>
      %mul3A_363 = arith.constant 16 : i32
      %mul3A_364 = arith.muli %scan3A_179, %mul3A_363 : i32
      %add3A_365 = arith.constant 4 : i32
      %add3A_366 = arith.addi %mul3A_364, %add3A_365 : i32
      %gather3A_367 = tpu.vector_load_idx %arg10[%add3A_95, %broadcast_in_dim3A_362] : memref<64x128xf32, #tpu.memory_space<vmem>>[vector<16xi32>, vector<16xi32>], vector<16xf32>,
      %swap3A_368 = arith.index_cast %add3A_366 : i32 to index
      %swap3A_369 = arith.constant 0 : index
      %swap3A_370 = tpu.vector_load %arg15[%swap3A_368, %swap3A_369] {strides = array<i32>} : memref<128x128xf32, #tpu.memory_space<vmem>>, vector<16xf32>,
      tpu.vector_store %arg15[%swap3A_368, %swap3A_369], %gather3A_367 {strides = array<i32>} : memref<128x128xf32, #tpu.memory_space<vmem>>, vector<16xf32>,
      %gather3A_371 = tpu.vector_load_idx %arg10[%add3A_99, %broadcast_in_dim3A_362] : memref<64x128xf32, #tpu.memory_space<vmem>>[vector<16xi32>, vector<16xi32>], vector<16xf32>,
      %swap3A_372 = arith.index_cast %add3A_366 : i32 to index
      %swap3A_373 = arith.constant 16 : index
      %swap3A_374 = tpu.vector_load %arg15[%swap3A_372, %swap3A_373] {strides = array<i32>} : memref<128x128xf32, #tpu.memory_space<vmem>>, vector<16xf32>,
      tpu.vector_store %arg15[%swap3A_372, %swap3A_373], %gather3A_371 {strides = array<i32>} : memref<128x128xf32, #tpu.memory_space<vmem>>, vector<16xf32>,
      %gather3A_375 = tpu.vector_load_idx %arg10[%add3A_103, %broadcast_in_dim3A_362] : memref<64x128xf32, #tpu.memory_space<vmem>>[vector<16xi32>, vector<16xi32>], vector<16xf32>,
      %swap3A_376 = arith.index_cast %add3A_366 : i32 to index
      %swap3A_377 = arith.constant 32 : index
      %swap3A_378 = tpu.vector_load %arg15[%swap3A_376, %swap3A_377] {strides = array<i32>} : memref<128x128xf32, #tpu.memory_space<vmem>>, vector<16xf32>,
      tpu.vector_store %arg15[%swap3A_376, %swap3A_377], %gather3A_375 {strides = array<i32>} : memref<128x128xf32, #tpu.memory_space<vmem>>, vector<16xf32>,
      %gather3A_379 = tpu.vector_load_idx %arg10[%add3A_107, %broadcast_in_dim3A_362] : memref<64x128xf32, #tpu.memory_space<vmem>>[vector<16xi32>, vector<16xi32>], vector<16xf32>,
      %swap3A_380 = arith.index_cast %add3A_366 : i32 to index
      %swap3A_381 = arith.constant 48 : index
      %swap3A_382 = tpu.vector_load %arg15[%swap3A_380, %swap3A_381] {strides = array<i32>} : memref<128x128xf32, #tpu.memory_space<vmem>>, vector<16xf32>,
      tpu.vector_store %arg15[%swap3A_380, %swap3A_381], %gather3A_379 {strides = array<i32>} : memref<128x128xf32, #tpu.memory_space<vmem>>, vector<16xf32>,
      %slice3A_383 = vector.extract_strided_slice %get3A_185 {offsets = [12], sizes = [1], strides = [1]} : vector<16xi32> to vector<1xi32>
      %squeeze3A_384 = vector.extract %slice3A_383[0] : i32 from vector<1xi32>
      %add3A_385 = arith.constant 4 : i32
      %add3A_386 = arith.addi %add3A_183, %add3A_385 : i32
      %add3A_387 = arith.constant 8 : i32
      %add3A_388 = arith.addi %add3A_386, %add3A_387 : i32
      %lt3A_389 = arith.constant 512 : i32
      %lt3A_390 = arith.cmpi slt, %add3A_388, %lt3A_389 : i32
      %convert_element_type3A_391 = arith.extui %lt3A_390 : i1 to i32
      %cond3A_392 = arith.constant 0 : i32
      %cond3A_393 = arith.cmpi ne, %convert_element_type3A_391, %cond3A_392 : i32
      scf.if %cond3A_393 {
        %shift_right_arithmetic3A_856 = arith.constant 7 : i32
        %shift_right_arithmetic3A_857 = arith.shrsi %squeeze3A_384, %shift_right_arithmetic3A_856 : i32
        %mul3A_858 = arith.constant 128 : i32
        %mul3A_859 = arith.muli %shift_right_arithmetic3A_857, %mul3A_858 : i32
        %multiple_of3A_860 = tpu.assume_multiple %mul3A_859, 128 : i32
        %dma_start3A_861 = arith.constant 0 : i32
        %dma_start3A_862 = tpu.memref_slice %arg3[%dma_start3A_861, %multiple_of3A_860] : memref<64x1000000xf32, #tpu.memory_space<hbm>> -> memref<64x128xf32, #tpu.memory_space<hbm>>
        %dma_start3A_863 = arith.constant 0 : i32
        %dma_start3A_864 = tpu.memref_slice %arg3[%dma_start3A_863, %multiple_of3A_860] : memref<64x1000000xf32, #tpu.memory_space<hbm>> -> memref<64x128xf32, #tpu.memory_space<hbm>>
        tpu.enqueue_dma source(%dma_start3A_864 : memref<64x128xf32, #tpu.memory_space<hbm>>) target(%arg10 : memref<64x128xf32, #tpu.memory_space<vmem>>) target_semaphore(%arg20 : memref<!tpu.dma_semaphore, #tpu.memory_space<semaphore_mem>>)
      } else {
      }
      %dma_wait3A_394 = arith.constant 0 : i32
      %dma_wait3A_395 = arith.constant 0 : i32
      %dma_wait3A_396 = tpu.memref_slice %arg3[%dma_wait3A_394, %dma_wait3A_395] : memref<64x1000000xf32, #tpu.memory_space<hbm>> -> memref<64x128xf32, #tpu.memory_space<hbm>>
      %dma_wait3A_397 = arith.constant 0 : i32
      %dma_wait3A_398 = arith.constant 0 : i32
      %dma_wait3A_399 = tpu.memref_slice %arg3[%dma_wait3A_397, %dma_wait3A_398] : memref<64x1000000xf32, #tpu.memory_space<hbm>> -> memref<64x128xf32, #tpu.memory_space<hbm>>
      tpu.wait_dma2 semaphore(%arg21 : memref<!tpu.dma_semaphore, #tpu.memory_space<semaphore_mem>>) src(%dma_wait3A_399 : memref<64x128xf32, #tpu.memory_space<hbm>>) dst(%arg11 : memref<64x128xf32, #tpu.memory_space<vmem>>)
      %slice3A_400 = vector.extract_strided_slice %get3A_185 {offsets = [5], sizes = [1], strides = [1]} : vector<16xi32> to vector<1xi32>
      %squeeze3A_401 = vector.extract %slice3A_400[0] : i32 from vector<1xi32>
      %and3A_402 = arith.constant 127 : i32
      %and3A_403 = arith.andi %squeeze3A_401, %and3A_402 : i32
      %broadcast_in_dim3A_404 = vector.broadcast %and3A_403 : i32 to vector<16xi32>
      %mul3A_405 = arith.constant 16 : i32
      %mul3A_406 = arith.muli %scan3A_179, %mul3A_405 : i32
      %add3A_407 = arith.constant 5 : i32
      %add3A_408 = arith.addi %mul3A_406, %add3A_407 : i32
      %gather3A_409 = tpu.vector_load_idx %arg11[%add3A_95, %broadcast_in_dim3A_404] : memref<64x128xf32, #tpu.memory_space<vmem>>[vector<16xi32>, vector<16xi32>], vector<16xf32>,
      %swap3A_410 = arith.index_cast %add3A_408 : i32 to index
      %swap3A_411 = arith.constant 0 : index
      %swap3A_412 = tpu.vector_load %arg15[%swap3A_410, %swap3A_411] {strides = array<i32>} : memref<128x128xf32, #tpu.memory_space<vmem>>, vector<16xf32>,
      tpu.vector_store %arg15[%swap3A_410, %swap3A_411], %gather3A_409 {strides = array<i32>} : memref<128x128xf32, #tpu.memory_space<vmem>>, vector<16xf32>,
      %gather3A_413 = tpu.vector_load_idx %arg11[%add3A_99, %broadcast_in_dim3A_404] : memref<64x128xf32, #tpu.memory_space<vmem>>[vector<16xi32>, vector<16xi32>], vector<16xf32>,
      %swap3A_414 = arith.index_cast %add3A_408 : i32 to index
      %swap3A_415 = arith.constant 16 : index
      %swap3A_416 = tpu.vector_load %arg15[%swap3A_414, %swap3A_415] {strides = array<i32>} : memref<128x128xf32, #tpu.memory_space<vmem>>, vector<16xf32>,
      tpu.vector_store %arg15[%swap3A_414, %swap3A_415], %gather3A_413 {strides = array<i32>} : memref<128x128xf32, #tpu.memory_space<vmem>>, vector<16xf32>,
      %gather3A_417 = tpu.vector_load_idx %arg11[%add3A_103, %broadcast_in_dim3A_404] : memref<64x128xf32, #tpu.memory_space<vmem>>[vector<16xi32>, vector<16xi32>], vector<16xf32>,
      %swap3A_418 = arith.index_cast %add3A_408 : i32 to index
      %swap3A_419 = arith.constant 32 : index
      %swap3A_420 = tpu.vector_load %arg15[%swap3A_418, %swap3A_419] {strides = array<i32>} : memref<128x128xf32, #tpu.memory_space<vmem>>, vector<16xf32>,
      tpu.vector_store %arg15[%swap3A_418, %swap3A_419], %gather3A_417 {strides = array<i32>} : memref<128x128xf32, #tpu.memory_space<vmem>>, vector<16xf32>,
      %gather3A_421 = tpu.vector_load_idx %arg11[%add3A_107, %broadcast_in_dim3A_404] : memref<64x128xf32, #tpu.memory_space<vmem>>[vector<16xi32>, vector<16xi32>], vector<16xf32>,
      %swap3A_422 = arith.index_cast %add3A_408 : i32 to index
      %swap3A_423 = arith.constant 48 : index
      %swap3A_424 = tpu.vector_load %arg15[%swap3A_422, %swap3A_423] {strides = array<i32>} : memref<128x128xf32, #tpu.memory_space<vmem>>, vector<16xf32>,
      tpu.vector_store %arg15[%swap3A_422, %swap3A_423], %gather3A_421 {strides = array<i32>} : memref<128x128xf32, #tpu.memory_space<vmem>>, vector<16xf32>,
      %slice3A_425 = vector.extract_strided_slice %get3A_185 {offsets = [13], sizes = [1], strides = [1]} : vector<16xi32> to vector<1xi32>
      %squeeze3A_426 = vector.extract %slice3A_425[0] : i32 from vector<1xi32>
      %add3A_427 = arith.constant 5 : i32
      %add3A_428 = arith.addi %add3A_183, %add3A_427 : i32
      %add3A_429 = arith.constant 8 : i32
      %add3A_430 = arith.addi %add3A_428, %add3A_429 : i32
      %lt3A_431 = arith.constant 512 : i32
      %lt3A_432 = arith.cmpi slt, %add3A_430, %lt3A_431 : i32
      %convert_element_type3A_433 = arith.extui %lt3A_432 : i1 to i32
      %cond3A_434 = arith.constant 0 : i32
      %cond3A_435 = arith.cmpi ne, %convert_element_type3A_433, %cond3A_434 : i32
      scf.if %cond3A_435 {
        %shift_right_arithmetic3A_856 = arith.constant 7 : i32
        %shift_right_arithmetic3A_857 = arith.shrsi %squeeze3A_426, %shift_right_arithmetic3A_856 : i32
        %mul3A_858 = arith.constant 128 : i32
        %mul3A_859 = arith.muli %shift_right_arithmetic3A_857, %mul3A_858 : i32
        %multiple_of3A_860 = tpu.assume_multiple %mul3A_859, 128 : i32
        %dma_start3A_861 = arith.constant 0 : i32
        %dma_start3A_862 = tpu.memref_slice %arg3[%dma_start3A_861, %multiple_of3A_860] : memref<64x1000000xf32, #tpu.memory_space<hbm>> -> memref<64x128xf32, #tpu.memory_space<hbm>>
        %dma_start3A_863 = arith.constant 0 : i32
        %dma_start3A_864 = tpu.memref_slice %arg3[%dma_start3A_863, %multiple_of3A_860] : memref<64x1000000xf32, #tpu.memory_space<hbm>> -> memref<64x128xf32, #tpu.memory_space<hbm>>
        tpu.enqueue_dma source(%dma_start3A_864 : memref<64x128xf32, #tpu.memory_space<hbm>>) target(%arg11 : memref<64x128xf32, #tpu.memory_space<vmem>>) target_semaphore(%arg21 : memref<!tpu.dma_semaphore, #tpu.memory_space<semaphore_mem>>)
      } else {
      }
      %dma_wait3A_436 = arith.constant 0 : i32
      %dma_wait3A_437 = arith.constant 0 : i32
      %dma_wait3A_438 = tpu.memref_slice %arg3[%dma_wait3A_436, %dma_wait3A_437] : memref<64x1000000xf32, #tpu.memory_space<hbm>> -> memref<64x128xf32, #tpu.memory_space<hbm>>
      %dma_wait3A_439 = arith.constant 0 : i32
      %dma_wait3A_440 = arith.constant 0 : i32
      %dma_wait3A_441 = tpu.memref_slice %arg3[%dma_wait3A_439, %dma_wait3A_440] : memref<64x1000000xf32, #tpu.memory_space<hbm>> -> memref<64x128xf32, #tpu.memory_space<hbm>>
      tpu.wait_dma2 semaphore(%arg22 : memref<!tpu.dma_semaphore, #tpu.memory_space<semaphore_mem>>) src(%dma_wait3A_441 : memref<64x128xf32, #tpu.memory_space<hbm>>) dst(%arg12 : memref<64x128xf32, #tpu.memory_space<vmem>>)
      %slice3A_442 = vector.extract_strided_slice %get3A_185 {offsets = [6], sizes = [1], strides = [1]} : vector<16xi32> to vector<1xi32>
      %squeeze3A_443 = vector.extract %slice3A_442[0] : i32 from vector<1xi32>
      %and3A_444 = arith.constant 127 : i32
      %and3A_445 = arith.andi %squeeze3A_443, %and3A_444 : i32
      %broadcast_in_dim3A_446 = vector.broadcast %and3A_445 : i32 to vector<16xi32>
      %mul3A_447 = arith.constant 16 : i32
      %mul3A_448 = arith.muli %scan3A_179, %mul3A_447 : i32
      %add3A_449 = arith.constant 6 : i32
      %add3A_450 = arith.addi %mul3A_448, %add3A_449 : i32
      %gather3A_451 = tpu.vector_load_idx %arg12[%add3A_95, %broadcast_in_dim3A_446] : memref<64x128xf32, #tpu.memory_space<vmem>>[vector<16xi32>, vector<16xi32>], vector<16xf32>,
      %swap3A_452 = arith.index_cast %add3A_450 : i32 to index
      %swap3A_453 = arith.constant 0 : index
      %swap3A_454 = tpu.vector_load %arg15[%swap3A_452, %swap3A_453] {strides = array<i32>} : memref<128x128xf32, #tpu.memory_space<vmem>>, vector<16xf32>,
      tpu.vector_store %arg15[%swap3A_452, %swap3A_453], %gather3A_451 {strides = array<i32>} : memref<128x128xf32, #tpu.memory_space<vmem>>, vector<16xf32>,
      %gather3A_455 = tpu.vector_load_idx %arg12[%add3A_99, %broadcast_in_dim3A_446] : memref<64x128xf32, #tpu.memory_space<vmem>>[vector<16xi32>, vector<16xi32>], vector<16xf32>,
      %swap3A_456 = arith.index_cast %add3A_450 : i32 to index
      %swap3A_457 = arith.constant 16 : index
      %swap3A_458 = tpu.vector_load %arg15[%swap3A_456, %swap3A_457] {strides = array<i32>} : memref<128x128xf32, #tpu.memory_space<vmem>>, vector<16xf32>,
      tpu.vector_store %arg15[%swap3A_456, %swap3A_457], %gather3A_455 {strides = array<i32>} : memref<128x128xf32, #tpu.memory_space<vmem>>, vector<16xf32>,
      %gather3A_459 = tpu.vector_load_idx %arg12[%add3A_103, %broadcast_in_dim3A_446] : memref<64x128xf32, #tpu.memory_space<vmem>>[vector<16xi32>, vector<16xi32>], vector<16xf32>,
      %swap3A_460 = arith.index_cast %add3A_450 : i32 to index
      %swap3A_461 = arith.constant 32 : index
      %swap3A_462 = tpu.vector_load %arg15[%swap3A_460, %swap3A_461] {strides = array<i32>} : memref<128x128xf32, #tpu.memory_space<vmem>>, vector<16xf32>,
      tpu.vector_store %arg15[%swap3A_460, %swap3A_461], %gather3A_459 {strides = array<i32>} : memref<128x128xf32, #tpu.memory_space<vmem>>, vector<16xf32>,
      %gather3A_463 = tpu.vector_load_idx %arg12[%add3A_107, %broadcast_in_dim3A_446] : memref<64x128xf32, #tpu.memory_space<vmem>>[vector<16xi32>, vector<16xi32>], vector<16xf32>,
      %swap3A_464 = arith.index_cast %add3A_450 : i32 to index
      %swap3A_465 = arith.constant 48 : index
      %swap3A_466 = tpu.vector_load %arg15[%swap3A_464, %swap3A_465] {strides = array<i32>} : memref<128x128xf32, #tpu.memory_space<vmem>>, vector<16xf32>,
      tpu.vector_store %arg15[%swap3A_464, %swap3A_465], %gather3A_463 {strides = array<i32>} : memref<128x128xf32, #tpu.memory_space<vmem>>, vector<16xf32>,
      %slice3A_467 = vector.extract_strided_slice %get3A_185 {offsets = [14], sizes = [1], strides = [1]} : vector<16xi32> to vector<1xi32>
      %squeeze3A_468 = vector.extract %slice3A_467[0] : i32 from vector<1xi32>
      %add3A_469 = arith.constant 6 : i32
      %add3A_470 = arith.addi %add3A_183, %add3A_469 : i32
      %add3A_471 = arith.constant 8 : i32
      %add3A_472 = arith.addi %add3A_470, %add3A_471 : i32
      %lt3A_473 = arith.constant 512 : i32
      %lt3A_474 = arith.cmpi slt, %add3A_472, %lt3A_473 : i32
      %convert_element_type3A_475 = arith.extui %lt3A_474 : i1 to i32
      %cond3A_476 = arith.constant 0 : i32
      %cond3A_477 = arith.cmpi ne, %convert_element_type3A_475, %cond3A_476 : i32
      scf.if %cond3A_477 {
        %shift_right_arithmetic3A_856 = arith.constant 7 : i32
        %shift_right_arithmetic3A_857 = arith.shrsi %squeeze3A_468, %shift_right_arithmetic3A_856 : i32
        %mul3A_858 = arith.constant 128 : i32
        %mul3A_859 = arith.muli %shift_right_arithmetic3A_857, %mul3A_858 : i32
        %multiple_of3A_860 = tpu.assume_multiple %mul3A_859, 128 : i32
        %dma_start3A_861 = arith.constant 0 : i32
        %dma_start3A_862 = tpu.memref_slice %arg3[%dma_start3A_861, %multiple_of3A_860] : memref<64x1000000xf32, #tpu.memory_space<hbm>> -> memref<64x128xf32, #tpu.memory_space<hbm>>
        %dma_start3A_863 = arith.constant 0 : i32
        %dma_start3A_864 = tpu.memref_slice %arg3[%dma_start3A_863, %multiple_of3A_860] : memref<64x1000000xf32, #tpu.memory_space<hbm>> -> memref<64x128xf32, #tpu.memory_space<hbm>>
        tpu.enqueue_dma source(%dma_start3A_864 : memref<64x128xf32, #tpu.memory_space<hbm>>) target(%arg12 : memref<64x128xf32, #tpu.memory_space<vmem>>) target_semaphore(%arg22 : memref<!tpu.dma_semaphore, #tpu.memory_space<semaphore_mem>>)
      } else {
      }
      %dma_wait3A_478 = arith.constant 0 : i32
      %dma_wait3A_479 = arith.constant 0 : i32
      %dma_wait3A_480 = tpu.memref_slice %arg3[%dma_wait3A_478, %dma_wait3A_479] : memref<64x1000000xf32, #tpu.memory_space<hbm>> -> memref<64x128xf32, #tpu.memory_space<hbm>>
      %dma_wait3A_481 = arith.constant 0 : i32
      %dma_wait3A_482 = arith.constant 0 : i32
      %dma_wait3A_483 = tpu.memref_slice %arg3[%dma_wait3A_481, %dma_wait3A_482] : memref<64x1000000xf32, #tpu.memory_space<hbm>> -> memref<64x128xf32, #tpu.memory_space<hbm>>
      tpu.wait_dma2 semaphore(%arg23 : memref<!tpu.dma_semaphore, #tpu.memory_space<semaphore_mem>>) src(%dma_wait3A_483 : memref<64x128xf32, #tpu.memory_space<hbm>>) dst(%arg13 : memref<64x128xf32, #tpu.memory_space<vmem>>)
      %slice3A_484 = vector.extract_strided_slice %get3A_185 {offsets = [7], sizes = [1], strides = [1]} : vector<16xi32> to vector<1xi32>
      %squeeze3A_485 = vector.extract %slice3A_484[0] : i32 from vector<1xi32>
      %and3A_486 = arith.constant 127 : i32
      %and3A_487 = arith.andi %squeeze3A_485, %and3A_486 : i32
      %broadcast_in_dim3A_488 = vector.broadcast %and3A_487 : i32 to vector<16xi32>
      %mul3A_489 = arith.constant 16 : i32
      %mul3A_490 = arith.muli %scan3A_179, %mul3A_489 : i32
      %add3A_491 = arith.constant 7 : i32
      %add3A_492 = arith.addi %mul3A_490, %add3A_491 : i32
      %gather3A_493 = tpu.vector_load_idx %arg13[%add3A_95, %broadcast_in_dim3A_488] : memref<64x128xf32, #tpu.memory_space<vmem>>[vector<16xi32>, vector<16xi32>], vector<16xf32>,
      %swap3A_494 = arith.index_cast %add3A_492 : i32 to index
      %swap3A_495 = arith.constant 0 : index
      %swap3A_496 = tpu.vector_load %arg15[%swap3A_494, %swap3A_495] {strides = array<i32>} : memref<128x128xf32, #tpu.memory_space<vmem>>, vector<16xf32>,
      tpu.vector_store %arg15[%swap3A_494, %swap3A_495], %gather3A_493 {strides = array<i32>} : memref<128x128xf32, #tpu.memory_space<vmem>>, vector<16xf32>,
      %gather3A_497 = tpu.vector_load_idx %arg13[%add3A_99, %broadcast_in_dim3A_488] : memref<64x128xf32, #tpu.memory_space<vmem>>[vector<16xi32>, vector<16xi32>], vector<16xf32>,
      %swap3A_498 = arith.index_cast %add3A_492 : i32 to index
      %swap3A_499 = arith.constant 16 : index
      %swap3A_500 = tpu.vector_load %arg15[%swap3A_498, %swap3A_499] {strides = array<i32>} : memref<128x128xf32, #tpu.memory_space<vmem>>, vector<16xf32>,
      tpu.vector_store %arg15[%swap3A_498, %swap3A_499], %gather3A_497 {strides = array<i32>} : memref<128x128xf32, #tpu.memory_space<vmem>>, vector<16xf32>,
      %gather3A_501 = tpu.vector_load_idx %arg13[%add3A_103, %broadcast_in_dim3A_488] : memref<64x128xf32, #tpu.memory_space<vmem>>[vector<16xi32>, vector<16xi32>], vector<16xf32>,
      %swap3A_502 = arith.index_cast %add3A_492 : i32 to index
      %swap3A_503 = arith.constant 32 : index
      %swap3A_504 = tpu.vector_load %arg15[%swap3A_502, %swap3A_503] {strides = array<i32>} : memref<128x128xf32, #tpu.memory_space<vmem>>, vector<16xf32>,
      tpu.vector_store %arg15[%swap3A_502, %swap3A_503], %gather3A_501 {strides = array<i32>} : memref<128x128xf32, #tpu.memory_space<vmem>>, vector<16xf32>,
      %gather3A_505 = tpu.vector_load_idx %arg13[%add3A_107, %broadcast_in_dim3A_488] : memref<64x128xf32, #tpu.memory_space<vmem>>[vector<16xi32>, vector<16xi32>], vector<16xf32>,
      %swap3A_506 = arith.index_cast %add3A_492 : i32 to index
      %swap3A_507 = arith.constant 48 : index
      %swap3A_508 = tpu.vector_load %arg15[%swap3A_506, %swap3A_507] {strides = array<i32>} : memref<128x128xf32, #tpu.memory_space<vmem>>, vector<16xf32>,
      tpu.vector_store %arg15[%swap3A_506, %swap3A_507], %gather3A_505 {strides = array<i32>} : memref<128x128xf32, #tpu.memory_space<vmem>>, vector<16xf32>,
      %slice3A_509 = vector.extract_strided_slice %get3A_185 {offsets = [15], sizes = [1], strides = [1]} : vector<16xi32> to vector<1xi32>
      %squeeze3A_510 = vector.extract %slice3A_509[0] : i32 from vector<1xi32>
      %add3A_511 = arith.constant 7 : i32
      %add3A_512 = arith.addi %add3A_183, %add3A_511 : i32
      %add3A_513 = arith.constant 8 : i32
      %add3A_514 = arith.addi %add3A_512, %add3A_513 : i32
      %lt3A_515 = arith.constant 512 : i32
      %lt3A_516 = arith.cmpi slt, %add3A_514, %lt3A_515 : i32
      %convert_element_type3A_517 = arith.extui %lt3A_516 : i1 to i32
      %cond3A_518 = arith.constant 0 : i32
      %cond3A_519 = arith.cmpi ne, %convert_element_type3A_517, %cond3A_518 : i32
      scf.if %cond3A_519 {
        %shift_right_arithmetic3A_856 = arith.constant 7 : i32
        %shift_right_arithmetic3A_857 = arith.shrsi %squeeze3A_510, %shift_right_arithmetic3A_856 : i32
        %mul3A_858 = arith.constant 128 : i32
        %mul3A_859 = arith.muli %shift_right_arithmetic3A_857, %mul3A_858 : i32
        %multiple_of3A_860 = tpu.assume_multiple %mul3A_859, 128 : i32
        %dma_start3A_861 = arith.constant 0 : i32
        %dma_start3A_862 = tpu.memref_slice %arg3[%dma_start3A_861, %multiple_of3A_860] : memref<64x1000000xf32, #tpu.memory_space<hbm>> -> memref<64x128xf32, #tpu.memory_space<hbm>>
        %dma_start3A_863 = arith.constant 0 : i32
        %dma_start3A_864 = tpu.memref_slice %arg3[%dma_start3A_863, %multiple_of3A_860] : memref<64x1000000xf32, #tpu.memory_space<hbm>> -> memref<64x128xf32, #tpu.memory_space<hbm>>
        tpu.enqueue_dma source(%dma_start3A_864 : memref<64x128xf32, #tpu.memory_space<hbm>>) target(%arg13 : memref<64x128xf32, #tpu.memory_space<vmem>>) target_semaphore(%arg23 : memref<!tpu.dma_semaphore, #tpu.memory_space<semaphore_mem>>)
      } else {
      }
      %dma_wait3A_520 = arith.constant 0 : i32
      %dma_wait3A_521 = arith.constant 0 : i32
      %dma_wait3A_522 = tpu.memref_slice %arg3[%dma_wait3A_520, %dma_wait3A_521] : memref<64x1000000xf32, #tpu.memory_space<hbm>> -> memref<64x128xf32, #tpu.memory_space<hbm>>
      %dma_wait3A_523 = arith.constant 0 : i32
      %dma_wait3A_524 = arith.constant 0 : i32
      %dma_wait3A_525 = tpu.memref_slice %arg3[%dma_wait3A_523, %dma_wait3A_524] : memref<64x1000000xf32, #tpu.memory_space<hbm>> -> memref<64x128xf32, #tpu.memory_space<hbm>>
      tpu.wait_dma2 semaphore(%arg16 : memref<!tpu.dma_semaphore, #tpu.memory_space<semaphore_mem>>) src(%dma_wait3A_525 : memref<64x128xf32, #tpu.memory_space<hbm>>) dst(%arg6 : memref<64x128xf32, #tpu.memory_space<vmem>>)
      %slice3A_526 = vector.extract_strided_slice %get3A_185 {offsets = [8], sizes = [1], strides = [1]} : vector<16xi32> to vector<1xi32>
      %squeeze3A_527 = vector.extract %slice3A_526[0] : i32 from vector<1xi32>
      %and3A_528 = arith.constant 127 : i32
      %and3A_529 = arith.andi %squeeze3A_527, %and3A_528 : i32
      %broadcast_in_dim3A_530 = vector.broadcast %and3A_529 : i32 to vector<16xi32>
      %mul3A_531 = arith.constant 16 : i32
      %mul3A_532 = arith.muli %scan3A_179, %mul3A_531 : i32
      %add3A_533 = arith.constant 8 : i32
      %add3A_534 = arith.addi %mul3A_532, %add3A_533 : i32
      %gather3A_535 = tpu.vector_load_idx %arg6[%add3A_95, %broadcast_in_dim3A_530] : memref<64x128xf32, #tpu.memory_space<vmem>>[vector<16xi32>, vector<16xi32>], vector<16xf32>,
      %swap3A_536 = arith.index_cast %add3A_534 : i32 to index
      %swap3A_537 = arith.constant 0 : index
      %swap3A_538 = tpu.vector_load %arg15[%swap3A_536, %swap3A_537] {strides = array<i32>} : memref<128x128xf32, #tpu.memory_space<vmem>>, vector<16xf32>,
      tpu.vector_store %arg15[%swap3A_536, %swap3A_537], %gather3A_535 {strides = array<i32>} : memref<128x128xf32, #tpu.memory_space<vmem>>, vector<16xf32>,
      %gather3A_539 = tpu.vector_load_idx %arg6[%add3A_99, %broadcast_in_dim3A_530] : memref<64x128xf32, #tpu.memory_space<vmem>>[vector<16xi32>, vector<16xi32>], vector<16xf32>,
      %swap3A_540 = arith.index_cast %add3A_534 : i32 to index
      %swap3A_541 = arith.constant 16 : index
      %swap3A_542 = tpu.vector_load %arg15[%swap3A_540, %swap3A_541] {strides = array<i32>} : memref<128x128xf32, #tpu.memory_space<vmem>>, vector<16xf32>,
      tpu.vector_store %arg15[%swap3A_540, %swap3A_541], %gather3A_539 {strides = array<i32>} : memref<128x128xf32, #tpu.memory_space<vmem>>, vector<16xf32>,
      %gather3A_543 = tpu.vector_load_idx %arg6[%add3A_103, %broadcast_in_dim3A_530] : memref<64x128xf32, #tpu.memory_space<vmem>>[vector<16xi32>, vector<16xi32>], vector<16xf32>,
      %swap3A_544 = arith.index_cast %add3A_534 : i32 to index
      %swap3A_545 = arith.constant 32 : index
      %swap3A_546 = tpu.vector_load %arg15[%swap3A_544, %swap3A_545] {strides = array<i32>} : memref<128x128xf32, #tpu.memory_space<vmem>>, vector<16xf32>,
      tpu.vector_store %arg15[%swap3A_544, %swap3A_545], %gather3A_543 {strides = array<i32>} : memref<128x128xf32, #tpu.memory_space<vmem>>, vector<16xf32>,
      %gather3A_547 = tpu.vector_load_idx %arg6[%add3A_107, %broadcast_in_dim3A_530] : memref<64x128xf32, #tpu.memory_space<vmem>>[vector<16xi32>, vector<16xi32>], vector<16xf32>,
      %swap3A_548 = arith.index_cast %add3A_534 : i32 to index
      %swap3A_549 = arith.constant 48 : index
      %swap3A_550 = tpu.vector_load %arg15[%swap3A_548, %swap3A_549] {strides = array<i32>} : memref<128x128xf32, #tpu.memory_space<vmem>>, vector<16xf32>,
      tpu.vector_store %arg15[%swap3A_548, %swap3A_549], %gather3A_547 {strides = array<i32>} : memref<128x128xf32, #tpu.memory_space<vmem>>, vector<16xf32>,
      %slice3A_551 = vector.extract_strided_slice %get3A_189 {offsets = [0], sizes = [1], strides = [1]} : vector<16xi32> to vector<1xi32>
      %squeeze3A_552 = vector.extract %slice3A_551[0] : i32 from vector<1xi32>
      %add3A_553 = arith.constant 8 : i32
      %add3A_554 = arith.addi %add3A_183, %add3A_553 : i32
      %add3A_555 = arith.constant 8 : i32
      %add3A_556 = arith.addi %add3A_554, %add3A_555 : i32
      %lt3A_557 = arith.constant 512 : i32
      %lt3A_558 = arith.cmpi slt, %add3A_556, %lt3A_557 : i32
      %convert_element_type3A_559 = arith.extui %lt3A_558 : i1 to i32
      %cond3A_560 = arith.constant 0 : i32
      %cond3A_561 = arith.cmpi ne, %convert_element_type3A_559, %cond3A_560 : i32
      scf.if %cond3A_561 {
        %shift_right_arithmetic3A_856 = arith.constant 7 : i32
        %shift_right_arithmetic3A_857 = arith.shrsi %squeeze3A_552, %shift_right_arithmetic3A_856 : i32
        %mul3A_858 = arith.constant 128 : i32
        %mul3A_859 = arith.muli %shift_right_arithmetic3A_857, %mul3A_858 : i32
        %multiple_of3A_860 = tpu.assume_multiple %mul3A_859, 128 : i32
        %dma_start3A_861 = arith.constant 0 : i32
        %dma_start3A_862 = tpu.memref_slice %arg3[%dma_start3A_861, %multiple_of3A_860] : memref<64x1000000xf32, #tpu.memory_space<hbm>> -> memref<64x128xf32, #tpu.memory_space<hbm>>
        %dma_start3A_863 = arith.constant 0 : i32
        %dma_start3A_864 = tpu.memref_slice %arg3[%dma_start3A_863, %multiple_of3A_860] : memref<64x1000000xf32, #tpu.memory_space<hbm>> -> memref<64x128xf32, #tpu.memory_space<hbm>>
        tpu.enqueue_dma source(%dma_start3A_864 : memref<64x128xf32, #tpu.memory_space<hbm>>) target(%arg6 : memref<64x128xf32, #tpu.memory_space<vmem>>) target_semaphore(%arg16 : memref<!tpu.dma_semaphore, #tpu.memory_space<semaphore_mem>>)
      } else {
      }
      %dma_wait3A_562 = arith.constant 0 : i32
      %dma_wait3A_563 = arith.constant 0 : i32
      %dma_wait3A_564 = tpu.memref_slice %arg3[%dma_wait3A_562, %dma_wait3A_563] : memref<64x1000000xf32, #tpu.memory_space<hbm>> -> memref<64x128xf32, #tpu.memory_space<hbm>>
      %dma_wait3A_565 = arith.constant 0 : i32
      %dma_wait3A_566 = arith.constant 0 : i32
      %dma_wait3A_567 = tpu.memref_slice %arg3[%dma_wait3A_565, %dma_wait3A_566] : memref<64x1000000xf32, #tpu.memory_space<hbm>> -> memref<64x128xf32, #tpu.memory_space<hbm>>
      tpu.wait_dma2 semaphore(%arg17 : memref<!tpu.dma_semaphore, #tpu.memory_space<semaphore_mem>>) src(%dma_wait3A_567 : memref<64x128xf32, #tpu.memory_space<hbm>>) dst(%arg7 : memref<64x128xf32, #tpu.memory_space<vmem>>)
      %slice3A_568 = vector.extract_strided_slice %get3A_185 {offsets = [9], sizes = [1], strides = [1]} : vector<16xi32> to vector<1xi32>
      %squeeze3A_569 = vector.extract %slice3A_568[0] : i32 from vector<1xi32>
      %and3A_570 = arith.constant 127 : i32
      %and3A_571 = arith.andi %squeeze3A_569, %and3A_570 : i32
      %broadcast_in_dim3A_572 = vector.broadcast %and3A_571 : i32 to vector<16xi32>
      %mul3A_573 = arith.constant 16 : i32
      %mul3A_574 = arith.muli %scan3A_179, %mul3A_573 : i32
      %add3A_575 = arith.constant 9 : i32
      %add3A_576 = arith.addi %mul3A_574, %add3A_575 : i32
      %gather3A_577 = tpu.vector_load_idx %arg7[%add3A_95, %broadcast_in_dim3A_572] : memref<64x128xf32, #tpu.memory_space<vmem>>[vector<16xi32>, vector<16xi32>], vector<16xf32>,
      %swap3A_578 = arith.index_cast %add3A_576 : i32 to index
      %swap3A_579 = arith.constant 0 : index
      %swap3A_580 = tpu.vector_load %arg15[%swap3A_578, %swap3A_579] {strides = array<i32>} : memref<128x128xf32, #tpu.memory_space<vmem>>, vector<16xf32>,
      tpu.vector_store %arg15[%swap3A_578, %swap3A_579], %gather3A_577 {strides = array<i32>} : memref<128x128xf32, #tpu.memory_space<vmem>>, vector<16xf32>,
      %gather3A_581 = tpu.vector_load_idx %arg7[%add3A_99, %broadcast_in_dim3A_572] : memref<64x128xf32, #tpu.memory_space<vmem>>[vector<16xi32>, vector<16xi32>], vector<16xf32>,
      %swap3A_582 = arith.index_cast %add3A_576 : i32 to index
      %swap3A_583 = arith.constant 16 : index
      %swap3A_584 = tpu.vector_load %arg15[%swap3A_582, %swap3A_583] {strides = array<i32>} : memref<128x128xf32, #tpu.memory_space<vmem>>, vector<16xf32>,
      tpu.vector_store %arg15[%swap3A_582, %swap3A_583], %gather3A_581 {strides = array<i32>} : memref<128x128xf32, #tpu.memory_space<vmem>>, vector<16xf32>,
      %gather3A_585 = tpu.vector_load_idx %arg7[%add3A_103, %broadcast_in_dim3A_572] : memref<64x128xf32, #tpu.memory_space<vmem>>[vector<16xi32>, vector<16xi32>], vector<16xf32>,
      %swap3A_586 = arith.index_cast %add3A_576 : i32 to index
      %swap3A_587 = arith.constant 32 : index
      %swap3A_588 = tpu.vector_load %arg15[%swap3A_586, %swap3A_587] {strides = array<i32>} : memref<128x128xf32, #tpu.memory_space<vmem>>, vector<16xf32>,
      tpu.vector_store %arg15[%swap3A_586, %swap3A_587], %gather3A_585 {strides = array<i32>} : memref<128x128xf32, #tpu.memory_space<vmem>>, vector<16xf32>,
      %gather3A_589 = tpu.vector_load_idx %arg7[%add3A_107, %broadcast_in_dim3A_572] : memref<64x128xf32, #tpu.memory_space<vmem>>[vector<16xi32>, vector<16xi32>], vector<16xf32>,
      %swap3A_590 = arith.index_cast %add3A_576 : i32 to index
      %swap3A_591 = arith.constant 48 : index
      %swap3A_592 = tpu.vector_load %arg15[%swap3A_590, %swap3A_591] {strides = array<i32>} : memref<128x128xf32, #tpu.memory_space<vmem>>, vector<16xf32>,
      tpu.vector_store %arg15[%swap3A_590, %swap3A_591], %gather3A_589 {strides = array<i32>} : memref<128x128xf32, #tpu.memory_space<vmem>>, vector<16xf32>,
      %slice3A_593 = vector.extract_strided_slice %get3A_189 {offsets = [1], sizes = [1], strides = [1]} : vector<16xi32> to vector<1xi32>
      %squeeze3A_594 = vector.extract %slice3A_593[0] : i32 from vector<1xi32>
      %add3A_595 = arith.constant 9 : i32
      %add3A_596 = arith.addi %add3A_183, %add3A_595 : i32
      %add3A_597 = arith.constant 8 : i32
      %add3A_598 = arith.addi %add3A_596, %add3A_597 : i32
      %lt3A_599 = arith.constant 512 : i32
      %lt3A_600 = arith.cmpi slt, %add3A_598, %lt3A_599 : i32
      %convert_element_type3A_601 = arith.extui %lt3A_600 : i1 to i32
      %cond3A_602 = arith.constant 0 : i32
      %cond3A_603 = arith.cmpi ne, %convert_element_type3A_601, %cond3A_602 : i32
      scf.if %cond3A_603 {
        %shift_right_arithmetic3A_856 = arith.constant 7 : i32
        %shift_right_arithmetic3A_857 = arith.shrsi %squeeze3A_594, %shift_right_arithmetic3A_856 : i32
        %mul3A_858 = arith.constant 128 : i32
        %mul3A_859 = arith.muli %shift_right_arithmetic3A_857, %mul3A_858 : i32
        %multiple_of3A_860 = tpu.assume_multiple %mul3A_859, 128 : i32
        %dma_start3A_861 = arith.constant 0 : i32
        %dma_start3A_862 = tpu.memref_slice %arg3[%dma_start3A_861, %multiple_of3A_860] : memref<64x1000000xf32, #tpu.memory_space<hbm>> -> memref<64x128xf32, #tpu.memory_space<hbm>>
        %dma_start3A_863 = arith.constant 0 : i32
        %dma_start3A_864 = tpu.memref_slice %arg3[%dma_start3A_863, %multiple_of3A_860] : memref<64x1000000xf32, #tpu.memory_space<hbm>> -> memref<64x128xf32, #tpu.memory_space<hbm>>
        tpu.enqueue_dma source(%dma_start3A_864 : memref<64x128xf32, #tpu.memory_space<hbm>>) target(%arg7 : memref<64x128xf32, #tpu.memory_space<vmem>>) target_semaphore(%arg17 : memref<!tpu.dma_semaphore, #tpu.memory_space<semaphore_mem>>)
      } else {
      }
      %dma_wait3A_604 = arith.constant 0 : i32
      %dma_wait3A_605 = arith.constant 0 : i32
      %dma_wait3A_606 = tpu.memref_slice %arg3[%dma_wait3A_604, %dma_wait3A_605] : memref<64x1000000xf32, #tpu.memory_space<hbm>> -> memref<64x128xf32, #tpu.memory_space<hbm>>
      %dma_wait3A_607 = arith.constant 0 : i32
      %dma_wait3A_608 = arith.constant 0 : i32
      %dma_wait3A_609 = tpu.memref_slice %arg3[%dma_wait3A_607, %dma_wait3A_608] : memref<64x1000000xf32, #tpu.memory_space<hbm>> -> memref<64x128xf32, #tpu.memory_space<hbm>>
      tpu.wait_dma2 semaphore(%arg18 : memref<!tpu.dma_semaphore, #tpu.memory_space<semaphore_mem>>) src(%dma_wait3A_609 : memref<64x128xf32, #tpu.memory_space<hbm>>) dst(%arg8 : memref<64x128xf32, #tpu.memory_space<vmem>>)
      %slice3A_610 = vector.extract_strided_slice %get3A_185 {offsets = [10], sizes = [1], strides = [1]} : vector<16xi32> to vector<1xi32>
      %squeeze3A_611 = vector.extract %slice3A_610[0] : i32 from vector<1xi32>
      %and3A_612 = arith.constant 127 : i32
      %and3A_613 = arith.andi %squeeze3A_611, %and3A_612 : i32
      %broadcast_in_dim3A_614 = vector.broadcast %and3A_613 : i32 to vector<16xi32>
      %mul3A_615 = arith.constant 16 : i32
      %mul3A_616 = arith.muli %scan3A_179, %mul3A_615 : i32
      %add3A_617 = arith.constant 10 : i32
      %add3A_618 = arith.addi %mul3A_616, %add3A_617 : i32
      %gather3A_619 = tpu.vector_load_idx %arg8[%add3A_95, %broadcast_in_dim3A_614] : memref<64x128xf32, #tpu.memory_space<vmem>>[vector<16xi32>, vector<16xi32>], vector<16xf32>,
      %swap3A_620 = arith.index_cast %add3A_618 : i32 to index
      %swap3A_621 = arith.constant 0 : index
      %swap3A_622 = tpu.vector_load %arg15[%swap3A_620, %swap3A_621] {strides = array<i32>} : memref<128x128xf32, #tpu.memory_space<vmem>>, vector<16xf32>,
      tpu.vector_store %arg15[%swap3A_620, %swap3A_621], %gather3A_619 {strides = array<i32>} : memref<128x128xf32, #tpu.memory_space<vmem>>, vector<16xf32>,
      %gather3A_623 = tpu.vector_load_idx %arg8[%add3A_99, %broadcast_in_dim3A_614] : memref<64x128xf32, #tpu.memory_space<vmem>>[vector<16xi32>, vector<16xi32>], vector<16xf32>,
      %swap3A_624 = arith.index_cast %add3A_618 : i32 to index
      %swap3A_625 = arith.constant 16 : index
      %swap3A_626 = tpu.vector_load %arg15[%swap3A_624, %swap3A_625] {strides = array<i32>} : memref<128x128xf32, #tpu.memory_space<vmem>>, vector<16xf32>,
      tpu.vector_store %arg15[%swap3A_624, %swap3A_625], %gather3A_623 {strides = array<i32>} : memref<128x128xf32, #tpu.memory_space<vmem>>, vector<16xf32>,
      %gather3A_627 = tpu.vector_load_idx %arg8[%add3A_103, %broadcast_in_dim3A_614] : memref<64x128xf32, #tpu.memory_space<vmem>>[vector<16xi32>, vector<16xi32>], vector<16xf32>,
      %swap3A_628 = arith.index_cast %add3A_618 : i32 to index
      %swap3A_629 = arith.constant 32 : index
      %swap3A_630 = tpu.vector_load %arg15[%swap3A_628, %swap3A_629] {strides = array<i32>} : memref<128x128xf32, #tpu.memory_space<vmem>>, vector<16xf32>,
      tpu.vector_store %arg15[%swap3A_628, %swap3A_629], %gather3A_627 {strides = array<i32>} : memref<128x128xf32, #tpu.memory_space<vmem>>, vector<16xf32>,
      %gather3A_631 = tpu.vector_load_idx %arg8[%add3A_107, %broadcast_in_dim3A_614] : memref<64x128xf32, #tpu.memory_space<vmem>>[vector<16xi32>, vector<16xi32>], vector<16xf32>,
      %swap3A_632 = arith.index_cast %add3A_618 : i32 to index
      %swap3A_633 = arith.constant 48 : index
      %swap3A_634 = tpu.vector_load %arg15[%swap3A_632, %swap3A_633] {strides = array<i32>} : memref<128x128xf32, #tpu.memory_space<vmem>>, vector<16xf32>,
      tpu.vector_store %arg15[%swap3A_632, %swap3A_633], %gather3A_631 {strides = array<i32>} : memref<128x128xf32, #tpu.memory_space<vmem>>, vector<16xf32>,
      %slice3A_635 = vector.extract_strided_slice %get3A_189 {offsets = [2], sizes = [1], strides = [1]} : vector<16xi32> to vector<1xi32>
      %squeeze3A_636 = vector.extract %slice3A_635[0] : i32 from vector<1xi32>
      %add3A_637 = arith.constant 10 : i32
      %add3A_638 = arith.addi %add3A_183, %add3A_637 : i32
      %add3A_639 = arith.constant 8 : i32
      %add3A_640 = arith.addi %add3A_638, %add3A_639 : i32
      %lt3A_641 = arith.constant 512 : i32
      %lt3A_642 = arith.cmpi slt, %add3A_640, %lt3A_641 : i32
      %convert_element_type3A_643 = arith.extui %lt3A_642 : i1 to i32
      %cond3A_644 = arith.constant 0 : i32
      %cond3A_645 = arith.cmpi ne, %convert_element_type3A_643, %cond3A_644 : i32
      scf.if %cond3A_645 {
        %shift_right_arithmetic3A_856 = arith.constant 7 : i32
        %shift_right_arithmetic3A_857 = arith.shrsi %squeeze3A_636, %shift_right_arithmetic3A_856 : i32
        %mul3A_858 = arith.constant 128 : i32
        %mul3A_859 = arith.muli %shift_right_arithmetic3A_857, %mul3A_858 : i32
        %multiple_of3A_860 = tpu.assume_multiple %mul3A_859, 128 : i32
        %dma_start3A_861 = arith.constant 0 : i32
        %dma_start3A_862 = tpu.memref_slice %arg3[%dma_start3A_861, %multiple_of3A_860] : memref<64x1000000xf32, #tpu.memory_space<hbm>> -> memref<64x128xf32, #tpu.memory_space<hbm>>
        %dma_start3A_863 = arith.constant 0 : i32
        %dma_start3A_864 = tpu.memref_slice %arg3[%dma_start3A_863, %multiple_of3A_860] : memref<64x1000000xf32, #tpu.memory_space<hbm>> -> memref<64x128xf32, #tpu.memory_space<hbm>>
        tpu.enqueue_dma source(%dma_start3A_864 : memref<64x128xf32, #tpu.memory_space<hbm>>) target(%arg8 : memref<64x128xf32, #tpu.memory_space<vmem>>) target_semaphore(%arg18 : memref<!tpu.dma_semaphore, #tpu.memory_space<semaphore_mem>>)
      } else {
      }
      %dma_wait3A_646 = arith.constant 0 : i32
      %dma_wait3A_647 = arith.constant 0 : i32
      %dma_wait3A_648 = tpu.memref_slice %arg3[%dma_wait3A_646, %dma_wait3A_647] : memref<64x1000000xf32, #tpu.memory_space<hbm>> -> memref<64x128xf32, #tpu.memory_space<hbm>>
      %dma_wait3A_649 = arith.constant 0 : i32
      %dma_wait3A_650 = arith.constant 0 : i32
      %dma_wait3A_651 = tpu.memref_slice %arg3[%dma_wait3A_649, %dma_wait3A_650] : memref<64x1000000xf32, #tpu.memory_space<hbm>> -> memref<64x128xf32, #tpu.memory_space<hbm>>
      tpu.wait_dma2 semaphore(%arg19 : memref<!tpu.dma_semaphore, #tpu.memory_space<semaphore_mem>>) src(%dma_wait3A_651 : memref<64x128xf32, #tpu.memory_space<hbm>>) dst(%arg9 : memref<64x128xf32, #tpu.memory_space<vmem>>)
      %slice3A_652 = vector.extract_strided_slice %get3A_185 {offsets = [11], sizes = [1], strides = [1]} : vector<16xi32> to vector<1xi32>
      %squeeze3A_653 = vector.extract %slice3A_652[0] : i32 from vector<1xi32>
      %and3A_654 = arith.constant 127 : i32
      %and3A_655 = arith.andi %squeeze3A_653, %and3A_654 : i32
      %broadcast_in_dim3A_656 = vector.broadcast %and3A_655 : i32 to vector<16xi32>
      %mul3A_657 = arith.constant 16 : i32
      %mul3A_658 = arith.muli %scan3A_179, %mul3A_657 : i32
      %add3A_659 = arith.constant 11 : i32
      %add3A_660 = arith.addi %mul3A_658, %add3A_659 : i32
      %gather3A_661 = tpu.vector_load_idx %arg9[%add3A_95, %broadcast_in_dim3A_656] : memref<64x128xf32, #tpu.memory_space<vmem>>[vector<16xi32>, vector<16xi32>], vector<16xf32>,
      %swap3A_662 = arith.index_cast %add3A_660 : i32 to index
      %swap3A_663 = arith.constant 0 : index
      %swap3A_664 = tpu.vector_load %arg15[%swap3A_662, %swap3A_663] {strides = array<i32>} : memref<128x128xf32, #tpu.memory_space<vmem>>, vector<16xf32>,
      tpu.vector_store %arg15[%swap3A_662, %swap3A_663], %gather3A_661 {strides = array<i32>} : memref<128x128xf32, #tpu.memory_space<vmem>>, vector<16xf32>,
      %gather3A_665 = tpu.vector_load_idx %arg9[%add3A_99, %broadcast_in_dim3A_656] : memref<64x128xf32, #tpu.memory_space<vmem>>[vector<16xi32>, vector<16xi32>], vector<16xf32>,
      %swap3A_666 = arith.index_cast %add3A_660 : i32 to index
      %swap3A_667 = arith.constant 16 : index
      %swap3A_668 = tpu.vector_load %arg15[%swap3A_666, %swap3A_667] {strides = array<i32>} : memref<128x128xf32, #tpu.memory_space<vmem>>, vector<16xf32>,
      tpu.vector_store %arg15[%swap3A_666, %swap3A_667], %gather3A_665 {strides = array<i32>} : memref<128x128xf32, #tpu.memory_space<vmem>>, vector<16xf32>,
      %gather3A_669 = tpu.vector_load_idx %arg9[%add3A_103, %broadcast_in_dim3A_656] : memref<64x128xf32, #tpu.memory_space<vmem>>[vector<16xi32>, vector<16xi32>], vector<16xf32>,
      %swap3A_670 = arith.index_cast %add3A_660 : i32 to index
      %swap3A_671 = arith.constant 32 : index
      %swap3A_672 = tpu.vector_load %arg15[%swap3A_670, %swap3A_671] {strides = array<i32>} : memref<128x128xf32, #tpu.memory_space<vmem>>, vector<16xf32>,
      tpu.vector_store %arg15[%swap3A_670, %swap3A_671], %gather3A_669 {strides = array<i32>} : memref<128x128xf32, #tpu.memory_space<vmem>>, vector<16xf32>,
      %gather3A_673 = tpu.vector_load_idx %arg9[%add3A_107, %broadcast_in_dim3A_656] : memref<64x128xf32, #tpu.memory_space<vmem>>[vector<16xi32>, vector<16xi32>], vector<16xf32>,
      %swap3A_674 = arith.index_cast %add3A_660 : i32 to index
      %swap3A_675 = arith.constant 48 : index
      %swap3A_676 = tpu.vector_load %arg15[%swap3A_674, %swap3A_675] {strides = array<i32>} : memref<128x128xf32, #tpu.memory_space<vmem>>, vector<16xf32>,
      tpu.vector_store %arg15[%swap3A_674, %swap3A_675], %gather3A_673 {strides = array<i32>} : memref<128x128xf32, #tpu.memory_space<vmem>>, vector<16xf32>,
      %slice3A_677 = vector.extract_strided_slice %get3A_189 {offsets = [3], sizes = [1], strides = [1]} : vector<16xi32> to vector<1xi32>
      %squeeze3A_678 = vector.extract %slice3A_677[0] : i32 from vector<1xi32>
      %add3A_679 = arith.constant 11 : i32
      %add3A_680 = arith.addi %add3A_183, %add3A_679 : i32
      %add3A_681 = arith.constant 8 : i32
      %add3A_682 = arith.addi %add3A_680, %add3A_681 : i32
      %lt3A_683 = arith.constant 512 : i32
      %lt3A_684 = arith.cmpi slt, %add3A_682, %lt3A_683 : i32
      %convert_element_type3A_685 = arith.extui %lt3A_684 : i1 to i32
      %cond3A_686 = arith.constant 0 : i32
      %cond3A_687 = arith.cmpi ne, %convert_element_type3A_685, %cond3A_686 : i32
      scf.if %cond3A_687 {
        %shift_right_arithmetic3A_856 = arith.constant 7 : i32
        %shift_right_arithmetic3A_857 = arith.shrsi %squeeze3A_678, %shift_right_arithmetic3A_856 : i32
        %mul3A_858 = arith.constant 128 : i32
        %mul3A_859 = arith.muli %shift_right_arithmetic3A_857, %mul3A_858 : i32
        %multiple_of3A_860 = tpu.assume_multiple %mul3A_859, 128 : i32
        %dma_start3A_861 = arith.constant 0 : i32
        %dma_start3A_862 = tpu.memref_slice %arg3[%dma_start3A_861, %multiple_of3A_860] : memref<64x1000000xf32, #tpu.memory_space<hbm>> -> memref<64x128xf32, #tpu.memory_space<hbm>>
        %dma_start3A_863 = arith.constant 0 : i32
        %dma_start3A_864 = tpu.memref_slice %arg3[%dma_start3A_863, %multiple_of3A_860] : memref<64x1000000xf32, #tpu.memory_space<hbm>> -> memref<64x128xf32, #tpu.memory_space<hbm>>
        tpu.enqueue_dma source(%dma_start3A_864 : memref<64x128xf32, #tpu.memory_space<hbm>>) target(%arg9 : memref<64x128xf32, #tpu.memory_space<vmem>>) target_semaphore(%arg19 : memref<!tpu.dma_semaphore, #tpu.memory_space<semaphore_mem>>)
      } else {
      }
      %dma_wait3A_688 = arith.constant 0 : i32
      %dma_wait3A_689 = arith.constant 0 : i32
      %dma_wait3A_690 = tpu.memref_slice %arg3[%dma_wait3A_688, %dma_wait3A_689] : memref<64x1000000xf32, #tpu.memory_space<hbm>> -> memref<64x128xf32, #tpu.memory_space<hbm>>
      %dma_wait3A_691 = arith.constant 0 : i32
      %dma_wait3A_692 = arith.constant 0 : i32
      %dma_wait3A_693 = tpu.memref_slice %arg3[%dma_wait3A_691, %dma_wait3A_692] : memref<64x1000000xf32, #tpu.memory_space<hbm>> -> memref<64x128xf32, #tpu.memory_space<hbm>>
      tpu.wait_dma2 semaphore(%arg20 : memref<!tpu.dma_semaphore, #tpu.memory_space<semaphore_mem>>) src(%dma_wait3A_693 : memref<64x128xf32, #tpu.memory_space<hbm>>) dst(%arg10 : memref<64x128xf32, #tpu.memory_space<vmem>>)
      %slice3A_694 = vector.extract_strided_slice %get3A_185 {offsets = [12], sizes = [1], strides = [1]} : vector<16xi32> to vector<1xi32>
      %squeeze3A_695 = vector.extract %slice3A_694[0] : i32 from vector<1xi32>
      %and3A_696 = arith.constant 127 : i32
      %and3A_697 = arith.andi %squeeze3A_695, %and3A_696 : i32
      %broadcast_in_dim3A_698 = vector.broadcast %and3A_697 : i32 to vector<16xi32>
      %mul3A_699 = arith.constant 16 : i32
      %mul3A_700 = arith.muli %scan3A_179, %mul3A_699 : i32
      %add3A_701 = arith.constant 12 : i32
      %add3A_702 = arith.addi %mul3A_700, %add3A_701 : i32
      %gather3A_703 = tpu.vector_load_idx %arg10[%add3A_95, %broadcast_in_dim3A_698] : memref<64x128xf32, #tpu.memory_space<vmem>>[vector<16xi32>, vector<16xi32>], vector<16xf32>,
      %swap3A_704 = arith.index_cast %add3A_702 : i32 to index
      %swap3A_705 = arith.constant 0 : index
      %swap3A_706 = tpu.vector_load %arg15[%swap3A_704, %swap3A_705] {strides = array<i32>} : memref<128x128xf32, #tpu.memory_space<vmem>>, vector<16xf32>,
      tpu.vector_store %arg15[%swap3A_704, %swap3A_705], %gather3A_703 {strides = array<i32>} : memref<128x128xf32, #tpu.memory_space<vmem>>, vector<16xf32>,
      %gather3A_707 = tpu.vector_load_idx %arg10[%add3A_99, %broadcast_in_dim3A_698] : memref<64x128xf32, #tpu.memory_space<vmem>>[vector<16xi32>, vector<16xi32>], vector<16xf32>,
      %swap3A_708 = arith.index_cast %add3A_702 : i32 to index
      %swap3A_709 = arith.constant 16 : index
      %swap3A_710 = tpu.vector_load %arg15[%swap3A_708, %swap3A_709] {strides = array<i32>} : memref<128x128xf32, #tpu.memory_space<vmem>>, vector<16xf32>,
      tpu.vector_store %arg15[%swap3A_708, %swap3A_709], %gather3A_707 {strides = array<i32>} : memref<128x128xf32, #tpu.memory_space<vmem>>, vector<16xf32>,
      %gather3A_711 = tpu.vector_load_idx %arg10[%add3A_103, %broadcast_in_dim3A_698] : memref<64x128xf32, #tpu.memory_space<vmem>>[vector<16xi32>, vector<16xi32>], vector<16xf32>,
      %swap3A_712 = arith.index_cast %add3A_702 : i32 to index
      %swap3A_713 = arith.constant 32 : index
      %swap3A_714 = tpu.vector_load %arg15[%swap3A_712, %swap3A_713] {strides = array<i32>} : memref<128x128xf32, #tpu.memory_space<vmem>>, vector<16xf32>,
      tpu.vector_store %arg15[%swap3A_712, %swap3A_713], %gather3A_711 {strides = array<i32>} : memref<128x128xf32, #tpu.memory_space<vmem>>, vector<16xf32>,
      %gather3A_715 = tpu.vector_load_idx %arg10[%add3A_107, %broadcast_in_dim3A_698] : memref<64x128xf32, #tpu.memory_space<vmem>>[vector<16xi32>, vector<16xi32>], vector<16xf32>,
      %swap3A_716 = arith.index_cast %add3A_702 : i32 to index
      %swap3A_717 = arith.constant 48 : index
      %swap3A_718 = tpu.vector_load %arg15[%swap3A_716, %swap3A_717] {strides = array<i32>} : memref<128x128xf32, #tpu.memory_space<vmem>>, vector<16xf32>,
      tpu.vector_store %arg15[%swap3A_716, %swap3A_717], %gather3A_715 {strides = array<i32>} : memref<128x128xf32, #tpu.memory_space<vmem>>, vector<16xf32>,
      %slice3A_719 = vector.extract_strided_slice %get3A_189 {offsets = [4], sizes = [1], strides = [1]} : vector<16xi32> to vector<1xi32>
      %squeeze3A_720 = vector.extract %slice3A_719[0] : i32 from vector<1xi32>
      %add3A_721 = arith.constant 12 : i32
      %add3A_722 = arith.addi %add3A_183, %add3A_721 : i32
      %add3A_723 = arith.constant 8 : i32
      %add3A_724 = arith.addi %add3A_722, %add3A_723 : i32
      %lt3A_725 = arith.constant 512 : i32
      %lt3A_726 = arith.cmpi slt, %add3A_724, %lt3A_725 : i32
      %convert_element_type3A_727 = arith.extui %lt3A_726 : i1 to i32
      %cond3A_728 = arith.constant 0 : i32
      %cond3A_729 = arith.cmpi ne, %convert_element_type3A_727, %cond3A_728 : i32
      scf.if %cond3A_729 {
        %shift_right_arithmetic3A_856 = arith.constant 7 : i32
        %shift_right_arithmetic3A_857 = arith.shrsi %squeeze3A_720, %shift_right_arithmetic3A_856 : i32
        %mul3A_858 = arith.constant 128 : i32
        %mul3A_859 = arith.muli %shift_right_arithmetic3A_857, %mul3A_858 : i32
        %multiple_of3A_860 = tpu.assume_multiple %mul3A_859, 128 : i32
        %dma_start3A_861 = arith.constant 0 : i32
        %dma_start3A_862 = tpu.memref_slice %arg3[%dma_start3A_861, %multiple_of3A_860] : memref<64x1000000xf32, #tpu.memory_space<hbm>> -> memref<64x128xf32, #tpu.memory_space<hbm>>
        %dma_start3A_863 = arith.constant 0 : i32
        %dma_start3A_864 = tpu.memref_slice %arg3[%dma_start3A_863, %multiple_of3A_860] : memref<64x1000000xf32, #tpu.memory_space<hbm>> -> memref<64x128xf32, #tpu.memory_space<hbm>>
        tpu.enqueue_dma source(%dma_start3A_864 : memref<64x128xf32, #tpu.memory_space<hbm>>) target(%arg10 : memref<64x128xf32, #tpu.memory_space<vmem>>) target_semaphore(%arg20 : memref<!tpu.dma_semaphore, #tpu.memory_space<semaphore_mem>>)
      } else {
      }
      %dma_wait3A_730 = arith.constant 0 : i32
      %dma_wait3A_731 = arith.constant 0 : i32
      %dma_wait3A_732 = tpu.memref_slice %arg3[%dma_wait3A_730, %dma_wait3A_731] : memref<64x1000000xf32, #tpu.memory_space<hbm>> -> memref<64x128xf32, #tpu.memory_space<hbm>>
      %dma_wait3A_733 = arith.constant 0 : i32
      %dma_wait3A_734 = arith.constant 0 : i32
      %dma_wait3A_735 = tpu.memref_slice %arg3[%dma_wait3A_733, %dma_wait3A_734] : memref<64x1000000xf32, #tpu.memory_space<hbm>> -> memref<64x128xf32, #tpu.memory_space<hbm>>
      tpu.wait_dma2 semaphore(%arg21 : memref<!tpu.dma_semaphore, #tpu.memory_space<semaphore_mem>>) src(%dma_wait3A_735 : memref<64x128xf32, #tpu.memory_space<hbm>>) dst(%arg11 : memref<64x128xf32, #tpu.memory_space<vmem>>)
      %slice3A_736 = vector.extract_strided_slice %get3A_185 {offsets = [13], sizes = [1], strides = [1]} : vector<16xi32> to vector<1xi32>
      %squeeze3A_737 = vector.extract %slice3A_736[0] : i32 from vector<1xi32>
      %and3A_738 = arith.constant 127 : i32
      %and3A_739 = arith.andi %squeeze3A_737, %and3A_738 : i32
      %broadcast_in_dim3A_740 = vector.broadcast %and3A_739 : i32 to vector<16xi32>
      %mul3A_741 = arith.constant 16 : i32
      %mul3A_742 = arith.muli %scan3A_179, %mul3A_741 : i32
      %add3A_743 = arith.constant 13 : i32
      %add3A_744 = arith.addi %mul3A_742, %add3A_743 : i32
      %gather3A_745 = tpu.vector_load_idx %arg11[%add3A_95, %broadcast_in_dim3A_740] : memref<64x128xf32, #tpu.memory_space<vmem>>[vector<16xi32>, vector<16xi32>], vector<16xf32>,
      %swap3A_746 = arith.index_cast %add3A_744 : i32 to index
      %swap3A_747 = arith.constant 0 : index
      %swap3A_748 = tpu.vector_load %arg15[%swap3A_746, %swap3A_747] {strides = array<i32>} : memref<128x128xf32, #tpu.memory_space<vmem>>, vector<16xf32>,
      tpu.vector_store %arg15[%swap3A_746, %swap3A_747], %gather3A_745 {strides = array<i32>} : memref<128x128xf32, #tpu.memory_space<vmem>>, vector<16xf32>,
      %gather3A_749 = tpu.vector_load_idx %arg11[%add3A_99, %broadcast_in_dim3A_740] : memref<64x128xf32, #tpu.memory_space<vmem>>[vector<16xi32>, vector<16xi32>], vector<16xf32>,
      %swap3A_750 = arith.index_cast %add3A_744 : i32 to index
      %swap3A_751 = arith.constant 16 : index
      %swap3A_752 = tpu.vector_load %arg15[%swap3A_750, %swap3A_751] {strides = array<i32>} : memref<128x128xf32, #tpu.memory_space<vmem>>, vector<16xf32>,
      tpu.vector_store %arg15[%swap3A_750, %swap3A_751], %gather3A_749 {strides = array<i32>} : memref<128x128xf32, #tpu.memory_space<vmem>>, vector<16xf32>,
      %gather3A_753 = tpu.vector_load_idx %arg11[%add3A_103, %broadcast_in_dim3A_740] : memref<64x128xf32, #tpu.memory_space<vmem>>[vector<16xi32>, vector<16xi32>], vector<16xf32>,
      %swap3A_754 = arith.index_cast %add3A_744 : i32 to index
      %swap3A_755 = arith.constant 32 : index
      %swap3A_756 = tpu.vector_load %arg15[%swap3A_754, %swap3A_755] {strides = array<i32>} : memref<128x128xf32, #tpu.memory_space<vmem>>, vector<16xf32>,
      tpu.vector_store %arg15[%swap3A_754, %swap3A_755], %gather3A_753 {strides = array<i32>} : memref<128x128xf32, #tpu.memory_space<vmem>>, vector<16xf32>,
      %gather3A_757 = tpu.vector_load_idx %arg11[%add3A_107, %broadcast_in_dim3A_740] : memref<64x128xf32, #tpu.memory_space<vmem>>[vector<16xi32>, vector<16xi32>], vector<16xf32>,
      %swap3A_758 = arith.index_cast %add3A_744 : i32 to index
      %swap3A_759 = arith.constant 48 : index
      %swap3A_760 = tpu.vector_load %arg15[%swap3A_758, %swap3A_759] {strides = array<i32>} : memref<128x128xf32, #tpu.memory_space<vmem>>, vector<16xf32>,
      tpu.vector_store %arg15[%swap3A_758, %swap3A_759], %gather3A_757 {strides = array<i32>} : memref<128x128xf32, #tpu.memory_space<vmem>>, vector<16xf32>,
      %slice3A_761 = vector.extract_strided_slice %get3A_189 {offsets = [5], sizes = [1], strides = [1]} : vector<16xi32> to vector<1xi32>
      %squeeze3A_762 = vector.extract %slice3A_761[0] : i32 from vector<1xi32>
      %add3A_763 = arith.constant 13 : i32
      %add3A_764 = arith.addi %add3A_183, %add3A_763 : i32
      %add3A_765 = arith.constant 8 : i32
      %add3A_766 = arith.addi %add3A_764, %add3A_765 : i32
      %lt3A_767 = arith.constant 512 : i32
      %lt3A_768 = arith.cmpi slt, %add3A_766, %lt3A_767 : i32
      %convert_element_type3A_769 = arith.extui %lt3A_768 : i1 to i32
      %cond3A_770 = arith.constant 0 : i32
      %cond3A_771 = arith.cmpi ne, %convert_element_type3A_769, %cond3A_770 : i32
      scf.if %cond3A_771 {
        %shift_right_arithmetic3A_856 = arith.constant 7 : i32
        %shift_right_arithmetic3A_857 = arith.shrsi %squeeze3A_762, %shift_right_arithmetic3A_856 : i32
        %mul3A_858 = arith.constant 128 : i32
        %mul3A_859 = arith.muli %shift_right_arithmetic3A_857, %mul3A_858 : i32
        %multiple_of3A_860 = tpu.assume_multiple %mul3A_859, 128 : i32
        %dma_start3A_861 = arith.constant 0 : i32
        %dma_start3A_862 = tpu.memref_slice %arg3[%dma_start3A_861, %multiple_of3A_860] : memref<64x1000000xf32, #tpu.memory_space<hbm>> -> memref<64x128xf32, #tpu.memory_space<hbm>>
        %dma_start3A_863 = arith.constant 0 : i32
        %dma_start3A_864 = tpu.memref_slice %arg3[%dma_start3A_863, %multiple_of3A_860] : memref<64x1000000xf32, #tpu.memory_space<hbm>> -> memref<64x128xf32, #tpu.memory_space<hbm>>
        tpu.enqueue_dma source(%dma_start3A_864 : memref<64x128xf32, #tpu.memory_space<hbm>>) target(%arg11 : memref<64x128xf32, #tpu.memory_space<vmem>>) target_semaphore(%arg21 : memref<!tpu.dma_semaphore, #tpu.memory_space<semaphore_mem>>)
      } else {
      }
      %dma_wait3A_772 = arith.constant 0 : i32
      %dma_wait3A_773 = arith.constant 0 : i32
      %dma_wait3A_774 = tpu.memref_slice %arg3[%dma_wait3A_772, %dma_wait3A_773] : memref<64x1000000xf32, #tpu.memory_space<hbm>> -> memref<64x128xf32, #tpu.memory_space<hbm>>
      %dma_wait3A_775 = arith.constant 0 : i32
      %dma_wait3A_776 = arith.constant 0 : i32
      %dma_wait3A_777 = tpu.memref_slice %arg3[%dma_wait3A_775, %dma_wait3A_776] : memref<64x1000000xf32, #tpu.memory_space<hbm>> -> memref<64x128xf32, #tpu.memory_space<hbm>>
      tpu.wait_dma2 semaphore(%arg22 : memref<!tpu.dma_semaphore, #tpu.memory_space<semaphore_mem>>) src(%dma_wait3A_777 : memref<64x128xf32, #tpu.memory_space<hbm>>) dst(%arg12 : memref<64x128xf32, #tpu.memory_space<vmem>>)
      %slice3A_778 = vector.extract_strided_slice %get3A_185 {offsets = [14], sizes = [1], strides = [1]} : vector<16xi32> to vector<1xi32>
      %squeeze3A_779 = vector.extract %slice3A_778[0] : i32 from vector<1xi32>
      %and3A_780 = arith.constant 127 : i32
      %and3A_781 = arith.andi %squeeze3A_779, %and3A_780 : i32
      %broadcast_in_dim3A_782 = vector.broadcast %and3A_781 : i32 to vector<16xi32>
      %mul3A_783 = arith.constant 16 : i32
      %mul3A_784 = arith.muli %scan3A_179, %mul3A_783 : i32
      %add3A_785 = arith.constant 14 : i32
      %add3A_786 = arith.addi %mul3A_784, %add3A_785 : i32
      %gather3A_787 = tpu.vector_load_idx %arg12[%add3A_95, %broadcast_in_dim3A_782] : memref<64x128xf32, #tpu.memory_space<vmem>>[vector<16xi32>, vector<16xi32>], vector<16xf32>,
      %swap3A_788 = arith.index_cast %add3A_786 : i32 to index
      %swap3A_789 = arith.constant 0 : index
      %swap3A_790 = tpu.vector_load %arg15[%swap3A_788, %swap3A_789] {strides = array<i32>} : memref<128x128xf32, #tpu.memory_space<vmem>>, vector<16xf32>,
      tpu.vector_store %arg15[%swap3A_788, %swap3A_789], %gather3A_787 {strides = array<i32>} : memref<128x128xf32, #tpu.memory_space<vmem>>, vector<16xf32>,
      %gather3A_791 = tpu.vector_load_idx %arg12[%add3A_99, %broadcast_in_dim3A_782] : memref<64x128xf32, #tpu.memory_space<vmem>>[vector<16xi32>, vector<16xi32>], vector<16xf32>,
      %swap3A_792 = arith.index_cast %add3A_786 : i32 to index
      %swap3A_793 = arith.constant 16 : index
      %swap3A_794 = tpu.vector_load %arg15[%swap3A_792, %swap3A_793] {strides = array<i32>} : memref<128x128xf32, #tpu.memory_space<vmem>>, vector<16xf32>,
      tpu.vector_store %arg15[%swap3A_792, %swap3A_793], %gather3A_791 {strides = array<i32>} : memref<128x128xf32, #tpu.memory_space<vmem>>, vector<16xf32>,
      %gather3A_795 = tpu.vector_load_idx %arg12[%add3A_103, %broadcast_in_dim3A_782] : memref<64x128xf32, #tpu.memory_space<vmem>>[vector<16xi32>, vector<16xi32>], vector<16xf32>,
      %swap3A_796 = arith.index_cast %add3A_786 : i32 to index
      %swap3A_797 = arith.constant 32 : index
      %swap3A_798 = tpu.vector_load %arg15[%swap3A_796, %swap3A_797] {strides = array<i32>} : memref<128x128xf32, #tpu.memory_space<vmem>>, vector<16xf32>,
      tpu.vector_store %arg15[%swap3A_796, %swap3A_797], %gather3A_795 {strides = array<i32>} : memref<128x128xf32, #tpu.memory_space<vmem>>, vector<16xf32>,
      %gather3A_799 = tpu.vector_load_idx %arg12[%add3A_107, %broadcast_in_dim3A_782] : memref<64x128xf32, #tpu.memory_space<vmem>>[vector<16xi32>, vector<16xi32>], vector<16xf32>,
      %swap3A_800 = arith.index_cast %add3A_786 : i32 to index
      %swap3A_801 = arith.constant 48 : index
      %swap3A_802 = tpu.vector_load %arg15[%swap3A_800, %swap3A_801] {strides = array<i32>} : memref<128x128xf32, #tpu.memory_space<vmem>>, vector<16xf32>,
      tpu.vector_store %arg15[%swap3A_800, %swap3A_801], %gather3A_799 {strides = array<i32>} : memref<128x128xf32, #tpu.memory_space<vmem>>, vector<16xf32>,
      %slice3A_803 = vector.extract_strided_slice %get3A_189 {offsets = [6], sizes = [1], strides = [1]} : vector<16xi32> to vector<1xi32>
      %squeeze3A_804 = vector.extract %slice3A_803[0] : i32 from vector<1xi32>
      %add3A_805 = arith.constant 14 : i32
      %add3A_806 = arith.addi %add3A_183, %add3A_805 : i32
      %add3A_807 = arith.constant 8 : i32
      %add3A_808 = arith.addi %add3A_806, %add3A_807 : i32
      %lt3A_809 = arith.constant 512 : i32
      %lt3A_810 = arith.cmpi slt, %add3A_808, %lt3A_809 : i32
      %convert_element_type3A_811 = arith.extui %lt3A_810 : i1 to i32
      %cond3A_812 = arith.constant 0 : i32
      %cond3A_813 = arith.cmpi ne, %convert_element_type3A_811, %cond3A_812 : i32
      scf.if %cond3A_813 {
        %shift_right_arithmetic3A_856 = arith.constant 7 : i32
        %shift_right_arithmetic3A_857 = arith.shrsi %squeeze3A_804, %shift_right_arithmetic3A_856 : i32
        %mul3A_858 = arith.constant 128 : i32
        %mul3A_859 = arith.muli %shift_right_arithmetic3A_857, %mul3A_858 : i32
        %multiple_of3A_860 = tpu.assume_multiple %mul3A_859, 128 : i32
        %dma_start3A_861 = arith.constant 0 : i32
        %dma_start3A_862 = tpu.memref_slice %arg3[%dma_start3A_861, %multiple_of3A_860] : memref<64x1000000xf32, #tpu.memory_space<hbm>> -> memref<64x128xf32, #tpu.memory_space<hbm>>
        %dma_start3A_863 = arith.constant 0 : i32
        %dma_start3A_864 = tpu.memref_slice %arg3[%dma_start3A_863, %multiple_of3A_860] : memref<64x1000000xf32, #tpu.memory_space<hbm>> -> memref<64x128xf32, #tpu.memory_space<hbm>>
        tpu.enqueue_dma source(%dma_start3A_864 : memref<64x128xf32, #tpu.memory_space<hbm>>) target(%arg12 : memref<64x128xf32, #tpu.memory_space<vmem>>) target_semaphore(%arg22 : memref<!tpu.dma_semaphore, #tpu.memory_space<semaphore_mem>>)
      } else {
      }
      %dma_wait3A_814 = arith.constant 0 : i32
      %dma_wait3A_815 = arith.constant 0 : i32
      %dma_wait3A_816 = tpu.memref_slice %arg3[%dma_wait3A_814, %dma_wait3A_815] : memref<64x1000000xf32, #tpu.memory_space<hbm>> -> memref<64x128xf32, #tpu.memory_space<hbm>>
      %dma_wait3A_817 = arith.constant 0 : i32
      %dma_wait3A_818 = arith.constant 0 : i32
      %dma_wait3A_819 = tpu.memref_slice %arg3[%dma_wait3A_817, %dma_wait3A_818] : memref<64x1000000xf32, #tpu.memory_space<hbm>> -> memref<64x128xf32, #tpu.memory_space<hbm>>
      tpu.wait_dma2 semaphore(%arg23 : memref<!tpu.dma_semaphore, #tpu.memory_space<semaphore_mem>>) src(%dma_wait3A_819 : memref<64x128xf32, #tpu.memory_space<hbm>>) dst(%arg13 : memref<64x128xf32, #tpu.memory_space<vmem>>)
      %slice3A_820 = vector.extract_strided_slice %get3A_185 {offsets = [15], sizes = [1], strides = [1]} : vector<16xi32> to vector<1xi32>
      %squeeze3A_821 = vector.extract %slice3A_820[0] : i32 from vector<1xi32>
      %and3A_822 = arith.constant 127 : i32
      %and3A_823 = arith.andi %squeeze3A_821, %and3A_822 : i32
      %broadcast_in_dim3A_824 = vector.broadcast %and3A_823 : i32 to vector<16xi32>
      %mul3A_825 = arith.constant 16 : i32
      %mul3A_826 = arith.muli %scan3A_179, %mul3A_825 : i32
      %add3A_827 = arith.constant 15 : i32
      %add3A_828 = arith.addi %mul3A_826, %add3A_827 : i32
      %gather3A_829 = tpu.vector_load_idx %arg13[%add3A_95, %broadcast_in_dim3A_824] : memref<64x128xf32, #tpu.memory_space<vmem>>[vector<16xi32>, vector<16xi32>], vector<16xf32>,
      %swap3A_830 = arith.index_cast %add3A_828 : i32 to index
      %swap3A_831 = arith.constant 0 : index
      %swap3A_832 = tpu.vector_load %arg15[%swap3A_830, %swap3A_831] {strides = array<i32>} : memref<128x128xf32, #tpu.memory_space<vmem>>, vector<16xf32>,
      tpu.vector_store %arg15[%swap3A_830, %swap3A_831], %gather3A_829 {strides = array<i32>} : memref<128x128xf32, #tpu.memory_space<vmem>>, vector<16xf32>,
      %gather3A_833 = tpu.vector_load_idx %arg13[%add3A_99, %broadcast_in_dim3A_824] : memref<64x128xf32, #tpu.memory_space<vmem>>[vector<16xi32>, vector<16xi32>], vector<16xf32>,
      %swap3A_834 = arith.index_cast %add3A_828 : i32 to index
      %swap3A_835 = arith.constant 16 : index
      %swap3A_836 = tpu.vector_load %arg15[%swap3A_834, %swap3A_835] {strides = array<i32>} : memref<128x128xf32, #tpu.memory_space<vmem>>, vector<16xf32>,
      tpu.vector_store %arg15[%swap3A_834, %swap3A_835], %gather3A_833 {strides = array<i32>} : memref<128x128xf32, #tpu.memory_space<vmem>>, vector<16xf32>,
      %gather3A_837 = tpu.vector_load_idx %arg13[%add3A_103, %broadcast_in_dim3A_824] : memref<64x128xf32, #tpu.memory_space<vmem>>[vector<16xi32>, vector<16xi32>], vector<16xf32>,
      %swap3A_838 = arith.index_cast %add3A_828 : i32 to index
      %swap3A_839 = arith.constant 32 : index
      %swap3A_840 = tpu.vector_load %arg15[%swap3A_838, %swap3A_839] {strides = array<i32>} : memref<128x128xf32, #tpu.memory_space<vmem>>, vector<16xf32>,
      tpu.vector_store %arg15[%swap3A_838, %swap3A_839], %gather3A_837 {strides = array<i32>} : memref<128x128xf32, #tpu.memory_space<vmem>>, vector<16xf32>,
      %gather3A_841 = tpu.vector_load_idx %arg13[%add3A_107, %broadcast_in_dim3A_824] : memref<64x128xf32, #tpu.memory_space<vmem>>[vector<16xi32>, vector<16xi32>], vector<16xf32>,
      %swap3A_842 = arith.index_cast %add3A_828 : i32 to index
      %swap3A_843 = arith.constant 48 : index
      %swap3A_844 = tpu.vector_load %arg15[%swap3A_842, %swap3A_843] {strides = array<i32>} : memref<128x128xf32, #tpu.memory_space<vmem>>, vector<16xf32>,
      tpu.vector_store %arg15[%swap3A_842, %swap3A_843], %gather3A_841 {strides = array<i32>} : memref<128x128xf32, #tpu.memory_space<vmem>>, vector<16xf32>,
      %slice3A_845 = vector.extract_strided_slice %get3A_189 {offsets = [7], sizes = [1], strides = [1]} : vector<16xi32> to vector<1xi32>
      %squeeze3A_846 = vector.extract %slice3A_845[0] : i32 from vector<1xi32>
      %add3A_847 = arith.constant 15 : i32
      %add3A_848 = arith.addi %add3A_183, %add3A_847 : i32
      %add3A_849 = arith.constant 8 : i32
      %add3A_850 = arith.addi %add3A_848, %add3A_849 : i32
      %lt3A_851 = arith.constant 512 : i32
      %lt3A_852 = arith.cmpi slt, %add3A_850, %lt3A_851 : i32
      %convert_element_type3A_853 = arith.extui %lt3A_852 : i1 to i32
      %cond3A_854 = arith.constant 0 : i32
      %cond3A_855 = arith.cmpi ne, %convert_element_type3A_853, %cond3A_854 : i32
      scf.if %cond3A_855 {
        %shift_right_arithmetic3A_856 = arith.constant 7 : i32
        %shift_right_arithmetic3A_857 = arith.shrsi %squeeze3A_846, %shift_right_arithmetic3A_856 : i32
        %mul3A_858 = arith.constant 128 : i32
        %mul3A_859 = arith.muli %shift_right_arithmetic3A_857, %mul3A_858 : i32
        %multiple_of3A_860 = tpu.assume_multiple %mul3A_859, 128 : i32
        %dma_start3A_861 = arith.constant 0 : i32
        %dma_start3A_862 = tpu.memref_slice %arg3[%dma_start3A_861, %multiple_of3A_860] : memref<64x1000000xf32, #tpu.memory_space<hbm>> -> memref<64x128xf32, #tpu.memory_space<hbm>>
        %dma_start3A_863 = arith.constant 0 : i32
        %dma_start3A_864 = tpu.memref_slice %arg3[%dma_start3A_863, %multiple_of3A_860] : memref<64x1000000xf32, #tpu.memory_space<hbm>> -> memref<64x128xf32, #tpu.memory_space<hbm>>
        tpu.enqueue_dma source(%dma_start3A_864 : memref<64x128xf32, #tpu.memory_space<hbm>>) target(%arg13 : memref<64x128xf32, #tpu.memory_space<vmem>>) target_semaphore(%arg23 : memref<!tpu.dma_semaphore, #tpu.memory_space<semaphore_mem>>)
      } else {
      }
    }
    %scan3A_160 = arith.constant 8 : i32
    %add3A_161 = arith.constant 384 : i32
    %add3A_162 = arith.addi %mul3A_2, %add3A_161 : i32
    %dma_start3A_163 = arith.constant 0 : i32
    %dma_start3A_164 = tpu.memref_slice %arg4[%add3A_162, %dma_start3A_163] : memref<16384x128xf32, #tpu.memory_space<hbm>> -> memref<128x128xf32, #tpu.memory_space<hbm>>
    %dma_start3A_165 = arith.constant 0 : i32
    %dma_start3A_166 = tpu.memref_slice %arg4[%add3A_162, %dma_start3A_165] : memref<16384x128xf32, #tpu.memory_space<hbm>> -> memref<128x128xf32, #tpu.memory_space<hbm>>
    tpu.enqueue_dma source(%arg15 : memref<128x128xf32, #tpu.memory_space<vmem>>) target(%dma_start3A_166 : memref<128x128xf32, #tpu.memory_space<hbm>>) target_semaphore(%arg25 : memref<!tpu.dma_semaphore, #tpu.memory_space<semaphore_mem>>)
    %add3A_167 = arith.constant 256 : i32
    %add3A_168 = arith.addi %mul3A_2, %add3A_167 : i32
    %dma_wait3A_169 = arith.constant 0 : i32
    %dma_wait3A_170 = tpu.memref_slice %arg4[%add3A_168, %dma_wait3A_169] : memref<16384x128xf32, #tpu.memory_space<hbm>> -> memref<128x128xf32, #tpu.memory_space<hbm>>
    %dma_wait3A_171 = arith.constant 0 : i32
    %dma_wait3A_172 = tpu.memref_slice %arg4[%add3A_168, %dma_wait3A_171] : memref<16384x128xf32, #tpu.memory_space<hbm>> -> memref<128x128xf32, #tpu.memory_space<hbm>>
    tpu.wait_dma2 semaphore(%arg24 : memref<!tpu.dma_semaphore, #tpu.memory_space<semaphore_mem>>) src(%arg14 : memref<128x128xf32, #tpu.memory_space<vmem>>) dst(%dma_wait3A_172 : memref<128x128xf32, #tpu.memory_space<hbm>>)
    %add3A_173 = arith.constant 384 : i32
    %add3A_174 = arith.addi %mul3A_2, %add3A_173 : i32
    %dma_wait3A_175 = arith.constant 0 : i32
    %dma_wait3A_176 = tpu.memref_slice %arg4[%add3A_174, %dma_wait3A_175] : memref<16384x128xf32, #tpu.memory_space<hbm>> -> memref<128x128xf32, #tpu.memory_space<hbm>>
    %dma_wait3A_177 = arith.constant 0 : i32
    %dma_wait3A_178 = tpu.memref_slice %arg4[%add3A_174, %dma_wait3A_177] : memref<16384x128xf32, #tpu.memory_space<hbm>> -> memref<128x128xf32, #tpu.memory_space<hbm>>
    tpu.wait_dma2 semaphore(%arg25 : memref<!tpu.dma_semaphore, #tpu.memory_space<semaphore_mem>>) src(%arg15 : memref<128x128xf32, #tpu.memory_space<vmem>>) dst(%dma_wait3A_178 : memref<128x128xf32, #tpu.memory_space<hbm>>)
    return
  }
}

</mosaic_0001>

<sc_bundles>
// kernel: kernel.3.cloned.1.call-start
scs
__scs_entry_jumppad:
0x0: {  	(pc) =	sbr.rel $0x88, $3  }
0x1: {  	(tag) =	ssettag $0x0;
	lr =	simm.s32 $0x1  }
0x2: {  	[smem:$0x3F9F] =	sst lr;
	_ =	strace $0xD0000000  }
0x3: {  	_ = 	snop  }
0x4: {  	_ = 	snop  }
0x5: {  	_ = 	snop  }
0x6: {  	_ = 	snop  }
0x7: {  	_ = 	snop  }
__scs_overlays_trampoline_lowered:
0x8: {  	[smem:$0x3FAE] =	sst s0  }
0x9: {  	[smem:$0x3FAF] =	sst s1  }
0xa: {  	[smem:$0x3FB0] =	sst s2  }
0xb: {  	[smem:$0x3FB1] =	sst s3  }
0xc: {  	[smem:$0x3FB2] =	sst s4  }
0xd: {  	[smem:$0x3FB3] =	sst s5  }
0xe: {  	[smem:$0x3FB4] =	sst s6  }
0xf: {  	[smem:$0x3FB5] =	sst s7  }
0x10: {  	[smem:$0x3FB6] =	sst s8  }
0x11: {  	[smem:$0x3FB7] =	sst s9;
	s0 =	simm.s32 @!p0 $0x0  }
0x12: {  	s1 =	sld [smem:$0x3F9D];
	s0 =	simm.s32 @p0 $0x1  }
0x13: {  	[smem:$0x3FB8] =	sst s0;
	s0 =	simm.s32 @!p1 $0x0  }
0x14: {  	s2 =	sld [smem:$0x3F9C];
	s0 =	simm.s32 @p1 $0x1  }
0x15: {  	[smem:$0x3FB9] =	sst s0;
	s0 =	simm.s32 @!p2 $0x0  }
0x16: {  	s3 =	sld [smem:$0x3FDB];
	s0 =	simm.s32 @p2 $0x1  }
0x17: {  	s4 =	simm.s32 $0x1BF5;
	[smem:$0x3FBB] =	sst s0  }
0x18: {  	s0 =	sld [smem:$0x3F9E];
	_ =	swait.ge [sflag:s4], $0x0  }
0x19: {  	s7 =	sld [smem:$0x3F9F]  }
0x1a: {  	s8 =	sadd.s32 $0xFFFFE003, lr  }
0x1b: {  	s9 =	sadd.s32 $0xFFFFFEF7, lr;
	s5 =	simm.s32 $0xFFFFFFFF;
	p2 =	slt.u32 s8, $0xFFFFF086  }
0x1c: {  	p1 =	slt.u32 s9, $0xF7A;
	s5 =	simm.s32 @!p2 $0x0  }
0x1d: {  	s5 =	simm.s32 @p1 $0x1;
	p0 =	seq.s32 s7, s2  }
0x1e: {  	s7 =	smul.u32 @!p0 $0xF7A, s2;
	p2 =	seq.s32 @!p0 s5, $0x0  }
0x1f: {  	s9 =	smul.u32 $0xF7A, s1;
	s8 =	simm.s32 @!p0 $0x1BF5;
	p2 =	por !p2, p0  }
0x20: {  	[sflag:s8] =	ssyncset.s32 @!p0 $0xFFFFF086;
	s6 =	sadd.s32 @!p0 s3, s7;
	s7 =	simm.s32 @!p0 $0x108  }
0x21: {  	s3 =	sadd.s32 s3, s9;
	s6 =	sadd.s32 @!p0 $0x88, s6;
	s7 =	simm.s32 @p2 $0x1082  }
0x22: {  	[simem:s7], [sflag:s8] =	dma.local @!p0 [hbm:s6], $0xF7A  }
0x23: {  	s9 =	sor.u32 $0xD0000000, s2;
	s6 =	simm.s32 $0x108;
	_ =	swait.ge @!p0 [sflag:s8], $0x0  }
0x24: {  	s3 =	sadd.s32 $0x88, s3;
	s6 =	simm.s32 @!p1 $0x1082;
	[sflag:s4] =	ssyncset.s32 $0xFFFFF086  }
0x25: {  	[simem:s6], [sflag:s4] =	dma.local [hbm:s3], $0xF7A  }
0x26: {  	[smem:$0x3F9F] =	sst s1;
	(tag) =	ssettag s2;
	_ =	strace s9  }
0x27: {  	s1 =	sld [smem:$0x3FAF]  }
0x28: {  	s2 =	sld [smem:$0x3FB0]  }
0x29: {  	s4 =	sld [smem:$0x3FB2]  }
0x2a: {  	p0 =	seq.s32 s5, $0x0;
	s5 =	sld [smem:$0x3FB3]  }
0x2b: {  	s6 =	sld [smem:$0x3FB4]  }
0x2c: {  	s7 =	sld [smem:$0x3FB5]  }
0x2d: {  	s3 =	simm.s32 $0x108;
	s8 =	sld [smem:$0x3FB6]  }
0x2e: {  	s3 =	simm.s32 @!p0 $0x1082;
	s9 =	sld [smem:$0x3FB7]  }
0x2f: {  	lr =	sadd.s32 s0, s3;
	s0 =	sld [smem:$0x3FAE]  }
0x30: {  	s3 =	sld [smem:$0x3FB1]  }
0x31: {  	[smem:$0x3FBA] =	sst s10  }
0x32: {  	s10 =	sld [smem:$0x3FB8];
	_ =	sdelay $0x3  }
0x33: {  	p0 =	seq.s32 s10, $0x1;
	s10 =	sld [smem:$0x3FBA];
	_ =	sdelay $0x3  }
0x34: {  	[smem:$0x3FBA] =	sst s10  }
0x35: {  	s10 =	sld [smem:$0x3FB9];
	_ =	sdelay $0x3  }
0x36: {  	p1 =	seq.s32 s10, $0x1;
	s10 =	sld [smem:$0x3FBA];
	_ =	sdelay $0x3  }
0x37: {  	[smem:$0x3FBA] =	sst s10  }
0x38: {  	s10 =	sld [smem:$0x3FBB]  }
0x39: {  	_ = 	snop;
	(pc) =	sbr.ind lr, $3  }
0x3a: {  	_ = 	snop  }
0x3b: {  	_ = 	snop  }
0x3c: {  	p2 =	seq.s32 s10, $0x1;
	s10 =	sld [smem:$0x3FBA]  }
0x3d: {  	_ =	shalt  }
0x3e: {  	_ =	shalt  }
0x3f: {  	_ =	shalt  }
0x40: {  	_ =	shalt  }
0x41: {  	_ =	shalt  }
0x42: {  	_ =	shalt  }
0x43: {  	_ =	shalt  }
0x44: {  	_ =	shalt  }
0x45: {  	_ =	shalt  }
0x46: {  	_ =	shalt  }
0x47: {  	_ =	shalt  }
0x48: {  	_ =	shalt  }
0x49: {  	_ =	shalt  }
0x4a: {  	_ =	shalt  }
0x4b: {  	_ =	shalt  }
0x4c: {  	_ =	shalt  }
0x4d: {  	_ =	shalt  }
0x4e: {  	_ =	shalt  }
0x4f: {  	_ =	shalt  }
0x50: {  	_ =	shalt  }
0x51: {  	_ =	shalt  }
0x52: {  	_ =	shalt  }
0x53: {  	_ =	shalt  }
0x54: {  	_ =	shalt  }
0x55: {  	_ =	shalt  }
0x56: {  	_ =	shalt  }
0x57: {  	_ =	shalt  }
0x58: {  	_ =	shalt  }
0x59: {  	_ =	shalt  }
0x5a: {  	_ =	shalt  }
0x5b: {  	_ =	shalt  }
0x5c: {  	_ =	shalt  }
0x5d: {  	_ =	shalt  }
0x5e: {  	_ =	shalt  }
0x5f: {  	_ =	shalt  }
0x60: {  	_ =	shalt  }
0x61: {  	_ =	shalt  }
0x62: {  	_ =	shalt  }
0x63: {  	_ =	shalt  }
0x64: {  	_ =	shalt  }
0x65: {  	_ =	shalt  }
0x66: {  	_ =	shalt  }
0x67: {  	_ =	shalt  }
0x68: {  	_ =	shalt  }
0x69: {  	_ =	shalt  }
0x6a: {  	_ =	shalt  }
0x6b: {  	_ =	shalt  }
0x6c: {  	_ =	shalt  }
0x6d: {  	_ =	shalt  }
0x6e: {  	_ =	shalt  }
0x6f: {  	_ =	shalt  }
0x70: {  	_ =	shalt  }
0x71: {  	_ =	shalt  }
0x72: {  	_ =	shalt  }
0x73: {  	_ =	shalt  }
0x74: {  	_ =	shalt  }
0x75: {  	_ =	shalt  }
0x76: {  	_ =	shalt  }
0x77: {  	_ =	shalt  }
0x78: {  	_ =	shalt  }
0x79: {  	_ =	shalt  }
0x7a: {  	_ =	shalt  }
0x7b: {  	_ =	shalt  }
0x7c: {  	_ =	shalt  }
0x7d: {  	_ =	shalt  }
0x7e: {  	_ =	shalt  }
0x7f: {  	_ =	shalt  }
0x80: {  	_ =	shalt  }
0x81: {  	_ =	shalt  }
0x82: {  	_ =	shalt  }
0x83: {  	_ =	shalt  }
0x84: {  	_ =	shalt  }
0x85: {  	_ =	shalt  }
0x86: {  	_ =	shalt  }
0x87: {  	_ =	shalt  }
.Lfunc_end0:
.L_simem_size_0:
called_computation_lowered:
.L_overlay_start_0:
0x88: {  	s2 =	sld [smem:$0x3FD9]  }
0x89: {  	s3 =	sld [smem:$0x3FFE];
	_ =	sdelay $0x1  }
0x8a: {  	s1 =	srdreg.scid  }
0x8b: {  	s0 =	sand.u32 $0x1, s1  }
0x8c: {  	s18 =	sshll.u32 s0, $0xA;
	s2 =	sadd.s32 s3, s2  }
0x8d: {  	s2 =	sadd.s32 s2, s18  }
0x8e: {  	[smem:$0x3FC6] =	sst s2  }
0x8f: {  	_ = 	snop  }
0x90: {  	s2 =	sld [smem:$0x3FC9]  }
0x91: {  	s19 =	sld [smem:$0x3FC8]  }
0x92: {  	s4 =	sld [smem:$0x3FD0];
	(tm) =	ssettm $0x1  }
0x93: {  	s5 =	sld [smem:$0x3FFB];
	_ =	sdelay $0x3  }
0x94: {  	_ =	strace s5  }
0x95: {  	s5 =	sld [smem:$0x3FFC];
	_ =	sdelay $0x3  }
0x96: {  	_ =	strace s5  }
0x97: {  	s5 =	sld [smem:$0x3FFD];
	_ =	sdelay $0x3  }
0x98: {  	_ =	strace s5  }
0x99: {  	_ =	strace $0x8FFFFFFF  }
0x9a: {  	s20 =	sld [smem:$0x3FDB];
	_ =	sdelay $0x1  }
0x9b: {  	s6 =	simm.s32 $_scs_section_size  }
0x9c: {  	s7 =	simm.s32 $_size__tile_overlayer_lowered;
	s8 =	simm.s32 $_tile_overlayer_lowered  }
0x9d: {  	s23 =	simm.s32 $0x1BFF;
	s22 =	sshll.u32 s8, $0x1;
	s5 =	sadd.s32 s6, s20  }
0x9e: {  	s9 =	simm.s32 $0x0;
	s21 =	sshll.u32 s7, $0x1;
	s7 =	sadd.s32 s22, s5  }
0x9f: {  	[timem:s9], [sflag:s23] =	dma.local [hbm:s7], s21  }
0xa0: {  	_ =	swait.ge [sflag:s23], s21  }
0xa1: {  	s6 =	ssub.s32 $0x0, s21;
	[sflag:s23] =	ssyncset.done $0x0  }
0xa2: {  	[sflag:s23] =	ssyncadd.s32 s6;
	_ =	sdelay $0x1  }
0xa3: {  	s24 =	simm.s32 $0x1B8B  }
0xa4: {  	_ =	swait.ge [sflag:s24], $0x1  }
0xa5: {  	[sflag:s24] =	ssyncset.done $0x0  }
0xa6: {  	s25 =	simm.s32 $0x1B8E;
	[sflag:s24] =	ssyncadd.s32 $0xFFFFFFFF  }
0xa7: {  	s26 =	simm.s32 $execute0_lowered;
	[smem:$0x3FD2] =	sst s25  }
0xa8: {  	s6 =	sshll.u32 s26, $0x1;
	_ =	strace $0x80000046;
	[dreg:$0x1] =	wrdreg $0xFFFFFFFF  }
0xa9: {  	s28 =	simm.s32 $_size_execute0_lowered;
	s5 =	sadd.s32 s5, s6;
	[dreg:$0x0] =	wrdreg $0x0  }
0xaa: {  	s6 =	sshll.u32 s28, $0x1;
	[dreg:$0x2] =	wrdreg s5  }
0xab: {  	[dreg:$0x3] =	wrdreg s6  }
0xac: {  	[dreg:$0x4] =	wrdreg $0xC0  }
0xad: {  	_ =	task [dreg:s9], $0x5FFFF  }
0xae: {  	[dreg:$0x1] =	wrdreg $0xFFFFFFFF  }
0xaf: {  	[dreg:$0x0] =	wrdreg $0x60  }
0xb0: {  	[dreg:$0x2] =	wrdreg s2  }
0xb1: {  	[dreg:$0x3] =	wrdreg s19  }
0xb2: {  	[dreg:$0x4] =	wrdreg s4  }
0xb3: {  	[dreg:$0x5] =	wrdreg $0x9  }
0xb4: {  	_ =	task.clear_ibuf [dreg:s9], $0x6FFFF;
	_ =	strace $0x90000046  }
0xb5: {  	s29 =	simm.s32 $0x9;
	_ =	strace $0x80000048  }
0xb6: {  	_ =	swait.ge [sflag:s29], $0x1  }
0xb7: {  	[sflag:s29] =	ssyncadd.s32 $0xFFFFFFFF  }
0xb8: {  	_ =	strace $0x90000048  }
0xb9: {  	_ =	sfence  }
0xba: {  	s30 =	sld [smem:$0x0];
	_ =	sdelay $0x2  }
0xbb: {  	s31 =	sshll.u32 s1, $0xD;
	s1 =	sshrl.u32 s1, $0x2  }
0xbc: {  	s3 =	sand.u32 $0x4000, s31;
	s1 =	sadd.s32 s1, s30  }
0xbd: {  	s0 =	sor.u32 s3, s0;
	s1 =	sshll.u32 s1, $0x11  }
0xbe: {  	s0 =	sor.u32 s1, s0  }
0xbf: {  	s0 =	sadd.s32 $0x8F2B, s0  }
0xc0: {  	[sflag:s0] =	ssyncadd.remote.s32 $0x1  }
0xc1: {  	_ =	sfence.sel $0xFFFF  }
0xc2: {  	[dreg:$0x0] =	wrdreg $0xFFFFFFFF;
	(pc) =	sbr.abs _section_cstart, $3  }
0xc3: {  	[dreg:$0x1] =	wrdreg $0xFFFFFFFF  }
0xc4: {  	_ =	task.clear_ibuf [dreg:s9], $0x2FFFF;
	_ =	strace $0x9FFFFFFF  }
0xc5: {  	(tm) =	ssettm $0x7FFFFFFF  }
tec
execute0_lowered:
.L_overlay_start_1:
0x0: {  	(tag) =	ssettag $0x1  }
0x1: {  	s0 =	rddreg [dreg:$0x0]  }
0x2: {  	s2 =	rddreg [dreg:$0x1]  }
0x3: {  	s1 =	rddreg [dreg:$0x2]  }
0x4: {  	s3 =	srdreg.scid;
	s4 =	stileid.u32  }
0x5: {  	s7 =	simm.s32 $0x0;
	s11 =	simm.s32 $0x400;
	s12 =	simm.s32 $0x7A1400  }
0x6: {  	s13 =	simm.s32 $0x280;
	s14 =	simm.s32 $0x2280;
	s15 =	simm.s32 $0x4280  }
0x7: {  	s16 =	simm.s32 $0x6280;
	s17 =	simm.s32 $0x8280;
	s18 =	simm.s32 $0xA280  }
0x8: {  	s19 =	simm.s32 $0xC280;
	s20 =	simm.s32 $0xE280;
	s22 =	simm.s32 $0x2  }
0x9: {  	s23 =	simm.s32 $0x3;
	s28 =	simm.s32 $0x7;
	s3 =	sand.u32 $0x1, s3  }
0xa: {  	s29 =	simm.s32 $0x8;
	s4 =	sshll.u32 s4, $0xA;
	s5 =	sshll.u32 s3, $0x9  }
0xb: {  	s21 =	simm.s32 $0x10280;
	[smem:$0x7FF] =	sst s7;
	s4 =	sor.u32 s5, s4  }
0xc: {  	s3 =	ssub.s32 $0x2, s3;
	s5 =	sshll.u32 s4, $0x4;
	s4 =	sshrl.u32 s4, $0x3  }
0xd: {  	_ =	strace $0x80000047;
	s6 =	sshrl.u32 s3, $0x1;
	s0 =	sadd.s32 s0, s4  }
0xe: {  	s24 =	ssub.s32 s3, s6;
	s5 =	sadd.s32 s1, s5;
	[dreg:$0x5] =	wrdreg s0  }
.Ltmp0:
0xf: {  	s31 =	smax.u32 s24, $0x1;
	[dreg:$0x4] =	wrdreg s5;
	(pc) =	sbr.rel .LBB2_1-.Ltmp0, $4  }
0x10: {  	v0 =	vlaneseq.u32;
	s3 =	simm.s32 $0x1;
	s25 =	sadd.s32 $0x800, s5;
	[dreg:$0x9] =	wrdreg s31  }
0x11: {  	v0 =	vmul.u32 $0x80, v0;
	s24 =	simm.s32 $0x4;
	s26 =	sadd.s32 $0x1000, s5;
	[dreg:$0x6] =	wrdreg s25  }
0x12: {  	v1 =	vimm.f32 $0.0e+00;
	s4 =	simm.s32 $0x0;
	s30 =	sadd.s32 $0x1800, s5;
	[dreg:$0x7] =	wrdreg s26  }
0x13: {  	v2 =	vor.u32 $0x800, v0;
	v3 =	vor.u32 $0x1000, v0;
	v4 =	vor.u32 $0x1800, v0;
	[dreg:$0x8] =	wrdreg s30;
	s25 =	simm.s32 $0x5;
	s26 =	simm.s32 $0x6  }
.LBB2_12:
0x14: {  	s7 =	simm.s32 $0x0  }
0x15: {  	s0 =	rddreg [dreg:$0x8];
	s1 =	simm.s32 $0x14280;
	s21 =	simm.s32 $0x9  }
0x16: {  	[hbm4b:s0+s7] =	stream.linear.scatter [tilespmem:s1], [sflag:$0xA], $0x4000, $0x38;
	[tilespmem:$0x18280] =	vst v63  }
0x17: {  	_ =	swait.ge [sflag:s21], $0x4000  }
0x18: {  	[sflag:s21] =	ssyncset.done $0x0  }
0x19: {  	s30 =	simm.s32 $0xA;
	[sflag:s21] =	ssyncadd.s32 $0xFFFFC000  }
0x1a: {  	_ =	swait.ge [sflag:s30], $0x4000  }
0x1b: {  	s4 =	rddreg [dreg:$0xa]  }
0x1c: {  	s31 =	rddreg [dreg:$0x9];
	s4 =	sadd.s32 $0x1, s4  }
0x1d: {  	p0 =	sne.s32 s4, s31  }
.Ltmp1:
0x1e: {  	_ = 	snop;
	(pc) =	sbr.rel @!p0 .LBB2_13-.Ltmp1, $3  }
0x1f: {  	_ =	sdelay $0x1  }
0x20: {  	[sflag:s30] =	ssyncset.done $0x0  }
0x21: {  	s3 =	simm.s32 $0x1;
	s21 =	simm.s32 $0x10280;
	[sflag:s30] =	ssyncadd.s32 $0xFFFFC000  }
.LBB2_1:
0x22: {  	[dreg:$0xa] =	wrdreg s4  }
0x23: {  	s0 =	rddreg [dreg:$0x5];
	s9 =	simm.s32 $0xB  }
0x24: {  	[tilespmem:s7], [sflag:$0xB] =	stream.linear.gather [hbm4b:s0+s7], $0x200, $0x38;
	[tilespmem:$0x18280] =	vst v63  }
0x25: {  	_ =	swait.ge [sflag:s9], $0x200  }
0x26: {  	[sflag:s9] =	ssyncset.done $0x0  }
0x27: {  	[sflag:s9] =	ssyncadd.s32 $0xFFFFFE00  }
0x28: {  	v5 =	vld [tilespmem:$0x0];
	_ =	sdelay $0x4  }
0x29: {  	(v2sf) =	vpush v5, $0x0  }
0x2a: {  	(v2sf) =	vpush v5, $0x1;
	_ =	sdelay $0x1  }
0x2b: {  	(v2sf) =	vpush v5, $0x2;
	_ =	sdelay $0x4  }
0x2c: {  	(v2sf) =	vpush v5, $0x3  }
0x2d: {  	(v2sf) =	vpush v5, $0x4;
	_ =	sdelay $0x5  }
0x2e: {  	s10 =	spop (v2sf);
	(v2sf) =	vpush v5, $0x5  }
0x2f: {  	s30 =	spop (v2sf);
	(v2sf) =	vpush v5, $0x6  }
0x30: {  	s0 =	sand.u32 $0xFFFFF80, s10  }
0x31: {  	s0 =	sadd.s32 s2, s0;
	s31 =	spop (v2sf)  }
0x32: {  	(v2sf) =	vpush v5, $0x7;
	[tilespmem:s13], [sflag:$0x1] =	stream.strided.gather [hbm4b:s0+s11], $0x2000, s12, s11, $0x38;
	[tilespmem:$0x18280] =	vst v63  }
0x33: {  	s0 =	sand.u32 $0xFFFFF80, s30  }
0x34: {  	s0 =	sadd.s32 s2, s0  }
0x35: {  	[tilespmem:s14], [sflag:$0x2] =	stream.strided.gather [hbm4b:s0+s11], $0x2000, s12, s11, $0x38;
	[tilespmem:$0x18280] =	vst v63  }
0x36: {  	s1 =	spop (v2sf);
	s0 =	sand.u32 $0xFFFFF80, s31  }
0x37: {  	s5 =	sand.u32 $0xFFFFF80, s1;
	s6 =	spop (v2sf);
	s0 =	sadd.s32 s2, s0  }
0x38: {  	[tilespmem:s15], [sflag:$0x3] =	stream.strided.gather [hbm4b:s0+s11], $0x2000, s12, s11, $0x38;
	[tilespmem:$0x18280] =	vst v63  }
0x39: {  	s7 =	sand.u32 $0xFFFFF80, s6;
	s0 =	sadd.s32 s2, s5  }
0x3a: {  	[tilespmem:s16], [sflag:$0x4] =	stream.strided.gather [hbm4b:s0+s11], $0x2000, s12, s11, $0x38;
	[tilespmem:$0x18280] =	vst v63  }
0x3b: {  	s0 =	sadd.s32 s2, s7  }
0x3c: {  	[tilespmem:s17], [sflag:$0x5] =	stream.strided.gather [hbm4b:s0+s11], $0x2000, s12, s11, $0x38;
	[tilespmem:$0x18280] =	vst v63  }
0x3d: {  	s8 =	spop (v2sf)  }
0x3e: {  	s9 =	sand.u32 $0xFFFFF80, s8;
	s10 =	spop (v2sf)  }
0x3f: {  	s0 =	sadd.s32 s2, s9;
	s30 =	sand.u32 $0xFFFFF80, s10  }
0x40: {  	[tilespmem:s18], [sflag:$0x6] =	stream.strided.gather [hbm4b:s0+s11], $0x2000, s12, s11, $0x38;
	[tilespmem:$0x18280] =	vst v63  }
0x41: {  	s31 =	spop (v2sf);
	s0 =	sadd.s32 s2, s30  }
0x42: {  	[tilespmem:s19], [sflag:$0x7] =	stream.strided.gather [hbm4b:s0+s11], $0x2000, s12, s11, $0x38;
	[tilespmem:$0x18280] =	vst v63  }
0x43: {  	s0 =	sand.u32 $0xFFFFF80, s31  }
0x44: {  	s0 =	sadd.s32 s2, s0  }
0x45: {  	[tilespmem:s20], [sflag:$0x8] =	stream.strided.gather [hbm4b:s0+s11], $0x2000, s12, s11, $0x38;
	[tilespmem:$0x18280] =	vst v63  }
0x46: {  	s4 =	simm.s32 $0x200;
	s0 =	simm.s32 $0x0  }
.LBB2_2:
0x47: {  	p0 =	sne.s32 s4, $0xFE00;
	[tilespmem:s0+$0x142F0] =	vst v1  }
0x48: {  	[tilespmem:s0+$0x102C0] =	vst v1  }
0x49: {  	[tilespmem:s0+$0x102D0] =	vst v1  }
.Ltmp2:
0x4a: {  	[tilespmem:s0+$0x102E0] =	vst v1;
	(pc) =	sbr.rel @p0 .LBB2_2-.Ltmp2, $4  }
0x4b: {  	[tilespmem:s0+$0x102F0] =	vst v1  }
0x4c: {  	[tilespmem:s0+$0x142C0] =	vst v1  }
0x4d: {  	[tilespmem:s0+$0x142D0] =	vst v1  }
0x4e: {  	[tilespmem:s0+$0x142E0] =	vst v1;
	s0 =	sshra.s32 s4, $0x2;
	s4 =	sadd.s32 $0x200, s4  }
0x4f: {  	[tilespmem:s0+$0x142F0] =	vst v1  }
0x50: {  	[tilespmem:s0+$0x102C0] =	vst v1  }
0x51: {  	[tilespmem:s0+$0x102D0] =	vst v1  }
0x52: {  	[tilespmem:s0+$0x102E0] =	vst v1  }
0x53: {  	[tilespmem:s0+$0x102F0] =	vst v1  }
0x54: {  	[tilespmem:s0+$0x142C0] =	vst v1  }
0x55: {  	[tilespmem:s0+$0x142D0] =	vst v1  }
0x56: {  	[tilespmem:s0+$0x142E0] =	vst v1;
	s5 =	simm.s32 $0x0;
	s6 =	simm.s32 $0x10680  }
.LBB2_4:
0x57: {  	s0 =	sshra.s32 s5, $0x2  }
0x58: {  	v6 =	vld [tilespmem:s0+$0x0];
	_ =	sdelay $0x3  }
0x59: {  	v5 =	vld [tilespmem:s0+$0x10];
	_ =	swait.ge [sflag:s3], $0x2000  }
0x5a: {  	(v2sf) =	vpush v6, $0x0;
	_ =	sdelay $0xe  }
0x5b: {  	s8 =	spop (v2sf)  }
0x5c: {  	s0 =	sand.u32 $0x7F, s8  }
0x5d: {  	v7 =	vor.u32 s0, v0;
	_ =	sdelay $0x2  }
0x5e: {  	[sflag:s3] =	ssyncset.done $0x0  }
0x5f: {  	[sflag:s3] =	ssyncadd.s32 $0xFFFFE000  }
0x60: {  	v7 =	vld.idx.msk [tilespmem:v7+s13+$0x0], $0xffff  }
0x61: {  	v8 =	vor.u32 s0, v2;
	_ =	sdelay $0x3  }
0x62: {  	[tilespmem:s6+$0xFFFFFC00] =	vst v7  }
0x63: {  	(v2sf) =	vpush v6, $0x8;
	v7 =	vld.idx.msk [tilespmem:v8+s13+$0x0], $0xffff  }
0x64: {  	v43 =	vor.u32 s0, v3;
	_ =	sdelay $0x3  }
0x65: {  	[tilespmem:s6+$0xFFFFFC10] =	vst v7  }
0x66: {  	v7 =	vld.idx.msk [tilespmem:v43+s13+$0x0], $0xffff  }
0x67: {  	v44 =	vor.u32 s0, v4;
	_ =	sdelay $0x3  }
0x68: {  	[tilespmem:s6+$0xFFFFFC20] =	vst v7  }
0x69: {  	v7 =	vld.idx.msk [tilespmem:v44+s13+$0x0], $0xffff;
	_ =	sdelay $0x2  }
0x6a: {  	s7 =	spop (v2sf)  }
0x6b: {  	s9 =	sand.u32 $0xFFFFF80, s7  }
0x6c: {  	s0 =	sadd.s32 s2, s9;
	[tilespmem:s6+$0xFFFFFC30] =	vst v7  }
0x6d: {  	[tilespmem:s13], [sflag:$0x1] =	stream.strided.gather [hbm4b:s0+s11], $0x2000, s12, s11, $0x38;
	[tilespmem:$0x18280] =	vst v63  }
0x6e: {  	_ =	swait.ge [sflag:s22], $0x2000  }
0x6f: {  	(v2sf) =	vpush v6, $0x1;
	_ =	sdelay $0xe  }
0x70: {  	s10 =	spop (v2sf)  }
0x71: {  	s0 =	sand.u32 $0x7F, s10  }
0x72: {  	v7 =	vor.u32 s0, v0;
	_ =	sdelay $0x2  }
0x73: {  	[sflag:s22] =	ssyncset.done $0x0  }
0x74: {  	[sflag:s22] =	ssyncadd.s32 $0xFFFFE000  }
0x75: {  	v7 =	vld.idx.msk [tilespmem:v7+s14+$0x0], $0xffff  }
0x76: {  	v45 =	vor.u32 s0, v2;
	_ =	sdelay $0x3  }
0x77: {  	[tilespmem:s6+$0xFFFFFC80] =	vst v7  }
0x78: {  	(v2sf) =	vpush v6, $0x9;
	v7 =	vld.idx.msk [tilespmem:v45+s14+$0x0], $0xffff  }
0x79: {  	v46 =	vor.u32 s0, v3;
	_ =	sdelay $0x3  }
0x7a: {  	[tilespmem:s6+$0xFFFFFC90] =	vst v7  }
0x7b: {  	v7 =	vld.idx.msk [tilespmem:v46+s14+$0x0], $0xffff  }
0x7c: {  	v47 =	vor.u32 s0, v4;
	_ =	sdelay $0x3  }
0x7d: {  	[tilespmem:s6+$0xFFFFFCA0] =	vst v7  }
0x7e: {  	v7 =	vld.idx.msk [tilespmem:v47+s14+$0x0], $0xffff;
	_ =	sdelay $0x2  }
0x7f: {  	s8 =	spop (v2sf)  }
0x80: {  	s30 =	sand.u32 $0xFFFFF80, s8  }
0x81: {  	s0 =	sadd.s32 s2, s30;
	[tilespmem:s6+$0xFFFFFCB0] =	vst v7  }
0x82: {  	[tilespmem:s14], [sflag:$0x2] =	stream.strided.gather [hbm4b:s0+s11], $0x2000, s12, s11, $0x38;
	[tilespmem:$0x18280] =	vst v63  }
0x83: {  	_ =	swait.ge [sflag:s23], $0x2000  }
0x84: {  	(v2sf) =	vpush v6, $0x2;
	_ =	sdelay $0xe  }
0x85: {  	s31 =	spop (v2sf)  }
0x86: {  	s0 =	sand.u32 $0x7F, s31  }
0x87: {  	v7 =	vor.u32 s0, v0;
	_ =	sdelay $0x2  }
0x88: {  	[sflag:s23] =	ssyncset.done $0x0  }
0x89: {  	[sflag:s23] =	ssyncadd.s32 $0xFFFFE000  }
0x8a: {  	v7 =	vld.idx.msk [tilespmem:v7+s15+$0x0], $0xffff  }
0x8b: {  	v48 =	vor.u32 s0, v2;
	_ =	sdelay $0x3  }
0x8c: {  	[tilespmem:s6+$0xFFFFFD00] =	vst v7  }
0x8d: {  	(v2sf) =	vpush v6, $0xA;
	v7 =	vld.idx.msk [tilespmem:v48+s15+$0x0], $0xffff  }
0x8e: {  	v49 =	vor.u32 s0, v3;
	_ =	sdelay $0x3  }
0x8f: {  	[tilespmem:s6+$0xFFFFFD10] =	vst v7  }
0x90: {  	v7 =	vld.idx.msk [tilespmem:v49+s15+$0x0], $0xffff  }
0x91: {  	v50 =	vor.u32 s0, v4;
	_ =	sdelay $0x3  }
0x92: {  	[tilespmem:s6+$0xFFFFFD20] =	vst v7  }
0x93: {  	v7 =	vld.idx.msk [tilespmem:v50+s15+$0x0], $0xffff;
	_ =	sdelay $0x2  }
0x94: {  	s4 =	spop (v2sf)  }
0x95: {  	s1 =	sand.u32 $0xFFFFF80, s4  }
0x96: {  	s0 =	sadd.s32 s2, s1;
	[tilespmem:s6+$0xFFFFFD30] =	vst v7  }
0x97: {  	[tilespmem:s15], [sflag:$0x3] =	stream.strided.gather [hbm4b:s0+s11], $0x2000, s12, s11, $0x38;
	[tilespmem:$0x18280] =	vst v63  }
0x98: {  	_ =	swait.ge [sflag:s24], $0x2000  }
0x99: {  	(v2sf) =	vpush v6, $0x3;
	_ =	sdelay $0xe  }
0x9a: {  	s9 =	spop (v2sf)  }
0x9b: {  	s0 =	sand.u32 $0x7F, s9  }
0x9c: {  	v7 =	vor.u32 s0, v0;
	_ =	sdelay $0x2  }
0x9d: {  	[sflag:s24] =	ssyncset.done $0x0  }
0x9e: {  	[sflag:s24] =	ssyncadd.s32 $0xFFFFE000  }
0x9f: {  	v7 =	vld.idx.msk [tilespmem:v7+s16+$0x0], $0xffff  }
0xa0: {  	v51 =	vor.u32 s0, v2;
	_ =	sdelay $0x3  }
0xa1: {  	[tilespmem:s6+$0xFFFFFD80] =	vst v7  }
0xa2: {  	(v2sf) =	vpush v6, $0xB;
	v7 =	vld.idx.msk [tilespmem:v51+s16+$0x0], $0xffff  }
0xa3: {  	v52 =	vor.u32 s0, v3;
	_ =	sdelay $0x3  }
0xa4: {  	[tilespmem:s6+$0xFFFFFD90] =	vst v7  }
0xa5: {  	v7 =	vld.idx.msk [tilespmem:v52+s16+$0x0], $0xffff  }
0xa6: {  	v53 =	vor.u32 s0, v4;
	_ =	sdelay $0x3  }
0xa7: {  	[tilespmem:s6+$0xFFFFFDA0] =	vst v7  }
0xa8: {  	v7 =	vld.idx.msk [tilespmem:v53+s16+$0x0], $0xffff;
	_ =	sdelay $0x2  }
0xa9: {  	s0 =	spop (v2sf)  }
0xaa: {  	s9 =	sand.u32 $0xFFFFF80, s0  }
0xab: {  	s9 =	sadd.s32 s2, s9;
	[tilespmem:s6+$0xFFFFFDB0] =	vst v7  }
0xac: {  	[tilespmem:s16], [sflag:$0x4] =	stream.strided.gather [hbm4b:s9+s11], $0x2000, s12, s11, $0x38;
	[tilespmem:$0x18280] =	vst v63  }
0xad: {  	_ =	swait.ge [sflag:s25], $0x2000  }
0xae: {  	(v2sf) =	vpush v6, $0x4;
	_ =	sdelay $0xe  }
0xaf: {  	s10 =	spop (v2sf)  }
0xb0: {  	s9 =	sand.u32 $0x7F, s10  }
0xb1: {  	v7 =	vor.u32 s9, v0;
	_ =	sdelay $0x2  }
0xb2: {  	[sflag:s25] =	ssyncset.done $0x0  }
0xb3: {  	[sflag:s25] =	ssyncadd.s32 $0xFFFFE000  }
0xb4: {  	v7 =	vld.idx.msk [tilespmem:v7+s17+$0x0], $0xffff  }
0xb5: {  	v54 =	vor.u32 s9, v2;
	_ =	sdelay $0x3  }
0xb6: {  	[tilespmem:s6+$0xFFFFFE00] =	vst v7  }
0xb7: {  	(v2sf) =	vpush v6, $0xC;
	v7 =	vld.idx.msk [tilespmem:v54+s17+$0x0], $0xffff  }
0xb8: {  	v55 =	vor.u32 s9, v3;
	_ =	sdelay $0x3  }
0xb9: {  	[tilespmem:s6+$0xFFFFFE10] =	vst v7  }
0xba: {  	v7 =	vld.idx.msk [tilespmem:v55+s17+$0x0], $0xffff  }
0xbb: {  	v56 =	vor.u32 s9, v4;
	_ =	sdelay $0x3  }
0xbc: {  	[tilespmem:s6+$0xFFFFFE20] =	vst v7  }
0xbd: {  	v7 =	vld.idx.msk [tilespmem:v56+s17+$0x0], $0xffff;
	_ =	sdelay $0x2  }
0xbe: {  	s9 =	spop (v2sf)  }
0xbf: {  	s10 =	sand.u32 $0xFFFFF80, s9  }
0xc0: {  	s10 =	sadd.s32 s2, s10;
	[tilespmem:s6+$0xFFFFFE30] =	vst v7  }
0xc1: {  	[tilespmem:s17], [sflag:$0x5] =	stream.strided.gather [hbm4b:s10+s11], $0x2000, s12, s11, $0x38;
	[tilespmem:$0x18280] =	vst v63  }
0xc2: {  	_ =	swait.ge [sflag:s26], $0x2000  }
0xc3: {  	(v2sf) =	vpush v6, $0x5;
	_ =	sdelay $0xe  }
0xc4: {  	s30 =	spop (v2sf)  }
0xc5: {  	s10 =	sand.u32 $0x7F, s30  }
0xc6: {  	v7 =	vor.u32 s10, v0;
	_ =	sdelay $0x2  }
0xc7: {  	[sflag:s26] =	ssyncset.done $0x0  }
0xc8: {  	[sflag:s26] =	ssyncadd.s32 $0xFFFFE000  }
0xc9: {  	v7 =	vld.idx.msk [tilespmem:v7+s18+$0x0], $0xffff  }
0xca: {  	v57 =	vor.u32 s10, v2;
	_ =	sdelay $0x3  }
0xcb: {  	[tilespmem:s6+$0xFFFFFE80] =	vst v7  }
0xcc: {  	(v2sf) =	vpush v6, $0xD;
	v7 =	vld.idx.msk [tilespmem:v57+s18+$0x0], $0xffff  }
0xcd: {  	v58 =	vor.u32 s10, v3;
	_ =	sdelay $0x3  }
0xce: {  	[tilespmem:s6+$0xFFFFFE90] =	vst v7  }
0xcf: {  	v7 =	vld.idx.msk [tilespmem:v58+s18+$0x0], $0xffff  }
0xd0: {  	v59 =	vor.u32 s10, v4;
	_ =	sdelay $0x3  }
0xd1: {  	[tilespmem:s6+$0xFFFFFEA0] =	vst v7  }
0xd2: {  	v7 =	vld.idx.msk [tilespmem:v59+s18+$0x0], $0xffff;
	_ =	sdelay $0x2  }
0xd3: {  	s10 =	spop (v2sf)  }
0xd4: {  	s30 =	sand.u32 $0xFFFFF80, s10  }
0xd5: {  	s30 =	sadd.s32 s2, s30;
	[tilespmem:s6+$0xFFFFFEB0] =	vst v7  }
0xd6: {  	[tilespmem:s18], [sflag:$0x6] =	stream.strided.gather [hbm4b:s30+s11], $0x2000, s12, s11, $0x38;
	[tilespmem:$0x18280] =	vst v63  }
0xd7: {  	_ =	swait.ge [sflag:s28], $0x2000  }
0xd8: {  	(v2sf) =	vpush v6, $0x6;
	_ =	sdelay $0xe  }
0xd9: {  	s31 =	spop (v2sf)  }
0xda: {  	s30 =	sand.u32 $0x7F, s31  }
0xdb: {  	v7 =	vor.u32 s30, v0;
	_ =	sdelay $0x2  }
0xdc: {  	[sflag:s28] =	ssyncset.done $0x0  }
0xdd: {  	[sflag:s28] =	ssyncadd.s32 $0xFFFFE000  }
0xde: {  	v7 =	vld.idx.msk [tilespmem:v7+s19+$0x0], $0xffff  }
0xdf: {  	v60 =	vor.u32 s30, v2;
	_ =	sdelay $0x3  }
0xe0: {  	[tilespmem:s6+$0xFFFFFF00] =	vst v7  }
0xe1: {  	(v2sf) =	vpush v6, $0xE;
	v7 =	vld.idx.msk [tilespmem:v60+s19+$0x0], $0xffff  }
0xe2: {  	v61 =	vor.u32 s30, v3;
	_ =	sdelay $0x3  }
0xe3: {  	[tilespmem:s6+$0xFFFFFF10] =	vst v7  }
0xe4: {  	v7 =	vld.idx.msk [tilespmem:v61+s19+$0x0], $0xffff  }
0xe5: {  	v62 =	vor.u32 s30, v4;
	_ =	sdelay $0x3  }
0xe6: {  	[tilespmem:s6+$0xFFFFFF20] =	vst v7  }
0xe7: {  	v7 =	vld.idx.msk [tilespmem:v62+s19+$0x0], $0xffff;
	_ =	sdelay $0x2  }
0xe8: {  	s30 =	spop (v2sf)  }
0xe9: {  	s31 =	sand.u32 $0xFFFFF80, s30  }
0xea: {  	s31 =	sadd.s32 s2, s31;
	[tilespmem:s6+$0xFFFFFF30] =	vst v7  }
0xeb: {  	[tilespmem:s19], [sflag:$0x7] =	stream.strided.gather [hbm4b:s31+s11], $0x2000, s12, s11, $0x38;
	[tilespmem:$0x18280] =	vst v63  }
0xec: {  	_ =	swait.ge [sflag:s29], $0x2000  }
0xed: {  	(v2sf) =	vpush v6, $0x7;
	_ =	sdelay $0xe  }
0xee: {  	s1 =	spop (v2sf)  }
0xef: {  	s31 =	sand.u32 $0x7F, s1  }
0xf0: {  	v7 =	vor.u32 s31, v0;
	_ =	sdelay $0x2  }
0xf1: {  	[sflag:s29] =	ssyncset.done $0x0  }
0xf2: {  	[sflag:s29] =	ssyncadd.s32 $0xFFFFE000  }
0xf3: {  	v7 =	vld.idx.msk [tilespmem:v7+s20+$0x0], $0xffff  }
0xf4: {  	v63 =	vor.u32 s31, v2;
	_ =	sdelay $0x3  }
0xf5: {  	[tilespmem:s6+$0xFFFFFF80] =	vst v7  }
0xf6: {  	(v2sf) =	vpush v6, $0xF;
	v7 =	vld.idx.msk [tilespmem:v63+s20+$0x0], $0xffff  }
0xf7: {  	v6 =	vor.u32 s31, v3;
	_ =	sdelay $0x3  }
0xf8: {  	[tilespmem:s6+$0xFFFFFF90] =	vst v7  }
0xf9: {  	v6 =	vld.idx.msk [tilespmem:v6+s20+$0x0], $0xffff  }
0xfa: {  	v7 =	vor.u32 s31, v4;
	_ =	sdelay $0x3  }
0xfb: {  	[tilespmem:s6+$0xFFFFFFA0] =	vst v6  }
0xfc: {  	v6 =	vld.idx.msk [tilespmem:v7+s20+$0x0], $0xffff;
	_ =	sdelay $0x2  }
0xfd: {  	s31 =	spop (v2sf)  }
0xfe: {  	s7 =	sand.u32 $0x7F, s7;
	s1 =	sand.u32 $0xFFFFF80, s31  }
0xff: {  	s1 =	sadd.s32 s2, s1;
	[tilespmem:s6+$0xFFFFFFB0] =	vst v6;
	v6 =	vor.u32 s7, v0  }
0x100: {  	[tilespmem:s20], [sflag:$0x8] =	stream.strided.gather [hbm4b:s1+s11], $0x2000, s12, s11, $0x38;
	[tilespmem:$0x18280] =	vst v63  }
0x101: {  	_ =	swait.ge [sflag:s3], $0x2000  }
0x102: {  	[sflag:s3] =	ssyncset.done $0x0  }
0x103: {  	[sflag:s3] =	ssyncadd.s32 $0xFFFFE000  }
0x104: {  	v6 =	vld.idx.msk [tilespmem:v6+s13+$0x0], $0xffff  }
0x105: {  	v7 =	vor.u32 s7, v2;
	_ =	sdelay $0x3  }
0x106: {  	[tilespmem:s6+$0x0] =	vst v6  }
0x107: {  	(v2sf) =	vpush v5, $0x0;
	v6 =	vld.idx.msk [tilespmem:v7+s13+$0x0], $0xffff  }
0x108: {  	v7 =	vor.u32 s7, v3;
	_ =	sdelay $0x3  }
0x109: {  	[tilespmem:s6+$0x10] =	vst v6  }
0x10a: {  	v6 =	vld.idx.msk [tilespmem:v7+s13+$0x0], $0xffff  }
0x10b: {  	v7 =	vor.u32 s7, v4;
	_ =	sdelay $0x3  }
0x10c: {  	[tilespmem:s6+$0x20] =	vst v6  }
0x10d: {  	v6 =	vld.idx.msk [tilespmem:v7+s13+$0x0], $0xffff;
	_ =	sdelay $0x2  }
0x10e: {  	s7 =	spop (v2sf)  }
0x10f: {  	s8 =	sand.u32 $0x7F, s8;
	s1 =	sand.u32 $0xFFFFF80, s7  }
0x110: {  	s1 =	sadd.s32 s2, s1;
	[tilespmem:s6+$0x30] =	vst v6;
	v6 =	vor.u32 s8, v0  }
0x111: {  	[tilespmem:s13], [sflag:$0x1] =	stream.strided.gather [hbm4b:s1+s11], $0x2000, s12, s11, $0x38;
	[tilespmem:$0x18280] =	vst v63  }
0x112: {  	_ =	swait.ge [sflag:s22], $0x2000  }
0x113: {  	[sflag:s22] =	ssyncset.done $0x0  }
0x114: {  	[sflag:s22] =	ssyncadd.s32 $0xFFFFE000  }
0x115: {  	v6 =	vld.idx.msk [tilespmem:v6+s14+$0x0], $0xffff  }
0x116: {  	v7 =	vor.u32 s8, v2;
	_ =	sdelay $0x3  }
0x117: {  	[tilespmem:s6+$0x80] =	vst v6  }
0x118: {  	(v2sf) =	vpush v5, $0x1;
	v6 =	vld.idx.msk [tilespmem:v7+s14+$0x0], $0xffff  }
0x119: {  	v7 =	vor.u32 s8, v3;
	_ =	sdelay $0x3  }
0x11a: {  	[tilespmem:s6+$0x90] =	vst v6  }
0x11b: {  	v6 =	vld.idx.msk [tilespmem:v7+s14+$0x0], $0xffff  }
0x11c: {  	v7 =	vor.u32 s8, v4;
	_ =	sdelay $0x3  }
0x11d: {  	[tilespmem:s6+$0xA0] =	vst v6  }
0x11e: {  	v6 =	vld.idx.msk [tilespmem:v7+s14+$0x0], $0xffff;
	_ =	sdelay $0x2  }
0x11f: {  	s8 =	spop (v2sf)  }
0x120: {  	s4 =	sand.u32 $0x7F, s4;
	s1 =	sand.u32 $0xFFFFF80, s8  }
0x121: {  	s1 =	sadd.s32 s2, s1;
	[tilespmem:s6+$0xB0] =	vst v6;
	v6 =	vor.u32 s4, v0  }
0x122: {  	[tilespmem:s14], [sflag:$0x2] =	stream.strided.gather [hbm4b:s1+s11], $0x2000, s12, s11, $0x38;
	[tilespmem:$0x18280] =	vst v63  }
0x123: {  	_ =	swait.ge [sflag:s23], $0x2000  }
0x124: {  	[sflag:s23] =	ssyncset.done $0x0  }
0x125: {  	[sflag:s23] =	ssyncadd.s32 $0xFFFFE000  }
0x126: {  	v6 =	vld.idx.msk [tilespmem:v6+s15+$0x0], $0xffff  }
0x127: {  	v7 =	vor.u32 s4, v2;
	_ =	sdelay $0x3  }
0x128: {  	[tilespmem:s6+$0x100] =	vst v6  }
0x129: {  	(v2sf) =	vpush v5, $0x2;
	v6 =	vld.idx.msk [tilespmem:v7+s15+$0x0], $0xffff  }
0x12a: {  	v7 =	vor.u32 s4, v3;
	_ =	sdelay $0x3  }
0x12b: {  	[tilespmem:s6+$0x110] =	vst v6  }
0x12c: {  	v6 =	vld.idx.msk [tilespmem:v7+s15+$0x0], $0xffff  }
0x12d: {  	v7 =	vor.u32 s4, v4;
	_ =	sdelay $0x3  }
0x12e: {  	[tilespmem:s6+$0x120] =	vst v6  }
0x12f: {  	v6 =	vld.idx.msk [tilespmem:v7+s15+$0x0], $0xffff;
	_ =	sdelay $0x2  }
0x130: {  	s7 =	spop (v2sf)  }
0x131: {  	s0 =	sand.u32 $0x7F, s0;
	s1 =	sand.u32 $0xFFFFF80, s7  }
0x132: {  	s1 =	sadd.s32 s2, s1;
	[tilespmem:s6+$0x130] =	vst v6;
	v6 =	vor.u32 s0, v0  }
0x133: {  	[tilespmem:s15], [sflag:$0x3] =	stream.strided.gather [hbm4b:s1+s11], $0x2000, s12, s11, $0x38;
	[tilespmem:$0x18280] =	vst v63  }
0x134: {  	_ =	swait.ge [sflag:s24], $0x2000  }
0x135: {  	[sflag:s24] =	ssyncset.done $0x0  }
0x136: {  	[sflag:s24] =	ssyncadd.s32 $0xFFFFE000  }
0x137: {  	v6 =	vld.idx.msk [tilespmem:v6+s16+$0x0], $0xffff  }
0x138: {  	v7 =	vor.u32 s0, v2;
	_ =	sdelay $0x3  }
0x139: {  	[tilespmem:s6+$0x180] =	vst v6  }
0x13a: {  	(v2sf) =	vpush v5, $0x3;
	v6 =	vld.idx.msk [tilespmem:v7+s16+$0x0], $0xffff  }
0x13b: {  	v7 =	vor.u32 s0, v3;
	_ =	sdelay $0x3  }
0x13c: {  	[tilespmem:s6+$0x190] =	vst v6  }
0x13d: {  	v6 =	vld.idx.msk [tilespmem:v7+s16+$0x0], $0xffff  }
0x13e: {  	v7 =	vor.u32 s0, v4;
	_ =	sdelay $0x3  }
0x13f: {  	[tilespmem:s6+$0x1A0] =	vst v6  }
0x140: {  	v6 =	vld.idx.msk [tilespmem:v7+s16+$0x0], $0xffff;
	_ =	sdelay $0x2  }
0x141: {  	s8 =	spop (v2sf)  }
0x142: {  	s9 =	sand.u32 $0x7F, s9;
	s0 =	sand.u32 $0xFFFFF80, s8  }
0x143: {  	s0 =	sadd.s32 s2, s0;
	[tilespmem:s6+$0x1B0] =	vst v6;
	v6 =	vor.u32 s9, v0  }
0x144: {  	[tilespmem:s16], [sflag:$0x4] =	stream.strided.gather [hbm4b:s0+s11], $0x2000, s12, s11, $0x38;
	[tilespmem:$0x18280] =	vst v63  }
0x145: {  	_ =	swait.ge [sflag:s25], $0x2000  }
0x146: {  	[sflag:s25] =	ssyncset.done $0x0  }
0x147: {  	[sflag:s25] =	ssyncadd.s32 $0xFFFFE000  }
0x148: {  	v6 =	vld.idx.msk [tilespmem:v6+s17+$0x0], $0xffff  }
0x149: {  	v7 =	vor.u32 s9, v2;
	_ =	sdelay $0x3  }
0x14a: {  	[tilespmem:s6+$0x200] =	vst v6  }
0x14b: {  	(v2sf) =	vpush v5, $0x4;
	v6 =	vld.idx.msk [tilespmem:v7+s17+$0x0], $0xffff  }
0x14c: {  	v7 =	vor.u32 s9, v3;
	_ =	sdelay $0x3  }
0x14d: {  	[tilespmem:s6+$0x210] =	vst v6  }
0x14e: {  	v6 =	vld.idx.msk [tilespmem:v7+s17+$0x0], $0xffff  }
0x14f: {  	v7 =	vor.u32 s9, v4;
	_ =	sdelay $0x3  }
0x150: {  	[tilespmem:s6+$0x220] =	vst v6  }
0x151: {  	v6 =	vld.idx.msk [tilespmem:v7+s17+$0x0], $0xffff;
	_ =	sdelay $0x2  }
0x152: {  	s4 =	spop (v2sf)  }
0x153: {  	s7 =	sand.u32 $0x7F, s10;
	s0 =	sand.u32 $0xFFFFF80, s4  }
0x154: {  	s0 =	sadd.s32 s2, s0;
	[tilespmem:s6+$0x230] =	vst v6;
	v6 =	vor.u32 s7, v0  }
0x155: {  	[tilespmem:s17], [sflag:$0x5] =	stream.strided.gather [hbm4b:s0+s11], $0x2000, s12, s11, $0x38;
	[tilespmem:$0x18280] =	vst v63  }
0x156: {  	_ =	swait.ge [sflag:s26], $0x2000  }
0x157: {  	[sflag:s26] =	ssyncset.done $0x0  }
0x158: {  	[sflag:s26] =	ssyncadd.s32 $0xFFFFE000  }
0x159: {  	v6 =	vld.idx.msk [tilespmem:v6+s18+$0x0], $0xffff  }
0x15a: {  	v7 =	vor.u32 s7, v2;
	_ =	sdelay $0x3  }
0x15b: {  	[tilespmem:s6+$0x280] =	vst v6  }
0x15c: {  	(v2sf) =	vpush v5, $0x5;
	v6 =	vld.idx.msk [tilespmem:v7+s18+$0x0], $0xffff  }
0x15d: {  	v7 =	vor.u32 s7, v3;
	_ =	sdelay $0x3  }
0x15e: {  	[tilespmem:s6+$0x290] =	vst v6  }
0x15f: {  	v6 =	vld.idx.msk [tilespmem:v7+s18+$0x0], $0xffff  }
0x160: {  	v7 =	vor.u32 s7, v4;
	_ =	sdelay $0x3  }
0x161: {  	[tilespmem:s6+$0x2A0] =	vst v6  }
0x162: {  	v6 =	vld.idx.msk [tilespmem:v7+s18+$0x0], $0xffff;
	_ =	sdelay $0x2  }
0x163: {  	s8 =	spop (v2sf)  }
0x164: {  	s9 =	sand.u32 $0x7F, s30;
	s0 =	sand.u32 $0xFFFFF80, s8  }
0x165: {  	s0 =	sadd.s32 s2, s0;
	[tilespmem:s6+$0x2B0] =	vst v6;
	v6 =	vor.u32 s9, v0  }
0x166: {  	[tilespmem:s18], [sflag:$0x6] =	stream.strided.gather [hbm4b:s0+s11], $0x2000, s12, s11, $0x38;
	[tilespmem:$0x18280] =	vst v63  }
0x167: {  	_ =	swait.ge [sflag:s28], $0x2000  }
0x168: {  	[sflag:s28] =	ssyncset.done $0x0  }
0x169: {  	[sflag:s28] =	ssyncadd.s32 $0xFFFFE000  }
0x16a: {  	v6 =	vld.idx.msk [tilespmem:v6+s19+$0x0], $0xffff  }
0x16b: {  	v7 =	vor.u32 s9, v2;
	_ =	sdelay $0x3  }
0x16c: {  	[tilespmem:s6+$0x300] =	vst v6  }
0x16d: {  	(v2sf) =	vpush v5, $0x6;
	v6 =	vld.idx.msk [tilespmem:v7+s19+$0x0], $0xffff  }
0x16e: {  	v7 =	vor.u32 s9, v3;
	_ =	sdelay $0x3  }
0x16f: {  	[tilespmem:s6+$0x310] =	vst v6  }
0x170: {  	v6 =	vld.idx.msk [tilespmem:v7+s19+$0x0], $0xffff  }
0x171: {  	v7 =	vor.u32 s9, v4;
	_ =	sdelay $0x3  }
0x172: {  	[tilespmem:s6+$0x320] =	vst v6  }
0x173: {  	v6 =	vld.idx.msk [tilespmem:v7+s19+$0x0], $0xffff;
	_ =	sdelay $0x2  }
0x174: {  	s10 =	spop (v2sf)  }
0x175: {  	s30 =	sand.u32 $0x7F, s31;
	s0 =	sand.u32 $0xFFFFF80, s10  }
0x176: {  	s0 =	sadd.s32 s2, s0;
	[tilespmem:s6+$0x330] =	vst v6;
	v6 =	vor.u32 s30, v0  }
0x177: {  	[tilespmem:s19], [sflag:$0x7] =	stream.strided.gather [hbm4b:s0+s11], $0x2000, s12, s11, $0x38;
	[tilespmem:$0x18280] =	vst v63  }
0x178: {  	_ =	swait.ge [sflag:s29], $0x2000  }
0x179: {  	[sflag:s29] =	ssyncset.done $0x0  }
0x17a: {  	[sflag:s29] =	ssyncadd.s32 $0xFFFFE000  }
0x17b: {  	v6 =	vld.idx.msk [tilespmem:v6+s20+$0x0], $0xffff  }
0x17c: {  	v7 =	vor.u32 s30, v2;
	_ =	sdelay $0x3  }
0x17d: {  	[tilespmem:s6+$0x380] =	vst v6  }
0x17e: {  	(v2sf) =	vpush v5, $0x7;
	v6 =	vld.idx.msk [tilespmem:v7+s20+$0x0], $0xffff  }
0x17f: {  	v5 =	vor.u32 s30, v3;
	_ =	sdelay $0x3  }
0x180: {  	[tilespmem:s6+$0x390] =	vst v6  }
0x181: {  	v5 =	vld.idx.msk [tilespmem:v5+s20+$0x0], $0xffff  }
0x182: {  	v6 =	vor.u32 s30, v4;
	_ =	sdelay $0x3  }
0x183: {  	[tilespmem:s6+$0x3A0] =	vst v5  }
0x184: {  	v5 =	vld.idx.msk [tilespmem:v6+s20+$0x0], $0xffff  }
0x185: {  	p0 =	sne.s32 s5, $0x1C0  }
.Ltmp3:
0x186: {  	_ = 	snop;
	(pc) =	sbr.rel @p0 .LBB2_4-.Ltmp3, $4  }
0x187: {  	s31 =	spop (v2sf)  }
0x188: {  	s0 =	sand.u32 $0xFFFFF80, s31  }
0x189: {  	s5 =	sadd.s32 $0x40, s5;
	s0 =	sadd.s32 s2, s0;
	[tilespmem:s6+$0x3B0] =	vst v5;
	s6 =	sadd.s32 $0x800, s6  }
0x18a: {  	[tilespmem:s20], [sflag:$0x8] =	stream.strided.gather [hbm4b:s0+s11], $0x2000, s12, s11, $0x38;
	[tilespmem:$0x18280] =	vst v63  }
0x18b: {  	s5 =	simm.s32 $0x0;
	s0 =	rddreg [dreg:$0x4];
	s6 =	simm.s32 $0x14680  }
0x18c: {  	[hbm4b:s0+s5] =	stream.linear.scatter [tilespmem:s21], [sflag:$0x9], $0x4000, $0x38;
	[tilespmem:$0x18280] =	vst v63  }
.LBB2_6:
0x18d: {  	s0 =	sshra.s32 s5, $0x2  }
0x18e: {  	v6 =	vld [tilespmem:s0+$0x80];
	_ =	sdelay $0x3  }
0x18f: {  	v5 =	vld [tilespmem:s0+$0x90];
	_ =	swait.ge [sflag:s3], $0x2000  }
0x190: {  	(v2sf) =	vpush v6, $0x0;
	_ =	sdelay $0xe  }
0x191: {  	s7 =	spop (v2sf)  }
0x192: {  	s0 =	sand.u32 $0x7F, s7  }
0x193: {  	v7 =	vor.u32 s0, v0;
	_ =	sdelay $0x2  }
0x194: {  	[sflag:s3] =	ssyncset.done $0x0  }
0x195: {  	[sflag:s3] =	ssyncadd.s32 $0xFFFFE000  }
0x196: {  	v7 =	vld.idx.msk [tilespmem:v7+s13+$0x0], $0xffff  }
0x197: {  	v8 =	vor.u32 s0, v2;
	_ =	sdelay $0x3  }
0x198: {  	[tilespmem:s6+$0xFFFFFC00] =	vst v7  }
0x199: {  	(v2sf) =	vpush v6, $0x8;
	v7 =	vld.idx.msk [tilespmem:v8+s13+$0x0], $0xffff  }
0x19a: {  	v43 =	vor.u32 s0, v3;
	_ =	sdelay $0x3  }
0x19b: {  	[tilespmem:s6+$0xFFFFFC10] =	vst v7  }
0x19c: {  	v7 =	vld.idx.msk [tilespmem:v43+s13+$0x0], $0xffff  }
0x19d: {  	v44 =	vor.u32 s0, v4;
	_ =	sdelay $0x3  }
0x19e: {  	[tilespmem:s6+$0xFFFFFC20] =	vst v7  }
0x19f: {  	v7 =	vld.idx.msk [tilespmem:v44+s13+$0x0], $0xffff;
	_ =	sdelay $0x2  }
0x1a0: {  	s7 =	spop (v2sf)  }
0x1a1: {  	s8 =	sand.u32 $0xFFFFF80, s7  }
0x1a2: {  	s0 =	sadd.s32 s2, s8;
	[tilespmem:s6+$0xFFFFFC30] =	vst v7  }
0x1a3: {  	[tilespmem:s13], [sflag:$0x1] =	stream.strided.gather [hbm4b:s0+s11], $0x2000, s12, s11, $0x38;
	[tilespmem:$0x18280] =	vst v63  }
0x1a4: {  	_ =	swait.ge [sflag:s22], $0x2000  }
0x1a5: {  	(v2sf) =	vpush v6, $0x1;
	_ =	sdelay $0xe  }
0x1a6: {  	s9 =	spop (v2sf)  }
0x1a7: {  	s0 =	sand.u32 $0x7F, s9  }
0x1a8: {  	v7 =	vor.u32 s0, v0;
	_ =	sdelay $0x2  }
0x1a9: {  	[sflag:s22] =	ssyncset.done $0x0  }
0x1aa: {  	[sflag:s22] =	ssyncadd.s32 $0xFFFFE000  }
0x1ab: {  	v7 =	vld.idx.msk [tilespmem:v7+s14+$0x0], $0xffff  }
0x1ac: {  	v45 =	vor.u32 s0, v2;
	_ =	sdelay $0x3  }
0x1ad: {  	[tilespmem:s6+$0xFFFFFC80] =	vst v7  }
0x1ae: {  	(v2sf) =	vpush v6, $0x9;
	v7 =	vld.idx.msk [tilespmem:v45+s14+$0x0], $0xffff  }
0x1af: {  	v46 =	vor.u32 s0, v3;
	_ =	sdelay $0x3  }
0x1b0: {  	[tilespmem:s6+$0xFFFFFC90] =	vst v7  }
0x1b1: {  	v7 =	vld.idx.msk [tilespmem:v46+s14+$0x0], $0xffff  }
0x1b2: {  	v47 =	vor.u32 s0, v4;
	_ =	sdelay $0x3  }
0x1b3: {  	[tilespmem:s6+$0xFFFFFCA0] =	vst v7  }
0x1b4: {  	v7 =	vld.idx.msk [tilespmem:v47+s14+$0x0], $0xffff;
	_ =	sdelay $0x2  }
0x1b5: {  	s8 =	spop (v2sf)  }
0x1b6: {  	s10 =	sand.u32 $0xFFFFF80, s8  }
0x1b7: {  	s0 =	sadd.s32 s2, s10;
	[tilespmem:s6+$0xFFFFFCB0] =	vst v7  }
0x1b8: {  	[tilespmem:s14], [sflag:$0x2] =	stream.strided.gather [hbm4b:s0+s11], $0x2000, s12, s11, $0x38;
	[tilespmem:$0x18280] =	vst v63  }
0x1b9: {  	_ =	swait.ge [sflag:s23], $0x2000  }
0x1ba: {  	(v2sf) =	vpush v6, $0x2;
	_ =	sdelay $0xe  }
0x1bb: {  	s30 =	spop (v2sf)  }
0x1bc: {  	s0 =	sand.u32 $0x7F, s30  }
0x1bd: {  	v7 =	vor.u32 s0, v0;
	_ =	sdelay $0x2  }
0x1be: {  	[sflag:s23] =	ssyncset.done $0x0  }
0x1bf: {  	[sflag:s23] =	ssyncadd.s32 $0xFFFFE000  }
0x1c0: {  	v7 =	vld.idx.msk [tilespmem:v7+s15+$0x0], $0xffff  }
0x1c1: {  	v48 =	vor.u32 s0, v2;
	_ =	sdelay $0x3  }
0x1c2: {  	[tilespmem:s6+$0xFFFFFD00] =	vst v7  }
0x1c3: {  	(v2sf) =	vpush v6, $0xA;
	v7 =	vld.idx.msk [tilespmem:v48+s15+$0x0], $0xffff  }
0x1c4: {  	v49 =	vor.u32 s0, v3;
	_ =	sdelay $0x3  }
0x1c5: {  	[tilespmem:s6+$0xFFFFFD10] =	vst v7  }
0x1c6: {  	v7 =	vld.idx.msk [tilespmem:v49+s15+$0x0], $0xffff  }
0x1c7: {  	v50 =	vor.u32 s0, v4;
	_ =	sdelay $0x3  }
0x1c8: {  	[tilespmem:s6+$0xFFFFFD20] =	vst v7  }
0x1c9: {  	v7 =	vld.idx.msk [tilespmem:v50+s15+$0x0], $0xffff;
	_ =	sdelay $0x2  }
0x1ca: {  	s4 =	spop (v2sf)  }
0x1cb: {  	s31 =	sand.u32 $0xFFFFF80, s4  }
0x1cc: {  	s0 =	sadd.s32 s2, s31;
	[tilespmem:s6+$0xFFFFFD30] =	vst v7  }
0x1cd: {  	[tilespmem:s15], [sflag:$0x3] =	stream.strided.gather [hbm4b:s0+s11], $0x2000, s12, s11, $0x38;
	[tilespmem:$0x18280] =	vst v63  }
0x1ce: {  	_ =	swait.ge [sflag:s24], $0x2000  }
0x1cf: {  	(v2sf) =	vpush v6, $0x3;
	_ =	sdelay $0xe  }
0x1d0: {  	s1 =	spop (v2sf)  }
0x1d1: {  	s0 =	sand.u32 $0x7F, s1  }
0x1d2: {  	v7 =	vor.u32 s0, v0;
	_ =	sdelay $0x2  }
0x1d3: {  	[sflag:s24] =	ssyncset.done $0x0  }
0x1d4: {  	[sflag:s24] =	ssyncadd.s32 $0xFFFFE000  }
0x1d5: {  	v7 =	vld.idx.msk [tilespmem:v7+s16+$0x0], $0xffff  }
0x1d6: {  	v51 =	vor.u32 s0, v2;
	_ =	sdelay $0x3  }
0x1d7: {  	[tilespmem:s6+$0xFFFFFD80] =	vst v7  }
0x1d8: {  	(v2sf) =	vpush v6, $0xB;
	v7 =	vld.idx.msk [tilespmem:v51+s16+$0x0], $0xffff  }
0x1d9: {  	v52 =	vor.u32 s0, v3;
	_ =	sdelay $0x3  }
0x1da: {  	[tilespmem:s6+$0xFFFFFD90] =	vst v7  }
0x1db: {  	v7 =	vld.idx.msk [tilespmem:v52+s16+$0x0], $0xffff  }
0x1dc: {  	v53 =	vor.u32 s0, v4;
	_ =	sdelay $0x3  }
0x1dd: {  	[tilespmem:s6+$0xFFFFFDA0] =	vst v7  }
0x1de: {  	v7 =	vld.idx.msk [tilespmem:v53+s16+$0x0], $0xffff;
	_ =	sdelay $0x2  }
0x1df: {  	s0 =	spop (v2sf)  }
0x1e0: {  	s1 =	sand.u32 $0xFFFFF80, s0  }
0x1e1: {  	s1 =	sadd.s32 s2, s1;
	[tilespmem:s6+$0xFFFFFDB0] =	vst v7  }
0x1e2: {  	[tilespmem:s16], [sflag:$0x4] =	stream.strided.gather [hbm4b:s1+s11], $0x2000, s12, s11, $0x38;
	[tilespmem:$0x18280] =	vst v63  }
0x1e3: {  	_ =	swait.ge [sflag:s25], $0x2000  }
0x1e4: {  	(v2sf) =	vpush v6, $0x4;
	_ =	sdelay $0xe  }
0x1e5: {  	s9 =	spop (v2sf)  }
0x1e6: {  	s1 =	sand.u32 $0x7F, s9  }
0x1e7: {  	v7 =	vor.u32 s1, v0;
	_ =	sdelay $0x2  }
0x1e8: {  	[sflag:s25] =	ssyncset.done $0x0  }
0x1e9: {  	[sflag:s25] =	ssyncadd.s32 $0xFFFFE000  }
0x1ea: {  	v7 =	vld.idx.msk [tilespmem:v7+s17+$0x0], $0xffff  }
0x1eb: {  	v54 =	vor.u32 s1, v2;
	_ =	sdelay $0x3  }
0x1ec: {  	[tilespmem:s6+$0xFFFFFE00] =	vst v7  }
0x1ed: {  	(v2sf) =	vpush v6, $0xC;
	v7 =	vld.idx.msk [tilespmem:v54+s17+$0x0], $0xffff  }
0x1ee: {  	v55 =	vor.u32 s1, v3;
	_ =	sdelay $0x3  }
0x1ef: {  	[tilespmem:s6+$0xFFFFFE10] =	vst v7  }
0x1f0: {  	v7 =	vld.idx.msk [tilespmem:v55+s17+$0x0], $0xffff  }
0x1f1: {  	v56 =	vor.u32 s1, v4;
	_ =	sdelay $0x3  }
0x1f2: {  	[tilespmem:s6+$0xFFFFFE20] =	vst v7  }
0x1f3: {  	v7 =	vld.idx.msk [tilespmem:v56+s17+$0x0], $0xffff;
	_ =	sdelay $0x2  }
0x1f4: {  	s9 =	spop (v2sf)  }
0x1f5: {  	s10 =	sand.u32 $0xFFFFF80, s9  }
0x1f6: {  	s1 =	sadd.s32 s2, s10;
	[tilespmem:s6+$0xFFFFFE30] =	vst v7  }
0x1f7: {  	[tilespmem:s17], [sflag:$0x5] =	stream.strided.gather [hbm4b:s1+s11], $0x2000, s12, s11, $0x38;
	[tilespmem:$0x18280] =	vst v63  }
0x1f8: {  	_ =	swait.ge [sflag:s26], $0x2000  }
0x1f9: {  	(v2sf) =	vpush v6, $0x5;
	_ =	sdelay $0xe  }
0x1fa: {  	s30 =	spop (v2sf)  }
0x1fb: {  	s1 =	sand.u32 $0x7F, s30  }
0x1fc: {  	v7 =	vor.u32 s1, v0;
	_ =	sdelay $0x2  }
0x1fd: {  	[sflag:s26] =	ssyncset.done $0x0  }
0x1fe: {  	[sflag:s26] =	ssyncadd.s32 $0xFFFFE000  }
0x1ff: {  	v7 =	vld.idx.msk [tilespmem:v7+s18+$0x0], $0xffff  }
0x200: {  	v57 =	vor.u32 s1, v2;
	_ =	sdelay $0x3  }
0x201: {  	[tilespmem:s6+$0xFFFFFE80] =	vst v7  }
0x202: {  	(v2sf) =	vpush v6, $0xD;
	v7 =	vld.idx.msk [tilespmem:v57+s18+$0x0], $0xffff  }
0x203: {  	v58 =	vor.u32 s1, v3;
	_ =	sdelay $0x3  }
0x204: {  	[tilespmem:s6+$0xFFFFFE90] =	vst v7  }
0x205: {  	v7 =	vld.idx.msk [tilespmem:v58+s18+$0x0], $0xffff  }
0x206: {  	v59 =	vor.u32 s1, v4;
	_ =	sdelay $0x3  }
0x207: {  	[tilespmem:s6+$0xFFFFFEA0] =	vst v7  }
0x208: {  	v7 =	vld.idx.msk [tilespmem:v59+s18+$0x0], $0xffff;
	_ =	sdelay $0x2  }
0x209: {  	s10 =	spop (v2sf)  }
0x20a: {  	s31 =	sand.u32 $0xFFFFF80, s10  }
0x20b: {  	s1 =	sadd.s32 s2, s31;
	[tilespmem:s6+$0xFFFFFEB0] =	vst v7  }
0x20c: {  	[tilespmem:s18], [sflag:$0x6] =	stream.strided.gather [hbm4b:s1+s11], $0x2000, s12, s11, $0x38;
	[tilespmem:$0x18280] =	vst v63  }
0x20d: {  	_ =	swait.ge [sflag:s28], $0x2000  }
0x20e: {  	(v2sf) =	vpush v6, $0x6;
	_ =	sdelay $0xe  }
0x20f: {  	s30 =	spop (v2sf)  }
0x210: {  	s1 =	sand.u32 $0x7F, s30  }
0x211: {  	v7 =	vor.u32 s1, v0;
	_ =	sdelay $0x2  }
0x212: {  	[sflag:s28] =	ssyncset.done $0x0  }
0x213: {  	[sflag:s28] =	ssyncadd.s32 $0xFFFFE000  }
0x214: {  	v7 =	vld.idx.msk [tilespmem:v7+s19+$0x0], $0xffff  }
0x215: {  	v60 =	vor.u32 s1, v2;
	_ =	sdelay $0x3  }
0x216: {  	[tilespmem:s6+$0xFFFFFF00] =	vst v7  }
0x217: {  	(v2sf) =	vpush v6, $0xE;
	v7 =	vld.idx.msk [tilespmem:v60+s19+$0x0], $0xffff  }
0x218: {  	v61 =	vor.u32 s1, v3;
	_ =	sdelay $0x3  }
0x219: {  	[tilespmem:s6+$0xFFFFFF10] =	vst v7  }
0x21a: {  	v7 =	vld.idx.msk [tilespmem:v61+s19+$0x0], $0xffff  }
0x21b: {  	v62 =	vor.u32 s1, v4;
	_ =	sdelay $0x3  }
0x21c: {  	[tilespmem:s6+$0xFFFFFF20] =	vst v7  }
0x21d: {  	v7 =	vld.idx.msk [tilespmem:v62+s19+$0x0], $0xffff;
	_ =	sdelay $0x2  }
0x21e: {  	s30 =	spop (v2sf)  }
0x21f: {  	s31 =	sand.u32 $0xFFFFF80, s30  }
0x220: {  	s1 =	sadd.s32 s2, s31;
	[tilespmem:s6+$0xFFFFFF30] =	vst v7  }
0x221: {  	[tilespmem:s19], [sflag:$0x7] =	stream.strided.gather [hbm4b:s1+s11], $0x2000, s12, s11, $0x38;
	[tilespmem:$0x18280] =	vst v63  }
0x222: {  	_ =	swait.ge [sflag:s29], $0x2000  }
0x223: {  	(v2sf) =	vpush v6, $0x7;
	_ =	sdelay $0xe  }
0x224: {  	s31 =	spop (v2sf)  }
0x225: {  	s1 =	sand.u32 $0x7F, s31  }
0x226: {  	v7 =	vor.u32 s1, v0;
	_ =	sdelay $0x2  }
0x227: {  	[sflag:s29] =	ssyncset.done $0x0  }
0x228: {  	[sflag:s29] =	ssyncadd.s32 $0xFFFFE000  }
0x229: {  	v7 =	vld.idx.msk [tilespmem:v7+s20+$0x0], $0xffff  }
0x22a: {  	v63 =	vor.u32 s1, v2;
	_ =	sdelay $0x3  }
0x22b: {  	[tilespmem:s6+$0xFFFFFF80] =	vst v7  }
0x22c: {  	(v2sf) =	vpush v6, $0xF;
	v7 =	vld.idx.msk [tilespmem:v63+s20+$0x0], $0xffff  }
0x22d: {  	v6 =	vor.u32 s1, v3;
	_ =	sdelay $0x3  }
0x22e: {  	[tilespmem:s6+$0xFFFFFF90] =	vst v7  }
0x22f: {  	v6 =	vld.idx.msk [tilespmem:v6+s20+$0x0], $0xffff  }
0x230: {  	v7 =	vor.u32 s1, v4;
	_ =	sdelay $0x3  }
0x231: {  	[tilespmem:s6+$0xFFFFFFA0] =	vst v6  }
0x232: {  	v6 =	vld.idx.msk [tilespmem:v7+s20+$0x0], $0xffff;
	_ =	sdelay $0x2  }
0x233: {  	s31 =	spop (v2sf)  }
0x234: {  	s7 =	sand.u32 $0x7F, s7;
	s1 =	sand.u32 $0xFFFFF80, s31  }
0x235: {  	s1 =	sadd.s32 s2, s1;
	[tilespmem:s6+$0xFFFFFFB0] =	vst v6;
	v6 =	vor.u32 s7, v0  }
0x236: {  	[tilespmem:s20], [sflag:$0x8] =	stream.strided.gather [hbm4b:s1+s11], $0x2000, s12, s11, $0x38;
	[tilespmem:$0x18280] =	vst v63  }
0x237: {  	_ =	swait.ge [sflag:s3], $0x2000  }
0x238: {  	[sflag:s3] =	ssyncset.done $0x0  }
0x239: {  	[sflag:s3] =	ssyncadd.s32 $0xFFFFE000  }
0x23a: {  	v6 =	vld.idx.msk [tilespmem:v6+s13+$0x0], $0xffff  }
0x23b: {  	v7 =	vor.u32 s7, v2;
	_ =	sdelay $0x3  }
0x23c: {  	[tilespmem:s6+$0x0] =	vst v6  }
0x23d: {  	(v2sf) =	vpush v5, $0x0;
	v6 =	vld.idx.msk [tilespmem:v7+s13+$0x0], $0xffff  }
0x23e: {  	v7 =	vor.u32 s7, v3;
	_ =	sdelay $0x3  }
0x23f: {  	[tilespmem:s6+$0x10] =	vst v6  }
0x240: {  	v6 =	vld.idx.msk [tilespmem:v7+s13+$0x0], $0xffff  }
0x241: {  	v7 =	vor.u32 s7, v4;
	_ =	sdelay $0x3  }
0x242: {  	[tilespmem:s6+$0x20] =	vst v6  }
0x243: {  	v6 =	vld.idx.msk [tilespmem:v7+s13+$0x0], $0xffff;
	_ =	sdelay $0x2  }
0x244: {  	s7 =	spop (v2sf)  }
0x245: {  	s8 =	sand.u32 $0x7F, s8;
	s1 =	sand.u32 $0xFFFFF80, s7  }
0x246: {  	s1 =	sadd.s32 s2, s1;
	[tilespmem:s6+$0x30] =	vst v6;
	v6 =	vor.u32 s8, v0  }
0x247: {  	[tilespmem:s13], [sflag:$0x1] =	stream.strided.gather [hbm4b:s1+s11], $0x2000, s12, s11, $0x38;
	[tilespmem:$0x18280] =	vst v63  }
0x248: {  	_ =	swait.ge [sflag:s22], $0x2000  }
0x249: {  	[sflag:s22] =	ssyncset.done $0x0  }
0x24a: {  	[sflag:s22] =	ssyncadd.s32 $0xFFFFE000  }
0x24b: {  	v6 =	vld.idx.msk [tilespmem:v6+s14+$0x0], $0xffff  }
0x24c: {  	v7 =	vor.u32 s8, v2;
	_ =	sdelay $0x3  }
0x24d: {  	[tilespmem:s6+$0x80] =	vst v6  }
0x24e: {  	(v2sf) =	vpush v5, $0x1;
	v6 =	vld.idx.msk [tilespmem:v7+s14+$0x0], $0xffff  }
0x24f: {  	v7 =	vor.u32 s8, v3;
	_ =	sdelay $0x3  }
0x250: {  	[tilespmem:s6+$0x90] =	vst v6  }
0x251: {  	v6 =	vld.idx.msk [tilespmem:v7+s14+$0x0], $0xffff  }
0x252: {  	v7 =	vor.u32 s8, v4;
	_ =	sdelay $0x3  }
0x253: {  	[tilespmem:s6+$0xA0] =	vst v6  }
0x254: {  	v6 =	vld.idx.msk [tilespmem:v7+s14+$0x0], $0xffff;
	_ =	sdelay $0x2  }
0x255: {  	s8 =	spop (v2sf)  }
0x256: {  	s4 =	sand.u32 $0x7F, s4;
	s1 =	sand.u32 $0xFFFFF80, s8  }
0x257: {  	s1 =	sadd.s32 s2, s1;
	[tilespmem:s6+$0xB0] =	vst v6;
	v6 =	vor.u32 s4, v0  }
0x258: {  	[tilespmem:s14], [sflag:$0x2] =	stream.strided.gather [hbm4b:s1+s11], $0x2000, s12, s11, $0x38;
	[tilespmem:$0x18280] =	vst v63  }
0x259: {  	_ =	swait.ge [sflag:s23], $0x2000  }
0x25a: {  	[sflag:s23] =	ssyncset.done $0x0  }
0x25b: {  	[sflag:s23] =	ssyncadd.s32 $0xFFFFE000  }
0x25c: {  	v6 =	vld.idx.msk [tilespmem:v6+s15+$0x0], $0xffff  }
0x25d: {  	v7 =	vor.u32 s4, v2;
	_ =	sdelay $0x3  }
0x25e: {  	[tilespmem:s6+$0x100] =	vst v6  }
0x25f: {  	(v2sf) =	vpush v5, $0x2;
	v6 =	vld.idx.msk [tilespmem:v7+s15+$0x0], $0xffff  }
0x260: {  	v7 =	vor.u32 s4, v3;
	_ =	sdelay $0x3  }
0x261: {  	[tilespmem:s6+$0x110] =	vst v6  }
0x262: {  	v6 =	vld.idx.msk [tilespmem:v7+s15+$0x0], $0xffff  }
0x263: {  	v7 =	vor.u32 s4, v4;
	_ =	sdelay $0x3  }
0x264: {  	[tilespmem:s6+$0x120] =	vst v6  }
0x265: {  	v6 =	vld.idx.msk [tilespmem:v7+s15+$0x0], $0xffff;
	_ =	sdelay $0x2  }
0x266: {  	s7 =	spop (v2sf)  }
0x267: {  	s0 =	sand.u32 $0x7F, s0;
	s1 =	sand.u32 $0xFFFFF80, s7  }
0x268: {  	s1 =	sadd.s32 s2, s1;
	[tilespmem:s6+$0x130] =	vst v6;
	v6 =	vor.u32 s0, v0  }
0x269: {  	[tilespmem:s15], [sflag:$0x3] =	stream.strided.gather [hbm4b:s1+s11], $0x2000, s12, s11, $0x38;
	[tilespmem:$0x18280] =	vst v63  }
0x26a: {  	_ =	swait.ge [sflag:s24], $0x2000  }
0x26b: {  	[sflag:s24] =	ssyncset.done $0x0  }
0x26c: {  	[sflag:s24] =	ssyncadd.s32 $0xFFFFE000  }
0x26d: {  	v6 =	vld.idx.msk [tilespmem:v6+s16+$0x0], $0xffff  }
0x26e: {  	v7 =	vor.u32 s0, v2;
	_ =	sdelay $0x3  }
0x26f: {  	[tilespmem:s6+$0x180] =	vst v6  }
0x270: {  	(v2sf) =	vpush v5, $0x3;
	v6 =	vld.idx.msk [tilespmem:v7+s16+$0x0], $0xffff  }
0x271: {  	v7 =	vor.u32 s0, v3;
	_ =	sdelay $0x3  }
0x272: {  	[tilespmem:s6+$0x190] =	vst v6  }
0x273: {  	v6 =	vld.idx.msk [tilespmem:v7+s16+$0x0], $0xffff  }
0x274: {  	v7 =	vor.u32 s0, v4;
	_ =	sdelay $0x3  }
0x275: {  	[tilespmem:s6+$0x1A0] =	vst v6  }
0x276: {  	v6 =	vld.idx.msk [tilespmem:v7+s16+$0x0], $0xffff;
	_ =	sdelay $0x2  }
0x277: {  	s8 =	spop (v2sf)  }
0x278: {  	s9 =	sand.u32 $0x7F, s9;
	s0 =	sand.u32 $0xFFFFF80, s8  }
0x279: {  	s0 =	sadd.s32 s2, s0;
	[tilespmem:s6+$0x1B0] =	vst v6;
	v6 =	vor.u32 s9, v0  }
0x27a: {  	[tilespmem:s16], [sflag:$0x4] =	stream.strided.gather [hbm4b:s0+s11], $0x2000, s12, s11, $0x38;
	[tilespmem:$0x18280] =	vst v63  }
0x27b: {  	_ =	swait.ge [sflag:s25], $0x2000  }
0x27c: {  	[sflag:s25] =	ssyncset.done $0x0  }
0x27d: {  	[sflag:s25] =	ssyncadd.s32 $0xFFFFE000  }
0x27e: {  	v6 =	vld.idx.msk [tilespmem:v6+s17+$0x0], $0xffff  }
0x27f: {  	v7 =	vor.u32 s9, v2;
	_ =	sdelay $0x3  }
0x280: {  	[tilespmem:s6+$0x200] =	vst v6  }
0x281: {  	(v2sf) =	vpush v5, $0x4;
	v6 =	vld.idx.msk [tilespmem:v7+s17+$0x0], $0xffff  }
0x282: {  	v7 =	vor.u32 s9, v3;
	_ =	sdelay $0x3  }
0x283: {  	[tilespmem:s6+$0x210] =	vst v6  }
0x284: {  	v6 =	vld.idx.msk [tilespmem:v7+s17+$0x0], $0xffff  }
0x285: {  	v7 =	vor.u32 s9, v4;
	_ =	sdelay $0x3  }
0x286: {  	[tilespmem:s6+$0x220] =	vst v6  }
0x287: {  	v6 =	vld.idx.msk [tilespmem:v7+s17+$0x0], $0xffff;
	_ =	sdelay $0x2  }
0x288: {  	s4 =	spop (v2sf)  }
0x289: {  	s7 =	sand.u32 $0x7F, s10;
	s0 =	sand.u32 $0xFFFFF80, s4  }
0x28a: {  	s0 =	sadd.s32 s2, s0;
	[tilespmem:s6+$0x230] =	vst v6;
	v6 =	vor.u32 s7, v0  }
0x28b: {  	[tilespmem:s17], [sflag:$0x5] =	stream.strided.gather [hbm4b:s0+s11], $0x2000, s12, s11, $0x38;
	[tilespmem:$0x18280] =	vst v63  }
0x28c: {  	_ =	swait.ge [sflag:s26], $0x2000  }
0x28d: {  	[sflag:s26] =	ssyncset.done $0x0  }
0x28e: {  	[sflag:s26] =	ssyncadd.s32 $0xFFFFE000  }
0x28f: {  	v6 =	vld.idx.msk [tilespmem:v6+s18+$0x0], $0xffff  }
0x290: {  	v7 =	vor.u32 s7, v2;
	_ =	sdelay $0x3  }
0x291: {  	[tilespmem:s6+$0x280] =	vst v6  }
0x292: {  	(v2sf) =	vpush v5, $0x5;
	v6 =	vld.idx.msk [tilespmem:v7+s18+$0x0], $0xffff  }
0x293: {  	v7 =	vor.u32 s7, v3;
	_ =	sdelay $0x3  }
0x294: {  	[tilespmem:s6+$0x290] =	vst v6  }
0x295: {  	v6 =	vld.idx.msk [tilespmem:v7+s18+$0x0], $0xffff  }
0x296: {  	v7 =	vor.u32 s7, v4;
	_ =	sdelay $0x3  }
0x297: {  	[tilespmem:s6+$0x2A0] =	vst v6  }
0x298: {  	v6 =	vld.idx.msk [tilespmem:v7+s18+$0x0], $0xffff;
	_ =	sdelay $0x2  }
0x299: {  	s8 =	spop (v2sf)  }
0x29a: {  	s9 =	sand.u32 $0x7F, s30;
	s0 =	sand.u32 $0xFFFFF80, s8  }
0x29b: {  	s0 =	sadd.s32 s2, s0;
	[tilespmem:s6+$0x2B0] =	vst v6;
	v6 =	vor.u32 s9, v0  }
0x29c: {  	[tilespmem:s18], [sflag:$0x6] =	stream.strided.gather [hbm4b:s0+s11], $0x2000, s12, s11, $0x38;
	[tilespmem:$0x18280] =	vst v63  }
0x29d: {  	_ =	swait.ge [sflag:s28], $0x2000  }
0x29e: {  	[sflag:s28] =	ssyncset.done $0x0  }
0x29f: {  	[sflag:s28] =	ssyncadd.s32 $0xFFFFE000  }
0x2a0: {  	v6 =	vld.idx.msk [tilespmem:v6+s19+$0x0], $0xffff  }
0x2a1: {  	v7 =	vor.u32 s9, v2;
	_ =	sdelay $0x3  }
0x2a2: {  	[tilespmem:s6+$0x300] =	vst v6  }
0x2a3: {  	(v2sf) =	vpush v5, $0x6;
	v6 =	vld.idx.msk [tilespmem:v7+s19+$0x0], $0xffff  }
0x2a4: {  	v7 =	vor.u32 s9, v3;
	_ =	sdelay $0x3  }
0x2a5: {  	[tilespmem:s6+$0x310] =	vst v6  }
0x2a6: {  	v6 =	vld.idx.msk [tilespmem:v7+s19+$0x0], $0xffff  }
0x2a7: {  	v7 =	vor.u32 s9, v4;
	_ =	sdelay $0x3  }
0x2a8: {  	[tilespmem:s6+$0x320] =	vst v6  }
0x2a9: {  	v6 =	vld.idx.msk [tilespmem:v7+s19+$0x0], $0xffff;
	_ =	sdelay $0x2  }
0x2aa: {  	s10 =	spop (v2sf)  }
0x2ab: {  	s30 =	sand.u32 $0x7F, s31;
	s0 =	sand.u32 $0xFFFFF80, s10  }
0x2ac: {  	s0 =	sadd.s32 s2, s0;
	[tilespmem:s6+$0x330] =	vst v6;
	v6 =	vor.u32 s30, v0  }
0x2ad: {  	[tilespmem:s19], [sflag:$0x7] =	stream.strided.gather [hbm4b:s0+s11], $0x2000, s12, s11, $0x38;
	[tilespmem:$0x18280] =	vst v63  }
0x2ae: {  	_ =	swait.ge [sflag:s29], $0x2000  }
0x2af: {  	[sflag:s29] =	ssyncset.done $0x0  }
0x2b0: {  	[sflag:s29] =	ssyncadd.s32 $0xFFFFE000  }
0x2b1: {  	v6 =	vld.idx.msk [tilespmem:v6+s20+$0x0], $0xffff  }
0x2b2: {  	v7 =	vor.u32 s30, v2;
	_ =	sdelay $0x3  }
0x2b3: {  	[tilespmem:s6+$0x380] =	vst v6  }
0x2b4: {  	(v2sf) =	vpush v5, $0x7;
	v6 =	vld.idx.msk [tilespmem:v7+s20+$0x0], $0xffff  }
0x2b5: {  	v5 =	vor.u32 s30, v3;
	_ =	sdelay $0x3  }
0x2b6: {  	[tilespmem:s6+$0x390] =	vst v6  }
0x2b7: {  	v5 =	vld.idx.msk [tilespmem:v5+s20+$0x0], $0xffff  }
0x2b8: {  	v6 =	vor.u32 s30, v4;
	_ =	sdelay $0x3  }
0x2b9: {  	[tilespmem:s6+$0x3A0] =	vst v5  }
0x2ba: {  	v5 =	vld.idx.msk [tilespmem:v6+s20+$0x0], $0xffff  }
0x2bb: {  	p0 =	sne.s32 s5, $0x1C0  }
.Ltmp4:
0x2bc: {  	_ = 	snop;
	(pc) =	sbr.rel @p0 .LBB2_6-.Ltmp4, $4  }
0x2bd: {  	s31 =	spop (v2sf)  }
0x2be: {  	s0 =	sand.u32 $0xFFFFF80, s31  }
0x2bf: {  	s5 =	sadd.s32 $0x40, s5;
	s0 =	sadd.s32 s2, s0;
	[tilespmem:s6+$0x3B0] =	vst v5;
	s6 =	sadd.s32 $0x800, s6  }
0x2c0: {  	[tilespmem:s20], [sflag:$0x8] =	stream.strided.gather [hbm4b:s0+s11], $0x2000, s12, s11, $0x38;
	[tilespmem:$0x18280] =	vst v63  }
0x2c1: {  	s5 =	simm.s32 $0x0  }
0x2c2: {  	s0 =	rddreg [dreg:$0x6];
	s1 =	simm.s32 $0x14280;
	s31 =	simm.s32 $0x9  }
0x2c3: {  	[hbm4b:s0+s5] =	stream.linear.scatter [tilespmem:s1], [sflag:$0xA], $0x4000, $0x38;
	[tilespmem:$0x18280] =	vst v63  }
0x2c4: {  	_ =	swait.ge [sflag:s31], $0x4000  }
0x2c5: {  	[sflag:s31] =	ssyncset.done $0x0  }
0x2c6: {  	s6 =	simm.s32 $0x10680;
	[sflag:s31] =	ssyncadd.s32 $0xFFFFC000  }
.LBB2_8:
0x2c7: {  	s0 =	sshra.s32 s5, $0x2  }
0x2c8: {  	v6 =	vld [tilespmem:s0+$0x100];
	_ =	sdelay $0x3  }
0x2c9: {  	v5 =	vld [tilespmem:s0+$0x110];
	_ =	swait.ge [sflag:s3], $0x2000  }
0x2ca: {  	(v2sf) =	vpush v6, $0x0;
	_ =	sdelay $0xe  }
0x2cb: {  	s7 =	spop (v2sf)  }
0x2cc: {  	s0 =	sand.u32 $0x7F, s7  }
0x2cd: {  	v7 =	vor.u32 s0, v0;
	_ =	sdelay $0x2  }
0x2ce: {  	[sflag:s3] =	ssyncset.done $0x0  }
0x2cf: {  	[sflag:s3] =	ssyncadd.s32 $0xFFFFE000  }
0x2d0: {  	v7 =	vld.idx.msk [tilespmem:v7+s13+$0x0], $0xffff  }
0x2d1: {  	v8 =	vor.u32 s0, v2;
	_ =	sdelay $0x3  }
0x2d2: {  	[tilespmem:s6+$0xFFFFFC00] =	vst v7  }
0x2d3: {  	(v2sf) =	vpush v6, $0x8;
	v7 =	vld.idx.msk [tilespmem:v8+s13+$0x0], $0xffff  }
0x2d4: {  	v43 =	vor.u32 s0, v3;
	_ =	sdelay $0x3  }
0x2d5: {  	[tilespmem:s6+$0xFFFFFC10] =	vst v7  }
0x2d6: {  	v7 =	vld.idx.msk [tilespmem:v43+s13+$0x0], $0xffff  }
0x2d7: {  	v44 =	vor.u32 s0, v4;
	_ =	sdelay $0x3  }
0x2d8: {  	[tilespmem:s6+$0xFFFFFC20] =	vst v7  }
0x2d9: {  	v7 =	vld.idx.msk [tilespmem:v44+s13+$0x0], $0xffff;
	_ =	sdelay $0x2  }
0x2da: {  	s7 =	spop (v2sf)  }
0x2db: {  	s8 =	sand.u32 $0xFFFFF80, s7  }
0x2dc: {  	s0 =	sadd.s32 s2, s8;
	[tilespmem:s6+$0xFFFFFC30] =	vst v7  }
0x2dd: {  	[tilespmem:s13], [sflag:$0x1] =	stream.strided.gather [hbm4b:s0+s11], $0x2000, s12, s11, $0x38;
	[tilespmem:$0x18280] =	vst v63  }
0x2de: {  	_ =	swait.ge [sflag:s22], $0x2000  }
0x2df: {  	(v2sf) =	vpush v6, $0x1;
	_ =	sdelay $0xe  }
0x2e0: {  	s9 =	spop (v2sf)  }
0x2e1: {  	s0 =	sand.u32 $0x7F, s9  }
0x2e2: {  	v7 =	vor.u32 s0, v0;
	_ =	sdelay $0x2  }
0x2e3: {  	[sflag:s22] =	ssyncset.done $0x0  }
0x2e4: {  	[sflag:s22] =	ssyncadd.s32 $0xFFFFE000  }
0x2e5: {  	v7 =	vld.idx.msk [tilespmem:v7+s14+$0x0], $0xffff  }
0x2e6: {  	v45 =	vor.u32 s0, v2;
	_ =	sdelay $0x3  }
0x2e7: {  	[tilespmem:s6+$0xFFFFFC80] =	vst v7  }
0x2e8: {  	(v2sf) =	vpush v6, $0x9;
	v7 =	vld.idx.msk [tilespmem:v45+s14+$0x0], $0xffff  }
0x2e9: {  	v46 =	vor.u32 s0, v3;
	_ =	sdelay $0x3  }
0x2ea: {  	[tilespmem:s6+$0xFFFFFC90] =	vst v7  }
0x2eb: {  	v7 =	vld.idx.msk [tilespmem:v46+s14+$0x0], $0xffff  }
0x2ec: {  	v47 =	vor.u32 s0, v4;
	_ =	sdelay $0x3  }
0x2ed: {  	[tilespmem:s6+$0xFFFFFCA0] =	vst v7  }
0x2ee: {  	v7 =	vld.idx.msk [tilespmem:v47+s14+$0x0], $0xffff;
	_ =	sdelay $0x2  }
0x2ef: {  	s8 =	spop (v2sf)  }
0x2f0: {  	s10 =	sand.u32 $0xFFFFF80, s8  }
0x2f1: {  	s0 =	sadd.s32 s2, s10;
	[tilespmem:s6+$0xFFFFFCB0] =	vst v7  }
0x2f2: {  	[tilespmem:s14], [sflag:$0x2] =	stream.strided.gather [hbm4b:s0+s11], $0x2000, s12, s11, $0x38;
	[tilespmem:$0x18280] =	vst v63  }
0x2f3: {  	_ =	swait.ge [sflag:s23], $0x2000  }
0x2f4: {  	(v2sf) =	vpush v6, $0x2;
	_ =	sdelay $0xe  }
0x2f5: {  	s30 =	spop (v2sf)  }
0x2f6: {  	s0 =	sand.u32 $0x7F, s30  }
0x2f7: {  	v7 =	vor.u32 s0, v0;
	_ =	sdelay $0x2  }
0x2f8: {  	[sflag:s23] =	ssyncset.done $0x0  }
0x2f9: {  	[sflag:s23] =	ssyncadd.s32 $0xFFFFE000  }
0x2fa: {  	v7 =	vld.idx.msk [tilespmem:v7+s15+$0x0], $0xffff  }
0x2fb: {  	v48 =	vor.u32 s0, v2;
	_ =	sdelay $0x3  }
0x2fc: {  	[tilespmem:s6+$0xFFFFFD00] =	vst v7  }
0x2fd: {  	(v2sf) =	vpush v6, $0xA;
	v7 =	vld.idx.msk [tilespmem:v48+s15+$0x0], $0xffff  }
0x2fe: {  	v49 =	vor.u32 s0, v3;
	_ =	sdelay $0x3  }
0x2ff: {  	[tilespmem:s6+$0xFFFFFD10] =	vst v7  }
0x300: {  	v7 =	vld.idx.msk [tilespmem:v49+s15+$0x0], $0xffff  }
0x301: {  	v50 =	vor.u32 s0, v4;
	_ =	sdelay $0x3  }
0x302: {  	[tilespmem:s6+$0xFFFFFD20] =	vst v7  }
0x303: {  	v7 =	vld.idx.msk [tilespmem:v50+s15+$0x0], $0xffff;
	_ =	sdelay $0x2  }
0x304: {  	s4 =	spop (v2sf)  }
0x305: {  	s31 =	sand.u32 $0xFFFFF80, s4  }
0x306: {  	s0 =	sadd.s32 s2, s31;
	[tilespmem:s6+$0xFFFFFD30] =	vst v7  }
0x307: {  	[tilespmem:s15], [sflag:$0x3] =	stream.strided.gather [hbm4b:s0+s11], $0x2000, s12, s11, $0x38;
	[tilespmem:$0x18280] =	vst v63  }
0x308: {  	_ =	swait.ge [sflag:s24], $0x2000  }
0x309: {  	(v2sf) =	vpush v6, $0x3;
	_ =	sdelay $0xe  }
0x30a: {  	s1 =	spop (v2sf)  }
0x30b: {  	s0 =	sand.u32 $0x7F, s1  }
0x30c: {  	v7 =	vor.u32 s0, v0;
	_ =	sdelay $0x2  }
0x30d: {  	[sflag:s24] =	ssyncset.done $0x0  }
0x30e: {  	[sflag:s24] =	ssyncadd.s32 $0xFFFFE000  }
0x30f: {  	v7 =	vld.idx.msk [tilespmem:v7+s16+$0x0], $0xffff  }
0x310: {  	v51 =	vor.u32 s0, v2;
	_ =	sdelay $0x3  }
0x311: {  	[tilespmem:s6+$0xFFFFFD80] =	vst v7  }
0x312: {  	(v2sf) =	vpush v6, $0xB;
	v7 =	vld.idx.msk [tilespmem:v51+s16+$0x0], $0xffff  }
0x313: {  	v52 =	vor.u32 s0, v3;
	_ =	sdelay $0x3  }
0x314: {  	[tilespmem:s6+$0xFFFFFD90] =	vst v7  }
0x315: {  	v7 =	vld.idx.msk [tilespmem:v52+s16+$0x0], $0xffff  }
0x316: {  	v53 =	vor.u32 s0, v4;
	_ =	sdelay $0x3  }
0x317: {  	[tilespmem:s6+$0xFFFFFDA0] =	vst v7  }
0x318: {  	v7 =	vld.idx.msk [tilespmem:v53+s16+$0x0], $0xffff;
	_ =	sdelay $0x2  }
0x319: {  	s0 =	spop (v2sf)  }
0x31a: {  	s1 =	sand.u32 $0xFFFFF80, s0  }
0x31b: {  	s1 =	sadd.s32 s2, s1;
	[tilespmem:s6+$0xFFFFFDB0] =	vst v7  }
0x31c: {  	[tilespmem:s16], [sflag:$0x4] =	stream.strided.gather [hbm4b:s1+s11], $0x2000, s12, s11, $0x38;
	[tilespmem:$0x18280] =	vst v63  }
0x31d: {  	_ =	swait.ge [sflag:s25], $0x2000  }
0x31e: {  	(v2sf) =	vpush v6, $0x4;
	_ =	sdelay $0xe  }
0x31f: {  	s9 =	spop (v2sf)  }
0x320: {  	s1 =	sand.u32 $0x7F, s9  }
0x321: {  	v7 =	vor.u32 s1, v0;
	_ =	sdelay $0x2  }
0x322: {  	[sflag:s25] =	ssyncset.done $0x0  }
0x323: {  	[sflag:s25] =	ssyncadd.s32 $0xFFFFE000  }
0x324: {  	v7 =	vld.idx.msk [tilespmem:v7+s17+$0x0], $0xffff  }
0x325: {  	v54 =	vor.u32 s1, v2;
	_ =	sdelay $0x3  }
0x326: {  	[tilespmem:s6+$0xFFFFFE00] =	vst v7  }
0x327: {  	(v2sf) =	vpush v6, $0xC;
	v7 =	vld.idx.msk [tilespmem:v54+s17+$0x0], $0xffff  }
0x328: {  	v55 =	vor.u32 s1, v3;
	_ =	sdelay $0x3  }
0x329: {  	[tilespmem:s6+$0xFFFFFE10] =	vst v7  }
0x32a: {  	v7 =	vld.idx.msk [tilespmem:v55+s17+$0x0], $0xffff  }
0x32b: {  	v56 =	vor.u32 s1, v4;
	_ =	sdelay $0x3  }
0x32c: {  	[tilespmem:s6+$0xFFFFFE20] =	vst v7  }
0x32d: {  	v7 =	vld.idx.msk [tilespmem:v56+s17+$0x0], $0xffff;
	_ =	sdelay $0x2  }
0x32e: {  	s9 =	spop (v2sf)  }
0x32f: {  	s10 =	sand.u32 $0xFFFFF80, s9  }
0x330: {  	s1 =	sadd.s32 s2, s10;
	[tilespmem:s6+$0xFFFFFE30] =	vst v7  }
0x331: {  	[tilespmem:s17], [sflag:$0x5] =	stream.strided.gather [hbm4b:s1+s11], $0x2000, s12, s11, $0x38;
	[tilespmem:$0x18280] =	vst v63  }
0x332: {  	_ =	swait.ge [sflag:s26], $0x2000  }
0x333: {  	(v2sf) =	vpush v6, $0x5;
	_ =	sdelay $0xe  }
0x334: {  	s30 =	spop (v2sf)  }
0x335: {  	s1 =	sand.u32 $0x7F, s30  }
0x336: {  	v7 =	vor.u32 s1, v0;
	_ =	sdelay $0x2  }
0x337: {  	[sflag:s26] =	ssyncset.done $0x0  }
0x338: {  	[sflag:s26] =	ssyncadd.s32 $0xFFFFE000  }
0x339: {  	v7 =	vld.idx.msk [tilespmem:v7+s18+$0x0], $0xffff  }
0x33a: {  	v57 =	vor.u32 s1, v2;
	_ =	sdelay $0x3  }
0x33b: {  	[tilespmem:s6+$0xFFFFFE80] =	vst v7  }
0x33c: {  	(v2sf) =	vpush v6, $0xD;
	v7 =	vld.idx.msk [tilespmem:v57+s18+$0x0], $0xffff  }
0x33d: {  	v58 =	vor.u32 s1, v3;
	_ =	sdelay $0x3  }
0x33e: {  	[tilespmem:s6+$0xFFFFFE90] =	vst v7  }
0x33f: {  	v7 =	vld.idx.msk [tilespmem:v58+s18+$0x0], $0xffff  }
0x340: {  	v59 =	vor.u32 s1, v4;
	_ =	sdelay $0x3  }
0x341: {  	[tilespmem:s6+$0xFFFFFEA0] =	vst v7  }
0x342: {  	v7 =	vld.idx.msk [tilespmem:v59+s18+$0x0], $0xffff;
	_ =	sdelay $0x2  }
0x343: {  	s10 =	spop (v2sf)  }
0x344: {  	s31 =	sand.u32 $0xFFFFF80, s10  }
0x345: {  	s1 =	sadd.s32 s2, s31;
	[tilespmem:s6+$0xFFFFFEB0] =	vst v7  }
0x346: {  	[tilespmem:s18], [sflag:$0x6] =	stream.strided.gather [hbm4b:s1+s11], $0x2000, s12, s11, $0x38;
	[tilespmem:$0x18280] =	vst v63  }
0x347: {  	_ =	swait.ge [sflag:s28], $0x2000  }
0x348: {  	(v2sf) =	vpush v6, $0x6;
	_ =	sdelay $0xe  }
0x349: {  	s30 =	spop (v2sf)  }
0x34a: {  	s1 =	sand.u32 $0x7F, s30  }
0x34b: {  	v7 =	vor.u32 s1, v0;
	_ =	sdelay $0x2  }
0x34c: {  	[sflag:s28] =	ssyncset.done $0x0  }
0x34d: {  	[sflag:s28] =	ssyncadd.s32 $0xFFFFE000  }
0x34e: {  	v7 =	vld.idx.msk [tilespmem:v7+s19+$0x0], $0xffff  }
0x34f: {  	v60 =	vor.u32 s1, v2;
	_ =	sdelay $0x3  }
0x350: {  	[tilespmem:s6+$0xFFFFFF00] =	vst v7  }
0x351: {  	(v2sf) =	vpush v6, $0xE;
	v7 =	vld.idx.msk [tilespmem:v60+s19+$0x0], $0xffff  }
0x352: {  	v61 =	vor.u32 s1, v3;
	_ =	sdelay $0x3  }
0x353: {  	[tilespmem:s6+$0xFFFFFF10] =	vst v7  }
0x354: {  	v7 =	vld.idx.msk [tilespmem:v61+s19+$0x0], $0xffff  }
0x355: {  	v62 =	vor.u32 s1, v4;
	_ =	sdelay $0x3  }
0x356: {  	[tilespmem:s6+$0xFFFFFF20] =	vst v7  }
0x357: {  	v7 =	vld.idx.msk [tilespmem:v62+s19+$0x0], $0xffff;
	_ =	sdelay $0x2  }
0x358: {  	s30 =	spop (v2sf)  }
0x359: {  	s31 =	sand.u32 $0xFFFFF80, s30  }
0x35a: {  	s1 =	sadd.s32 s2, s31;
	[tilespmem:s6+$0xFFFFFF30] =	vst v7  }
0x35b: {  	[tilespmem:s19], [sflag:$0x7] =	stream.strided.gather [hbm4b:s1+s11], $0x2000, s12, s11, $0x38;
	[tilespmem:$0x18280] =	vst v63  }
0x35c: {  	_ =	swait.ge [sflag:s29], $0x2000  }
0x35d: {  	(v2sf) =	vpush v6, $0x7;
	_ =	sdelay $0xe  }
0x35e: {  	s31 =	spop (v2sf)  }
0x35f: {  	s1 =	sand.u32 $0x7F, s31  }
0x360: {  	v7 =	vor.u32 s1, v0;
	_ =	sdelay $0x2  }
0x361: {  	[sflag:s29] =	ssyncset.done $0x0  }
0x362: {  	[sflag:s29] =	ssyncadd.s32 $0xFFFFE000  }
0x363: {  	v7 =	vld.idx.msk [tilespmem:v7+s20+$0x0], $0xffff  }
0x364: {  	v63 =	vor.u32 s1, v2;
	_ =	sdelay $0x3  }
0x365: {  	[tilespmem:s6+$0xFFFFFF80] =	vst v7  }
0x366: {  	(v2sf) =	vpush v6, $0xF;
	v7 =	vld.idx.msk [tilespmem:v63+s20+$0x0], $0xffff  }
0x367: {  	v6 =	vor.u32 s1, v3;
	_ =	sdelay $0x3  }
0x368: {  	[tilespmem:s6+$0xFFFFFF90] =	vst v7  }
0x369: {  	v6 =	vld.idx.msk [tilespmem:v6+s20+$0x0], $0xffff  }
0x36a: {  	v7 =	vor.u32 s1, v4;
	_ =	sdelay $0x3  }
0x36b: {  	[tilespmem:s6+$0xFFFFFFA0] =	vst v6  }
0x36c: {  	v6 =	vld.idx.msk [tilespmem:v7+s20+$0x0], $0xffff;
	_ =	sdelay $0x2  }
0x36d: {  	s31 =	spop (v2sf)  }
0x36e: {  	s7 =	sand.u32 $0x7F, s7;
	s1 =	sand.u32 $0xFFFFF80, s31  }
0x36f: {  	s1 =	sadd.s32 s2, s1;
	[tilespmem:s6+$0xFFFFFFB0] =	vst v6;
	v6 =	vor.u32 s7, v0  }
0x370: {  	[tilespmem:s20], [sflag:$0x8] =	stream.strided.gather [hbm4b:s1+s11], $0x2000, s12, s11, $0x38;
	[tilespmem:$0x18280] =	vst v63  }
0x371: {  	_ =	swait.ge [sflag:s3], $0x2000  }
0x372: {  	[sflag:s3] =	ssyncset.done $0x0  }
0x373: {  	[sflag:s3] =	ssyncadd.s32 $0xFFFFE000  }
0x374: {  	v6 =	vld.idx.msk [tilespmem:v6+s13+$0x0], $0xffff  }
0x375: {  	v7 =	vor.u32 s7, v2;
	_ =	sdelay $0x3  }
0x376: {  	[tilespmem:s6+$0x0] =	vst v6  }
0x377: {  	(v2sf) =	vpush v5, $0x0;
	v6 =	vld.idx.msk [tilespmem:v7+s13+$0x0], $0xffff  }
0x378: {  	v7 =	vor.u32 s7, v3;
	_ =	sdelay $0x3  }
0x379: {  	[tilespmem:s6+$0x10] =	vst v6  }
0x37a: {  	v6 =	vld.idx.msk [tilespmem:v7+s13+$0x0], $0xffff  }
0x37b: {  	v7 =	vor.u32 s7, v4;
	_ =	sdelay $0x3  }
0x37c: {  	[tilespmem:s6+$0x20] =	vst v6  }
0x37d: {  	v6 =	vld.idx.msk [tilespmem:v7+s13+$0x0], $0xffff;
	_ =	sdelay $0x2  }
0x37e: {  	s7 =	spop (v2sf)  }
0x37f: {  	s8 =	sand.u32 $0x7F, s8;
	s1 =	sand.u32 $0xFFFFF80, s7  }
0x380: {  	s1 =	sadd.s32 s2, s1;
	[tilespmem:s6+$0x30] =	vst v6;
	v6 =	vor.u32 s8, v0  }
0x381: {  	[tilespmem:s13], [sflag:$0x1] =	stream.strided.gather [hbm4b:s1+s11], $0x2000, s12, s11, $0x38;
	[tilespmem:$0x18280] =	vst v63  }
0x382: {  	_ =	swait.ge [sflag:s22], $0x2000  }
0x383: {  	[sflag:s22] =	ssyncset.done $0x0  }
0x384: {  	[sflag:s22] =	ssyncadd.s32 $0xFFFFE000  }
0x385: {  	v6 =	vld.idx.msk [tilespmem:v6+s14+$0x0], $0xffff  }
0x386: {  	v7 =	vor.u32 s8, v2;
	_ =	sdelay $0x3  }
0x387: {  	[tilespmem:s6+$0x80] =	vst v6  }
0x388: {  	(v2sf) =	vpush v5, $0x1;
	v6 =	vld.idx.msk [tilespmem:v7+s14+$0x0], $0xffff  }
0x389: {  	v7 =	vor.u32 s8, v3;
	_ =	sdelay $0x3  }
0x38a: {  	[tilespmem:s6+$0x90] =	vst v6  }
0x38b: {  	v6 =	vld.idx.msk [tilespmem:v7+s14+$0x0], $0xffff  }
0x38c: {  	v7 =	vor.u32 s8, v4;
	_ =	sdelay $0x3  }
0x38d: {  	[tilespmem:s6+$0xA0] =	vst v6  }
0x38e: {  	v6 =	vld.idx.msk [tilespmem:v7+s14+$0x0], $0xffff;
	_ =	sdelay $0x2  }
0x38f: {  	s8 =	spop (v2sf)  }
0x390: {  	s4 =	sand.u32 $0x7F, s4;
	s1 =	sand.u32 $0xFFFFF80, s8  }
0x391: {  	s1 =	sadd.s32 s2, s1;
	[tilespmem:s6+$0xB0] =	vst v6;
	v6 =	vor.u32 s4, v0  }
0x392: {  	[tilespmem:s14], [sflag:$0x2] =	stream.strided.gather [hbm4b:s1+s11], $0x2000, s12, s11, $0x38;
	[tilespmem:$0x18280] =	vst v63  }
0x393: {  	_ =	swait.ge [sflag:s23], $0x2000  }
0x394: {  	[sflag:s23] =	ssyncset.done $0x0  }
0x395: {  	[sflag:s23] =	ssyncadd.s32 $0xFFFFE000  }
0x396: {  	v6 =	vld.idx.msk [tilespmem:v6+s15+$0x0], $0xffff  }
0x397: {  	v7 =	vor.u32 s4, v2;
	_ =	sdelay $0x3  }
0x398: {  	[tilespmem:s6+$0x100] =	vst v6  }
0x399: {  	(v2sf) =	vpush v5, $0x2;
	v6 =	vld.idx.msk [tilespmem:v7+s15+$0x0], $0xffff  }
0x39a: {  	v7 =	vor.u32 s4, v3;
	_ =	sdelay $0x3  }
0x39b: {  	[tilespmem:s6+$0x110] =	vst v6  }
0x39c: {  	v6 =	vld.idx.msk [tilespmem:v7+s15+$0x0], $0xffff  }
0x39d: {  	v7 =	vor.u32 s4, v4;
	_ =	sdelay $0x3  }
0x39e: {  	[tilespmem:s6+$0x120] =	vst v6  }
0x39f: {  	v6 =	vld.idx.msk [tilespmem:v7+s15+$0x0], $0xffff;
	_ =	sdelay $0x2  }
0x3a0: {  	s7 =	spop (v2sf)  }
0x3a1: {  	s0 =	sand.u32 $0x7F, s0;
	s1 =	sand.u32 $0xFFFFF80, s7  }
0x3a2: {  	s1 =	sadd.s32 s2, s1;
	[tilespmem:s6+$0x130] =	vst v6;
	v6 =	vor.u32 s0, v0  }
0x3a3: {  	[tilespmem:s15], [sflag:$0x3] =	stream.strided.gather [hbm4b:s1+s11], $0x2000, s12, s11, $0x38;
	[tilespmem:$0x18280] =	vst v63  }
0x3a4: {  	_ =	swait.ge [sflag:s24], $0x2000  }
0x3a5: {  	[sflag:s24] =	ssyncset.done $0x0  }
0x3a6: {  	[sflag:s24] =	ssyncadd.s32 $0xFFFFE000  }
0x3a7: {  	v6 =	vld.idx.msk [tilespmem:v6+s16+$0x0], $0xffff  }
0x3a8: {  	v7 =	vor.u32 s0, v2;
	_ =	sdelay $0x3  }
0x3a9: {  	[tilespmem:s6+$0x180] =	vst v6  }
0x3aa: {  	(v2sf) =	vpush v5, $0x3;
	v6 =	vld.idx.msk [tilespmem:v7+s16+$0x0], $0xffff  }
0x3ab: {  	v7 =	vor.u32 s0, v3;
	_ =	sdelay $0x3  }
0x3ac: {  	[tilespmem:s6+$0x190] =	vst v6  }
0x3ad: {  	v6 =	vld.idx.msk [tilespmem:v7+s16+$0x0], $0xffff  }
0x3ae: {  	v7 =	vor.u32 s0, v4;
	_ =	sdelay $0x3  }
0x3af: {  	[tilespmem:s6+$0x1A0] =	vst v6  }
0x3b0: {  	v6 =	vld.idx.msk [tilespmem:v7+s16+$0x0], $0xffff;
	_ =	sdelay $0x2  }
0x3b1: {  	s8 =	spop (v2sf)  }
0x3b2: {  	s9 =	sand.u32 $0x7F, s9;
	s0 =	sand.u32 $0xFFFFF80, s8  }
0x3b3: {  	s0 =	sadd.s32 s2, s0;
	[tilespmem:s6+$0x1B0] =	vst v6;
	v6 =	vor.u32 s9, v0  }
0x3b4: {  	[tilespmem:s16], [sflag:$0x4] =	stream.strided.gather [hbm4b:s0+s11], $0x2000, s12, s11, $0x38;
	[tilespmem:$0x18280] =	vst v63  }
0x3b5: {  	_ =	swait.ge [sflag:s25], $0x2000  }
0x3b6: {  	[sflag:s25] =	ssyncset.done $0x0  }
0x3b7: {  	[sflag:s25] =	ssyncadd.s32 $0xFFFFE000  }
0x3b8: {  	v6 =	vld.idx.msk [tilespmem:v6+s17+$0x0], $0xffff  }
0x3b9: {  	v7 =	vor.u32 s9, v2;
	_ =	sdelay $0x3  }
0x3ba: {  	[tilespmem:s6+$0x200] =	vst v6  }
0x3bb: {  	(v2sf) =	vpush v5, $0x4;
	v6 =	vld.idx.msk [tilespmem:v7+s17+$0x0], $0xffff  }
0x3bc: {  	v7 =	vor.u32 s9, v3;
	_ =	sdelay $0x3  }
0x3bd: {  	[tilespmem:s6+$0x210] =	vst v6  }
0x3be: {  	v6 =	vld.idx.msk [tilespmem:v7+s17+$0x0], $0xffff  }
0x3bf: {  	v7 =	vor.u32 s9, v4;
	_ =	sdelay $0x3  }
0x3c0: {  	[tilespmem:s6+$0x220] =	vst v6  }
0x3c1: {  	v6 =	vld.idx.msk [tilespmem:v7+s17+$0x0], $0xffff;
	_ =	sdelay $0x2  }
0x3c2: {  	s4 =	spop (v2sf)  }
0x3c3: {  	s7 =	sand.u32 $0x7F, s10;
	s0 =	sand.u32 $0xFFFFF80, s4  }
0x3c4: {  	s0 =	sadd.s32 s2, s0;
	[tilespmem:s6+$0x230] =	vst v6;
	v6 =	vor.u32 s7, v0  }
0x3c5: {  	[tilespmem:s17], [sflag:$0x5] =	stream.strided.gather [hbm4b:s0+s11], $0x2000, s12, s11, $0x38;
	[tilespmem:$0x18280] =	vst v63  }
0x3c6: {  	_ =	swait.ge [sflag:s26], $0x2000  }
0x3c7: {  	[sflag:s26] =	ssyncset.done $0x0  }
0x3c8: {  	[sflag:s26] =	ssyncadd.s32 $0xFFFFE000  }
0x3c9: {  	v6 =	vld.idx.msk [tilespmem:v6+s18+$0x0], $0xffff  }
0x3ca: {  	v7 =	vor.u32 s7, v2;
	_ =	sdelay $0x3  }
0x3cb: {  	[tilespmem:s6+$0x280] =	vst v6  }
0x3cc: {  	(v2sf) =	vpush v5, $0x5;
	v6 =	vld.idx.msk [tilespmem:v7+s18+$0x0], $0xffff  }
0x3cd: {  	v7 =	vor.u32 s7, v3;
	_ =	sdelay $0x3  }
0x3ce: {  	[tilespmem:s6+$0x290] =	vst v6  }
0x3cf: {  	v6 =	vld.idx.msk [tilespmem:v7+s18+$0x0], $0xffff  }
0x3d0: {  	v7 =	vor.u32 s7, v4;
	_ =	sdelay $0x3  }
0x3d1: {  	[tilespmem:s6+$0x2A0] =	vst v6  }
0x3d2: {  	v6 =	vld.idx.msk [tilespmem:v7+s18+$0x0], $0xffff;
	_ =	sdelay $0x2  }
0x3d3: {  	s8 =	spop (v2sf)  }
0x3d4: {  	s9 =	sand.u32 $0x7F, s30;
	s0 =	sand.u32 $0xFFFFF80, s8  }
0x3d5: {  	s0 =	sadd.s32 s2, s0;
	[tilespmem:s6+$0x2B0] =	vst v6;
	v6 =	vor.u32 s9, v0  }
0x3d6: {  	[tilespmem:s18], [sflag:$0x6] =	stream.strided.gather [hbm4b:s0+s11], $0x2000, s12, s11, $0x38;
	[tilespmem:$0x18280] =	vst v63  }
0x3d7: {  	_ =	swait.ge [sflag:s28], $0x2000  }
0x3d8: {  	[sflag:s28] =	ssyncset.done $0x0  }
0x3d9: {  	[sflag:s28] =	ssyncadd.s32 $0xFFFFE000  }
0x3da: {  	v6 =	vld.idx.msk [tilespmem:v6+s19+$0x0], $0xffff  }
0x3db: {  	v7 =	vor.u32 s9, v2;
	_ =	sdelay $0x3  }
0x3dc: {  	[tilespmem:s6+$0x300] =	vst v6  }
0x3dd: {  	(v2sf) =	vpush v5, $0x6;
	v6 =	vld.idx.msk [tilespmem:v7+s19+$0x0], $0xffff  }
0x3de: {  	v7 =	vor.u32 s9, v3;
	_ =	sdelay $0x3  }
0x3df: {  	[tilespmem:s6+$0x310] =	vst v6  }
0x3e0: {  	v6 =	vld.idx.msk [tilespmem:v7+s19+$0x0], $0xffff  }
0x3e1: {  	v7 =	vor.u32 s9, v4;
	_ =	sdelay $0x3  }
0x3e2: {  	[tilespmem:s6+$0x320] =	vst v6  }
0x3e3: {  	v6 =	vld.idx.msk [tilespmem:v7+s19+$0x0], $0xffff;
	_ =	sdelay $0x2  }
0x3e4: {  	s10 =	spop (v2sf)  }
0x3e5: {  	s30 =	sand.u32 $0x7F, s31;
	s0 =	sand.u32 $0xFFFFF80, s10  }
0x3e6: {  	s0 =	sadd.s32 s2, s0;
	[tilespmem:s6+$0x330] =	vst v6;
	v6 =	vor.u32 s30, v0  }
0x3e7: {  	[tilespmem:s19], [sflag:$0x7] =	stream.strided.gather [hbm4b:s0+s11], $0x2000, s12, s11, $0x38;
	[tilespmem:$0x18280] =	vst v63  }
0x3e8: {  	_ =	swait.ge [sflag:s29], $0x2000  }
0x3e9: {  	[sflag:s29] =	ssyncset.done $0x0  }
0x3ea: {  	[sflag:s29] =	ssyncadd.s32 $0xFFFFE000  }
0x3eb: {  	v6 =	vld.idx.msk [tilespmem:v6+s20+$0x0], $0xffff  }
0x3ec: {  	v7 =	vor.u32 s30, v2;
	_ =	sdelay $0x3  }
0x3ed: {  	[tilespmem:s6+$0x380] =	vst v6  }
0x3ee: {  	(v2sf) =	vpush v5, $0x7;
	v6 =	vld.idx.msk [tilespmem:v7+s20+$0x0], $0xffff  }
0x3ef: {  	v5 =	vor.u32 s30, v3;
	_ =	sdelay $0x3  }
0x3f0: {  	[tilespmem:s6+$0x390] =	vst v6  }
0x3f1: {  	v5 =	vld.idx.msk [tilespmem:v5+s20+$0x0], $0xffff  }
0x3f2: {  	v6 =	vor.u32 s30, v4;
	_ =	sdelay $0x3  }
0x3f3: {  	[tilespmem:s6+$0x3A0] =	vst v5  }
0x3f4: {  	v5 =	vld.idx.msk [tilespmem:v6+s20+$0x0], $0xffff  }
0x3f5: {  	p0 =	sne.s32 s5, $0x1C0  }
.Ltmp5:
0x3f6: {  	_ = 	snop;
	(pc) =	sbr.rel @p0 .LBB2_8-.Ltmp5, $4  }
0x3f7: {  	s31 =	spop (v2sf)  }
0x3f8: {  	s0 =	sand.u32 $0xFFFFF80, s31  }
0x3f9: {  	s5 =	sadd.s32 $0x40, s5;
	s0 =	sadd.s32 s2, s0;
	[tilespmem:s6+$0x3B0] =	vst v5;
	s6 =	sadd.s32 $0x800, s6  }
0x3fa: {  	[tilespmem:s20], [sflag:$0x8] =	stream.strided.gather [hbm4b:s0+s11], $0x2000, s12, s11, $0x38;
	[tilespmem:$0x18280] =	vst v63  }
0x3fb: {  	s5 =	simm.s32 $0x0;
	s0 =	rddreg [dreg:$0x7];
	s31 =	simm.s32 $0xA  }
0x3fc: {  	[hbm4b:s0+s5] =	stream.linear.scatter [tilespmem:s21], [sflag:$0x9], $0x4000, $0x38;
	[tilespmem:$0x18280] =	vst v63  }
0x3fd: {  	_ =	swait.ge [sflag:s31], $0x4000  }
0x3fe: {  	[sflag:s31] =	ssyncset.done $0x0  }
0x3ff: {  	s6 =	simm.s32 $0x14680;
	[sflag:s31] =	ssyncadd.s32 $0xFFFFC000  }
.LBB2_10:
0x400: {  	s0 =	sshra.s32 s5, $0x2  }
0x401: {  	v6 =	vld [tilespmem:s0+$0x180];
	_ =	sdelay $0x3  }
0x402: {  	v5 =	vld [tilespmem:s0+$0x190];
	_ =	swait.ge [sflag:s3], $0x2000  }
0x403: {  	(v2sf) =	vpush v6, $0x0;
	_ =	sdelay $0xe  }
0x404: {  	s10 =	spop (v2sf)  }
0x405: {  	s0 =	sand.u32 $0x7F, s10  }
0x406: {  	v7 =	vor.u32 s0, v0;
	_ =	sdelay $0x2  }
0x407: {  	[sflag:s3] =	ssyncset.done $0x0  }
0x408: {  	[sflag:s3] =	ssyncadd.s32 $0xFFFFE000  }
0x409: {  	v7 =	vld.idx.msk [tilespmem:v7+s13+$0x0], $0xffff  }
0x40a: {  	v8 =	vor.u32 s0, v2;
	_ =	sdelay $0x3  }
0x40b: {  	[tilespmem:s6+$0xFFFFFC00] =	vst v7  }
0x40c: {  	(v2sf) =	vpush v6, $0x8;
	v7 =	vld.idx.msk [tilespmem:v8+s13+$0x0], $0xffff  }
0x40d: {  	v43 =	vor.u32 s0, v3;
	_ =	sdelay $0x3  }
0x40e: {  	[tilespmem:s6+$0xFFFFFC10] =	vst v7  }
0x40f: {  	v7 =	vld.idx.msk [tilespmem:v43+s13+$0x0], $0xffff  }
0x410: {  	v44 =	vor.u32 s0, v4;
	_ =	sdelay $0x3  }
0x411: {  	[tilespmem:s6+$0xFFFFFC20] =	vst v7  }
0x412: {  	v7 =	vld.idx.msk [tilespmem:v44+s13+$0x0], $0xffff;
	_ =	sdelay $0x2  }
0x413: {  	s8 =	spop (v2sf)  }
0x414: {  	s21 =	sand.u32 $0xFFFFF80, s8  }
0x415: {  	s0 =	sadd.s32 s2, s21;
	[tilespmem:s6+$0xFFFFFC30] =	vst v7  }
0x416: {  	[tilespmem:s13], [sflag:$0x1] =	stream.strided.gather [hbm4b:s0+s11], $0x2000, s12, s11, $0x38;
	[tilespmem:$0x18280] =	vst v63  }
0x417: {  	_ =	swait.ge [sflag:s22], $0x2000  }
0x418: {  	(v2sf) =	vpush v6, $0x1;
	_ =	sdelay $0xe  }
0x419: {  	s30 =	spop (v2sf)  }
0x41a: {  	s0 =	sand.u32 $0x7F, s30  }
0x41b: {  	v7 =	vor.u32 s0, v0;
	_ =	sdelay $0x2  }
0x41c: {  	[sflag:s22] =	ssyncset.done $0x0  }
0x41d: {  	[sflag:s22] =	ssyncadd.s32 $0xFFFFE000  }
0x41e: {  	v7 =	vld.idx.msk [tilespmem:v7+s14+$0x0], $0xffff  }
0x41f: {  	v45 =	vor.u32 s0, v2;
	_ =	sdelay $0x3  }
0x420: {  	[tilespmem:s6+$0xFFFFFC80] =	vst v7  }
0x421: {  	(v2sf) =	vpush v6, $0x9;
	v7 =	vld.idx.msk [tilespmem:v45+s14+$0x0], $0xffff  }
0x422: {  	v46 =	vor.u32 s0, v3;
	_ =	sdelay $0x3  }
0x423: {  	[tilespmem:s6+$0xFFFFFC90] =	vst v7  }
0x424: {  	v7 =	vld.idx.msk [tilespmem:v46+s14+$0x0], $0xffff  }
0x425: {  	v47 =	vor.u32 s0, v4;
	_ =	sdelay $0x3  }
0x426: {  	[tilespmem:s6+$0xFFFFFCA0] =	vst v7  }
0x427: {  	v7 =	vld.idx.msk [tilespmem:v47+s14+$0x0], $0xffff;
	_ =	sdelay $0x2  }
0x428: {  	s7 =	spop (v2sf)  }
0x429: {  	s31 =	sand.u32 $0xFFFFF80, s7  }
0x42a: {  	s0 =	sadd.s32 s2, s31;
	[tilespmem:s6+$0xFFFFFCB0] =	vst v7  }
0x42b: {  	[tilespmem:s14], [sflag:$0x2] =	stream.strided.gather [hbm4b:s0+s11], $0x2000, s12, s11, $0x38;
	[tilespmem:$0x18280] =	vst v63  }
0x42c: {  	_ =	swait.ge [sflag:s23], $0x2000  }
0x42d: {  	(v2sf) =	vpush v6, $0x2;
	_ =	sdelay $0xe  }
0x42e: {  	s1 =	spop (v2sf)  }
0x42f: {  	s0 =	sand.u32 $0x7F, s1  }
0x430: {  	v7 =	vor.u32 s0, v0;
	_ =	sdelay $0x2  }
0x431: {  	[sflag:s23] =	ssyncset.done $0x0  }
0x432: {  	[sflag:s23] =	ssyncadd.s32 $0xFFFFE000  }
0x433: {  	v7 =	vld.idx.msk [tilespmem:v7+s15+$0x0], $0xffff  }
0x434: {  	v48 =	vor.u32 s0, v2;
	_ =	sdelay $0x3  }
0x435: {  	[tilespmem:s6+$0xFFFFFD00] =	vst v7  }
0x436: {  	(v2sf) =	vpush v6, $0xA;
	v7 =	vld.idx.msk [tilespmem:v48+s15+$0x0], $0xffff  }
0x437: {  	v49 =	vor.u32 s0, v3;
	_ =	sdelay $0x3  }
0x438: {  	[tilespmem:s6+$0xFFFFFD10] =	vst v7  }
0x439: {  	v7 =	vld.idx.msk [tilespmem:v49+s15+$0x0], $0xffff  }
0x43a: {  	v50 =	vor.u32 s0, v4;
	_ =	sdelay $0x3  }
0x43b: {  	[tilespmem:s6+$0xFFFFFD20] =	vst v7  }
0x43c: {  	v7 =	vld.idx.msk [tilespmem:v50+s15+$0x0], $0xffff;
	_ =	sdelay $0x2  }
0x43d: {  	s30 =	spop (v2sf)  }
0x43e: {  	s4 =	sand.u32 $0xFFFFF80, s30  }
0x43f: {  	s0 =	sadd.s32 s2, s4;
	[tilespmem:s6+$0xFFFFFD30] =	vst v7  }
0x440: {  	[tilespmem:s15], [sflag:$0x3] =	stream.strided.gather [hbm4b:s0+s11], $0x2000, s12, s11, $0x38;
	[tilespmem:$0x18280] =	vst v63  }
0x441: {  	_ =	swait.ge [sflag:s24], $0x2000  }
0x442: {  	(v2sf) =	vpush v6, $0x3;
	_ =	sdelay $0xe  }
0x443: {  	s9 =	spop (v2sf)  }
0x444: {  	s0 =	sand.u32 $0x7F, s9  }
0x445: {  	v7 =	vor.u32 s0, v0;
	_ =	sdelay $0x2  }
0x446: {  	[sflag:s24] =	ssyncset.done $0x0  }
0x447: {  	[sflag:s24] =	ssyncadd.s32 $0xFFFFE000  }
0x448: {  	v7 =	vld.idx.msk [tilespmem:v7+s16+$0x0], $0xffff  }
0x449: {  	v51 =	vor.u32 s0, v2;
	_ =	sdelay $0x3  }
0x44a: {  	[tilespmem:s6+$0xFFFFFD80] =	vst v7  }
0x44b: {  	(v2sf) =	vpush v6, $0xB;
	v7 =	vld.idx.msk [tilespmem:v51+s16+$0x0], $0xffff  }
0x44c: {  	v52 =	vor.u32 s0, v3;
	_ =	sdelay $0x3  }
0x44d: {  	[tilespmem:s6+$0xFFFFFD90] =	vst v7  }
0x44e: {  	v7 =	vld.idx.msk [tilespmem:v52+s16+$0x0], $0xffff  }
0x44f: {  	v53 =	vor.u32 s0, v4;
	_ =	sdelay $0x3  }
0x450: {  	[tilespmem:s6+$0xFFFFFDA0] =	vst v7  }
0x451: {  	v7 =	vld.idx.msk [tilespmem:v53+s16+$0x0], $0xffff;
	_ =	sdelay $0x2  }
0x452: {  	s31 =	spop (v2sf)  }
0x453: {  	s10 =	sand.u32 $0xFFFFF80, s31  }
0x454: {  	s0 =	sadd.s32 s2, s10;
	[tilespmem:s6+$0xFFFFFDB0] =	vst v7  }
0x455: {  	[tilespmem:s16], [sflag:$0x4] =	stream.strided.gather [hbm4b:s0+s11], $0x2000, s12, s11, $0x38;
	[tilespmem:$0x18280] =	vst v63  }
0x456: {  	_ =	swait.ge [sflag:s25], $0x2000  }
0x457: {  	(v2sf) =	vpush v6, $0x4;
	_ =	sdelay $0xe  }
0x458: {  	s21 =	spop (v2sf)  }
0x459: {  	s0 =	sand.u32 $0x7F, s21  }
0x45a: {  	v7 =	vor.u32 s0, v0;
	_ =	sdelay $0x2  }
0x45b: {  	[sflag:s25] =	ssyncset.done $0x0  }
0x45c: {  	[sflag:s25] =	ssyncadd.s32 $0xFFFFE000  }
0x45d: {  	v7 =	vld.idx.msk [tilespmem:v7+s17+$0x0], $0xffff  }
0x45e: {  	v54 =	vor.u32 s0, v2;
	_ =	sdelay $0x3  }
0x45f: {  	[tilespmem:s6+$0xFFFFFE00] =	vst v7  }
0x460: {  	(v2sf) =	vpush v6, $0xC;
	v7 =	vld.idx.msk [tilespmem:v54+s17+$0x0], $0xffff  }
0x461: {  	v55 =	vor.u32 s0, v3;
	_ =	sdelay $0x3  }
0x462: {  	[tilespmem:s6+$0xFFFFFE10] =	vst v7  }
0x463: {  	v7 =	vld.idx.msk [tilespmem:v55+s17+$0x0], $0xffff  }
0x464: {  	v56 =	vor.u32 s0, v4;
	_ =	sdelay $0x3  }
0x465: {  	[tilespmem:s6+$0xFFFFFE20] =	vst v7  }
0x466: {  	v7 =	vld.idx.msk [tilespmem:v56+s17+$0x0], $0xffff;
	_ =	sdelay $0x2  }
0x467: {  	s9 =	spop (v2sf)  }
0x468: {  	s1 =	sand.u32 $0xFFFFF80, s9  }
0x469: {  	s0 =	sadd.s32 s2, s1;
	[tilespmem:s6+$0xFFFFFE30] =	vst v7  }
0x46a: {  	[tilespmem:s17], [sflag:$0x5] =	stream.strided.gather [hbm4b:s0+s11], $0x2000, s12, s11, $0x38;
	[tilespmem:$0x18280] =	vst v63  }
0x46b: {  	_ =	swait.ge [sflag:s26], $0x2000  }
0x46c: {  	(v2sf) =	vpush v6, $0x5;
	_ =	sdelay $0xe  }
0x46d: {  	s4 =	spop (v2sf)  }
0x46e: {  	s0 =	sand.u32 $0x7F, s4  }
0x46f: {  	v7 =	vor.u32 s0, v0;
	_ =	sdelay $0x2  }
0x470: {  	[sflag:s26] =	ssyncset.done $0x0  }
0x471: {  	[sflag:s26] =	ssyncadd.s32 $0xFFFFE000  }
0x472: {  	v7 =	vld.idx.msk [tilespmem:v7+s18+$0x0], $0xffff  }
0x473: {  	v57 =	vor.u32 s0, v2;
	_ =	sdelay $0x3  }
0x474: {  	[tilespmem:s6+$0xFFFFFE80] =	vst v7  }
0x475: {  	(v2sf) =	vpush v6, $0xD;
	v7 =	vld.idx.msk [tilespmem:v57+s18+$0x0], $0xffff  }
0x476: {  	v58 =	vor.u32 s0, v3;
	_ =	sdelay $0x3  }
0x477: {  	[tilespmem:s6+$0xFFFFFE90] =	vst v7  }
0x478: {  	v7 =	vld.idx.msk [tilespmem:v58+s18+$0x0], $0xffff  }
0x479: {  	v59 =	vor.u32 s0, v4;
	_ =	sdelay $0x3  }
0x47a: {  	[tilespmem:s6+$0xFFFFFEA0] =	vst v7  }
0x47b: {  	v7 =	vld.idx.msk [tilespmem:v59+s18+$0x0], $0xffff;
	_ =	sdelay $0x2  }
0x47c: {  	s4 =	spop (v2sf)  }
0x47d: {  	s10 =	sand.u32 $0xFFFFF80, s4  }
0x47e: {  	s0 =	sadd.s32 s2, s10;
	[tilespmem:s6+$0xFFFFFEB0] =	vst v7  }
0x47f: {  	[tilespmem:s18], [sflag:$0x6] =	stream.strided.gather [hbm4b:s0+s11], $0x2000, s12, s11, $0x38;
	[tilespmem:$0x18280] =	vst v63  }
0x480: {  	_ =	swait.ge [sflag:s28], $0x2000  }
0x481: {  	(v2sf) =	vpush v6, $0x6;
	_ =	sdelay $0xe  }
0x482: {  	s21 =	spop (v2sf)  }
0x483: {  	s0 =	sand.u32 $0x7F, s21  }
0x484: {  	v7 =	vor.u32 s0, v0;
	_ =	sdelay $0x2  }
0x485: {  	[sflag:s28] =	ssyncset.done $0x0  }
0x486: {  	[sflag:s28] =	ssyncadd.s32 $0xFFFFE000  }
0x487: {  	v7 =	vld.idx.msk [tilespmem:v7+s19+$0x0], $0xffff  }
0x488: {  	v60 =	vor.u32 s0, v2;
	_ =	sdelay $0x3  }
0x489: {  	[tilespmem:s6+$0xFFFFFF00] =	vst v7  }
0x48a: {  	(v2sf) =	vpush v6, $0xE;
	v7 =	vld.idx.msk [tilespmem:v60+s19+$0x0], $0xffff  }
0x48b: {  	v61 =	vor.u32 s0, v3;
	_ =	sdelay $0x3  }
0x48c: {  	[tilespmem:s6+$0xFFFFFF10] =	vst v7  }
0x48d: {  	v7 =	vld.idx.msk [tilespmem:v61+s19+$0x0], $0xffff  }
0x48e: {  	v62 =	vor.u32 s0, v4;
	_ =	sdelay $0x3  }
0x48f: {  	[tilespmem:s6+$0xFFFFFF20] =	vst v7  }
0x490: {  	v7 =	vld.idx.msk [tilespmem:v62+s19+$0x0], $0xffff;
	_ =	sdelay $0x2  }
0x491: {  	s10 =	spop (v2sf)  }
0x492: {  	s1 =	sand.u32 $0xFFFFF80, s10  }
0x493: {  	s0 =	sadd.s32 s2, s1;
	[tilespmem:s6+$0xFFFFFF30] =	vst v7  }
0x494: {  	[tilespmem:s19], [sflag:$0x7] =	stream.strided.gather [hbm4b:s0+s11], $0x2000, s12, s11, $0x38;
	[tilespmem:$0x18280] =	vst v63  }
0x495: {  	_ =	swait.ge [sflag:s29], $0x2000  }
0x496: {  	(v2sf) =	vpush v6, $0x7;
	_ =	sdelay $0xe  }
0x497: {  	s21 =	spop (v2sf)  }
0x498: {  	s0 =	sand.u32 $0x7F, s21  }
0x499: {  	v7 =	vor.u32 s0, v0;
	_ =	sdelay $0x2  }
0x49a: {  	[sflag:s29] =	ssyncset.done $0x0  }
0x49b: {  	[sflag:s29] =	ssyncadd.s32 $0xFFFFE000  }
0x49c: {  	v7 =	vld.idx.msk [tilespmem:v7+s20+$0x0], $0xffff  }
0x49d: {  	v63 =	vor.u32 s0, v2;
	_ =	sdelay $0x3  }
0x49e: {  	[tilespmem:s6+$0xFFFFFF80] =	vst v7  }
0x49f: {  	(v2sf) =	vpush v6, $0xF;
	v7 =	vld.idx.msk [tilespmem:v63+s20+$0x0], $0xffff  }
0x4a0: {  	v6 =	vor.u32 s0, v3;
	_ =	sdelay $0x3  }
0x4a1: {  	[tilespmem:s6+$0xFFFFFF90] =	vst v7  }
0x4a2: {  	v6 =	vld.idx.msk [tilespmem:v6+s20+$0x0], $0xffff  }
0x4a3: {  	v7 =	vor.u32 s0, v4;
	_ =	sdelay $0x3  }
0x4a4: {  	[tilespmem:s6+$0xFFFFFFA0] =	vst v6  }
0x4a5: {  	v6 =	vld.idx.msk [tilespmem:v7+s20+$0x0], $0xffff;
	_ =	sdelay $0x2  }
0x4a6: {  	s0 =	spop (v2sf)  }
0x4a7: {  	s8 =	sand.u32 $0x7F, s8;
	s1 =	sand.u32 $0xFFFFF80, s0  }
0x4a8: {  	s1 =	sadd.s32 s2, s1;
	[tilespmem:s6+$0xFFFFFFB0] =	vst v6;
	v6 =	vor.u32 s8, v0  }
0x4a9: {  	[tilespmem:s20], [sflag:$0x8] =	stream.strided.gather [hbm4b:s1+s11], $0x2000, s12, s11, $0x38;
	[tilespmem:$0x18280] =	vst v63  }
0x4aa: {  	_ =	swait.ge [sflag:s3], $0x2000  }
0x4ab: {  	[sflag:s3] =	ssyncset.done $0x0  }
0x4ac: {  	[sflag:s3] =	ssyncadd.s32 $0xFFFFE000  }
0x4ad: {  	v6 =	vld.idx.msk [tilespmem:v6+s13+$0x0], $0xffff  }
0x4ae: {  	v7 =	vor.u32 s8, v2;
	_ =	sdelay $0x3  }
0x4af: {  	p0 =	seq.s32 s5, $0x1C0;
	[tilespmem:s6+$0x0] =	vst v6  }
0x4b0: {  	(v2sf) =	vpush @!p0 v5, $0x0;
	v6 =	vld.idx.msk [tilespmem:v7+s13+$0x0], $0xffff  }
0x4b1: {  	v7 =	vor.u32 s8, v3;
	_ =	sdelay $0x3  }
0x4b2: {  	[tilespmem:s6+$0x10] =	vst v6  }
0x4b3: {  	v6 =	vld.idx.msk [tilespmem:v7+s13+$0x0], $0xffff  }
0x4b4: {  	v7 =	vor.u32 s8, v4;
	_ =	sdelay $0x3  }
0x4b5: {  	[tilespmem:s6+$0x20] =	vst v6  }
0x4b6: {  	v6 =	vld.idx.msk [tilespmem:v7+s13+$0x0], $0xffff;
	_ =	sdelay $0x2  }
0x4b7: {  	s1 =	spop @!p0 (v2sf)  }
0x4b8: {  	s21 =	simm.s32 @!p0 $0x280;
	s3 =	sand.u32 $0x7F, s7;
	s1 =	sand.u32 @!p0 $0xFFFFF80, s1  }
0x4b9: {  	s7 =	simm.s32 @!p0 $0x400;
	s8 =	simm.s32 @!p0 $0x7A1400;
	s1 =	sadd.s32 @!p0 s2, s1;
	[tilespmem:s6+$0x30] =	vst v6;
	v6 =	vor.u32 s3, v0  }
0x4ba: {  	[tilespmem:s21], [sflag:$0x1] =	stream.strided.gather @!p0 [hbm4b:s1+s7], $0x2000, s8, s7, $0x38;
	[tilespmem:$0x18280] =	vst v63  }
0x4bb: {  	_ =	swait.ge [sflag:s22], $0x2000  }
0x4bc: {  	[sflag:s22] =	ssyncset.done $0x0  }
0x4bd: {  	[sflag:s22] =	ssyncadd.s32 $0xFFFFE000  }
0x4be: {  	v6 =	vld.idx.msk [tilespmem:v6+s14+$0x0], $0xffff  }
0x4bf: {  	v7 =	vor.u32 s3, v2;
	_ =	sdelay $0x3  }
0x4c0: {  	[tilespmem:s6+$0x80] =	vst v6  }
0x4c1: {  	(v2sf) =	vpush @!p0 v5, $0x1;
	v6 =	vld.idx.msk [tilespmem:v7+s14+$0x0], $0xffff  }
0x4c2: {  	v7 =	vor.u32 s3, v3;
	_ =	sdelay $0x3  }
0x4c3: {  	[tilespmem:s6+$0x90] =	vst v6  }
0x4c4: {  	v6 =	vld.idx.msk [tilespmem:v7+s14+$0x0], $0xffff  }
0x4c5: {  	v7 =	vor.u32 s3, v4;
	_ =	sdelay $0x3  }
0x4c6: {  	[tilespmem:s6+$0xA0] =	vst v6  }
0x4c7: {  	v6 =	vld.idx.msk [tilespmem:v7+s14+$0x0], $0xffff;
	_ =	sdelay $0x2  }
0x4c8: {  	s1 =	spop @!p0 (v2sf)  }
0x4c9: {  	s30 =	sand.u32 $0x7F, s30;
	s1 =	sand.u32 @!p0 $0xFFFFF80, s1  }
0x4ca: {  	s21 =	simm.s32 @!p0 $0x2280;
	s1 =	sadd.s32 @!p0 s2, s1;
	[tilespmem:s6+$0xB0] =	vst v6;
	v6 =	vor.u32 s30, v0  }
0x4cb: {  	[tilespmem:s21], [sflag:$0x2] =	stream.strided.gather @!p0 [hbm4b:s1+s7], $0x2000, s8, s7, $0x38;
	[tilespmem:$0x18280] =	vst v63  }
0x4cc: {  	_ =	swait.ge [sflag:s23], $0x2000  }
0x4cd: {  	[sflag:s23] =	ssyncset.done $0x0  }
0x4ce: {  	[sflag:s23] =	ssyncadd.s32 $0xFFFFE000  }
0x4cf: {  	v6 =	vld.idx.msk [tilespmem:v6+s15+$0x0], $0xffff  }
0x4d0: {  	v7 =	vor.u32 s30, v2;
	_ =	sdelay $0x3  }
0x4d1: {  	[tilespmem:s6+$0x100] =	vst v6  }
0x4d2: {  	(v2sf) =	vpush @!p0 v5, $0x2;
	v6 =	vld.idx.msk [tilespmem:v7+s15+$0x0], $0xffff  }
0x4d3: {  	v7 =	vor.u32 s30, v3;
	_ =	sdelay $0x3  }
0x4d4: {  	[tilespmem:s6+$0x110] =	vst v6  }
0x4d5: {  	v6 =	vld.idx.msk [tilespmem:v7+s15+$0x0], $0xffff  }
0x4d6: {  	v7 =	vor.u32 s30, v4;
	_ =	sdelay $0x3  }
0x4d7: {  	[tilespmem:s6+$0x120] =	vst v6  }
0x4d8: {  	v6 =	vld.idx.msk [tilespmem:v7+s15+$0x0], $0xffff;
	_ =	sdelay $0x2  }
0x4d9: {  	s1 =	spop @!p0 (v2sf)  }
0x4da: {  	s31 =	sand.u32 $0x7F, s31;
	s1 =	sand.u32 @!p0 $0xFFFFF80, s1  }
0x4db: {  	s21 =	simm.s32 @!p0 $0x4280;
	s1 =	sadd.s32 @!p0 s2, s1;
	[tilespmem:s6+$0x130] =	vst v6;
	v6 =	vor.u32 s31, v0  }
0x4dc: {  	[tilespmem:s21], [sflag:$0x3] =	stream.strided.gather @!p0 [hbm4b:s1+s7], $0x2000, s8, s7, $0x38;
	[tilespmem:$0x18280] =	vst v63  }
0x4dd: {  	_ =	swait.ge [sflag:s24], $0x2000  }
0x4de: {  	[sflag:s24] =	ssyncset.done $0x0  }
0x4df: {  	[sflag:s24] =	ssyncadd.s32 $0xFFFFE000  }
0x4e0: {  	v6 =	vld.idx.msk [tilespmem:v6+s16+$0x0], $0xffff  }
0x4e1: {  	v7 =	vor.u32 s31, v2;
	_ =	sdelay $0x3  }
0x4e2: {  	[tilespmem:s6+$0x180] =	vst v6  }
0x4e3: {  	(v2sf) =	vpush @!p0 v5, $0x3;
	v6 =	vld.idx.msk [tilespmem:v7+s16+$0x0], $0xffff  }
0x4e4: {  	v7 =	vor.u32 s31, v3;
	_ =	sdelay $0x3  }
0x4e5: {  	[tilespmem:s6+$0x190] =	vst v6  }
0x4e6: {  	v6 =	vld.idx.msk [tilespmem:v7+s16+$0x0], $0xffff  }
0x4e7: {  	v7 =	vor.u32 s31, v4;
	_ =	sdelay $0x3  }
0x4e8: {  	[tilespmem:s6+$0x1A0] =	vst v6  }
0x4e9: {  	v6 =	vld.idx.msk [tilespmem:v7+s16+$0x0], $0xffff;
	_ =	sdelay $0x2  }
0x4ea: {  	s1 =	spop @!p0 (v2sf)  }
0x4eb: {  	s21 =	sand.u32 $0x7F, s9;
	s1 =	sand.u32 @!p0 $0xFFFFF80, s1  }
0x4ec: {  	s9 =	simm.s32 @!p0 $0x6280;
	s1 =	sadd.s32 @!p0 s2, s1;
	[tilespmem:s6+$0x1B0] =	vst v6;
	v6 =	vor.u32 s21, v0  }
0x4ed: {  	[tilespmem:s9], [sflag:$0x4] =	stream.strided.gather @!p0 [hbm4b:s1+s7], $0x2000, s8, s7, $0x38;
	[tilespmem:$0x18280] =	vst v63  }
0x4ee: {  	_ =	swait.ge [sflag:s25], $0x2000  }
0x4ef: {  	[sflag:s25] =	ssyncset.done $0x0  }
0x4f0: {  	[sflag:s25] =	ssyncadd.s32 $0xFFFFE000  }
0x4f1: {  	v6 =	vld.idx.msk [tilespmem:v6+s17+$0x0], $0xffff  }
0x4f2: {  	v7 =	vor.u32 s21, v2;
	_ =	sdelay $0x3  }
0x4f3: {  	[tilespmem:s6+$0x200] =	vst v6  }
0x4f4: {  	(v2sf) =	vpush @!p0 v5, $0x4;
	v6 =	vld.idx.msk [tilespmem:v7+s17+$0x0], $0xffff  }
0x4f5: {  	v7 =	vor.u32 s21, v3;
	_ =	sdelay $0x3  }
0x4f6: {  	[tilespmem:s6+$0x210] =	vst v6  }
0x4f7: {  	v6 =	vld.idx.msk [tilespmem:v7+s17+$0x0], $0xffff  }
0x4f8: {  	v7 =	vor.u32 s21, v4;
	_ =	sdelay $0x3  }
0x4f9: {  	[tilespmem:s6+$0x220] =	vst v6  }
0x4fa: {  	v6 =	vld.idx.msk [tilespmem:v7+s17+$0x0], $0xffff;
	_ =	sdelay $0x2  }
0x4fb: {  	s1 =	spop @!p0 (v2sf)  }
0x4fc: {  	s30 =	sand.u32 $0x7F, s4;
	s1 =	sand.u32 @!p0 $0xFFFFF80, s1  }
0x4fd: {  	s4 =	simm.s32 @!p0 $0x8280;
	s1 =	sadd.s32 @!p0 s2, s1;
	[tilespmem:s6+$0x230] =	vst v6;
	v6 =	vor.u32 s30, v0  }
0x4fe: {  	[tilespmem:s4], [sflag:$0x5] =	stream.strided.gather @!p0 [hbm4b:s1+s7], $0x2000, s8, s7, $0x38;
	[tilespmem:$0x18280] =	vst v63  }
0x4ff: {  	_ =	swait.ge [sflag:s26], $0x2000  }
0x500: {  	[sflag:s26] =	ssyncset.done $0x0  }
0x501: {  	[sflag:s26] =	ssyncadd.s32 $0xFFFFE000  }
0x502: {  	v6 =	vld.idx.msk [tilespmem:v6+s18+$0x0], $0xffff  }
0x503: {  	v7 =	vor.u32 s30, v2;
	_ =	sdelay $0x3  }
0x504: {  	[tilespmem:s6+$0x280] =	vst v6  }
0x505: {  	(v2sf) =	vpush @!p0 v5, $0x5;
	v6 =	vld.idx.msk [tilespmem:v7+s18+$0x0], $0xffff  }
0x506: {  	v7 =	vor.u32 s30, v3;
	_ =	sdelay $0x3  }
0x507: {  	[tilespmem:s6+$0x290] =	vst v6  }
0x508: {  	v6 =	vld.idx.msk [tilespmem:v7+s18+$0x0], $0xffff  }
0x509: {  	v7 =	vor.u32 s30, v4;
	_ =	sdelay $0x3  }
0x50a: {  	[tilespmem:s6+$0x2A0] =	vst v6  }
0x50b: {  	v6 =	vld.idx.msk [tilespmem:v7+s18+$0x0], $0xffff;
	_ =	sdelay $0x2  }
0x50c: {  	s1 =	spop @!p0 (v2sf)  }
0x50d: {  	s31 =	sand.u32 $0x7F, s10;
	s1 =	sand.u32 @!p0 $0xFFFFF80, s1  }
0x50e: {  	s4 =	simm.s32 @!p0 $0xA280;
	s1 =	sadd.s32 @!p0 s2, s1;
	[tilespmem:s6+$0x2B0] =	vst v6;
	v6 =	vor.u32 s31, v0  }
0x50f: {  	[tilespmem:s4], [sflag:$0x6] =	stream.strided.gather @!p0 [hbm4b:s1+s7], $0x2000, s8, s7, $0x38;
	[tilespmem:$0x18280] =	vst v63  }
0x510: {  	_ =	swait.ge [sflag:s28], $0x2000  }
0x511: {  	[sflag:s28] =	ssyncset.done $0x0  }
0x512: {  	[sflag:s28] =	ssyncadd.s32 $0xFFFFE000  }
0x513: {  	v6 =	vld.idx.msk [tilespmem:v6+s19+$0x0], $0xffff  }
0x514: {  	v7 =	vor.u32 s31, v2;
	_ =	sdelay $0x3  }
0x515: {  	[tilespmem:s6+$0x300] =	vst v6  }
0x516: {  	(v2sf) =	vpush @!p0 v5, $0x6;
	v6 =	vld.idx.msk [tilespmem:v7+s19+$0x0], $0xffff  }
0x517: {  	v7 =	vor.u32 s31, v3;
	_ =	sdelay $0x3  }
0x518: {  	[tilespmem:s6+$0x310] =	vst v6  }
0x519: {  	v6 =	vld.idx.msk [tilespmem:v7+s19+$0x0], $0xffff  }
0x51a: {  	v7 =	vor.u32 s31, v4;
	_ =	sdelay $0x3  }
0x51b: {  	[tilespmem:s6+$0x320] =	vst v6  }
0x51c: {  	v6 =	vld.idx.msk [tilespmem:v7+s19+$0x0], $0xffff;
	_ =	sdelay $0x2  }
0x51d: {  	s1 =	spop @!p0 (v2sf)  }
0x51e: {  	s0 =	sand.u32 $0x7F, s0;
	s1 =	sand.u32 @!p0 $0xFFFFF80, s1  }
0x51f: {  	s3 =	simm.s32 @!p0 $0xC280;
	s1 =	sadd.s32 @!p0 s2, s1;
	[tilespmem:s6+$0x330] =	vst v6;
	v6 =	vor.u32 s0, v0  }
0x520: {  	[tilespmem:s3], [sflag:$0x7] =	stream.strided.gather @!p0 [hbm4b:s1+s7], $0x2000, s8, s7, $0x38;
	[tilespmem:$0x18280] =	vst v63  }
0x521: {  	_ =	swait.ge [sflag:s29], $0x2000  }
0x522: {  	[sflag:s29] =	ssyncset.done $0x0  }
0x523: {  	[sflag:s29] =	ssyncadd.s32 $0xFFFFE000  }
0x524: {  	v6 =	vld.idx.msk [tilespmem:v6+s20+$0x0], $0xffff  }
0x525: {  	v7 =	vor.u32 s0, v2;
	_ =	sdelay $0x3  }
0x526: {  	[tilespmem:s6+$0x380] =	vst v6  }
0x527: {  	v6 =	vld.idx.msk [tilespmem:v7+s20+$0x0], $0xffff  }
0x528: {  	v7 =	vor.u32 s0, v3;
	_ =	sdelay $0x3  }
0x529: {  	[tilespmem:s6+$0x390] =	vst v6  }
0x52a: {  	v6 =	vld.idx.msk [tilespmem:v7+s20+$0x0], $0xffff  }
0x52b: {  	v7 =	vor.u32 s0, v4;
	_ =	sdelay $0x3  }
0x52c: {  	[tilespmem:s6+$0x3A0] =	vst v6  }
0x52d: {  	v6 =	vld.idx.msk [tilespmem:v7+s20+$0x0], $0xffff  }
.Ltmp6:
0x52e: {  	_ = 	snop;
	(pc) =	sbr.rel @p0 .LBB2_12-.Ltmp6, $2  }
0x52f: {  	_ =	sdelay $0x2  }
0x530: {  	[tilespmem:s6+$0x3B0] =	vst v6  }
0x531: {  	(v2sf) =	vpush v5, $0x7;
	_ =	sdelay $0xd  }
.Ltmp7:
0x532: {  	_ = 	snop;
	(pc) =	sbr.rel .LBB2_10-.Ltmp7, $4  }
0x533: {  	s0 =	spop (v2sf)  }
0x534: {  	s6 =	sadd.s32 $0x800, s6;
	s0 =	sand.u32 $0xFFFFF80, s0  }
0x535: {  	s5 =	sadd.s32 $0x40, s5;
	s3 =	simm.s32 $0x1;
	s0 =	sadd.s32 s2, s0  }
0x536: {  	[tilespmem:s20], [sflag:$0x8] =	stream.strided.gather [hbm4b:s0+s11], $0x2000, s12, s11, $0x38;
	[tilespmem:$0x18280] =	vst v63  }
.LBB2_13:
0x537: {  	_ =	sfence.sel $0x180000  }
0x538: {  	[bflag:$0x0] =	sbarrier.arrive $0xFFFF  }
0x539: {  	_ =	strace $0x90000047  }
0x53a: {  	s0 =	stileid.u32;
	[bflag:$0x2] =	sbarrier.arrive $0xFFFF  }
0x53b: {  	p0 =	sne.s32 s0, $0x0;
	s0 =	rddreg [dreg:$0x3]  }
0x53c: {  	s0 =	sadd.s32 @!p0 $0x100000, s0  }
0x53d: {  	[sflag:s0] =	ssyncadd.tile.s32 @!p0 $0x1;
	_ =	shalt  }
.Lfunc_end2:
_tile_overlayer_lowered:
.L_overlay_start_2:
0x53e: {  	(tag) =	ssettag $0x2  }
0x53f: {  	s0 =	rddreg [dreg:$0x0];
	s2 =	stileid.u32  }
0x540: {  	s1 =	rddreg [dreg:$0x1];
	p0 =	sne.s32 s2, $0x0  }
0x541: {  	s3 =	rddreg [dreg:$0x2];
	[bflag:$0x3] =	sbarrier.arrive $0xFFFF;
	s2 =	simm.s32 @!p0 $0x1C0B  }
0x542: {  	[timem:s3], [sflag:s2] =	dma.local @!p0 [hbm:s0], s1  }
0x543: {  	s0 =	simm.s32 @!p0 $0xB  }
0x544: {  	_ =	swait.ge @!p0 [sflag:s0], s1  }
0x545: {  	s1 =	ssub.s32 @!p0 $0x0, s1;
	[sflag:s0] =	ssyncset.done @!p0 $0x0  }
0x546: {  	[sflag:s0] =	ssyncadd.s32 @!p0 s1  }
0x547: {  	[bflag:$0x3] =	sbarrier.arrive $0xFFFF  }
0x548: {  	_ =	shalt  }

</sc_bundles>
